<compile_context>
chip_gen: v7x
topology: tpu7x:2x2x1
jax: 0.10.2.dev20260603
libtpu: 0.0.44.dev20260713+nightly
codegen_flags: <defaults>
</compile_context>

<pallas_src>
import functools

import jax
import jax.numpy as jnp
from jax import lax
from jax.experimental import pallas as pl
from jax.experimental.pallas import tpu as pltpu
from jax.experimental.pallas import tpu_sc as plsc

N_NODES = 100000
N_EDGES = 3200000

W_VCR = 1.0
W_FLOW = 0.005
W_CONS = 0.05

TGT_SCALE, TGT_SHIFT = 0.8, 0.5
CAP_SCALE, CAP_SHIFT = 1500.0, 2000.0
FLOW_SCALE, FLOW_SHIFT = 1200.0, 0.0
DEM_SCALE, DEM_SHIFT = 500.0, 0.0

NW = 32
LANE = 128
CR = 40
CE = CR * LANE
NCHUNKS = N_EDGES // CE
CHUNK_LO = NCHUNKS // NW
CHUNK_EXTRA = NCHUNKS - CHUNK_LO * NW
NBLK = CHUNK_LO + 1
NODES_PAD = 100096
SLICE = NODES_PAD // 16
NSETS = 3


def _k1_body(pred_h, y_h, cap_h, flow_h, eix_h, acc_o, part_o, *scr):
    cid = lax.axis_index("c")
    sid = lax.axis_index("s")
    w = cid * 16 + sid
    stage, acc_sh = scr[8 * NSETS], scr[8 * NSETS + 1]
    isems = scr[8 * NSETS + 2:8 * NSETS + 2 + NSETS]
    ssems = scr[8 * NSETS + 2 + NSETS:]
    bufs = [tuple(scr[8 * s:8 * s + 8]) + (isems[s], ssems[s])
            for s in range(NSETS)]
    pfv0 = bufs[0][4]

    def zstep(j, carry):
        for u in range(LANE // 16):
            pfv0[pl.ds(j * LANE + u * 16, 16)] = jnp.zeros((16,), jnp.float32)
        return carry

    lax.fori_loop(0, CR, zstep, 0)
    pltpu.sync_copy(pfv0, acc_sh.at[pl.ds(sid * SLICE, CE)])
    pltpu.sync_copy(pfv0.at[pl.ds(0, SLICE - CE)],
                    acc_sh.at[pl.ds(sid * SLICE + CE, SLICE - CE)])
    plsc.subcore_barrier()

    wmin = jnp.minimum(w, CHUNK_EXTRA)
    base_chunk = CHUNK_LO * w + wmin
    n_chunks = CHUNK_LO + jnp.where(w < CHUNK_EXTRA, 1, 0)

    def prefetch(g, s):
        pv, yv, cv, fv, _, _, sv, dv, isem, _ = bufs[s]
        e0 = g * CE
        pltpu.async_copy(pred_h.at[pl.ds(e0, CE)], pv, isem)
        pltpu.async_copy(y_h.at[pl.ds(e0, CE)], yv, isem)
        pltpu.async_copy(cap_h.at[pl.ds(e0, CE)], cv, isem)
        pltpu.async_copy(flow_h.at[pl.ds(e0, CE)], fv, isem)
        pltpu.async_copy(eix_h.at[pl.ds(e0, CE)], sv, isem)
        pltpu.async_copy(eix_h.at[pl.ds(N_EDGES + e0, CE)], dv, isem)

    def wait_in(s):
        pv, yv, cv, fv, _, _, sv, dv, isem, _ = bufs[s]
        for dst in (pv, yv, cv, fv, sv, dv):
            pltpu.make_async_copy(pred_h.at[pl.ds(0, CE)], dst, isem).wait()

    def compute(s, mvec, carry):
        pv, yv, cv, fv, pfv, npfv, _, _, _, _ = bufs[s]

        def estep(j, c2):
            for u in range(LANE // 16):
                av, af = c2
                o = j * LANE + u * 16
                p = pv[pl.ds(o, 16)]
                yy = yv[pl.ds(o, 16)]
                cc = cv[pl.ds(o, 16)]
                ff = fv[pl.ds(o, 16)]
                pf = (p * TGT_SCALE + TGT_SHIFT) * (cc * CAP_SCALE + CAP_SHIFT)
                d1 = p - yy
                d2 = pf - (ff * FLOW_SCALE + FLOW_SHIFT)
                if mvec is not None:
                    pf = pf * mvec
                    d1 = d1 * mvec
                    d2 = d2 * mvec
                pfv[pl.ds(o, 16)] = pf
                npfv[pl.ds(o, 16)] = -pf
                c2 = (av + d1 * d1, af + d2 * d2)
            return c2

        return lax.fori_loop(0, CR, estep, carry)

    def fire(s):
        _, _, _, _, pfv, npfv, sv, dv, _, ssem = bufs[s]
        pltpu.async_copy(pfv, acc_sh.at[dv], ssem, add=True)
        pltpu.async_copy(npfv, acc_sh.at[sv], ssem, add=True)

    def drain(s):
        _, _, _, _, pfv, npfv, sv, dv, _, ssem = bufs[s]
        pltpu.make_async_copy(pfv, acc_sh.at[dv], ssem).wait()
        pltpu.make_async_copy(npfv, acc_sh.at[sv], ssem).wait()

    zero16 = jnp.zeros((16,), jnp.float32)
    for s in range(NSETS):
        prefetch(base_chunk + s, s)

    wait_in(0)
    carry = compute(0, None, (zero16, zero16))
    fire(0)
    wait_in(1)
    carry = compute(1, None, carry)
    fire(1)

    def body(k, carry):
        for off in (2, 3, 4):
            s = off % NSETS
            c = 3 * k + off
            wait_in(s)
            sd = (s + 1) % NSETS
            drain(sd)
            prefetch(jnp.minimum(base_chunk + c + 1, NCHUNKS - 1), sd)
            if off == 4:
                mvec = jnp.zeros((16,), jnp.float32) + jnp.where(
                    c < n_chunks, 1.0, 0.0).astype(jnp.float32)
            else:
                mvec = None
            carry = compute(s, mvec, carry)
            fire(s)
        return carry

    avcr, aflow = lax.fori_loop(0, (NBLK - 2) // 3, body, carry)
    drain(0)
    drain(1)
    wait_in(2)

    stage[...] = avcr
    pltpu.sync_copy(stage, part_o.at[pl.ds(w * 16, 16)])
    stage[...] = aflow
    pltpu.sync_copy(stage, part_o.at[pl.ds((NW + w) * 16, 16)])

    plsc.subcore_barrier()
    obase = cid * NODES_PAD + sid * SLICE
    pltpu.sync_copy(acc_sh.at[pl.ds(sid * SLICE, CE)], pfv0)
    pltpu.sync_copy(pfv0, acc_o.at[pl.ds(obase, CE)])
    pltpu.sync_copy(acc_sh.at[pl.ds(sid * SLICE + CE, SLICE - CE)],
                    pfv0.at[pl.ds(0, SLICE - CE)])
    pltpu.sync_copy(pfv0.at[pl.ds(0, SLICE - CE)],
                    acc_o.at[pl.ds(obase + CE, SLICE - CE)])


_k1 = functools.partial(
    pl.kernel,
    mesh=plsc.VectorSubcoreMesh(core_axis_name="c", subcore_axis_name="s",
                                num_cores=2),
    out_type=[
        jax.ShapeDtypeStruct((2 * NODES_PAD,), jnp.float32),
        jax.ShapeDtypeStruct((2 * NW * 16,), jnp.float32),
    ],
    scratch_types=(
        ([pltpu.VMEM((CE,), jnp.float32)] * 6
         + [pltpu.VMEM((CE,), jnp.int32)] * 2) * NSETS
        + [
            pltpu.VMEM((16,), jnp.float32),
            pltpu.VMEM_SHARED((NODES_PAD,), jnp.float32),
        ]
        + [pltpu.SemaphoreType.DMA] * NSETS
        + [pltpu.SemaphoreType.DMA] * NSETS
    ),
)(_k1_body)


def _k2_body(acc_ref, nd_ref, part_ref, out_ref):
    delta = acc_ref[0] + acc_ref[1]
    rnd = nd_ref[...] * DEM_SCALE + DEM_SHIFT
    cons = jnp.sum(jnp.abs(delta - rnd))
    vcr = jnp.sum(part_ref[0:NW, :])
    flw = jnp.sum(part_ref[NW:2 * NW, :])
    total = (W_VCR * vcr / N_EDGES
             + W_FLOW * flw / N_EDGES
             + W_CONS * cons / N_NODES)
    out_ref[...] = jnp.reshape(total, (1, 1))


_k2 = pl.pallas_call(
    _k2_body,
    out_shape=jax.ShapeDtypeStruct((1, 1), jnp.float32),
)


def kernel(pred, y, edge_capacity, edge_flow, net_demand, edge_index):
    eix = edge_index.reshape(2 * N_EDGES)
    acc, part = _k1(pred, y, edge_capacity, edge_flow, eix)
    nd2 = jnp.pad(net_demand, (0, NODES_PAD - N_NODES)).reshape(NODES_PAD // LANE, LANE)
    out = _k2(acc.reshape(2, NODES_PAD // LANE, LANE), nd2,
              part.reshape(2 * NW, 16))
    return out[0, 0]

# --- scband reference (transcript-rebuilt; emitter-appended) ---
"""Pipeline reference for scband-loss-wrapper-84009560310406 (READ-ONLY COPY).

The authoritative reference and input builder live on the scoring server;
editing this copy changes nothing except your own understanding.
"""

import jax, jax.numpy as jnp
import numpy as np

N_NODES = 100000
N_EDGES = 3200000

# custom-loss weights (from init_kwargs)
W_VCR = 1.0
W_FLOW = 0.005
W_CONS = 0.05

# inverse-transform affine constants (standard-scaler style inverse: x*scale + shift),
# standing in for the registered SequentialTransform.inverse_transform per feature
TGT_SCALE, TGT_SHIFT = 0.8, 0.5        # feature='target' (vcr)
CAP_SCALE, CAP_SHIFT = 1500.0, 2000.0  # feature='edge_capacity'
FLOW_SCALE, FLOW_SHIFT = 1200.0, 0.0   # feature='edge_flow'
DEM_SCALE, DEM_SHIFT = 500.0, 0.0      # feature='demand'


def setup_inputs(seed: int = 0) -> dict:
    key = jax.random.key(seed)
    k1, k2, k3, k4, k5, k6 = jax.random.split(key, 6)
    pred = jax.random.normal(k1, (N_EDGES,), dtype=jnp.float32)
    y = jax.random.normal(k2, (N_EDGES,), dtype=jnp.float32)
    edge_capacity = jax.random.uniform(k3, (N_EDGES,), dtype=jnp.float32)
    edge_flow = jax.random.normal(k4, (N_EDGES,), dtype=jnp.float32)
    net_demand = jax.random.normal(k5, (N_NODES,), dtype=jnp.float32)
    edge_index = jax.random.randint(k6, (2, N_EDGES), 0, N_NODES)
    return {
        'pred': pred,
        'y': y,
        'edge_capacity': edge_capacity,
        'edge_flow': edge_flow,
        'net_demand': net_demand,
        'edge_index': edge_index,
    }


def reference(pred, y, edge_capacity, edge_flow, net_demand, edge_index):
    # vcr loss: F.mse_loss(pred_vcr, data.y)
    vcr_loss = jnp.mean((pred - y) ** 2)

    # inverse transforms
    real_capacity = edge_capacity * CAP_SCALE + CAP_SHIFT
    real_vcr = pred * TGT_SCALE + TGT_SHIFT
    true_flow = edge_flow * FLOW_SCALE + FLOW_SHIFT

    # flow loss
    pred_flow = real_vcr * real_capacity
    flow_loss = jnp.mean((pred_flow - true_flow) ** 2)

    # conservation loss: scatter-add of flows onto nodes
    inflow = jax.ops.segment_sum(pred_flow, edge_index[1], num_segments=N_NODES)
    outflow = jax.ops.segment_sum(pred_flow, edge_index[0], num_segments=N_NODES)
    pred_demand = inflow - outflow
    real_net_demand = net_demand * DEM_SCALE + DEM_SHIFT
    conservation_loss = jnp.mean(jnp.abs(pred_demand - real_net_demand))

    total_loss = W_VCR * vcr_loss + W_FLOW * flow_loss + W_CONS * conservation_loss
    return total_loss

if __name__ == "__main__":
    import jax
    _d = setup_inputs()
    print(jax.jit(kernel)(*tuple(_d.values())))

</pallas_src>

<mosaic_0001>
#map = affine_map<(d0, d1) -> (0)>
module attributes {stable_mosaic.version = 14 : i64} {
  func.func @_k1_body(%arg0: i32, %arg1: i32, %arg2: memref<3200000xf32, #tpu.memory_space<hbm>>, %arg3: memref<3200000xf32, #tpu.memory_space<hbm>>, %arg4: memref<3200000xf32, #tpu.memory_space<hbm>>, %arg5: memref<3200000xf32, #tpu.memory_space<hbm>>, %arg6: memref<6400000xi32, #tpu.memory_space<hbm>>, %arg7: memref<200192xf32, #tpu.memory_space<hbm>>, %arg8: memref<1024xf32, #tpu.memory_space<hbm>>, %arg9: memref<5120xf32, #tpu.memory_space<vmem>>, %arg10: memref<5120xf32, #tpu.memory_space<vmem>>, %arg11: memref<5120xf32, #tpu.memory_space<vmem>>, %arg12: memref<5120xf32, #tpu.memory_space<vmem>>, %arg13: memref<5120xf32, #tpu.memory_space<vmem>>, %arg14: memref<5120xf32, #tpu.memory_space<vmem>>, %arg15: memref<5120xi32, #tpu.memory_space<vmem>>, %arg16: memref<5120xi32, #tpu.memory_space<vmem>>, %arg17: memref<5120xf32, #tpu.memory_space<vmem>>, %arg18: memref<5120xf32, #tpu.memory_space<vmem>>, %arg19: memref<5120xf32, #tpu.memory_space<vmem>>, %arg20: memref<5120xf32, #tpu.memory_space<vmem>>, %arg21: memref<5120xf32, #tpu.memory_space<vmem>>, %arg22: memref<5120xf32, #tpu.memory_space<vmem>>, %arg23: memref<5120xi32, #tpu.memory_space<vmem>>, %arg24: memref<5120xi32, #tpu.memory_space<vmem>>, %arg25: memref<5120xf32, #tpu.memory_space<vmem>>, %arg26: memref<5120xf32, #tpu.memory_space<vmem>>, %arg27: memref<5120xf32, #tpu.memory_space<vmem>>, %arg28: memref<5120xf32, #tpu.memory_space<vmem>>, %arg29: memref<5120xf32, #tpu.memory_space<vmem>>, %arg30: memref<5120xf32, #tpu.memory_space<vmem>>, %arg31: memref<5120xi32, #tpu.memory_space<vmem>>, %arg32: memref<5120xi32, #tpu.memory_space<vmem>>, %arg33: memref<16xf32, #tpu.memory_space<vmem>>, %arg34: memref<100096xf32, #tpu.memory_space<vmem_shared>>, %arg35: memref<!tpu.dma_semaphore, #tpu.memory_space<semaphore_mem>>, %arg36: memref<!tpu.dma_semaphore, #tpu.memory_space<semaphore_mem>>, %arg37: memref<!tpu.dma_semaphore, #tpu.memory_space<semaphore_mem>>, %arg38: memref<!tpu.dma_semaphore, #tpu.memory_space<semaphore_mem>>, %arg39: memref<!tpu.dma_semaphore, #tpu.memory_space<semaphore_mem>>, %arg40: memref<!tpu.dma_semaphore, #tpu.memory_space<semaphore_mem>>) attributes {dimension_semantics = [#tpu.dimension_semantics<core_parallel>, #tpu.dimension_semantics<subcore_parallel>], iteration_bounds = array<i64: 2, 16>, scalar_prefetch = 0 : i64, scratch_operands = 32 : i64, tpu.core_type = #tpu.core_type<sc_vector_subcore>, window_params = [{transform_indices = #map}, {transform_indices = #map}, {transform_indices = #map}, {transform_indices = #map}, {transform_indices = #map}, {transform_indices = #map}, {transform_indices = #map}]} {
    %mul3A = arith.constant 16 : i32
    %mul3A_0 = arith.muli %arg0, %mul3A : i32
    %add3A = arith.addi %mul3A_0, %arg1 : i32
    %scan3A = arith.constant 0 : i32
    %scan3A_1 = arith.constant 0 : i32
    %scan3A_2 = arith.constant 40 : i32
    %scan3A_3 = arith.addi %scan3A_1, %scan3A_2 : i32
    %scan3A_4 = arith.constant 1 : i32
    scf.for %scan3A_206 = %scan3A_1 to %scan3A_3 step %scan3A_4  : i32 {
      %broadcast_in_dim3A_207 = arith.constant 0.000000e+00 : f32
      %broadcast_in_dim3A_208 = vector.broadcast %broadcast_in_dim3A_207 : f32 to vector<16xf32>
      %mul3A_209 = arith.constant 128 : i32
      %mul3A_210 = arith.muli %scan3A_206, %mul3A_209 : i32
      %add3A_211 = arith.constant 0 : i32
      %add3A_212 = arith.addi %mul3A_210, %add3A_211 : i32
      %swap3A_213 = arith.index_cast %add3A_212 : i32 to index
      %swap3A_214 = tpu.vector_load %arg13[%swap3A_213] {strides = array<i32>} : memref<5120xf32, #tpu.memory_space<vmem>>, vector<16xf32>,
      %swap3A_215 = vector.shape_cast %swap3A_214 : vector<16xf32> to vector<16xf32>
      %swap3A_216 = vector.shape_cast %broadcast_in_dim3A_208 : vector<16xf32> to vector<16xf32>
      tpu.vector_store %arg13[%swap3A_213], %swap3A_216 {strides = array<i32>} : memref<5120xf32, #tpu.memory_space<vmem>>, vector<16xf32>,
      %broadcast_in_dim3A_217 = arith.constant 0.000000e+00 : f32
      %broadcast_in_dim3A_218 = vector.broadcast %broadcast_in_dim3A_217 : f32 to vector<16xf32>
      %mul3A_219 = arith.constant 128 : i32
      %mul3A_220 = arith.muli %scan3A_206, %mul3A_219 : i32
      %add3A_221 = arith.constant 16 : i32
      %add3A_222 = arith.addi %mul3A_220, %add3A_221 : i32
      %swap3A_223 = arith.index_cast %add3A_222 : i32 to index
      %swap3A_224 = tpu.vector_load %arg13[%swap3A_223] {strides = array<i32>} : memref<5120xf32, #tpu.memory_space<vmem>>, vector<16xf32>,
      %swap3A_225 = vector.shape_cast %swap3A_224 : vector<16xf32> to vector<16xf32>
      %swap3A_226 = vector.shape_cast %broadcast_in_dim3A_218 : vector<16xf32> to vector<16xf32>
      tpu.vector_store %arg13[%swap3A_223], %swap3A_226 {strides = array<i32>} : memref<5120xf32, #tpu.memory_space<vmem>>, vector<16xf32>,
      %broadcast_in_dim3A_227 = arith.constant 0.000000e+00 : f32
      %broadcast_in_dim3A_228 = vector.broadcast %broadcast_in_dim3A_227 : f32 to vector<16xf32>
      %mul3A_229 = arith.constant 128 : i32
      %mul3A_230 = arith.muli %scan3A_206, %mul3A_229 : i32
      %add3A_231 = arith.constant 32 : i32
      %add3A_232 = arith.addi %mul3A_230, %add3A_231 : i32
      %swap3A_233 = arith.index_cast %add3A_232 : i32 to index
      %swap3A_234 = tpu.vector_load %arg13[%swap3A_233] {strides = array<i32>} : memref<5120xf32, #tpu.memory_space<vmem>>, vector<16xf32>,
      %swap3A_235 = vector.shape_cast %swap3A_234 : vector<16xf32> to vector<16xf32>
      %swap3A_236 = vector.shape_cast %broadcast_in_dim3A_228 : vector<16xf32> to vector<16xf32>
      tpu.vector_store %arg13[%swap3A_233], %swap3A_236 {strides = array<i32>} : memref<5120xf32, #tpu.memory_space<vmem>>, vector<16xf32>,
      %broadcast_in_dim3A_237 = arith.constant 0.000000e+00 : f32
      %broadcast_in_dim3A_238 = vector.broadcast %broadcast_in_dim3A_237 : f32 to vector<16xf32>
      %mul3A_239 = arith.constant 128 : i32
      %mul3A_240 = arith.muli %scan3A_206, %mul3A_239 : i32
      %add3A_241 = arith.constant 48 : i32
      %add3A_242 = arith.addi %mul3A_240, %add3A_241 : i32
      %swap3A_243 = arith.index_cast %add3A_242 : i32 to index
      %swap3A_244 = tpu.vector_load %arg13[%swap3A_243] {strides = array<i32>} : memref<5120xf32, #tpu.memory_space<vmem>>, vector<16xf32>,
      %swap3A_245 = vector.shape_cast %swap3A_244 : vector<16xf32> to vector<16xf32>
      %swap3A_246 = vector.shape_cast %broadcast_in_dim3A_238 : vector<16xf32> to vector<16xf32>
      tpu.vector_store %arg13[%swap3A_243], %swap3A_246 {strides = array<i32>} : memref<5120xf32, #tpu.memory_space<vmem>>, vector<16xf32>,
      %broadcast_in_dim3A_247 = arith.constant 0.000000e+00 : f32
      %broadcast_in_dim3A_248 = vector.broadcast %broadcast_in_dim3A_247 : f32 to vector<16xf32>
      %mul3A_249 = arith.constant 128 : i32
      %mul3A_250 = arith.muli %scan3A_206, %mul3A_249 : i32
      %add3A_251 = arith.constant 64 : i32
      %add3A_252 = arith.addi %mul3A_250, %add3A_251 : i32
      %swap3A_253 = arith.index_cast %add3A_252 : i32 to index
      %swap3A_254 = tpu.vector_load %arg13[%swap3A_253] {strides = array<i32>} : memref<5120xf32, #tpu.memory_space<vmem>>, vector<16xf32>,
      %swap3A_255 = vector.shape_cast %swap3A_254 : vector<16xf32> to vector<16xf32>
      %swap3A_256 = vector.shape_cast %broadcast_in_dim3A_248 : vector<16xf32> to vector<16xf32>
      tpu.vector_store %arg13[%swap3A_253], %swap3A_256 {strides = array<i32>} : memref<5120xf32, #tpu.memory_space<vmem>>, vector<16xf32>,
      %broadcast_in_dim3A_257 = arith.constant 0.000000e+00 : f32
      %broadcast_in_dim3A_258 = vector.broadcast %broadcast_in_dim3A_257 : f32 to vector<16xf32>
      %mul3A_259 = arith.constant 128 : i32
      %mul3A_260 = arith.muli %scan3A_206, %mul3A_259 : i32
      %add3A_261 = arith.constant 80 : i32
      %add3A_262 = arith.addi %mul3A_260, %add3A_261 : i32
      %swap3A_263 = arith.index_cast %add3A_262 : i32 to index
      %swap3A_264 = tpu.vector_load %arg13[%swap3A_263] {strides = array<i32>} : memref<5120xf32, #tpu.memory_space<vmem>>, vector<16xf32>,
      %swap3A_265 = vector.shape_cast %swap3A_264 : vector<16xf32> to vector<16xf32>
      %swap3A_266 = vector.shape_cast %broadcast_in_dim3A_258 : vector<16xf32> to vector<16xf32>
      tpu.vector_store %arg13[%swap3A_263], %swap3A_266 {strides = array<i32>} : memref<5120xf32, #tpu.memory_space<vmem>>, vector<16xf32>,
      %broadcast_in_dim3A_267 = arith.constant 0.000000e+00 : f32
      %broadcast_in_dim3A_268 = vector.broadcast %broadcast_in_dim3A_267 : f32 to vector<16xf32>
      %mul3A_269 = arith.constant 128 : i32
      %mul3A_270 = arith.muli %scan3A_206, %mul3A_269 : i32
      %add3A_271 = arith.constant 96 : i32
      %add3A_272 = arith.addi %mul3A_270, %add3A_271 : i32
      %swap3A_273 = arith.index_cast %add3A_272 : i32 to index
      %swap3A_274 = tpu.vector_load %arg13[%swap3A_273] {strides = array<i32>} : memref<5120xf32, #tpu.memory_space<vmem>>, vector<16xf32>,
      %swap3A_275 = vector.shape_cast %swap3A_274 : vector<16xf32> to vector<16xf32>
      %swap3A_276 = vector.shape_cast %broadcast_in_dim3A_268 : vector<16xf32> to vector<16xf32>
      tpu.vector_store %arg13[%swap3A_273], %swap3A_276 {strides = array<i32>} : memref<5120xf32, #tpu.memory_space<vmem>>, vector<16xf32>,
      %broadcast_in_dim3A_277 = arith.constant 0.000000e+00 : f32
      %broadcast_in_dim3A_278 = vector.broadcast %broadcast_in_dim3A_277 : f32 to vector<16xf32>
      %mul3A_279 = arith.constant 128 : i32
      %mul3A_280 = arith.muli %scan3A_206, %mul3A_279 : i32
      %add3A_281 = arith.constant 112 : i32
      %add3A_282 = arith.addi %mul3A_280, %add3A_281 : i32
      %swap3A_283 = arith.index_cast %add3A_282 : i32 to index
      %swap3A_284 = tpu.vector_load %arg13[%swap3A_283] {strides = array<i32>} : memref<5120xf32, #tpu.memory_space<vmem>>, vector<16xf32>,
      %swap3A_285 = vector.shape_cast %swap3A_284 : vector<16xf32> to vector<16xf32>
      %swap3A_286 = vector.shape_cast %broadcast_in_dim3A_278 : vector<16xf32> to vector<16xf32>
      tpu.vector_store %arg13[%swap3A_283], %swap3A_286 {strides = array<i32>} : memref<5120xf32, #tpu.memory_space<vmem>>, vector<16xf32>,
    }
    %scan3A_5 = arith.constant 40 : i32
    %mul3A_6 = arith.constant 6256 : i32
    %mul3A_7 = arith.muli %arg1, %mul3A_6 : i32
    "tpu.region"() ({
      %run_scoped3A = tpu.sem_alloc : memref<!tpu.dma_semaphore, #tpu.memory_space<semaphore_mem>>
      %dma_start3A_206 = tpu.memref_slice %arg34[%mul3A_7] : memref<100096xf32, #tpu.memory_space<vmem_shared>> -> memref<5120xf32, #tpu.memory_space<vmem_shared>>
      %dma_start3A_207 = tpu.memref_slice %arg34[%mul3A_7] : memref<100096xf32, #tpu.memory_space<vmem_shared>> -> memref<5120xf32, #tpu.memory_space<vmem_shared>>
      tpu.enqueue_dma source(%arg13 : memref<5120xf32, #tpu.memory_space<vmem>>) target(%dma_start3A_207 : memref<5120xf32, #tpu.memory_space<vmem_shared>>) target_semaphore(%run_scoped3A : memref<!tpu.dma_semaphore, #tpu.memory_space<semaphore_mem>>)
      %dma_wait3A_208 = tpu.memref_slice %arg34[%mul3A_7] : memref<100096xf32, #tpu.memory_space<vmem_shared>> -> memref<5120xf32, #tpu.memory_space<vmem_shared>>
      %dma_wait3A_209 = tpu.memref_slice %arg34[%mul3A_7] : memref<100096xf32, #tpu.memory_space<vmem_shared>> -> memref<5120xf32, #tpu.memory_space<vmem_shared>>
      tpu.wait_dma2 semaphore(%run_scoped3A : memref<!tpu.dma_semaphore, #tpu.memory_space<semaphore_mem>>) src(%arg13 : memref<5120xf32, #tpu.memory_space<vmem>>) dst(%dma_wait3A_209 : memref<5120xf32, #tpu.memory_space<vmem_shared>>)
      tpu.yield
    }) : () -> ()
    %mul3A_8 = arith.constant 6256 : i32
    %mul3A_9 = arith.muli %arg1, %mul3A_8 : i32
    %add3A_10 = arith.constant 5120 : i32
    %add3A_11 = arith.addi %mul3A_9, %add3A_10 : i32
    "tpu.region"() ({
      %run_scoped3A = tpu.sem_alloc : memref<!tpu.dma_semaphore, #tpu.memory_space<semaphore_mem>>
      %dma_start3A_206 = arith.constant 0 : i32
      %dma_start3A_207 = tpu.memref_slice %arg13[%dma_start3A_206] : memref<5120xf32, #tpu.memory_space<vmem>> -> memref<1136xf32, #tpu.memory_space<vmem>>
      %dma_start3A_208 = tpu.memref_slice %arg34[%add3A_11] : memref<100096xf32, #tpu.memory_space<vmem_shared>> -> memref<1136xf32, #tpu.memory_space<vmem_shared>>
      %dma_start3A_209 = tpu.memref_slice %arg34[%add3A_11] : memref<100096xf32, #tpu.memory_space<vmem_shared>> -> memref<1136xf32, #tpu.memory_space<vmem_shared>>
      %dma_start3A_210 = arith.constant 0 : i32
      %dma_start3A_211 = tpu.memref_slice %arg13[%dma_start3A_210] : memref<5120xf32, #tpu.memory_space<vmem>> -> memref<1136xf32, #tpu.memory_space<vmem>>
      tpu.enqueue_dma source(%dma_start3A_211 : memref<1136xf32, #tpu.memory_space<vmem>>) target(%dma_start3A_209 : memref<1136xf32, #tpu.memory_space<vmem_shared>>) target_semaphore(%run_scoped3A : memref<!tpu.dma_semaphore, #tpu.memory_space<semaphore_mem>>)
      %dma_wait3A_212 = arith.constant 0 : i32
      %dma_wait3A_213 = tpu.memref_slice %arg13[%dma_wait3A_212] : memref<5120xf32, #tpu.memory_space<vmem>> -> memref<1136xf32, #tpu.memory_space<vmem>>
      %dma_wait3A_214 = tpu.memref_slice %arg34[%add3A_11] : memref<100096xf32, #tpu.memory_space<vmem_shared>> -> memref<1136xf32, #tpu.memory_space<vmem_shared>>
      %dma_wait3A_215 = tpu.memref_slice %arg34[%add3A_11] : memref<100096xf32, #tpu.memory_space<vmem_shared>> -> memref<1136xf32, #tpu.memory_space<vmem_shared>>
      %dma_wait3A_216 = arith.constant 0 : i32
      %dma_wait3A_217 = tpu.memref_slice %arg13[%dma_wait3A_216] : memref<5120xf32, #tpu.memory_space<vmem>> -> memref<1136xf32, #tpu.memory_space<vmem>>
      tpu.wait_dma2 semaphore(%run_scoped3A : memref<!tpu.dma_semaphore, #tpu.memory_space<semaphore_mem>>) src(%dma_wait3A_217 : memref<1136xf32, #tpu.memory_space<vmem>>) dst(%dma_wait3A_215 : memref<1136xf32, #tpu.memory_space<vmem_shared>>)
      tpu.yield
    }) : () -> ()
    %barrier3A = arith.constant 0 : index
    tpu.barrier barrier_id(%barrier3A)
    %min3A = arith.constant 17 : i32
    %min3A_12 = arith.minsi %add3A, %min3A : i32
    %mul3A_13 = arith.constant 19 : i32
    %mul3A_14 = arith.muli %mul3A_13, %add3A : i32
    %add3A_15 = arith.addi %mul3A_14, %min3A_12 : i32
    %lt3A = arith.constant 17 : i32
    %lt3A_16 = arith.cmpi slt, %add3A, %lt3A : i32
    %jit3A = arith.constant 1 : i32
    %jit3A_17 = arith.constant 0 : i32
    %select_n3A = arith.select %lt3A_16, %jit3A, %jit3A_17 : i32
    %add3A_18 = arith.constant 19 : i32
    %add3A_19 = arith.addi %add3A_18, %select_n3A : i32
    %broadcast_in_dim3A = arith.constant 0.000000e+00 : f32
    %broadcast_in_dim3A_20 = vector.broadcast %broadcast_in_dim3A : f32 to vector<16xf32>
    %add3A_21 = arith.constant 0 : i32
    %add3A_22 = arith.addi %add3A_15, %add3A_21 : i32
    %mul3A_23 = arith.constant 5120 : i32
    %mul3A_24 = arith.muli %add3A_22, %mul3A_23 : i32
    %dma_start3A = tpu.memref_slice %arg2[%mul3A_24] : memref<3200000xf32, #tpu.memory_space<hbm>> -> memref<5120xf32, #tpu.memory_space<hbm>>
    %dma_start3A_25 = tpu.memref_slice %arg2[%mul3A_24] : memref<3200000xf32, #tpu.memory_space<hbm>> -> memref<5120xf32, #tpu.memory_space<hbm>>
    tpu.enqueue_dma source(%dma_start3A_25 : memref<5120xf32, #tpu.memory_space<hbm>>) target(%arg9 : memref<5120xf32, #tpu.memory_space<vmem>>) target_semaphore(%arg35 : memref<!tpu.dma_semaphore, #tpu.memory_space<semaphore_mem>>)
    %dma_start3A_26 = tpu.memref_slice %arg3[%mul3A_24] : memref<3200000xf32, #tpu.memory_space<hbm>> -> memref<5120xf32, #tpu.memory_space<hbm>>
    %dma_start3A_27 = tpu.memref_slice %arg3[%mul3A_24] : memref<3200000xf32, #tpu.memory_space<hbm>> -> memref<5120xf32, #tpu.memory_space<hbm>>
    tpu.enqueue_dma source(%dma_start3A_27 : memref<5120xf32, #tpu.memory_space<hbm>>) target(%arg10 : memref<5120xf32, #tpu.memory_space<vmem>>) target_semaphore(%arg35 : memref<!tpu.dma_semaphore, #tpu.memory_space<semaphore_mem>>)
    %dma_start3A_28 = tpu.memref_slice %arg4[%mul3A_24] : memref<3200000xf32, #tpu.memory_space<hbm>> -> memref<5120xf32, #tpu.memory_space<hbm>>
    %dma_start3A_29 = tpu.memref_slice %arg4[%mul3A_24] : memref<3200000xf32, #tpu.memory_space<hbm>> -> memref<5120xf32, #tpu.memory_space<hbm>>
    tpu.enqueue_dma source(%dma_start3A_29 : memref<5120xf32, #tpu.memory_space<hbm>>) target(%arg11 : memref<5120xf32, #tpu.memory_space<vmem>>) target_semaphore(%arg35 : memref<!tpu.dma_semaphore, #tpu.memory_space<semaphore_mem>>)
    %dma_start3A_30 = tpu.memref_slice %arg5[%mul3A_24] : memref<3200000xf32, #tpu.memory_space<hbm>> -> memref<5120xf32, #tpu.memory_space<hbm>>
    %dma_start3A_31 = tpu.memref_slice %arg5[%mul3A_24] : memref<3200000xf32, #tpu.memory_space<hbm>> -> memref<5120xf32, #tpu.memory_space<hbm>>
    tpu.enqueue_dma source(%dma_start3A_31 : memref<5120xf32, #tpu.memory_space<hbm>>) target(%arg12 : memref<5120xf32, #tpu.memory_space<vmem>>) target_semaphore(%arg35 : memref<!tpu.dma_semaphore, #tpu.memory_space<semaphore_mem>>)
    %dma_start3A_32 = tpu.memref_slice %arg6[%mul3A_24] : memref<6400000xi32, #tpu.memory_space<hbm>> -> memref<5120xi32, #tpu.memory_space<hbm>>
    %dma_start3A_33 = tpu.memref_slice %arg6[%mul3A_24] : memref<6400000xi32, #tpu.memory_space<hbm>> -> memref<5120xi32, #tpu.memory_space<hbm>>
    tpu.enqueue_dma source(%dma_start3A_33 : memref<5120xi32, #tpu.memory_space<hbm>>) target(%arg15 : memref<5120xi32, #tpu.memory_space<vmem>>) target_semaphore(%arg35 : memref<!tpu.dma_semaphore, #tpu.memory_space<semaphore_mem>>)
    %add3A_34 = arith.constant 3200000 : i32
    %add3A_35 = arith.addi %add3A_34, %mul3A_24 : i32
    %dma_start3A_36 = tpu.memref_slice %arg6[%add3A_35] : memref<6400000xi32, #tpu.memory_space<hbm>> -> memref<5120xi32, #tpu.memory_space<hbm>>
    %dma_start3A_37 = tpu.memref_slice %arg6[%add3A_35] : memref<6400000xi32, #tpu.memory_space<hbm>> -> memref<5120xi32, #tpu.memory_space<hbm>>
    tpu.enqueue_dma source(%dma_start3A_37 : memref<5120xi32, #tpu.memory_space<hbm>>) target(%arg16 : memref<5120xi32, #tpu.memory_space<vmem>>) target_semaphore(%arg35 : memref<!tpu.dma_semaphore, #tpu.memory_space<semaphore_mem>>)
    %add3A_38 = arith.constant 1 : i32
    %add3A_39 = arith.addi %add3A_15, %add3A_38 : i32
    %mul3A_40 = arith.constant 5120 : i32
    %mul3A_41 = arith.muli %add3A_39, %mul3A_40 : i32
    %dma_start3A_42 = tpu.memref_slice %arg2[%mul3A_41] : memref<3200000xf32, #tpu.memory_space<hbm>> -> memref<5120xf32, #tpu.memory_space<hbm>>
    %dma_start3A_43 = tpu.memref_slice %arg2[%mul3A_41] : memref<3200000xf32, #tpu.memory_space<hbm>> -> memref<5120xf32, #tpu.memory_space<hbm>>
    tpu.enqueue_dma source(%dma_start3A_43 : memref<5120xf32, #tpu.memory_space<hbm>>) target(%arg17 : memref<5120xf32, #tpu.memory_space<vmem>>) target_semaphore(%arg36 : memref<!tpu.dma_semaphore, #tpu.memory_space<semaphore_mem>>)
    %dma_start3A_44 = tpu.memref_slice %arg3[%mul3A_41] : memref<3200000xf32, #tpu.memory_space<hbm>> -> memref<5120xf32, #tpu.memory_space<hbm>>
    %dma_start3A_45 = tpu.memref_slice %arg3[%mul3A_41] : memref<3200000xf32, #tpu.memory_space<hbm>> -> memref<5120xf32, #tpu.memory_space<hbm>>
    tpu.enqueue_dma source(%dma_start3A_45 : memref<5120xf32, #tpu.memory_space<hbm>>) target(%arg18 : memref<5120xf32, #tpu.memory_space<vmem>>) target_semaphore(%arg36 : memref<!tpu.dma_semaphore, #tpu.memory_space<semaphore_mem>>)
    %dma_start3A_46 = tpu.memref_slice %arg4[%mul3A_41] : memref<3200000xf32, #tpu.memory_space<hbm>> -> memref<5120xf32, #tpu.memory_space<hbm>>
    %dma_start3A_47 = tpu.memref_slice %arg4[%mul3A_41] : memref<3200000xf32, #tpu.memory_space<hbm>> -> memref<5120xf32, #tpu.memory_space<hbm>>
    tpu.enqueue_dma source(%dma_start3A_47 : memref<5120xf32, #tpu.memory_space<hbm>>) target(%arg19 : memref<5120xf32, #tpu.memory_space<vmem>>) target_semaphore(%arg36 : memref<!tpu.dma_semaphore, #tpu.memory_space<semaphore_mem>>)
    %dma_start3A_48 = tpu.memref_slice %arg5[%mul3A_41] : memref<3200000xf32, #tpu.memory_space<hbm>> -> memref<5120xf32, #tpu.memory_space<hbm>>
    %dma_start3A_49 = tpu.memref_slice %arg5[%mul3A_41] : memref<3200000xf32, #tpu.memory_space<hbm>> -> memref<5120xf32, #tpu.memory_space<hbm>>
    tpu.enqueue_dma source(%dma_start3A_49 : memref<5120xf32, #tpu.memory_space<hbm>>) target(%arg20 : memref<5120xf32, #tpu.memory_space<vmem>>) target_semaphore(%arg36 : memref<!tpu.dma_semaphore, #tpu.memory_space<semaphore_mem>>)
    %dma_start3A_50 = tpu.memref_slice %arg6[%mul3A_41] : memref<6400000xi32, #tpu.memory_space<hbm>> -> memref<5120xi32, #tpu.memory_space<hbm>>
    %dma_start3A_51 = tpu.memref_slice %arg6[%mul3A_41] : memref<6400000xi32, #tpu.memory_space<hbm>> -> memref<5120xi32, #tpu.memory_space<hbm>>
    tpu.enqueue_dma source(%dma_start3A_51 : memref<5120xi32, #tpu.memory_space<hbm>>) target(%arg23 : memref<5120xi32, #tpu.memory_space<vmem>>) target_semaphore(%arg36 : memref<!tpu.dma_semaphore, #tpu.memory_space<semaphore_mem>>)
    %add3A_52 = arith.constant 3200000 : i32
    %add3A_53 = arith.addi %add3A_52, %mul3A_41 : i32
    %dma_start3A_54 = tpu.memref_slice %arg6[%add3A_53] : memref<6400000xi32, #tpu.memory_space<hbm>> -> memref<5120xi32, #tpu.memory_space<hbm>>
    %dma_start3A_55 = tpu.memref_slice %arg6[%add3A_53] : memref<6400000xi32, #tpu.memory_space<hbm>> -> memref<5120xi32, #tpu.memory_space<hbm>>
    tpu.enqueue_dma source(%dma_start3A_55 : memref<5120xi32, #tpu.memory_space<hbm>>) target(%arg24 : memref<5120xi32, #tpu.memory_space<vmem>>) target_semaphore(%arg36 : memref<!tpu.dma_semaphore, #tpu.memory_space<semaphore_mem>>)
    %add3A_56 = arith.constant 2 : i32
    %add3A_57 = arith.addi %add3A_15, %add3A_56 : i32
    %mul3A_58 = arith.constant 5120 : i32
    %mul3A_59 = arith.muli %add3A_57, %mul3A_58 : i32
    %dma_start3A_60 = tpu.memref_slice %arg2[%mul3A_59] : memref<3200000xf32, #tpu.memory_space<hbm>> -> memref<5120xf32, #tpu.memory_space<hbm>>
    %dma_start3A_61 = tpu.memref_slice %arg2[%mul3A_59] : memref<3200000xf32, #tpu.memory_space<hbm>> -> memref<5120xf32, #tpu.memory_space<hbm>>
    tpu.enqueue_dma source(%dma_start3A_61 : memref<5120xf32, #tpu.memory_space<hbm>>) target(%arg25 : memref<5120xf32, #tpu.memory_space<vmem>>) target_semaphore(%arg37 : memref<!tpu.dma_semaphore, #tpu.memory_space<semaphore_mem>>)
    %dma_start3A_62 = tpu.memref_slice %arg3[%mul3A_59] : memref<3200000xf32, #tpu.memory_space<hbm>> -> memref<5120xf32, #tpu.memory_space<hbm>>
    %dma_start3A_63 = tpu.memref_slice %arg3[%mul3A_59] : memref<3200000xf32, #tpu.memory_space<hbm>> -> memref<5120xf32, #tpu.memory_space<hbm>>
    tpu.enqueue_dma source(%dma_start3A_63 : memref<5120xf32, #tpu.memory_space<hbm>>) target(%arg26 : memref<5120xf32, #tpu.memory_space<vmem>>) target_semaphore(%arg37 : memref<!tpu.dma_semaphore, #tpu.memory_space<semaphore_mem>>)
    %dma_start3A_64 = tpu.memref_slice %arg4[%mul3A_59] : memref<3200000xf32, #tpu.memory_space<hbm>> -> memref<5120xf32, #tpu.memory_space<hbm>>
    %dma_start3A_65 = tpu.memref_slice %arg4[%mul3A_59] : memref<3200000xf32, #tpu.memory_space<hbm>> -> memref<5120xf32, #tpu.memory_space<hbm>>
    tpu.enqueue_dma source(%dma_start3A_65 : memref<5120xf32, #tpu.memory_space<hbm>>) target(%arg27 : memref<5120xf32, #tpu.memory_space<vmem>>) target_semaphore(%arg37 : memref<!tpu.dma_semaphore, #tpu.memory_space<semaphore_mem>>)
    %dma_start3A_66 = tpu.memref_slice %arg5[%mul3A_59] : memref<3200000xf32, #tpu.memory_space<hbm>> -> memref<5120xf32, #tpu.memory_space<hbm>>
    %dma_start3A_67 = tpu.memref_slice %arg5[%mul3A_59] : memref<3200000xf32, #tpu.memory_space<hbm>> -> memref<5120xf32, #tpu.memory_space<hbm>>
    tpu.enqueue_dma source(%dma_start3A_67 : memref<5120xf32, #tpu.memory_space<hbm>>) target(%arg28 : memref<5120xf32, #tpu.memory_space<vmem>>) target_semaphore(%arg37 : memref<!tpu.dma_semaphore, #tpu.memory_space<semaphore_mem>>)
    %dma_start3A_68 = tpu.memref_slice %arg6[%mul3A_59] : memref<6400000xi32, #tpu.memory_space<hbm>> -> memref<5120xi32, #tpu.memory_space<hbm>>
    %dma_start3A_69 = tpu.memref_slice %arg6[%mul3A_59] : memref<6400000xi32, #tpu.memory_space<hbm>> -> memref<5120xi32, #tpu.memory_space<hbm>>
    tpu.enqueue_dma source(%dma_start3A_69 : memref<5120xi32, #tpu.memory_space<hbm>>) target(%arg31 : memref<5120xi32, #tpu.memory_space<vmem>>) target_semaphore(%arg37 : memref<!tpu.dma_semaphore, #tpu.memory_space<semaphore_mem>>)
    %add3A_70 = arith.constant 3200000 : i32
    %add3A_71 = arith.addi %add3A_70, %mul3A_59 : i32
    %dma_start3A_72 = tpu.memref_slice %arg6[%add3A_71] : memref<6400000xi32, #tpu.memory_space<hbm>> -> memref<5120xi32, #tpu.memory_space<hbm>>
    %dma_start3A_73 = tpu.memref_slice %arg6[%add3A_71] : memref<6400000xi32, #tpu.memory_space<hbm>> -> memref<5120xi32, #tpu.memory_space<hbm>>
    tpu.enqueue_dma source(%dma_start3A_73 : memref<5120xi32, #tpu.memory_space<hbm>>) target(%arg32 : memref<5120xi32, #tpu.memory_space<vmem>>) target_semaphore(%arg37 : memref<!tpu.dma_semaphore, #tpu.memory_space<semaphore_mem>>)
    %dma_wait3A = arith.constant 0 : i32
    %dma_wait3A_74 = tpu.memref_slice %arg2[%dma_wait3A] : memref<3200000xf32, #tpu.memory_space<hbm>> -> memref<5120xf32, #tpu.memory_space<hbm>>
    %dma_wait3A_75 = arith.constant 0 : i32
    %dma_wait3A_76 = tpu.memref_slice %arg2[%dma_wait3A_75] : memref<3200000xf32, #tpu.memory_space<hbm>> -> memref<5120xf32, #tpu.memory_space<hbm>>
    tpu.wait_dma2 semaphore(%arg35 : memref<!tpu.dma_semaphore, #tpu.memory_space<semaphore_mem>>) src(%dma_wait3A_76 : memref<5120xf32, #tpu.memory_space<hbm>>) dst(%arg9 : memref<5120xf32, #tpu.memory_space<vmem>>)
    %dma_wait3A_77 = arith.constant 0 : i32
    %dma_wait3A_78 = tpu.memref_slice %arg2[%dma_wait3A_77] : memref<3200000xf32, #tpu.memory_space<hbm>> -> memref<5120xf32, #tpu.memory_space<hbm>>
    %dma_wait3A_79 = arith.constant 0 : i32
    %dma_wait3A_80 = tpu.memref_slice %arg2[%dma_wait3A_79] : memref<3200000xf32, #tpu.memory_space<hbm>> -> memref<5120xf32, #tpu.memory_space<hbm>>
    tpu.wait_dma2 semaphore(%arg35 : memref<!tpu.dma_semaphore, #tpu.memory_space<semaphore_mem>>) src(%dma_wait3A_80 : memref<5120xf32, #tpu.memory_space<hbm>>) dst(%arg10 : memref<5120xf32, #tpu.memory_space<vmem>>)
    %dma_wait3A_81 = arith.constant 0 : i32
    %dma_wait3A_82 = tpu.memref_slice %arg2[%dma_wait3A_81] : memref<3200000xf32, #tpu.memory_space<hbm>> -> memref<5120xf32, #tpu.memory_space<hbm>>
    %dma_wait3A_83 = arith.constant 0 : i32
    %dma_wait3A_84 = tpu.memref_slice %arg2[%dma_wait3A_83] : memref<3200000xf32, #tpu.memory_space<hbm>> -> memref<5120xf32, #tpu.memory_space<hbm>>
    tpu.wait_dma2 semaphore(%arg35 : memref<!tpu.dma_semaphore, #tpu.memory_space<semaphore_mem>>) src(%dma_wait3A_84 : memref<5120xf32, #tpu.memory_space<hbm>>) dst(%arg11 : memref<5120xf32, #tpu.memory_space<vmem>>)
    %dma_wait3A_85 = arith.constant 0 : i32
    %dma_wait3A_86 = tpu.memref_slice %arg2[%dma_wait3A_85] : memref<3200000xf32, #tpu.memory_space<hbm>> -> memref<5120xf32, #tpu.memory_space<hbm>>
    %dma_wait3A_87 = arith.constant 0 : i32
    %dma_wait3A_88 = tpu.memref_slice %arg2[%dma_wait3A_87] : memref<3200000xf32, #tpu.memory_space<hbm>> -> memref<5120xf32, #tpu.memory_space<hbm>>
    tpu.wait_dma2 semaphore(%arg35 : memref<!tpu.dma_semaphore, #tpu.memory_space<semaphore_mem>>) src(%dma_wait3A_88 : memref<5120xf32, #tpu.memory_space<hbm>>) dst(%arg12 : memref<5120xf32, #tpu.memory_space<vmem>>)
    %dma_wait3A_89 = arith.constant 0 : i32
    %dma_wait3A_90 = tpu.memref_slice %arg2[%dma_wait3A_89] : memref<3200000xf32, #tpu.memory_space<hbm>> -> memref<5120xf32, #tpu.memory_space<hbm>>
    %dma_wait3A_91 = arith.constant 0 : i32
    %dma_wait3A_92 = tpu.memref_slice %arg2[%dma_wait3A_91] : memref<3200000xf32, #tpu.memory_space<hbm>> -> memref<5120xf32, #tpu.memory_space<hbm>>
    tpu.wait_dma2 semaphore(%arg35 : memref<!tpu.dma_semaphore, #tpu.memory_space<semaphore_mem>>) src(%dma_wait3A_92 : memref<5120xf32, #tpu.memory_space<hbm>>) dst(%arg15 : memref<5120xi32, #tpu.memory_space<vmem>>)
    %dma_wait3A_93 = arith.constant 0 : i32
    %dma_wait3A_94 = tpu.memref_slice %arg2[%dma_wait3A_93] : memref<3200000xf32, #tpu.memory_space<hbm>> -> memref<5120xf32, #tpu.memory_space<hbm>>
    %dma_wait3A_95 = arith.constant 0 : i32
    %dma_wait3A_96 = tpu.memref_slice %arg2[%dma_wait3A_95] : memref<3200000xf32, #tpu.memory_space<hbm>> -> memref<5120xf32, #tpu.memory_space<hbm>>
    tpu.wait_dma2 semaphore(%arg35 : memref<!tpu.dma_semaphore, #tpu.memory_space<semaphore_mem>>) src(%dma_wait3A_96 : memref<5120xf32, #tpu.memory_space<hbm>>) dst(%arg16 : memref<5120xi32, #tpu.memory_space<vmem>>)
    %scan3A_97 = arith.constant 0 : i32
    %scan3A_98 = arith.constant 40 : i32
    %scan3A_99 = arith.addi %scan3A_97, %scan3A_98 : i32
    %scan3A_100 = arith.constant 1 : i32
    %scan3A_101:2 = scf.for %scan3A_206 = %scan3A_97 to %scan3A_99 step %scan3A_100 iter_args(%scan3A_207 = %broadcast_in_dim3A_20, %scan3A_208 = %broadcast_in_dim3A_20) -> (vector<16xf32>, vector<16xf32>)  : i32 {
      %mul3A_209 = arith.constant 128 : i32
      %mul3A_210 = arith.muli %scan3A_206, %mul3A_209 : i32
      %add3A_211 = arith.constant 0 : i32
      %add3A_212 = arith.addi %mul3A_210, %add3A_211 : i32
      %get3A = arith.index_cast %add3A_212 : i32 to index
      %get3A_213 = tpu.vector_load %arg9[%get3A] {strides = array<i32>} : memref<5120xf32, #tpu.memory_space<vmem>>, vector<16xf32>,
      %get3A_214 = vector.shape_cast %get3A_213 : vector<16xf32> to vector<16xf32>
      %get3A_215 = arith.index_cast %add3A_212 : i32 to index
      %get3A_216 = tpu.vector_load %arg10[%get3A_215] {strides = array<i32>} : memref<5120xf32, #tpu.memory_space<vmem>>, vector<16xf32>,
      %get3A_217 = vector.shape_cast %get3A_216 : vector<16xf32> to vector<16xf32>
      %get3A_218 = arith.index_cast %add3A_212 : i32 to index
      %get3A_219 = tpu.vector_load %arg11[%get3A_218] {strides = array<i32>} : memref<5120xf32, #tpu.memory_space<vmem>>, vector<16xf32>,
      %get3A_220 = vector.shape_cast %get3A_219 : vector<16xf32> to vector<16xf32>
      %get3A_221 = arith.index_cast %add3A_212 : i32 to index
      %get3A_222 = tpu.vector_load %arg12[%get3A_221] {strides = array<i32>} : memref<5120xf32, #tpu.memory_space<vmem>>, vector<16xf32>,
      %get3A_223 = vector.shape_cast %get3A_222 : vector<16xf32> to vector<16xf32>
      %mul3A_224 = arith.constant 8.000000e-01 : f32
      %mul3A_225 = vector.broadcast %mul3A_224 : f32 to vector<16xf32>
      %mul3A_226 = arith.mulf %get3A_214, %mul3A_225 : vector<16xf32>
      %add3A_227 = arith.constant 5.000000e-01 : f32
      %add3A_228 = vector.broadcast %add3A_227 : f32 to vector<16xf32>
      %add3A_229 = arith.addf %mul3A_226, %add3A_228 : vector<16xf32>
      %mul3A_230 = arith.constant 1.500000e+03 : f32
      %mul3A_231 = vector.broadcast %mul3A_230 : f32 to vector<16xf32>
      %mul3A_232 = arith.mulf %get3A_220, %mul3A_231 : vector<16xf32>
      %add3A_233 = arith.constant 2.000000e+03 : f32
      %add3A_234 = vector.broadcast %add3A_233 : f32 to vector<16xf32>
      %add3A_235 = arith.addf %mul3A_232, %add3A_234 : vector<16xf32>
      %mul3A_236 = arith.mulf %add3A_229, %add3A_235 : vector<16xf32>
      %sub3A = arith.subf %get3A_214, %get3A_217 : vector<16xf32>
      %mul3A_237 = arith.constant 1.200000e+03 : f32
      %mul3A_238 = vector.broadcast %mul3A_237 : f32 to vector<16xf32>
      %mul3A_239 = arith.mulf %get3A_223, %mul3A_238 : vector<16xf32>
      %add3A_240 = arith.constant 0.000000e+00 : f32
      %add3A_241 = vector.broadcast %add3A_240 : f32 to vector<16xf32>
      %add3A_242 = arith.addf %mul3A_239, %add3A_241 : vector<16xf32>
      %sub3A_243 = arith.subf %mul3A_236, %add3A_242 : vector<16xf32>
      %swap3A_244 = arith.index_cast %add3A_212 : i32 to index
      %swap3A_245 = tpu.vector_load %arg13[%swap3A_244] {strides = array<i32>} : memref<5120xf32, #tpu.memory_space<vmem>>, vector<16xf32>,
      %swap3A_246 = vector.shape_cast %swap3A_245 : vector<16xf32> to vector<16xf32>
      %swap3A_247 = vector.shape_cast %mul3A_236 : vector<16xf32> to vector<16xf32>
      tpu.vector_store %arg13[%swap3A_244], %swap3A_247 {strides = array<i32>} : memref<5120xf32, #tpu.memory_space<vmem>>, vector<16xf32>,
      %neg3A = arith.constant 0.000000e+00 : f32
      %neg3A_248 = vector.broadcast %neg3A : f32 to vector<16xf32>
      %neg3A_249 = arith.subf %neg3A_248, %mul3A_236 : vector<16xf32>
      %swap3A_250 = arith.index_cast %add3A_212 : i32 to index
      %swap3A_251 = tpu.vector_load %arg14[%swap3A_250] {strides = array<i32>} : memref<5120xf32, #tpu.memory_space<vmem>>, vector<16xf32>,
      %swap3A_252 = vector.shape_cast %swap3A_251 : vector<16xf32> to vector<16xf32>
      %swap3A_253 = vector.shape_cast %neg3A_249 : vector<16xf32> to vector<16xf32>
      tpu.vector_store %arg14[%swap3A_250], %swap3A_253 {strides = array<i32>} : memref<5120xf32, #tpu.memory_space<vmem>>, vector<16xf32>,
      %mul3A_254 = arith.mulf %sub3A, %sub3A : vector<16xf32>
      %add3A_255 = arith.addf %scan3A_207, %mul3A_254 : vector<16xf32>
      %mul3A_256 = arith.mulf %sub3A_243, %sub3A_243 : vector<16xf32>
      %add3A_257 = arith.addf %scan3A_208, %mul3A_256 : vector<16xf32>
      %mul3A_258 = arith.constant 128 : i32
      %mul3A_259 = arith.muli %scan3A_206, %mul3A_258 : i32
      %add3A_260 = arith.constant 16 : i32
      %add3A_261 = arith.addi %mul3A_259, %add3A_260 : i32
      %get3A_262 = arith.index_cast %add3A_261 : i32 to index
      %get3A_263 = tpu.vector_load %arg9[%get3A_262] {strides = array<i32>} : memref<5120xf32, #tpu.memory_space<vmem>>, vector<16xf32>,
      %get3A_264 = vector.shape_cast %get3A_263 : vector<16xf32> to vector<16xf32>
      %get3A_265 = arith.index_cast %add3A_261 : i32 to index
      %get3A_266 = tpu.vector_load %arg10[%get3A_265] {strides = array<i32>} : memref<5120xf32, #tpu.memory_space<vmem>>, vector<16xf32>,
      %get3A_267 = vector.shape_cast %get3A_266 : vector<16xf32> to vector<16xf32>
      %get3A_268 = arith.index_cast %add3A_261 : i32 to index
      %get3A_269 = tpu.vector_load %arg11[%get3A_268] {strides = array<i32>} : memref<5120xf32, #tpu.memory_space<vmem>>, vector<16xf32>,
      %get3A_270 = vector.shape_cast %get3A_269 : vector<16xf32> to vector<16xf32>
      %get3A_271 = arith.index_cast %add3A_261 : i32 to index
      %get3A_272 = tpu.vector_load %arg12[%get3A_271] {strides = array<i32>} : memref<5120xf32, #tpu.memory_space<vmem>>, vector<16xf32>,
      %get3A_273 = vector.shape_cast %get3A_272 : vector<16xf32> to vector<16xf32>
      %mul3A_274 = arith.constant 8.000000e-01 : f32
      %mul3A_275 = vector.broadcast %mul3A_274 : f32 to vector<16xf32>
      %mul3A_276 = arith.mulf %get3A_264, %mul3A_275 : vector<16xf32>
      %add3A_277 = arith.constant 5.000000e-01 : f32
      %add3A_278 = vector.broadcast %add3A_277 : f32 to vector<16xf32>
      %add3A_279 = arith.addf %mul3A_276, %add3A_278 : vector<16xf32>
      %mul3A_280 = arith.constant 1.500000e+03 : f32
      %mul3A_281 = vector.broadcast %mul3A_280 : f32 to vector<16xf32>
      %mul3A_282 = arith.mulf %get3A_270, %mul3A_281 : vector<16xf32>
      %add3A_283 = arith.constant 2.000000e+03 : f32
      %add3A_284 = vector.broadcast %add3A_283 : f32 to vector<16xf32>
      %add3A_285 = arith.addf %mul3A_282, %add3A_284 : vector<16xf32>
      %mul3A_286 = arith.mulf %add3A_279, %add3A_285 : vector<16xf32>
      %sub3A_287 = arith.subf %get3A_264, %get3A_267 : vector<16xf32>
      %mul3A_288 = arith.constant 1.200000e+03 : f32
      %mul3A_289 = vector.broadcast %mul3A_288 : f32 to vector<16xf32>
      %mul3A_290 = arith.mulf %get3A_273, %mul3A_289 : vector<16xf32>
      %add3A_291 = arith.constant 0.000000e+00 : f32
      %add3A_292 = vector.broadcast %add3A_291 : f32 to vector<16xf32>
      %add3A_293 = arith.addf %mul3A_290, %add3A_292 : vector<16xf32>
      %sub3A_294 = arith.subf %mul3A_286, %add3A_293 : vector<16xf32>
      %swap3A_295 = arith.index_cast %add3A_261 : i32 to index
      %swap3A_296 = tpu.vector_load %arg13[%swap3A_295] {strides = array<i32>} : memref<5120xf32, #tpu.memory_space<vmem>>, vector<16xf32>,
      %swap3A_297 = vector.shape_cast %swap3A_296 : vector<16xf32> to vector<16xf32>
      %swap3A_298 = vector.shape_cast %mul3A_286 : vector<16xf32> to vector<16xf32>
      tpu.vector_store %arg13[%swap3A_295], %swap3A_298 {strides = array<i32>} : memref<5120xf32, #tpu.memory_space<vmem>>, vector<16xf32>,
      %neg3A_299 = arith.constant 0.000000e+00 : f32
      %neg3A_300 = vector.broadcast %neg3A_299 : f32 to vector<16xf32>
      %neg3A_301 = arith.subf %neg3A_300, %mul3A_286 : vector<16xf32>
      %swap3A_302 = arith.index_cast %add3A_261 : i32 to index
      %swap3A_303 = tpu.vector_load %arg14[%swap3A_302] {strides = array<i32>} : memref<5120xf32, #tpu.memory_space<vmem>>, vector<16xf32>,
      %swap3A_304 = vector.shape_cast %swap3A_303 : vector<16xf32> to vector<16xf32>
      %swap3A_305 = vector.shape_cast %neg3A_301 : vector<16xf32> to vector<16xf32>
      tpu.vector_store %arg14[%swap3A_302], %swap3A_305 {strides = array<i32>} : memref<5120xf32, #tpu.memory_space<vmem>>, vector<16xf32>,
      %mul3A_306 = arith.mulf %sub3A_287, %sub3A_287 : vector<16xf32>
      %add3A_307 = arith.addf %add3A_255, %mul3A_306 : vector<16xf32>
      %mul3A_308 = arith.mulf %sub3A_294, %sub3A_294 : vector<16xf32>
      %add3A_309 = arith.addf %add3A_257, %mul3A_308 : vector<16xf32>
      %mul3A_310 = arith.constant 128 : i32
      %mul3A_311 = arith.muli %scan3A_206, %mul3A_310 : i32
      %add3A_312 = arith.constant 32 : i32
      %add3A_313 = arith.addi %mul3A_311, %add3A_312 : i32
      %get3A_314 = arith.index_cast %add3A_313 : i32 to index
      %get3A_315 = tpu.vector_load %arg9[%get3A_314] {strides = array<i32>} : memref<5120xf32, #tpu.memory_space<vmem>>, vector<16xf32>,
      %get3A_316 = vector.shape_cast %get3A_315 : vector<16xf32> to vector<16xf32>
      %get3A_317 = arith.index_cast %add3A_313 : i32 to index
      %get3A_318 = tpu.vector_load %arg10[%get3A_317] {strides = array<i32>} : memref<5120xf32, #tpu.memory_space<vmem>>, vector<16xf32>,
      %get3A_319 = vector.shape_cast %get3A_318 : vector<16xf32> to vector<16xf32>
      %get3A_320 = arith.index_cast %add3A_313 : i32 to index
      %get3A_321 = tpu.vector_load %arg11[%get3A_320] {strides = array<i32>} : memref<5120xf32, #tpu.memory_space<vmem>>, vector<16xf32>,
      %get3A_322 = vector.shape_cast %get3A_321 : vector<16xf32> to vector<16xf32>
      %get3A_323 = arith.index_cast %add3A_313 : i32 to index
      %get3A_324 = tpu.vector_load %arg12[%get3A_323] {strides = array<i32>} : memref<5120xf32, #tpu.memory_space<vmem>>, vector<16xf32>,
      %get3A_325 = vector.shape_cast %get3A_324 : vector<16xf32> to vector<16xf32>
      %mul3A_326 = arith.constant 8.000000e-01 : f32
      %mul3A_327 = vector.broadcast %mul3A_326 : f32 to vector<16xf32>
      %mul3A_328 = arith.mulf %get3A_316, %mul3A_327 : vector<16xf32>
      %add3A_329 = arith.constant 5.000000e-01 : f32
      %add3A_330 = vector.broadcast %add3A_329 : f32 to vector<16xf32>
      %add3A_331 = arith.addf %mul3A_328, %add3A_330 : vector<16xf32>
      %mul3A_332 = arith.constant 1.500000e+03 : f32
      %mul3A_333 = vector.broadcast %mul3A_332 : f32 to vector<16xf32>
      %mul3A_334 = arith.mulf %get3A_322, %mul3A_333 : vector<16xf32>
      %add3A_335 = arith.constant 2.000000e+03 : f32
      %add3A_336 = vector.broadcast %add3A_335 : f32 to vector<16xf32>
      %add3A_337 = arith.addf %mul3A_334, %add3A_336 : vector<16xf32>
      %mul3A_338 = arith.mulf %add3A_331, %add3A_337 : vector<16xf32>
      %sub3A_339 = arith.subf %get3A_316, %get3A_319 : vector<16xf32>
      %mul3A_340 = arith.constant 1.200000e+03 : f32
      %mul3A_341 = vector.broadcast %mul3A_340 : f32 to vector<16xf32>
      %mul3A_342 = arith.mulf %get3A_325, %mul3A_341 : vector<16xf32>
      %add3A_343 = arith.constant 0.000000e+00 : f32
      %add3A_344 = vector.broadcast %add3A_343 : f32 to vector<16xf32>
      %add3A_345 = arith.addf %mul3A_342, %add3A_344 : vector<16xf32>
      %sub3A_346 = arith.subf %mul3A_338, %add3A_345 : vector<16xf32>
      %swap3A_347 = arith.index_cast %add3A_313 : i32 to index
      %swap3A_348 = tpu.vector_load %arg13[%swap3A_347] {strides = array<i32>} : memref<5120xf32, #tpu.memory_space<vmem>>, vector<16xf32>,
      %swap3A_349 = vector.shape_cast %swap3A_348 : vector<16xf32> to vector<16xf32>
      %swap3A_350 = vector.shape_cast %mul3A_338 : vector<16xf32> to vector<16xf32>
      tpu.vector_store %arg13[%swap3A_347], %swap3A_350 {strides = array<i32>} : memref<5120xf32, #tpu.memory_space<vmem>>, vector<16xf32>,
      %neg3A_351 = arith.constant 0.000000e+00 : f32
      %neg3A_352 = vector.broadcast %neg3A_351 : f32 to vector<16xf32>
      %neg3A_353 = arith.subf %neg3A_352, %mul3A_338 : vector<16xf32>
      %swap3A_354 = arith.index_cast %add3A_313 : i32 to index
      %swap3A_355 = tpu.vector_load %arg14[%swap3A_354] {strides = array<i32>} : memref<5120xf32, #tpu.memory_space<vmem>>, vector<16xf32>,
      %swap3A_356 = vector.shape_cast %swap3A_355 : vector<16xf32> to vector<16xf32>
      %swap3A_357 = vector.shape_cast %neg3A_353 : vector<16xf32> to vector<16xf32>
      tpu.vector_store %arg14[%swap3A_354], %swap3A_357 {strides = array<i32>} : memref<5120xf32, #tpu.memory_space<vmem>>, vector<16xf32>,
      %mul3A_358 = arith.mulf %sub3A_339, %sub3A_339 : vector<16xf32>
      %add3A_359 = arith.addf %add3A_307, %mul3A_358 : vector<16xf32>
      %mul3A_360 = arith.mulf %sub3A_346, %sub3A_346 : vector<16xf32>
      %add3A_361 = arith.addf %add3A_309, %mul3A_360 : vector<16xf32>
      %mul3A_362 = arith.constant 128 : i32
      %mul3A_363 = arith.muli %scan3A_206, %mul3A_362 : i32
      %add3A_364 = arith.constant 48 : i32
      %add3A_365 = arith.addi %mul3A_363, %add3A_364 : i32
      %get3A_366 = arith.index_cast %add3A_365 : i32 to index
      %get3A_367 = tpu.vector_load %arg9[%get3A_366] {strides = array<i32>} : memref<5120xf32, #tpu.memory_space<vmem>>, vector<16xf32>,
      %get3A_368 = vector.shape_cast %get3A_367 : vector<16xf32> to vector<16xf32>
      %get3A_369 = arith.index_cast %add3A_365 : i32 to index
      %get3A_370 = tpu.vector_load %arg10[%get3A_369] {strides = array<i32>} : memref<5120xf32, #tpu.memory_space<vmem>>, vector<16xf32>,
      %get3A_371 = vector.shape_cast %get3A_370 : vector<16xf32> to vector<16xf32>
      %get3A_372 = arith.index_cast %add3A_365 : i32 to index
      %get3A_373 = tpu.vector_load %arg11[%get3A_372] {strides = array<i32>} : memref<5120xf32, #tpu.memory_space<vmem>>, vector<16xf32>,
      %get3A_374 = vector.shape_cast %get3A_373 : vector<16xf32> to vector<16xf32>
      %get3A_375 = arith.index_cast %add3A_365 : i32 to index
      %get3A_376 = tpu.vector_load %arg12[%get3A_375] {strides = array<i32>} : memref<5120xf32, #tpu.memory_space<vmem>>, vector<16xf32>,
      %get3A_377 = vector.shape_cast %get3A_376 : vector<16xf32> to vector<16xf32>
      %mul3A_378 = arith.constant 8.000000e-01 : f32
      %mul3A_379 = vector.broadcast %mul3A_378 : f32 to vector<16xf32>
      %mul3A_380 = arith.mulf %get3A_368, %mul3A_379 : vector<16xf32>
      %add3A_381 = arith.constant 5.000000e-01 : f32
      %add3A_382 = vector.broadcast %add3A_381 : f32 to vector<16xf32>
      %add3A_383 = arith.addf %mul3A_380, %add3A_382 : vector<16xf32>
      %mul3A_384 = arith.constant 1.500000e+03 : f32
      %mul3A_385 = vector.broadcast %mul3A_384 : f32 to vector<16xf32>
      %mul3A_386 = arith.mulf %get3A_374, %mul3A_385 : vector<16xf32>
      %add3A_387 = arith.constant 2.000000e+03 : f32
      %add3A_388 = vector.broadcast %add3A_387 : f32 to vector<16xf32>
      %add3A_389 = arith.addf %mul3A_386, %add3A_388 : vector<16xf32>
      %mul3A_390 = arith.mulf %add3A_383, %add3A_389 : vector<16xf32>
      %sub3A_391 = arith.subf %get3A_368, %get3A_371 : vector<16xf32>
      %mul3A_392 = arith.constant 1.200000e+03 : f32
      %mul3A_393 = vector.broadcast %mul3A_392 : f32 to vector<16xf32>
      %mul3A_394 = arith.mulf %get3A_377, %mul3A_393 : vector<16xf32>
      %add3A_395 = arith.constant 0.000000e+00 : f32
      %add3A_396 = vector.broadcast %add3A_395 : f32 to vector<16xf32>
      %add3A_397 = arith.addf %mul3A_394, %add3A_396 : vector<16xf32>
      %sub3A_398 = arith.subf %mul3A_390, %add3A_397 : vector<16xf32>
      %swap3A_399 = arith.index_cast %add3A_365 : i32 to index
      %swap3A_400 = tpu.vector_load %arg13[%swap3A_399] {strides = array<i32>} : memref<5120xf32, #tpu.memory_space<vmem>>, vector<16xf32>,
      %swap3A_401 = vector.shape_cast %swap3A_400 : vector<16xf32> to vector<16xf32>
      %swap3A_402 = vector.shape_cast %mul3A_390 : vector<16xf32> to vector<16xf32>
      tpu.vector_store %arg13[%swap3A_399], %swap3A_402 {strides = array<i32>} : memref<5120xf32, #tpu.memory_space<vmem>>, vector<16xf32>,
      %neg3A_403 = arith.constant 0.000000e+00 : f32
      %neg3A_404 = vector.broadcast %neg3A_403 : f32 to vector<16xf32>
      %neg3A_405 = arith.subf %neg3A_404, %mul3A_390 : vector<16xf32>
      %swap3A_406 = arith.index_cast %add3A_365 : i32 to index
      %swap3A_407 = tpu.vector_load %arg14[%swap3A_406] {strides = array<i32>} : memref<5120xf32, #tpu.memory_space<vmem>>, vector<16xf32>,
      %swap3A_408 = vector.shape_cast %swap3A_407 : vector<16xf32> to vector<16xf32>
      %swap3A_409 = vector.shape_cast %neg3A_405 : vector<16xf32> to vector<16xf32>
      tpu.vector_store %arg14[%swap3A_406], %swap3A_409 {strides = array<i32>} : memref<5120xf32, #tpu.memory_space<vmem>>, vector<16xf32>,
      %mul3A_410 = arith.mulf %sub3A_391, %sub3A_391 : vector<16xf32>
      %add3A_411 = arith.addf %add3A_359, %mul3A_410 : vector<16xf32>
      %mul3A_412 = arith.mulf %sub3A_398, %sub3A_398 : vector<16xf32>
      %add3A_413 = arith.addf %add3A_361, %mul3A_412 : vector<16xf32>
      %mul3A_414 = arith.constant 128 : i32
      %mul3A_415 = arith.muli %scan3A_206, %mul3A_414 : i32
      %add3A_416 = arith.constant 64 : i32
      %add3A_417 = arith.addi %mul3A_415, %add3A_416 : i32
      %get3A_418 = arith.index_cast %add3A_417 : i32 to index
      %get3A_419 = tpu.vector_load %arg9[%get3A_418] {strides = array<i32>} : memref<5120xf32, #tpu.memory_space<vmem>>, vector<16xf32>,
      %get3A_420 = vector.shape_cast %get3A_419 : vector<16xf32> to vector<16xf32>
      %get3A_421 = arith.index_cast %add3A_417 : i32 to index
      %get3A_422 = tpu.vector_load %arg10[%get3A_421] {strides = array<i32>} : memref<5120xf32, #tpu.memory_space<vmem>>, vector<16xf32>,
      %get3A_423 = vector.shape_cast %get3A_422 : vector<16xf32> to vector<16xf32>
      %get3A_424 = arith.index_cast %add3A_417 : i32 to index
      %get3A_425 = tpu.vector_load %arg11[%get3A_424] {strides = array<i32>} : memref<5120xf32, #tpu.memory_space<vmem>>, vector<16xf32>,
      %get3A_426 = vector.shape_cast %get3A_425 : vector<16xf32> to vector<16xf32>
      %get3A_427 = arith.index_cast %add3A_417 : i32 to index
      %get3A_428 = tpu.vector_load %arg12[%get3A_427] {strides = array<i32>} : memref<5120xf32, #tpu.memory_space<vmem>>, vector<16xf32>,
      %get3A_429 = vector.shape_cast %get3A_428 : vector<16xf32> to vector<16xf32>
      %mul3A_430 = arith.constant 8.000000e-01 : f32
      %mul3A_431 = vector.broadcast %mul3A_430 : f32 to vector<16xf32>
      %mul3A_432 = arith.mulf %get3A_420, %mul3A_431 : vector<16xf32>
      %add3A_433 = arith.constant 5.000000e-01 : f32
      %add3A_434 = vector.broadcast %add3A_433 : f32 to vector<16xf32>
      %add3A_435 = arith.addf %mul3A_432, %add3A_434 : vector<16xf32>
      %mul3A_436 = arith.constant 1.500000e+03 : f32
      %mul3A_437 = vector.broadcast %mul3A_436 : f32 to vector<16xf32>
      %mul3A_438 = arith.mulf %get3A_426, %mul3A_437 : vector<16xf32>
      %add3A_439 = arith.constant 2.000000e+03 : f32
      %add3A_440 = vector.broadcast %add3A_439 : f32 to vector<16xf32>
      %add3A_441 = arith.addf %mul3A_438, %add3A_440 : vector<16xf32>
      %mul3A_442 = arith.mulf %add3A_435, %add3A_441 : vector<16xf32>
      %sub3A_443 = arith.subf %get3A_420, %get3A_423 : vector<16xf32>
      %mul3A_444 = arith.constant 1.200000e+03 : f32
      %mul3A_445 = vector.broadcast %mul3A_444 : f32 to vector<16xf32>
      %mul3A_446 = arith.mulf %get3A_429, %mul3A_445 : vector<16xf32>
      %add3A_447 = arith.constant 0.000000e+00 : f32
      %add3A_448 = vector.broadcast %add3A_447 : f32 to vector<16xf32>
      %add3A_449 = arith.addf %mul3A_446, %add3A_448 : vector<16xf32>
      %sub3A_450 = arith.subf %mul3A_442, %add3A_449 : vector<16xf32>
      %swap3A_451 = arith.index_cast %add3A_417 : i32 to index
      %swap3A_452 = tpu.vector_load %arg13[%swap3A_451] {strides = array<i32>} : memref<5120xf32, #tpu.memory_space<vmem>>, vector<16xf32>,
      %swap3A_453 = vector.shape_cast %swap3A_452 : vector<16xf32> to vector<16xf32>
      %swap3A_454 = vector.shape_cast %mul3A_442 : vector<16xf32> to vector<16xf32>
      tpu.vector_store %arg13[%swap3A_451], %swap3A_454 {strides = array<i32>} : memref<5120xf32, #tpu.memory_space<vmem>>, vector<16xf32>,
      %neg3A_455 = arith.constant 0.000000e+00 : f32
      %neg3A_456 = vector.broadcast %neg3A_455 : f32 to vector<16xf32>
      %neg3A_457 = arith.subf %neg3A_456, %mul3A_442 : vector<16xf32>
      %swap3A_458 = arith.index_cast %add3A_417 : i32 to index
      %swap3A_459 = tpu.vector_load %arg14[%swap3A_458] {strides = array<i32>} : memref<5120xf32, #tpu.memory_space<vmem>>, vector<16xf32>,
      %swap3A_460 = vector.shape_cast %swap3A_459 : vector<16xf32> to vector<16xf32>
      %swap3A_461 = vector.shape_cast %neg3A_457 : vector<16xf32> to vector<16xf32>
      tpu.vector_store %arg14[%swap3A_458], %swap3A_461 {strides = array<i32>} : memref<5120xf32, #tpu.memory_space<vmem>>, vector<16xf32>,
      %mul3A_462 = arith.mulf %sub3A_443, %sub3A_443 : vector<16xf32>
      %add3A_463 = arith.addf %add3A_411, %mul3A_462 : vector<16xf32>
      %mul3A_464 = arith.mulf %sub3A_450, %sub3A_450 : vector<16xf32>
      %add3A_465 = arith.addf %add3A_413, %mul3A_464 : vector<16xf32>
      %mul3A_466 = arith.constant 128 : i32
      %mul3A_467 = arith.muli %scan3A_206, %mul3A_466 : i32
      %add3A_468 = arith.constant 80 : i32
      %add3A_469 = arith.addi %mul3A_467, %add3A_468 : i32
      %get3A_470 = arith.index_cast %add3A_469 : i32 to index
      %get3A_471 = tpu.vector_load %arg9[%get3A_470] {strides = array<i32>} : memref<5120xf32, #tpu.memory_space<vmem>>, vector<16xf32>,
      %get3A_472 = vector.shape_cast %get3A_471 : vector<16xf32> to vector<16xf32>
      %get3A_473 = arith.index_cast %add3A_469 : i32 to index
      %get3A_474 = tpu.vector_load %arg10[%get3A_473] {strides = array<i32>} : memref<5120xf32, #tpu.memory_space<vmem>>, vector<16xf32>,
      %get3A_475 = vector.shape_cast %get3A_474 : vector<16xf32> to vector<16xf32>
      %get3A_476 = arith.index_cast %add3A_469 : i32 to index
      %get3A_477 = tpu.vector_load %arg11[%get3A_476] {strides = array<i32>} : memref<5120xf32, #tpu.memory_space<vmem>>, vector<16xf32>,
      %get3A_478 = vector.shape_cast %get3A_477 : vector<16xf32> to vector<16xf32>
      %get3A_479 = arith.index_cast %add3A_469 : i32 to index
      %get3A_480 = tpu.vector_load %arg12[%get3A_479] {strides = array<i32>} : memref<5120xf32, #tpu.memory_space<vmem>>, vector<16xf32>,
      %get3A_481 = vector.shape_cast %get3A_480 : vector<16xf32> to vector<16xf32>
      %mul3A_482 = arith.constant 8.000000e-01 : f32
      %mul3A_483 = vector.broadcast %mul3A_482 : f32 to vector<16xf32>
      %mul3A_484 = arith.mulf %get3A_472, %mul3A_483 : vector<16xf32>
      %add3A_485 = arith.constant 5.000000e-01 : f32
      %add3A_486 = vector.broadcast %add3A_485 : f32 to vector<16xf32>
      %add3A_487 = arith.addf %mul3A_484, %add3A_486 : vector<16xf32>
      %mul3A_488 = arith.constant 1.500000e+03 : f32
      %mul3A_489 = vector.broadcast %mul3A_488 : f32 to vector<16xf32>
      %mul3A_490 = arith.mulf %get3A_478, %mul3A_489 : vector<16xf32>
      %add3A_491 = arith.constant 2.000000e+03 : f32
      %add3A_492 = vector.broadcast %add3A_491 : f32 to vector<16xf32>
      %add3A_493 = arith.addf %mul3A_490, %add3A_492 : vector<16xf32>
      %mul3A_494 = arith.mulf %add3A_487, %add3A_493 : vector<16xf32>
      %sub3A_495 = arith.subf %get3A_472, %get3A_475 : vector<16xf32>
      %mul3A_496 = arith.constant 1.200000e+03 : f32
      %mul3A_497 = vector.broadcast %mul3A_496 : f32 to vector<16xf32>
      %mul3A_498 = arith.mulf %get3A_481, %mul3A_497 : vector<16xf32>
      %add3A_499 = arith.constant 0.000000e+00 : f32
      %add3A_500 = vector.broadcast %add3A_499 : f32 to vector<16xf32>
      %add3A_501 = arith.addf %mul3A_498, %add3A_500 : vector<16xf32>
      %sub3A_502 = arith.subf %mul3A_494, %add3A_501 : vector<16xf32>
      %swap3A_503 = arith.index_cast %add3A_469 : i32 to index
      %swap3A_504 = tpu.vector_load %arg13[%swap3A_503] {strides = array<i32>} : memref<5120xf32, #tpu.memory_space<vmem>>, vector<16xf32>,
      %swap3A_505 = vector.shape_cast %swap3A_504 : vector<16xf32> to vector<16xf32>
      %swap3A_506 = vector.shape_cast %mul3A_494 : vector<16xf32> to vector<16xf32>
      tpu.vector_store %arg13[%swap3A_503], %swap3A_506 {strides = array<i32>} : memref<5120xf32, #tpu.memory_space<vmem>>, vector<16xf32>,
      %neg3A_507 = arith.constant 0.000000e+00 : f32
      %neg3A_508 = vector.broadcast %neg3A_507 : f32 to vector<16xf32>
      %neg3A_509 = arith.subf %neg3A_508, %mul3A_494 : vector<16xf32>
      %swap3A_510 = arith.index_cast %add3A_469 : i32 to index
      %swap3A_511 = tpu.vector_load %arg14[%swap3A_510] {strides = array<i32>} : memref<5120xf32, #tpu.memory_space<vmem>>, vector<16xf32>,
      %swap3A_512 = vector.shape_cast %swap3A_511 : vector<16xf32> to vector<16xf32>
      %swap3A_513 = vector.shape_cast %neg3A_509 : vector<16xf32> to vector<16xf32>
      tpu.vector_store %arg14[%swap3A_510], %swap3A_513 {strides = array<i32>} : memref<5120xf32, #tpu.memory_space<vmem>>, vector<16xf32>,
      %mul3A_514 = arith.mulf %sub3A_495, %sub3A_495 : vector<16xf32>
      %add3A_515 = arith.addf %add3A_463, %mul3A_514 : vector<16xf32>
      %mul3A_516 = arith.mulf %sub3A_502, %sub3A_502 : vector<16xf32>
      %add3A_517 = arith.addf %add3A_465, %mul3A_516 : vector<16xf32>
      %mul3A_518 = arith.constant 128 : i32
      %mul3A_519 = arith.muli %scan3A_206, %mul3A_518 : i32
      %add3A_520 = arith.constant 96 : i32
      %add3A_521 = arith.addi %mul3A_519, %add3A_520 : i32
      %get3A_522 = arith.index_cast %add3A_521 : i32 to index
      %get3A_523 = tpu.vector_load %arg9[%get3A_522] {strides = array<i32>} : memref<5120xf32, #tpu.memory_space<vmem>>, vector<16xf32>,
      %get3A_524 = vector.shape_cast %get3A_523 : vector<16xf32> to vector<16xf32>
      %get3A_525 = arith.index_cast %add3A_521 : i32 to index
      %get3A_526 = tpu.vector_load %arg10[%get3A_525] {strides = array<i32>} : memref<5120xf32, #tpu.memory_space<vmem>>, vector<16xf32>,
      %get3A_527 = vector.shape_cast %get3A_526 : vector<16xf32> to vector<16xf32>
      %get3A_528 = arith.index_cast %add3A_521 : i32 to index
      %get3A_529 = tpu.vector_load %arg11[%get3A_528] {strides = array<i32>} : memref<5120xf32, #tpu.memory_space<vmem>>, vector<16xf32>,
      %get3A_530 = vector.shape_cast %get3A_529 : vector<16xf32> to vector<16xf32>
      %get3A_531 = arith.index_cast %add3A_521 : i32 to index
      %get3A_532 = tpu.vector_load %arg12[%get3A_531] {strides = array<i32>} : memref<5120xf32, #tpu.memory_space<vmem>>, vector<16xf32>,
      %get3A_533 = vector.shape_cast %get3A_532 : vector<16xf32> to vector<16xf32>
      %mul3A_534 = arith.constant 8.000000e-01 : f32
      %mul3A_535 = vector.broadcast %mul3A_534 : f32 to vector<16xf32>
      %mul3A_536 = arith.mulf %get3A_524, %mul3A_535 : vector<16xf32>
      %add3A_537 = arith.constant 5.000000e-01 : f32
      %add3A_538 = vector.broadcast %add3A_537 : f32 to vector<16xf32>
      %add3A_539 = arith.addf %mul3A_536, %add3A_538 : vector<16xf32>
      %mul3A_540 = arith.constant 1.500000e+03 : f32
      %mul3A_541 = vector.broadcast %mul3A_540 : f32 to vector<16xf32>
      %mul3A_542 = arith.mulf %get3A_530, %mul3A_541 : vector<16xf32>
      %add3A_543 = arith.constant 2.000000e+03 : f32
      %add3A_544 = vector.broadcast %add3A_543 : f32 to vector<16xf32>
      %add3A_545 = arith.addf %mul3A_542, %add3A_544 : vector<16xf32>
      %mul3A_546 = arith.mulf %add3A_539, %add3A_545 : vector<16xf32>
      %sub3A_547 = arith.subf %get3A_524, %get3A_527 : vector<16xf32>
      %mul3A_548 = arith.constant 1.200000e+03 : f32
      %mul3A_549 = vector.broadcast %mul3A_548 : f32 to vector<16xf32>
      %mul3A_550 = arith.mulf %get3A_533, %mul3A_549 : vector<16xf32>
      %add3A_551 = arith.constant 0.000000e+00 : f32
      %add3A_552 = vector.broadcast %add3A_551 : f32 to vector<16xf32>
      %add3A_553 = arith.addf %mul3A_550, %add3A_552 : vector<16xf32>
      %sub3A_554 = arith.subf %mul3A_546, %add3A_553 : vector<16xf32>
      %swap3A_555 = arith.index_cast %add3A_521 : i32 to index
      %swap3A_556 = tpu.vector_load %arg13[%swap3A_555] {strides = array<i32>} : memref<5120xf32, #tpu.memory_space<vmem>>, vector<16xf32>,
      %swap3A_557 = vector.shape_cast %swap3A_556 : vector<16xf32> to vector<16xf32>
      %swap3A_558 = vector.shape_cast %mul3A_546 : vector<16xf32> to vector<16xf32>
      tpu.vector_store %arg13[%swap3A_555], %swap3A_558 {strides = array<i32>} : memref<5120xf32, #tpu.memory_space<vmem>>, vector<16xf32>,
      %neg3A_559 = arith.constant 0.000000e+00 : f32
      %neg3A_560 = vector.broadcast %neg3A_559 : f32 to vector<16xf32>
      %neg3A_561 = arith.subf %neg3A_560, %mul3A_546 : vector<16xf32>
      %swap3A_562 = arith.index_cast %add3A_521 : i32 to index
      %swap3A_563 = tpu.vector_load %arg14[%swap3A_562] {strides = array<i32>} : memref<5120xf32, #tpu.memory_space<vmem>>, vector<16xf32>,
      %swap3A_564 = vector.shape_cast %swap3A_563 : vector<16xf32> to vector<16xf32>
      %swap3A_565 = vector.shape_cast %neg3A_561 : vector<16xf32> to vector<16xf32>
      tpu.vector_store %arg14[%swap3A_562], %swap3A_565 {strides = array<i32>} : memref<5120xf32, #tpu.memory_space<vmem>>, vector<16xf32>,
      %mul3A_566 = arith.mulf %sub3A_547, %sub3A_547 : vector<16xf32>
      %add3A_567 = arith.addf %add3A_515, %mul3A_566 : vector<16xf32>
      %mul3A_568 = arith.mulf %sub3A_554, %sub3A_554 : vector<16xf32>
      %add3A_569 = arith.addf %add3A_517, %mul3A_568 : vector<16xf32>
      %mul3A_570 = arith.constant 128 : i32
      %mul3A_571 = arith.muli %scan3A_206, %mul3A_570 : i32
      %add3A_572 = arith.constant 112 : i32
      %add3A_573 = arith.addi %mul3A_571, %add3A_572 : i32
      %get3A_574 = arith.index_cast %add3A_573 : i32 to index
      %get3A_575 = tpu.vector_load %arg9[%get3A_574] {strides = array<i32>} : memref<5120xf32, #tpu.memory_space<vmem>>, vector<16xf32>,
      %get3A_576 = vector.shape_cast %get3A_575 : vector<16xf32> to vector<16xf32>
      %get3A_577 = arith.index_cast %add3A_573 : i32 to index
      %get3A_578 = tpu.vector_load %arg10[%get3A_577] {strides = array<i32>} : memref<5120xf32, #tpu.memory_space<vmem>>, vector<16xf32>,
      %get3A_579 = vector.shape_cast %get3A_578 : vector<16xf32> to vector<16xf32>
      %get3A_580 = arith.index_cast %add3A_573 : i32 to index
      %get3A_581 = tpu.vector_load %arg11[%get3A_580] {strides = array<i32>} : memref<5120xf32, #tpu.memory_space<vmem>>, vector<16xf32>,
      %get3A_582 = vector.shape_cast %get3A_581 : vector<16xf32> to vector<16xf32>
      %get3A_583 = arith.index_cast %add3A_573 : i32 to index
      %get3A_584 = tpu.vector_load %arg12[%get3A_583] {strides = array<i32>} : memref<5120xf32, #tpu.memory_space<vmem>>, vector<16xf32>,
      %get3A_585 = vector.shape_cast %get3A_584 : vector<16xf32> to vector<16xf32>
      %mul3A_586 = arith.constant 8.000000e-01 : f32
      %mul3A_587 = vector.broadcast %mul3A_586 : f32 to vector<16xf32>
      %mul3A_588 = arith.mulf %get3A_576, %mul3A_587 : vector<16xf32>
      %add3A_589 = arith.constant 5.000000e-01 : f32
      %add3A_590 = vector.broadcast %add3A_589 : f32 to vector<16xf32>
      %add3A_591 = arith.addf %mul3A_588, %add3A_590 : vector<16xf32>
      %mul3A_592 = arith.constant 1.500000e+03 : f32
      %mul3A_593 = vector.broadcast %mul3A_592 : f32 to vector<16xf32>
      %mul3A_594 = arith.mulf %get3A_582, %mul3A_593 : vector<16xf32>
      %add3A_595 = arith.constant 2.000000e+03 : f32
      %add3A_596 = vector.broadcast %add3A_595 : f32 to vector<16xf32>
      %add3A_597 = arith.addf %mul3A_594, %add3A_596 : vector<16xf32>
      %mul3A_598 = arith.mulf %add3A_591, %add3A_597 : vector<16xf32>
      %sub3A_599 = arith.subf %get3A_576, %get3A_579 : vector<16xf32>
      %mul3A_600 = arith.constant 1.200000e+03 : f32
      %mul3A_601 = vector.broadcast %mul3A_600 : f32 to vector<16xf32>
      %mul3A_602 = arith.mulf %get3A_585, %mul3A_601 : vector<16xf32>
      %add3A_603 = arith.constant 0.000000e+00 : f32
      %add3A_604 = vector.broadcast %add3A_603 : f32 to vector<16xf32>
      %add3A_605 = arith.addf %mul3A_602, %add3A_604 : vector<16xf32>
      %sub3A_606 = arith.subf %mul3A_598, %add3A_605 : vector<16xf32>
      %swap3A_607 = arith.index_cast %add3A_573 : i32 to index
      %swap3A_608 = tpu.vector_load %arg13[%swap3A_607] {strides = array<i32>} : memref<5120xf32, #tpu.memory_space<vmem>>, vector<16xf32>,
      %swap3A_609 = vector.shape_cast %swap3A_608 : vector<16xf32> to vector<16xf32>
      %swap3A_610 = vector.shape_cast %mul3A_598 : vector<16xf32> to vector<16xf32>
      tpu.vector_store %arg13[%swap3A_607], %swap3A_610 {strides = array<i32>} : memref<5120xf32, #tpu.memory_space<vmem>>, vector<16xf32>,
      %neg3A_611 = arith.constant 0.000000e+00 : f32
      %neg3A_612 = vector.broadcast %neg3A_611 : f32 to vector<16xf32>
      %neg3A_613 = arith.subf %neg3A_612, %mul3A_598 : vector<16xf32>
      %swap3A_614 = arith.index_cast %add3A_573 : i32 to index
      %swap3A_615 = tpu.vector_load %arg14[%swap3A_614] {strides = array<i32>} : memref<5120xf32, #tpu.memory_space<vmem>>, vector<16xf32>,
      %swap3A_616 = vector.shape_cast %swap3A_615 : vector<16xf32> to vector<16xf32>
      %swap3A_617 = vector.shape_cast %neg3A_613 : vector<16xf32> to vector<16xf32>
      tpu.vector_store %arg14[%swap3A_614], %swap3A_617 {strides = array<i32>} : memref<5120xf32, #tpu.memory_space<vmem>>, vector<16xf32>,
      %mul3A_618 = arith.mulf %sub3A_599, %sub3A_599 : vector<16xf32>
      %add3A_619 = arith.addf %add3A_567, %mul3A_618 : vector<16xf32>
      %mul3A_620 = arith.mulf %sub3A_606, %sub3A_606 : vector<16xf32>
      %add3A_621 = arith.addf %add3A_569, %mul3A_620 : vector<16xf32>
      scf.yield %add3A_619, %add3A_621 : vector<16xf32>, vector<16xf32>
    }
    %scan3A_102 = arith.constant 40 : i32
    %dma_start3A_103 = arith.constant 0 : i32
    %dma_start3A_104 = tpu.memref_slice %arg34[%dma_start3A_103] : memref<100096xf32, #tpu.memory_space<vmem_shared>> -> memref<100096xf32, #tpu.memory_space<vmem_shared>>
    tpu.enqueue_indirect_dma source(%arg13 : memref<5120xf32, #tpu.memory_space<vmem>>) target(%dma_start3A_104 : memref<100096xf32, #tpu.memory_space<vmem_shared>>) offsets(%arg16 : memref<5120xi32, #tpu.memory_space<vmem>>) semaphore(%arg38 : memref<!tpu.dma_semaphore, #tpu.memory_space<semaphore_mem>>) {add = true}
    %dma_start3A_105 = arith.constant 0 : i32
    %dma_start3A_106 = tpu.memref_slice %arg34[%dma_start3A_105] : memref<100096xf32, #tpu.memory_space<vmem_shared>> -> memref<100096xf32, #tpu.memory_space<vmem_shared>>
    tpu.enqueue_indirect_dma source(%arg14 : memref<5120xf32, #tpu.memory_space<vmem>>) target(%dma_start3A_106 : memref<100096xf32, #tpu.memory_space<vmem_shared>>) offsets(%arg15 : memref<5120xi32, #tpu.memory_space<vmem>>) semaphore(%arg38 : memref<!tpu.dma_semaphore, #tpu.memory_space<semaphore_mem>>) {add = true}
    %dma_wait3A_107 = arith.constant 0 : i32
    %dma_wait3A_108 = tpu.memref_slice %arg2[%dma_wait3A_107] : memref<3200000xf32, #tpu.memory_space<hbm>> -> memref<5120xf32, #tpu.memory_space<hbm>>
    %dma_wait3A_109 = arith.constant 0 : i32
    %dma_wait3A_110 = tpu.memref_slice %arg2[%dma_wait3A_109] : memref<3200000xf32, #tpu.memory_space<hbm>> -> memref<5120xf32, #tpu.memory_space<hbm>>
    tpu.wait_dma2 semaphore(%arg36 : memref<!tpu.dma_semaphore, #tpu.memory_space<semaphore_mem>>) src(%dma_wait3A_110 : memref<5120xf32, #tpu.memory_space<hbm>>) dst(%arg17 : memref<5120xf32, #tpu.memory_space<vmem>>)
    %dma_wait3A_111 = arith.constant 0 : i32
    %dma_wait3A_112 = tpu.memref_slice %arg2[%dma_wait3A_111] : memref<3200000xf32, #tpu.memory_space<hbm>> -> memref<5120xf32, #tpu.memory_space<hbm>>
    %dma_wait3A_113 = arith.constant 0 : i32
    %dma_wait3A_114 = tpu.memref_slice %arg2[%dma_wait3A_113] : memref<3200000xf32, #tpu.memory_space<hbm>> -> memref<5120xf32, #tpu.memory_space<hbm>>
    tpu.wait_dma2 semaphore(%arg36 : memref<!tpu.dma_semaphore, #tpu.memory_space<semaphore_mem>>) src(%dma_wait3A_114 : memref<5120xf32, #tpu.memory_space<hbm>>) dst(%arg18 : memref<5120xf32, #tpu.memory_space<vmem>>)
    %dma_wait3A_115 = arith.constant 0 : i32
    %dma_wait3A_116 = tpu.memref_slice %arg2[%dma_wait3A_115] : memref<3200000xf32, #tpu.memory_space<hbm>> -> memref<5120xf32, #tpu.memory_space<hbm>>
    %dma_wait3A_117 = arith.constant 0 : i32
    %dma_wait3A_118 = tpu.memref_slice %arg2[%dma_wait3A_117] : memref<3200000xf32, #tpu.memory_space<hbm>> -> memref<5120xf32, #tpu.memory_space<hbm>>
    tpu.wait_dma2 semaphore(%arg36 : memref<!tpu.dma_semaphore, #tpu.memory_space<semaphore_mem>>) src(%dma_wait3A_118 : memref<5120xf32, #tpu.memory_space<hbm>>) dst(%arg19 : memref<5120xf32, #tpu.memory_space<vmem>>)
    %dma_wait3A_119 = arith.constant 0 : i32
    %dma_wait3A_120 = tpu.memref_slice %arg2[%dma_wait3A_119] : memref<3200000xf32, #tpu.memory_space<hbm>> -> memref<5120xf32, #tpu.memory_space<hbm>>
    %dma_wait3A_121 = arith.constant 0 : i32
    %dma_wait3A_122 = tpu.memref_slice %arg2[%dma_wait3A_121] : memref<3200000xf32, #tpu.memory_space<hbm>> -> memref<5120xf32, #tpu.memory_space<hbm>>
    tpu.wait_dma2 semaphore(%arg36 : memref<!tpu.dma_semaphore, #tpu.memory_space<semaphore_mem>>) src(%dma_wait3A_122 : memref<5120xf32, #tpu.memory_space<hbm>>) dst(%arg20 : memref<5120xf32, #tpu.memory_space<vmem>>)
    %dma_wait3A_123 = arith.constant 0 : i32
    %dma_wait3A_124 = tpu.memref_slice %arg2[%dma_wait3A_123] : memref<3200000xf32, #tpu.memory_space<hbm>> -> memref<5120xf32, #tpu.memory_space<hbm>>
    %dma_wait3A_125 = arith.constant 0 : i32
    %dma_wait3A_126 = tpu.memref_slice %arg2[%dma_wait3A_125] : memref<3200000xf32, #tpu.memory_space<hbm>> -> memref<5120xf32, #tpu.memory_space<hbm>>
    tpu.wait_dma2 semaphore(%arg36 : memref<!tpu.dma_semaphore, #tpu.memory_space<semaphore_mem>>) src(%dma_wait3A_126 : memref<5120xf32, #tpu.memory_space<hbm>>) dst(%arg23 : memref<5120xi32, #tpu.memory_space<vmem>>)
    %dma_wait3A_127 = arith.constant 0 : i32
    %dma_wait3A_128 = tpu.memref_slice %arg2[%dma_wait3A_127] : memref<3200000xf32, #tpu.memory_space<hbm>> -> memref<5120xf32, #tpu.memory_space<hbm>>
    %dma_wait3A_129 = arith.constant 0 : i32
    %dma_wait3A_130 = tpu.memref_slice %arg2[%dma_wait3A_129] : memref<3200000xf32, #tpu.memory_space<hbm>> -> memref<5120xf32, #tpu.memory_space<hbm>>
    tpu.wait_dma2 semaphore(%arg36 : memref<!tpu.dma_semaphore, #tpu.memory_space<semaphore_mem>>) src(%dma_wait3A_130 : memref<5120xf32, #tpu.memory_space<hbm>>) dst(%arg24 : memref<5120xi32, #tpu.memory_space<vmem>>)
    %scan3A_131 = arith.constant 0 : i32
    %scan3A_132 = arith.constant 40 : i32
    %scan3A_133 = arith.addi %scan3A_131, %scan3A_132 : i32
    %scan3A_134 = arith.constant 1 : i32
    %scan3A_135:2 = scf.for %scan3A_206 = %scan3A_131 to %scan3A_133 step %scan3A_134 iter_args(%scan3A_207 = %scan3A_101#0, %scan3A_208 = %scan3A_101#1) -> (vector<16xf32>, vector<16xf32>)  : i32 {
      %mul3A_209 = arith.constant 128 : i32
      %mul3A_210 = arith.muli %scan3A_206, %mul3A_209 : i32
      %add3A_211 = arith.constant 0 : i32
      %add3A_212 = arith.addi %mul3A_210, %add3A_211 : i32
      %get3A = arith.index_cast %add3A_212 : i32 to index
      %get3A_213 = tpu.vector_load %arg17[%get3A] {strides = array<i32>} : memref<5120xf32, #tpu.memory_space<vmem>>, vector<16xf32>,
      %get3A_214 = vector.shape_cast %get3A_213 : vector<16xf32> to vector<16xf32>
      %get3A_215 = arith.index_cast %add3A_212 : i32 to index
      %get3A_216 = tpu.vector_load %arg18[%get3A_215] {strides = array<i32>} : memref<5120xf32, #tpu.memory_space<vmem>>, vector<16xf32>,
      %get3A_217 = vector.shape_cast %get3A_216 : vector<16xf32> to vector<16xf32>
      %get3A_218 = arith.index_cast %add3A_212 : i32 to index
      %get3A_219 = tpu.vector_load %arg19[%get3A_218] {strides = array<i32>} : memref<5120xf32, #tpu.memory_space<vmem>>, vector<16xf32>,
      %get3A_220 = vector.shape_cast %get3A_219 : vector<16xf32> to vector<16xf32>
      %get3A_221 = arith.index_cast %add3A_212 : i32 to index
      %get3A_222 = tpu.vector_load %arg20[%get3A_221] {strides = array<i32>} : memref<5120xf32, #tpu.memory_space<vmem>>, vector<16xf32>,
      %get3A_223 = vector.shape_cast %get3A_222 : vector<16xf32> to vector<16xf32>
      %mul3A_224 = arith.constant 8.000000e-01 : f32
      %mul3A_225 = vector.broadcast %mul3A_224 : f32 to vector<16xf32>
      %mul3A_226 = arith.mulf %get3A_214, %mul3A_225 : vector<16xf32>
      %add3A_227 = arith.constant 5.000000e-01 : f32
      %add3A_228 = vector.broadcast %add3A_227 : f32 to vector<16xf32>
      %add3A_229 = arith.addf %mul3A_226, %add3A_228 : vector<16xf32>
      %mul3A_230 = arith.constant 1.500000e+03 : f32
      %mul3A_231 = vector.broadcast %mul3A_230 : f32 to vector<16xf32>
      %mul3A_232 = arith.mulf %get3A_220, %mul3A_231 : vector<16xf32>
      %add3A_233 = arith.constant 2.000000e+03 : f32
      %add3A_234 = vector.broadcast %add3A_233 : f32 to vector<16xf32>
      %add3A_235 = arith.addf %mul3A_232, %add3A_234 : vector<16xf32>
      %mul3A_236 = arith.mulf %add3A_229, %add3A_235 : vector<16xf32>
      %sub3A = arith.subf %get3A_214, %get3A_217 : vector<16xf32>
      %mul3A_237 = arith.constant 1.200000e+03 : f32
      %mul3A_238 = vector.broadcast %mul3A_237 : f32 to vector<16xf32>
      %mul3A_239 = arith.mulf %get3A_223, %mul3A_238 : vector<16xf32>
      %add3A_240 = arith.constant 0.000000e+00 : f32
      %add3A_241 = vector.broadcast %add3A_240 : f32 to vector<16xf32>
      %add3A_242 = arith.addf %mul3A_239, %add3A_241 : vector<16xf32>
      %sub3A_243 = arith.subf %mul3A_236, %add3A_242 : vector<16xf32>
      %swap3A_244 = arith.index_cast %add3A_212 : i32 to index
      %swap3A_245 = tpu.vector_load %arg21[%swap3A_244] {strides = array<i32>} : memref<5120xf32, #tpu.memory_space<vmem>>, vector<16xf32>,
      %swap3A_246 = vector.shape_cast %swap3A_245 : vector<16xf32> to vector<16xf32>
      %swap3A_247 = vector.shape_cast %mul3A_236 : vector<16xf32> to vector<16xf32>
      tpu.vector_store %arg21[%swap3A_244], %swap3A_247 {strides = array<i32>} : memref<5120xf32, #tpu.memory_space<vmem>>, vector<16xf32>,
      %neg3A = arith.constant 0.000000e+00 : f32
      %neg3A_248 = vector.broadcast %neg3A : f32 to vector<16xf32>
      %neg3A_249 = arith.subf %neg3A_248, %mul3A_236 : vector<16xf32>
      %swap3A_250 = arith.index_cast %add3A_212 : i32 to index
      %swap3A_251 = tpu.vector_load %arg22[%swap3A_250] {strides = array<i32>} : memref<5120xf32, #tpu.memory_space<vmem>>, vector<16xf32>,
      %swap3A_252 = vector.shape_cast %swap3A_251 : vector<16xf32> to vector<16xf32>
      %swap3A_253 = vector.shape_cast %neg3A_249 : vector<16xf32> to vector<16xf32>
      tpu.vector_store %arg22[%swap3A_250], %swap3A_253 {strides = array<i32>} : memref<5120xf32, #tpu.memory_space<vmem>>, vector<16xf32>,
      %mul3A_254 = arith.mulf %sub3A, %sub3A : vector<16xf32>
      %add3A_255 = arith.addf %scan3A_207, %mul3A_254 : vector<16xf32>
      %mul3A_256 = arith.mulf %sub3A_243, %sub3A_243 : vector<16xf32>
      %add3A_257 = arith.addf %scan3A_208, %mul3A_256 : vector<16xf32>
      %mul3A_258 = arith.constant 128 : i32
      %mul3A_259 = arith.muli %scan3A_206, %mul3A_258 : i32
      %add3A_260 = arith.constant 16 : i32
      %add3A_261 = arith.addi %mul3A_259, %add3A_260 : i32
      %get3A_262 = arith.index_cast %add3A_261 : i32 to index
      %get3A_263 = tpu.vector_load %arg17[%get3A_262] {strides = array<i32>} : memref<5120xf32, #tpu.memory_space<vmem>>, vector<16xf32>,
      %get3A_264 = vector.shape_cast %get3A_263 : vector<16xf32> to vector<16xf32>
      %get3A_265 = arith.index_cast %add3A_261 : i32 to index
      %get3A_266 = tpu.vector_load %arg18[%get3A_265] {strides = array<i32>} : memref<5120xf32, #tpu.memory_space<vmem>>, vector<16xf32>,
      %get3A_267 = vector.shape_cast %get3A_266 : vector<16xf32> to vector<16xf32>
      %get3A_268 = arith.index_cast %add3A_261 : i32 to index
      %get3A_269 = tpu.vector_load %arg19[%get3A_268] {strides = array<i32>} : memref<5120xf32, #tpu.memory_space<vmem>>, vector<16xf32>,
      %get3A_270 = vector.shape_cast %get3A_269 : vector<16xf32> to vector<16xf32>
      %get3A_271 = arith.index_cast %add3A_261 : i32 to index
      %get3A_272 = tpu.vector_load %arg20[%get3A_271] {strides = array<i32>} : memref<5120xf32, #tpu.memory_space<vmem>>, vector<16xf32>,
      %get3A_273 = vector.shape_cast %get3A_272 : vector<16xf32> to vector<16xf32>
      %mul3A_274 = arith.constant 8.000000e-01 : f32
      %mul3A_275 = vector.broadcast %mul3A_274 : f32 to vector<16xf32>
      %mul3A_276 = arith.mulf %get3A_264, %mul3A_275 : vector<16xf32>
      %add3A_277 = arith.constant 5.000000e-01 : f32
      %add3A_278 = vector.broadcast %add3A_277 : f32 to vector<16xf32>
      %add3A_279 = arith.addf %mul3A_276, %add3A_278 : vector<16xf32>
      %mul3A_280 = arith.constant 1.500000e+03 : f32
      %mul3A_281 = vector.broadcast %mul3A_280 : f32 to vector<16xf32>
      %mul3A_282 = arith.mulf %get3A_270, %mul3A_281 : vector<16xf32>
      %add3A_283 = arith.constant 2.000000e+03 : f32
      %add3A_284 = vector.broadcast %add3A_283 : f32 to vector<16xf32>
      %add3A_285 = arith.addf %mul3A_282, %add3A_284 : vector<16xf32>
      %mul3A_286 = arith.mulf %add3A_279, %add3A_285 : vector<16xf32>
      %sub3A_287 = arith.subf %get3A_264, %get3A_267 : vector<16xf32>
      %mul3A_288 = arith.constant 1.200000e+03 : f32
      %mul3A_289 = vector.broadcast %mul3A_288 : f32 to vector<16xf32>
      %mul3A_290 = arith.mulf %get3A_273, %mul3A_289 : vector<16xf32>
      %add3A_291 = arith.constant 0.000000e+00 : f32
      %add3A_292 = vector.broadcast %add3A_291 : f32 to vector<16xf32>
      %add3A_293 = arith.addf %mul3A_290, %add3A_292 : vector<16xf32>
      %sub3A_294 = arith.subf %mul3A_286, %add3A_293 : vector<16xf32>
      %swap3A_295 = arith.index_cast %add3A_261 : i32 to index
      %swap3A_296 = tpu.vector_load %arg21[%swap3A_295] {strides = array<i32>} : memref<5120xf32, #tpu.memory_space<vmem>>, vector<16xf32>,
      %swap3A_297 = vector.shape_cast %swap3A_296 : vector<16xf32> to vector<16xf32>
      %swap3A_298 = vector.shape_cast %mul3A_286 : vector<16xf32> to vector<16xf32>
      tpu.vector_store %arg21[%swap3A_295], %swap3A_298 {strides = array<i32>} : memref<5120xf32, #tpu.memory_space<vmem>>, vector<16xf32>,
      %neg3A_299 = arith.constant 0.000000e+00 : f32
      %neg3A_300 = vector.broadcast %neg3A_299 : f32 to vector<16xf32>
      %neg3A_301 = arith.subf %neg3A_300, %mul3A_286 : vector<16xf32>
      %swap3A_302 = arith.index_cast %add3A_261 : i32 to index
      %swap3A_303 = tpu.vector_load %arg22[%swap3A_302] {strides = array<i32>} : memref<5120xf32, #tpu.memory_space<vmem>>, vector<16xf32>,
      %swap3A_304 = vector.shape_cast %swap3A_303 : vector<16xf32> to vector<16xf32>
      %swap3A_305 = vector.shape_cast %neg3A_301 : vector<16xf32> to vector<16xf32>
      tpu.vector_store %arg22[%swap3A_302], %swap3A_305 {strides = array<i32>} : memref<5120xf32, #tpu.memory_space<vmem>>, vector<16xf32>,
      %mul3A_306 = arith.mulf %sub3A_287, %sub3A_287 : vector<16xf32>
      %add3A_307 = arith.addf %add3A_255, %mul3A_306 : vector<16xf32>
      %mul3A_308 = arith.mulf %sub3A_294, %sub3A_294 : vector<16xf32>
      %add3A_309 = arith.addf %add3A_257, %mul3A_308 : vector<16xf32>
      %mul3A_310 = arith.constant 128 : i32
      %mul3A_311 = arith.muli %scan3A_206, %mul3A_310 : i32
      %add3A_312 = arith.constant 32 : i32
      %add3A_313 = arith.addi %mul3A_311, %add3A_312 : i32
      %get3A_314 = arith.index_cast %add3A_313 : i32 to index
      %get3A_315 = tpu.vector_load %arg17[%get3A_314] {strides = array<i32>} : memref<5120xf32, #tpu.memory_space<vmem>>, vector<16xf32>,
      %get3A_316 = vector.shape_cast %get3A_315 : vector<16xf32> to vector<16xf32>
      %get3A_317 = arith.index_cast %add3A_313 : i32 to index
      %get3A_318 = tpu.vector_load %arg18[%get3A_317] {strides = array<i32>} : memref<5120xf32, #tpu.memory_space<vmem>>, vector<16xf32>,
      %get3A_319 = vector.shape_cast %get3A_318 : vector<16xf32> to vector<16xf32>
      %get3A_320 = arith.index_cast %add3A_313 : i32 to index
      %get3A_321 = tpu.vector_load %arg19[%get3A_320] {strides = array<i32>} : memref<5120xf32, #tpu.memory_space<vmem>>, vector<16xf32>,
      %get3A_322 = vector.shape_cast %get3A_321 : vector<16xf32> to vector<16xf32>
      %get3A_323 = arith.index_cast %add3A_313 : i32 to index
      %get3A_324 = tpu.vector_load %arg20[%get3A_323] {strides = array<i32>} : memref<5120xf32, #tpu.memory_space<vmem>>, vector<16xf32>,
      %get3A_325 = vector.shape_cast %get3A_324 : vector<16xf32> to vector<16xf32>
      %mul3A_326 = arith.constant 8.000000e-01 : f32
      %mul3A_327 = vector.broadcast %mul3A_326 : f32 to vector<16xf32>
      %mul3A_328 = arith.mulf %get3A_316, %mul3A_327 : vector<16xf32>
      %add3A_329 = arith.constant 5.000000e-01 : f32
      %add3A_330 = vector.broadcast %add3A_329 : f32 to vector<16xf32>
      %add3A_331 = arith.addf %mul3A_328, %add3A_330 : vector<16xf32>
      %mul3A_332 = arith.constant 1.500000e+03 : f32
      %mul3A_333 = vector.broadcast %mul3A_332 : f32 to vector<16xf32>
      %mul3A_334 = arith.mulf %get3A_322, %mul3A_333 : vector<16xf32>
      %add3A_335 = arith.constant 2.000000e+03 : f32
      %add3A_336 = vector.broadcast %add3A_335 : f32 to vector<16xf32>
      %add3A_337 = arith.addf %mul3A_334, %add3A_336 : vector<16xf32>
      %mul3A_338 = arith.mulf %add3A_331, %add3A_337 : vector<16xf32>
      %sub3A_339 = arith.subf %get3A_316, %get3A_319 : vector<16xf32>
      %mul3A_340 = arith.constant 1.200000e+03 : f32
      %mul3A_341 = vector.broadcast %mul3A_340 : f32 to vector<16xf32>
      %mul3A_342 = arith.mulf %get3A_325, %mul3A_341 : vector<16xf32>
      %add3A_343 = arith.constant 0.000000e+00 : f32
      %add3A_344 = vector.broadcast %add3A_343 : f32 to vector<16xf32>
      %add3A_345 = arith.addf %mul3A_342, %add3A_344 : vector<16xf32>
      %sub3A_346 = arith.subf %mul3A_338, %add3A_345 : vector<16xf32>
      %swap3A_347 = arith.index_cast %add3A_313 : i32 to index
      %swap3A_348 = tpu.vector_load %arg21[%swap3A_347] {strides = array<i32>} : memref<5120xf32, #tpu.memory_space<vmem>>, vector<16xf32>,
      %swap3A_349 = vector.shape_cast %swap3A_348 : vector<16xf32> to vector<16xf32>
      %swap3A_350 = vector.shape_cast %mul3A_338 : vector<16xf32> to vector<16xf32>
      tpu.vector_store %arg21[%swap3A_347], %swap3A_350 {strides = array<i32>} : memref<5120xf32, #tpu.memory_space<vmem>>, vector<16xf32>,
      %neg3A_351 = arith.constant 0.000000e+00 : f32
      %neg3A_352 = vector.broadcast %neg3A_351 : f32 to vector<16xf32>
      %neg3A_353 = arith.subf %neg3A_352, %mul3A_338 : vector<16xf32>
      %swap3A_354 = arith.index_cast %add3A_313 : i32 to index
      %swap3A_355 = tpu.vector_load %arg22[%swap3A_354] {strides = array<i32>} : memref<5120xf32, #tpu.memory_space<vmem>>, vector<16xf32>,
      %swap3A_356 = vector.shape_cast %swap3A_355 : vector<16xf32> to vector<16xf32>
      %swap3A_357 = vector.shape_cast %neg3A_353 : vector<16xf32> to vector<16xf32>
      tpu.vector_store %arg22[%swap3A_354], %swap3A_357 {strides = array<i32>} : memref<5120xf32, #tpu.memory_space<vmem>>, vector<16xf32>,
      %mul3A_358 = arith.mulf %sub3A_339, %sub3A_339 : vector<16xf32>
      %add3A_359 = arith.addf %add3A_307, %mul3A_358 : vector<16xf32>
      %mul3A_360 = arith.mulf %sub3A_346, %sub3A_346 : vector<16xf32>
      %add3A_361 = arith.addf %add3A_309, %mul3A_360 : vector<16xf32>
      %mul3A_362 = arith.constant 128 : i32
      %mul3A_363 = arith.muli %scan3A_206, %mul3A_362 : i32
      %add3A_364 = arith.constant 48 : i32
      %add3A_365 = arith.addi %mul3A_363, %add3A_364 : i32
      %get3A_366 = arith.index_cast %add3A_365 : i32 to index
      %get3A_367 = tpu.vector_load %arg17[%get3A_366] {strides = array<i32>} : memref<5120xf32, #tpu.memory_space<vmem>>, vector<16xf32>,
      %get3A_368 = vector.shape_cast %get3A_367 : vector<16xf32> to vector<16xf32>
      %get3A_369 = arith.index_cast %add3A_365 : i32 to index
      %get3A_370 = tpu.vector_load %arg18[%get3A_369] {strides = array<i32>} : memref<5120xf32, #tpu.memory_space<vmem>>, vector<16xf32>,
      %get3A_371 = vector.shape_cast %get3A_370 : vector<16xf32> to vector<16xf32>
      %get3A_372 = arith.index_cast %add3A_365 : i32 to index
      %get3A_373 = tpu.vector_load %arg19[%get3A_372] {strides = array<i32>} : memref<5120xf32, #tpu.memory_space<vmem>>, vector<16xf32>,
      %get3A_374 = vector.shape_cast %get3A_373 : vector<16xf32> to vector<16xf32>
      %get3A_375 = arith.index_cast %add3A_365 : i32 to index
      %get3A_376 = tpu.vector_load %arg20[%get3A_375] {strides = array<i32>} : memref<5120xf32, #tpu.memory_space<vmem>>, vector<16xf32>,
      %get3A_377 = vector.shape_cast %get3A_376 : vector<16xf32> to vector<16xf32>
      %mul3A_378 = arith.constant 8.000000e-01 : f32
      %mul3A_379 = vector.broadcast %mul3A_378 : f32 to vector<16xf32>
      %mul3A_380 = arith.mulf %get3A_368, %mul3A_379 : vector<16xf32>
      %add3A_381 = arith.constant 5.000000e-01 : f32
      %add3A_382 = vector.broadcast %add3A_381 : f32 to vector<16xf32>
      %add3A_383 = arith.addf %mul3A_380, %add3A_382 : vector<16xf32>
      %mul3A_384 = arith.constant 1.500000e+03 : f32
      %mul3A_385 = vector.broadcast %mul3A_384 : f32 to vector<16xf32>
      %mul3A_386 = arith.mulf %get3A_374, %mul3A_385 : vector<16xf32>
      %add3A_387 = arith.constant 2.000000e+03 : f32
      %add3A_388 = vector.broadcast %add3A_387 : f32 to vector<16xf32>
      %add3A_389 = arith.addf %mul3A_386, %add3A_388 : vector<16xf32>
      %mul3A_390 = arith.mulf %add3A_383, %add3A_389 : vector<16xf32>
      %sub3A_391 = arith.subf %get3A_368, %get3A_371 : vector<16xf32>
      %mul3A_392 = arith.constant 1.200000e+03 : f32
      %mul3A_393 = vector.broadcast %mul3A_392 : f32 to vector<16xf32>
      %mul3A_394 = arith.mulf %get3A_377, %mul3A_393 : vector<16xf32>
      %add3A_395 = arith.constant 0.000000e+00 : f32
      %add3A_396 = vector.broadcast %add3A_395 : f32 to vector<16xf32>
      %add3A_397 = arith.addf %mul3A_394, %add3A_396 : vector<16xf32>
      %sub3A_398 = arith.subf %mul3A_390, %add3A_397 : vector<16xf32>
      %swap3A_399 = arith.index_cast %add3A_365 : i32 to index
      %swap3A_400 = tpu.vector_load %arg21[%swap3A_399] {strides = array<i32>} : memref<5120xf32, #tpu.memory_space<vmem>>, vector<16xf32>,
      %swap3A_401 = vector.shape_cast %swap3A_400 : vector<16xf32> to vector<16xf32>
      %swap3A_402 = vector.shape_cast %mul3A_390 : vector<16xf32> to vector<16xf32>
      tpu.vector_store %arg21[%swap3A_399], %swap3A_402 {strides = array<i32>} : memref<5120xf32, #tpu.memory_space<vmem>>, vector<16xf32>,
      %neg3A_403 = arith.constant 0.000000e+00 : f32
      %neg3A_404 = vector.broadcast %neg3A_403 : f32 to vector<16xf32>
      %neg3A_405 = arith.subf %neg3A_404, %mul3A_390 : vector<16xf32>
      %swap3A_406 = arith.index_cast %add3A_365 : i32 to index
      %swap3A_407 = tpu.vector_load %arg22[%swap3A_406] {strides = array<i32>} : memref<5120xf32, #tpu.memory_space<vmem>>, vector<16xf32>,
      %swap3A_408 = vector.shape_cast %swap3A_407 : vector<16xf32> to vector<16xf32>
      %swap3A_409 = vector.shape_cast %neg3A_405 : vector<16xf32> to vector<16xf32>
      tpu.vector_store %arg22[%swap3A_406], %swap3A_409 {strides = array<i32>} : memref<5120xf32, #tpu.memory_space<vmem>>, vector<16xf32>,
      %mul3A_410 = arith.mulf %sub3A_391, %sub3A_391 : vector<16xf32>
      %add3A_411 = arith.addf %add3A_359, %mul3A_410 : vector<16xf32>
      %mul3A_412 = arith.mulf %sub3A_398, %sub3A_398 : vector<16xf32>
      %add3A_413 = arith.addf %add3A_361, %mul3A_412 : vector<16xf32>
      %mul3A_414 = arith.constant 128 : i32
      %mul3A_415 = arith.muli %scan3A_206, %mul3A_414 : i32
      %add3A_416 = arith.constant 64 : i32
      %add3A_417 = arith.addi %mul3A_415, %add3A_416 : i32
      %get3A_418 = arith.index_cast %add3A_417 : i32 to index
      %get3A_419 = tpu.vector_load %arg17[%get3A_418] {strides = array<i32>} : memref<5120xf32, #tpu.memory_space<vmem>>, vector<16xf32>,
      %get3A_420 = vector.shape_cast %get3A_419 : vector<16xf32> to vector<16xf32>
      %get3A_421 = arith.index_cast %add3A_417 : i32 to index
      %get3A_422 = tpu.vector_load %arg18[%get3A_421] {strides = array<i32>} : memref<5120xf32, #tpu.memory_space<vmem>>, vector<16xf32>,
      %get3A_423 = vector.shape_cast %get3A_422 : vector<16xf32> to vector<16xf32>
      %get3A_424 = arith.index_cast %add3A_417 : i32 to index
      %get3A_425 = tpu.vector_load %arg19[%get3A_424] {strides = array<i32>} : memref<5120xf32, #tpu.memory_space<vmem>>, vector<16xf32>,
      %get3A_426 = vector.shape_cast %get3A_425 : vector<16xf32> to vector<16xf32>
      %get3A_427 = arith.index_cast %add3A_417 : i32 to index
      %get3A_428 = tpu.vector_load %arg20[%get3A_427] {strides = array<i32>} : memref<5120xf32, #tpu.memory_space<vmem>>, vector<16xf32>,
      %get3A_429 = vector.shape_cast %get3A_428 : vector<16xf32> to vector<16xf32>
      %mul3A_430 = arith.constant 8.000000e-01 : f32
      %mul3A_431 = vector.broadcast %mul3A_430 : f32 to vector<16xf32>
      %mul3A_432 = arith.mulf %get3A_420, %mul3A_431 : vector<16xf32>
      %add3A_433 = arith.constant 5.000000e-01 : f32
      %add3A_434 = vector.broadcast %add3A_433 : f32 to vector<16xf32>
      %add3A_435 = arith.addf %mul3A_432, %add3A_434 : vector<16xf32>
      %mul3A_436 = arith.constant 1.500000e+03 : f32
      %mul3A_437 = vector.broadcast %mul3A_436 : f32 to vector<16xf32>
      %mul3A_438 = arith.mulf %get3A_426, %mul3A_437 : vector<16xf32>
      %add3A_439 = arith.constant 2.000000e+03 : f32
      %add3A_440 = vector.broadcast %add3A_439 : f32 to vector<16xf32>
      %add3A_441 = arith.addf %mul3A_438, %add3A_440 : vector<16xf32>
      %mul3A_442 = arith.mulf %add3A_435, %add3A_441 : vector<16xf32>
      %sub3A_443 = arith.subf %get3A_420, %get3A_423 : vector<16xf32>
      %mul3A_444 = arith.constant 1.200000e+03 : f32
      %mul3A_445 = vector.broadcast %mul3A_444 : f32 to vector<16xf32>
      %mul3A_446 = arith.mulf %get3A_429, %mul3A_445 : vector<16xf32>
      %add3A_447 = arith.constant 0.000000e+00 : f32
      %add3A_448 = vector.broadcast %add3A_447 : f32 to vector<16xf32>
      %add3A_449 = arith.addf %mul3A_446, %add3A_448 : vector<16xf32>
      %sub3A_450 = arith.subf %mul3A_442, %add3A_449 : vector<16xf32>
      %swap3A_451 = arith.index_cast %add3A_417 : i32 to index
      %swap3A_452 = tpu.vector_load %arg21[%swap3A_451] {strides = array<i32>} : memref<5120xf32, #tpu.memory_space<vmem>>, vector<16xf32>,
      %swap3A_453 = vector.shape_cast %swap3A_452 : vector<16xf32> to vector<16xf32>
      %swap3A_454 = vector.shape_cast %mul3A_442 : vector<16xf32> to vector<16xf32>
      tpu.vector_store %arg21[%swap3A_451], %swap3A_454 {strides = array<i32>} : memref<5120xf32, #tpu.memory_space<vmem>>, vector<16xf32>,
      %neg3A_455 = arith.constant 0.000000e+00 : f32
      %neg3A_456 = vector.broadcast %neg3A_455 : f32 to vector<16xf32>
      %neg3A_457 = arith.subf %neg3A_456, %mul3A_442 : vector<16xf32>
      %swap3A_458 = arith.index_cast %add3A_417 : i32 to index
      %swap3A_459 = tpu.vector_load %arg22[%swap3A_458] {strides = array<i32>} : memref<5120xf32, #tpu.memory_space<vmem>>, vector<16xf32>,
      %swap3A_460 = vector.shape_cast %swap3A_459 : vector<16xf32> to vector<16xf32>
      %swap3A_461 = vector.shape_cast %neg3A_457 : vector<16xf32> to vector<16xf32>
      tpu.vector_store %arg22[%swap3A_458], %swap3A_461 {strides = array<i32>} : memref<5120xf32, #tpu.memory_space<vmem>>, vector<16xf32>,
      %mul3A_462 = arith.mulf %sub3A_443, %sub3A_443 : vector<16xf32>
      %add3A_463 = arith.addf %add3A_411, %mul3A_462 : vector<16xf32>
      %mul3A_464 = arith.mulf %sub3A_450, %sub3A_450 : vector<16xf32>
      %add3A_465 = arith.addf %add3A_413, %mul3A_464 : vector<16xf32>
      %mul3A_466 = arith.constant 128 : i32
      %mul3A_467 = arith.muli %scan3A_206, %mul3A_466 : i32
      %add3A_468 = arith.constant 80 : i32
      %add3A_469 = arith.addi %mul3A_467, %add3A_468 : i32
      %get3A_470 = arith.index_cast %add3A_469 : i32 to index
      %get3A_471 = tpu.vector_load %arg17[%get3A_470] {strides = array<i32>} : memref<5120xf32, #tpu.memory_space<vmem>>, vector<16xf32>,
      %get3A_472 = vector.shape_cast %get3A_471 : vector<16xf32> to vector<16xf32>
      %get3A_473 = arith.index_cast %add3A_469 : i32 to index
      %get3A_474 = tpu.vector_load %arg18[%get3A_473] {strides = array<i32>} : memref<5120xf32, #tpu.memory_space<vmem>>, vector<16xf32>,
      %get3A_475 = vector.shape_cast %get3A_474 : vector<16xf32> to vector<16xf32>
      %get3A_476 = arith.index_cast %add3A_469 : i32 to index
      %get3A_477 = tpu.vector_load %arg19[%get3A_476] {strides = array<i32>} : memref<5120xf32, #tpu.memory_space<vmem>>, vector<16xf32>,
      %get3A_478 = vector.shape_cast %get3A_477 : vector<16xf32> to vector<16xf32>
      %get3A_479 = arith.index_cast %add3A_469 : i32 to index
      %get3A_480 = tpu.vector_load %arg20[%get3A_479] {strides = array<i32>} : memref<5120xf32, #tpu.memory_space<vmem>>, vector<16xf32>,
      %get3A_481 = vector.shape_cast %get3A_480 : vector<16xf32> to vector<16xf32>
      %mul3A_482 = arith.constant 8.000000e-01 : f32
      %mul3A_483 = vector.broadcast %mul3A_482 : f32 to vector<16xf32>
      %mul3A_484 = arith.mulf %get3A_472, %mul3A_483 : vector<16xf32>
      %add3A_485 = arith.constant 5.000000e-01 : f32
      %add3A_486 = vector.broadcast %add3A_485 : f32 to vector<16xf32>
      %add3A_487 = arith.addf %mul3A_484, %add3A_486 : vector<16xf32>
      %mul3A_488 = arith.constant 1.500000e+03 : f32
      %mul3A_489 = vector.broadcast %mul3A_488 : f32 to vector<16xf32>
      %mul3A_490 = arith.mulf %get3A_478, %mul3A_489 : vector<16xf32>
      %add3A_491 = arith.constant 2.000000e+03 : f32
      %add3A_492 = vector.broadcast %add3A_491 : f32 to vector<16xf32>
      %add3A_493 = arith.addf %mul3A_490, %add3A_492 : vector<16xf32>
      %mul3A_494 = arith.mulf %add3A_487, %add3A_493 : vector<16xf32>
      %sub3A_495 = arith.subf %get3A_472, %get3A_475 : vector<16xf32>
      %mul3A_496 = arith.constant 1.200000e+03 : f32
      %mul3A_497 = vector.broadcast %mul3A_496 : f32 to vector<16xf32>
      %mul3A_498 = arith.mulf %get3A_481, %mul3A_497 : vector<16xf32>
      %add3A_499 = arith.constant 0.000000e+00 : f32
      %add3A_500 = vector.broadcast %add3A_499 : f32 to vector<16xf32>
      %add3A_501 = arith.addf %mul3A_498, %add3A_500 : vector<16xf32>
      %sub3A_502 = arith.subf %mul3A_494, %add3A_501 : vector<16xf32>
      %swap3A_503 = arith.index_cast %add3A_469 : i32 to index
      %swap3A_504 = tpu.vector_load %arg21[%swap3A_503] {strides = array<i32>} : memref<5120xf32, #tpu.memory_space<vmem>>, vector<16xf32>,
      %swap3A_505 = vector.shape_cast %swap3A_504 : vector<16xf32> to vector<16xf32>
      %swap3A_506 = vector.shape_cast %mul3A_494 : vector<16xf32> to vector<16xf32>
      tpu.vector_store %arg21[%swap3A_503], %swap3A_506 {strides = array<i32>} : memref<5120xf32, #tpu.memory_space<vmem>>, vector<16xf32>,
      %neg3A_507 = arith.constant 0.000000e+00 : f32
      %neg3A_508 = vector.broadcast %neg3A_507 : f32 to vector<16xf32>
      %neg3A_509 = arith.subf %neg3A_508, %mul3A_494 : vector<16xf32>
      %swap3A_510 = arith.index_cast %add3A_469 : i32 to index
      %swap3A_511 = tpu.vector_load %arg22[%swap3A_510] {strides = array<i32>} : memref<5120xf32, #tpu.memory_space<vmem>>, vector<16xf32>,
      %swap3A_512 = vector.shape_cast %swap3A_511 : vector<16xf32> to vector<16xf32>
      %swap3A_513 = vector.shape_cast %neg3A_509 : vector<16xf32> to vector<16xf32>
      tpu.vector_store %arg22[%swap3A_510], %swap3A_513 {strides = array<i32>} : memref<5120xf32, #tpu.memory_space<vmem>>, vector<16xf32>,
      %mul3A_514 = arith.mulf %sub3A_495, %sub3A_495 : vector<16xf32>
      %add3A_515 = arith.addf %add3A_463, %mul3A_514 : vector<16xf32>
      %mul3A_516 = arith.mulf %sub3A_502, %sub3A_502 : vector<16xf32>
      %add3A_517 = arith.addf %add3A_465, %mul3A_516 : vector<16xf32>
      %mul3A_518 = arith.constant 128 : i32
      %mul3A_519 = arith.muli %scan3A_206, %mul3A_518 : i32
      %add3A_520 = arith.constant 96 : i32
      %add3A_521 = arith.addi %mul3A_519, %add3A_520 : i32
      %get3A_522 = arith.index_cast %add3A_521 : i32 to index
      %get3A_523 = tpu.vector_load %arg17[%get3A_522] {strides = array<i32>} : memref<5120xf32, #tpu.memory_space<vmem>>, vector<16xf32>,
      %get3A_524 = vector.shape_cast %get3A_523 : vector<16xf32> to vector<16xf32>
      %get3A_525 = arith.index_cast %add3A_521 : i32 to index
      %get3A_526 = tpu.vector_load %arg18[%get3A_525] {strides = array<i32>} : memref<5120xf32, #tpu.memory_space<vmem>>, vector<16xf32>,
      %get3A_527 = vector.shape_cast %get3A_526 : vector<16xf32> to vector<16xf32>
      %get3A_528 = arith.index_cast %add3A_521 : i32 to index
      %get3A_529 = tpu.vector_load %arg19[%get3A_528] {strides = array<i32>} : memref<5120xf32, #tpu.memory_space<vmem>>, vector<16xf32>,
      %get3A_530 = vector.shape_cast %get3A_529 : vector<16xf32> to vector<16xf32>
      %get3A_531 = arith.index_cast %add3A_521 : i32 to index
      %get3A_532 = tpu.vector_load %arg20[%get3A_531] {strides = array<i32>} : memref<5120xf32, #tpu.memory_space<vmem>>, vector<16xf32>,
      %get3A_533 = vector.shape_cast %get3A_532 : vector<16xf32> to vector<16xf32>
      %mul3A_534 = arith.constant 8.000000e-01 : f32
      %mul3A_535 = vector.broadcast %mul3A_534 : f32 to vector<16xf32>
      %mul3A_536 = arith.mulf %get3A_524, %mul3A_535 : vector<16xf32>
      %add3A_537 = arith.constant 5.000000e-01 : f32
      %add3A_538 = vector.broadcast %add3A_537 : f32 to vector<16xf32>
      %add3A_539 = arith.addf %mul3A_536, %add3A_538 : vector<16xf32>
      %mul3A_540 = arith.constant 1.500000e+03 : f32
      %mul3A_541 = vector.broadcast %mul3A_540 : f32 to vector<16xf32>
      %mul3A_542 = arith.mulf %get3A_530, %mul3A_541 : vector<16xf32>
      %add3A_543 = arith.constant 2.000000e+03 : f32
      %add3A_544 = vector.broadcast %add3A_543 : f32 to vector<16xf32>
      %add3A_545 = arith.addf %mul3A_542, %add3A_544 : vector<16xf32>
      %mul3A_546 = arith.mulf %add3A_539, %add3A_545 : vector<16xf32>
      %sub3A_547 = arith.subf %get3A_524, %get3A_527 : vector<16xf32>
      %mul3A_548 = arith.constant 1.200000e+03 : f32
      %mul3A_549 = vector.broadcast %mul3A_548 : f32 to vector<16xf32>
      %mul3A_550 = arith.mulf %get3A_533, %mul3A_549 : vector<16xf32>
      %add3A_551 = arith.constant 0.000000e+00 : f32
      %add3A_552 = vector.broadcast %add3A_551 : f32 to vector<16xf32>
      %add3A_553 = arith.addf %mul3A_550, %add3A_552 : vector<16xf32>
      %sub3A_554 = arith.subf %mul3A_546, %add3A_553 : vector<16xf32>
      %swap3A_555 = arith.index_cast %add3A_521 : i32 to index
      %swap3A_556 = tpu.vector_load %arg21[%swap3A_555] {strides = array<i32>} : memref<5120xf32, #tpu.memory_space<vmem>>, vector<16xf32>,
      %swap3A_557 = vector.shape_cast %swap3A_556 : vector<16xf32> to vector<16xf32>
      %swap3A_558 = vector.shape_cast %mul3A_546 : vector<16xf32> to vector<16xf32>
      tpu.vector_store %arg21[%swap3A_555], %swap3A_558 {strides = array<i32>} : memref<5120xf32, #tpu.memory_space<vmem>>, vector<16xf32>,
      %neg3A_559 = arith.constant 0.000000e+00 : f32
      %neg3A_560 = vector.broadcast %neg3A_559 : f32 to vector<16xf32>
      %neg3A_561 = arith.subf %neg3A_560, %mul3A_546 : vector<16xf32>
      %swap3A_562 = arith.index_cast %add3A_521 : i32 to index
      %swap3A_563 = tpu.vector_load %arg22[%swap3A_562] {strides = array<i32>} : memref<5120xf32, #tpu.memory_space<vmem>>, vector<16xf32>,
      %swap3A_564 = vector.shape_cast %swap3A_563 : vector<16xf32> to vector<16xf32>
      %swap3A_565 = vector.shape_cast %neg3A_561 : vector<16xf32> to vector<16xf32>
      tpu.vector_store %arg22[%swap3A_562], %swap3A_565 {strides = array<i32>} : memref<5120xf32, #tpu.memory_space<vmem>>, vector<16xf32>,
      %mul3A_566 = arith.mulf %sub3A_547, %sub3A_547 : vector<16xf32>
      %add3A_567 = arith.addf %add3A_515, %mul3A_566 : vector<16xf32>
      %mul3A_568 = arith.mulf %sub3A_554, %sub3A_554 : vector<16xf32>
      %add3A_569 = arith.addf %add3A_517, %mul3A_568 : vector<16xf32>
      %mul3A_570 = arith.constant 128 : i32
      %mul3A_571 = arith.muli %scan3A_206, %mul3A_570 : i32
      %add3A_572 = arith.constant 112 : i32
      %add3A_573 = arith.addi %mul3A_571, %add3A_572 : i32
      %get3A_574 = arith.index_cast %add3A_573 : i32 to index
      %get3A_575 = tpu.vector_load %arg17[%get3A_574] {strides = array<i32>} : memref<5120xf32, #tpu.memory_space<vmem>>, vector<16xf32>,
      %get3A_576 = vector.shape_cast %get3A_575 : vector<16xf32> to vector<16xf32>
      %get3A_577 = arith.index_cast %add3A_573 : i32 to index
      %get3A_578 = tpu.vector_load %arg18[%get3A_577] {strides = array<i32>} : memref<5120xf32, #tpu.memory_space<vmem>>, vector<16xf32>,
      %get3A_579 = vector.shape_cast %get3A_578 : vector<16xf32> to vector<16xf32>
      %get3A_580 = arith.index_cast %add3A_573 : i32 to index
      %get3A_581 = tpu.vector_load %arg19[%get3A_580] {strides = array<i32>} : memref<5120xf32, #tpu.memory_space<vmem>>, vector<16xf32>,
      %get3A_582 = vector.shape_cast %get3A_581 : vector<16xf32> to vector<16xf32>
      %get3A_583 = arith.index_cast %add3A_573 : i32 to index
      %get3A_584 = tpu.vector_load %arg20[%get3A_583] {strides = array<i32>} : memref<5120xf32, #tpu.memory_space<vmem>>, vector<16xf32>,
      %get3A_585 = vector.shape_cast %get3A_584 : vector<16xf32> to vector<16xf32>
      %mul3A_586 = arith.constant 8.000000e-01 : f32
      %mul3A_587 = vector.broadcast %mul3A_586 : f32 to vector<16xf32>
      %mul3A_588 = arith.mulf %get3A_576, %mul3A_587 : vector<16xf32>
      %add3A_589 = arith.constant 5.000000e-01 : f32
      %add3A_590 = vector.broadcast %add3A_589 : f32 to vector<16xf32>
      %add3A_591 = arith.addf %mul3A_588, %add3A_590 : vector<16xf32>
      %mul3A_592 = arith.constant 1.500000e+03 : f32
      %mul3A_593 = vector.broadcast %mul3A_592 : f32 to vector<16xf32>
      %mul3A_594 = arith.mulf %get3A_582, %mul3A_593 : vector<16xf32>
      %add3A_595 = arith.constant 2.000000e+03 : f32
      %add3A_596 = vector.broadcast %add3A_595 : f32 to vector<16xf32>
      %add3A_597 = arith.addf %mul3A_594, %add3A_596 : vector<16xf32>
      %mul3A_598 = arith.mulf %add3A_591, %add3A_597 : vector<16xf32>
      %sub3A_599 = arith.subf %get3A_576, %get3A_579 : vector<16xf32>
      %mul3A_600 = arith.constant 1.200000e+03 : f32
      %mul3A_601 = vector.broadcast %mul3A_600 : f32 to vector<16xf32>
      %mul3A_602 = arith.mulf %get3A_585, %mul3A_601 : vector<16xf32>
      %add3A_603 = arith.constant 0.000000e+00 : f32
      %add3A_604 = vector.broadcast %add3A_603 : f32 to vector<16xf32>
      %add3A_605 = arith.addf %mul3A_602, %add3A_604 : vector<16xf32>
      %sub3A_606 = arith.subf %mul3A_598, %add3A_605 : vector<16xf32>
      %swap3A_607 = arith.index_cast %add3A_573 : i32 to index
      %swap3A_608 = tpu.vector_load %arg21[%swap3A_607] {strides = array<i32>} : memref<5120xf32, #tpu.memory_space<vmem>>, vector<16xf32>,
      %swap3A_609 = vector.shape_cast %swap3A_608 : vector<16xf32> to vector<16xf32>
      %swap3A_610 = vector.shape_cast %mul3A_598 : vector<16xf32> to vector<16xf32>
      tpu.vector_store %arg21[%swap3A_607], %swap3A_610 {strides = array<i32>} : memref<5120xf32, #tpu.memory_space<vmem>>, vector<16xf32>,
      %neg3A_611 = arith.constant 0.000000e+00 : f32
      %neg3A_612 = vector.broadcast %neg3A_611 : f32 to vector<16xf32>
      %neg3A_613 = arith.subf %neg3A_612, %mul3A_598 : vector<16xf32>
      %swap3A_614 = arith.index_cast %add3A_573 : i32 to index
      %swap3A_615 = tpu.vector_load %arg22[%swap3A_614] {strides = array<i32>} : memref<5120xf32, #tpu.memory_space<vmem>>, vector<16xf32>,
      %swap3A_616 = vector.shape_cast %swap3A_615 : vector<16xf32> to vector<16xf32>
      %swap3A_617 = vector.shape_cast %neg3A_613 : vector<16xf32> to vector<16xf32>
      tpu.vector_store %arg22[%swap3A_614], %swap3A_617 {strides = array<i32>} : memref<5120xf32, #tpu.memory_space<vmem>>, vector<16xf32>,
      %mul3A_618 = arith.mulf %sub3A_599, %sub3A_599 : vector<16xf32>
      %add3A_619 = arith.addf %add3A_567, %mul3A_618 : vector<16xf32>
      %mul3A_620 = arith.mulf %sub3A_606, %sub3A_606 : vector<16xf32>
      %add3A_621 = arith.addf %add3A_569, %mul3A_620 : vector<16xf32>
      scf.yield %add3A_619, %add3A_621 : vector<16xf32>, vector<16xf32>
    }
    %scan3A_136 = arith.constant 40 : i32
    %dma_start3A_137 = arith.constant 0 : i32
    %dma_start3A_138 = tpu.memref_slice %arg34[%dma_start3A_137] : memref<100096xf32, #tpu.memory_space<vmem_shared>> -> memref<100096xf32, #tpu.memory_space<vmem_shared>>
    tpu.enqueue_indirect_dma source(%arg21 : memref<5120xf32, #tpu.memory_space<vmem>>) target(%dma_start3A_138 : memref<100096xf32, #tpu.memory_space<vmem_shared>>) offsets(%arg24 : memref<5120xi32, #tpu.memory_space<vmem>>) semaphore(%arg39 : memref<!tpu.dma_semaphore, #tpu.memory_space<semaphore_mem>>) {add = true}
    %dma_start3A_139 = arith.constant 0 : i32
    %dma_start3A_140 = tpu.memref_slice %arg34[%dma_start3A_139] : memref<100096xf32, #tpu.memory_space<vmem_shared>> -> memref<100096xf32, #tpu.memory_space<vmem_shared>>
    tpu.enqueue_indirect_dma source(%arg22 : memref<5120xf32, #tpu.memory_space<vmem>>) target(%dma_start3A_140 : memref<100096xf32, #tpu.memory_space<vmem_shared>>) offsets(%arg23 : memref<5120xi32, #tpu.memory_space<vmem>>) semaphore(%arg39 : memref<!tpu.dma_semaphore, #tpu.memory_space<semaphore_mem>>) {add = true}
    %scan3A_141 = arith.constant 0 : i32
    %scan3A_142 = arith.constant 6 : i32
    %scan3A_143 = arith.addi %scan3A_141, %scan3A_142 : i32
    %scan3A_144 = arith.constant 1 : i32
    %scan3A_145:2 = scf.for %scan3A_206 = %scan3A_141 to %scan3A_143 step %scan3A_144 iter_args(%scan3A_207 = %scan3A_135#0, %scan3A_208 = %scan3A_135#1) -> (vector<16xf32>, vector<16xf32>)  : i32 {
      %mul3A_209 = arith.constant 3 : i32
      %mul3A_210 = arith.muli %mul3A_209, %scan3A_206 : i32
      %add3A_211 = arith.constant 2 : i32
      %add3A_212 = arith.addi %mul3A_210, %add3A_211 : i32
      %dma_wait3A_213 = arith.constant 0 : i32
      %dma_wait3A_214 = tpu.memref_slice %arg2[%dma_wait3A_213] : memref<3200000xf32, #tpu.memory_space<hbm>> -> memref<5120xf32, #tpu.memory_space<hbm>>
      %dma_wait3A_215 = arith.constant 0 : i32
      %dma_wait3A_216 = tpu.memref_slice %arg2[%dma_wait3A_215] : memref<3200000xf32, #tpu.memory_space<hbm>> -> memref<5120xf32, #tpu.memory_space<hbm>>
      tpu.wait_dma2 semaphore(%arg37 : memref<!tpu.dma_semaphore, #tpu.memory_space<semaphore_mem>>) src(%dma_wait3A_216 : memref<5120xf32, #tpu.memory_space<hbm>>) dst(%arg25 : memref<5120xf32, #tpu.memory_space<vmem>>)
      %dma_wait3A_217 = arith.constant 0 : i32
      %dma_wait3A_218 = tpu.memref_slice %arg2[%dma_wait3A_217] : memref<3200000xf32, #tpu.memory_space<hbm>> -> memref<5120xf32, #tpu.memory_space<hbm>>
      %dma_wait3A_219 = arith.constant 0 : i32
      %dma_wait3A_220 = tpu.memref_slice %arg2[%dma_wait3A_219] : memref<3200000xf32, #tpu.memory_space<hbm>> -> memref<5120xf32, #tpu.memory_space<hbm>>
      tpu.wait_dma2 semaphore(%arg37 : memref<!tpu.dma_semaphore, #tpu.memory_space<semaphore_mem>>) src(%dma_wait3A_220 : memref<5120xf32, #tpu.memory_space<hbm>>) dst(%arg26 : memref<5120xf32, #tpu.memory_space<vmem>>)
      %dma_wait3A_221 = arith.constant 0 : i32
      %dma_wait3A_222 = tpu.memref_slice %arg2[%dma_wait3A_221] : memref<3200000xf32, #tpu.memory_space<hbm>> -> memref<5120xf32, #tpu.memory_space<hbm>>
      %dma_wait3A_223 = arith.constant 0 : i32
      %dma_wait3A_224 = tpu.memref_slice %arg2[%dma_wait3A_223] : memref<3200000xf32, #tpu.memory_space<hbm>> -> memref<5120xf32, #tpu.memory_space<hbm>>
      tpu.wait_dma2 semaphore(%arg37 : memref<!tpu.dma_semaphore, #tpu.memory_space<semaphore_mem>>) src(%dma_wait3A_224 : memref<5120xf32, #tpu.memory_space<hbm>>) dst(%arg27 : memref<5120xf32, #tpu.memory_space<vmem>>)
      %dma_wait3A_225 = arith.constant 0 : i32
      %dma_wait3A_226 = tpu.memref_slice %arg2[%dma_wait3A_225] : memref<3200000xf32, #tpu.memory_space<hbm>> -> memref<5120xf32, #tpu.memory_space<hbm>>
      %dma_wait3A_227 = arith.constant 0 : i32
      %dma_wait3A_228 = tpu.memref_slice %arg2[%dma_wait3A_227] : memref<3200000xf32, #tpu.memory_space<hbm>> -> memref<5120xf32, #tpu.memory_space<hbm>>
      tpu.wait_dma2 semaphore(%arg37 : memref<!tpu.dma_semaphore, #tpu.memory_space<semaphore_mem>>) src(%dma_wait3A_228 : memref<5120xf32, #tpu.memory_space<hbm>>) dst(%arg28 : memref<5120xf32, #tpu.memory_space<vmem>>)
      %dma_wait3A_229 = arith.constant 0 : i32
      %dma_wait3A_230 = tpu.memref_slice %arg2[%dma_wait3A_229] : memref<3200000xf32, #tpu.memory_space<hbm>> -> memref<5120xf32, #tpu.memory_space<hbm>>
      %dma_wait3A_231 = arith.constant 0 : i32
      %dma_wait3A_232 = tpu.memref_slice %arg2[%dma_wait3A_231] : memref<3200000xf32, #tpu.memory_space<hbm>> -> memref<5120xf32, #tpu.memory_space<hbm>>
      tpu.wait_dma2 semaphore(%arg37 : memref<!tpu.dma_semaphore, #tpu.memory_space<semaphore_mem>>) src(%dma_wait3A_232 : memref<5120xf32, #tpu.memory_space<hbm>>) dst(%arg31 : memref<5120xi32, #tpu.memory_space<vmem>>)
      %dma_wait3A_233 = arith.constant 0 : i32
      %dma_wait3A_234 = tpu.memref_slice %arg2[%dma_wait3A_233] : memref<3200000xf32, #tpu.memory_space<hbm>> -> memref<5120xf32, #tpu.memory_space<hbm>>
      %dma_wait3A_235 = arith.constant 0 : i32
      %dma_wait3A_236 = tpu.memref_slice %arg2[%dma_wait3A_235] : memref<3200000xf32, #tpu.memory_space<hbm>> -> memref<5120xf32, #tpu.memory_space<hbm>>
      tpu.wait_dma2 semaphore(%arg37 : memref<!tpu.dma_semaphore, #tpu.memory_space<semaphore_mem>>) src(%dma_wait3A_236 : memref<5120xf32, #tpu.memory_space<hbm>>) dst(%arg32 : memref<5120xi32, #tpu.memory_space<vmem>>)
      %dma_wait3A_237 = arith.constant 0 : i32
      %dma_wait3A_238 = tpu.memref_slice %arg34[%dma_wait3A_237] : memref<100096xf32, #tpu.memory_space<vmem_shared>> -> memref<100096xf32, #tpu.memory_space<vmem_shared>>
      tpu.wait_indirect_dma semaphore(%arg38 : memref<!tpu.dma_semaphore, #tpu.memory_space<semaphore_mem>>) src(%arg13 : memref<5120xf32, #tpu.memory_space<vmem>>) dst(%dma_wait3A_238 : memref<100096xf32, #tpu.memory_space<vmem_shared>>)
      %dma_wait3A_239 = arith.constant 0 : i32
      %dma_wait3A_240 = tpu.memref_slice %arg34[%dma_wait3A_239] : memref<100096xf32, #tpu.memory_space<vmem_shared>> -> memref<100096xf32, #tpu.memory_space<vmem_shared>>
      tpu.wait_indirect_dma semaphore(%arg38 : memref<!tpu.dma_semaphore, #tpu.memory_space<semaphore_mem>>) src(%arg14 : memref<5120xf32, #tpu.memory_space<vmem>>) dst(%dma_wait3A_240 : memref<100096xf32, #tpu.memory_space<vmem_shared>>)
      %add3A_241 = arith.addi %add3A_15, %add3A_212 : i32
      %add3A_242 = arith.constant 1 : i32
      %add3A_243 = arith.addi %add3A_241, %add3A_242 : i32
      %min3A_244 = arith.constant 624 : i32
      %min3A_245 = arith.minsi %add3A_243, %min3A_244 : i32
      %mul3A_246 = arith.constant 5120 : i32
      %mul3A_247 = arith.muli %min3A_245, %mul3A_246 : i32
      %dma_start3A_248 = tpu.memref_slice %arg2[%mul3A_247] : memref<3200000xf32, #tpu.memory_space<hbm>> -> memref<5120xf32, #tpu.memory_space<hbm>>
      %dma_start3A_249 = tpu.memref_slice %arg2[%mul3A_247] : memref<3200000xf32, #tpu.memory_space<hbm>> -> memref<5120xf32, #tpu.memory_space<hbm>>
      tpu.enqueue_dma source(%dma_start3A_249 : memref<5120xf32, #tpu.memory_space<hbm>>) target(%arg9 : memref<5120xf32, #tpu.memory_space<vmem>>) target_semaphore(%arg35 : memref<!tpu.dma_semaphore, #tpu.memory_space<semaphore_mem>>)
      %dma_start3A_250 = tpu.memref_slice %arg3[%mul3A_247] : memref<3200000xf32, #tpu.memory_space<hbm>> -> memref<5120xf32, #tpu.memory_space<hbm>>
      %dma_start3A_251 = tpu.memref_slice %arg3[%mul3A_247] : memref<3200000xf32, #tpu.memory_space<hbm>> -> memref<5120xf32, #tpu.memory_space<hbm>>
      tpu.enqueue_dma source(%dma_start3A_251 : memref<5120xf32, #tpu.memory_space<hbm>>) target(%arg10 : memref<5120xf32, #tpu.memory_space<vmem>>) target_semaphore(%arg35 : memref<!tpu.dma_semaphore, #tpu.memory_space<semaphore_mem>>)
      %dma_start3A_252 = tpu.memref_slice %arg4[%mul3A_247] : memref<3200000xf32, #tpu.memory_space<hbm>> -> memref<5120xf32, #tpu.memory_space<hbm>>
      %dma_start3A_253 = tpu.memref_slice %arg4[%mul3A_247] : memref<3200000xf32, #tpu.memory_space<hbm>> -> memref<5120xf32, #tpu.memory_space<hbm>>
      tpu.enqueue_dma source(%dma_start3A_253 : memref<5120xf32, #tpu.memory_space<hbm>>) target(%arg11 : memref<5120xf32, #tpu.memory_space<vmem>>) target_semaphore(%arg35 : memref<!tpu.dma_semaphore, #tpu.memory_space<semaphore_mem>>)
      %dma_start3A_254 = tpu.memref_slice %arg5[%mul3A_247] : memref<3200000xf32, #tpu.memory_space<hbm>> -> memref<5120xf32, #tpu.memory_space<hbm>>
      %dma_start3A_255 = tpu.memref_slice %arg5[%mul3A_247] : memref<3200000xf32, #tpu.memory_space<hbm>> -> memref<5120xf32, #tpu.memory_space<hbm>>
      tpu.enqueue_dma source(%dma_start3A_255 : memref<5120xf32, #tpu.memory_space<hbm>>) target(%arg12 : memref<5120xf32, #tpu.memory_space<vmem>>) target_semaphore(%arg35 : memref<!tpu.dma_semaphore, #tpu.memory_space<semaphore_mem>>)
      %dma_start3A_256 = tpu.memref_slice %arg6[%mul3A_247] : memref<6400000xi32, #tpu.memory_space<hbm>> -> memref<5120xi32, #tpu.memory_space<hbm>>
      %dma_start3A_257 = tpu.memref_slice %arg6[%mul3A_247] : memref<6400000xi32, #tpu.memory_space<hbm>> -> memref<5120xi32, #tpu.memory_space<hbm>>
      tpu.enqueue_dma source(%dma_start3A_257 : memref<5120xi32, #tpu.memory_space<hbm>>) target(%arg15 : memref<5120xi32, #tpu.memory_space<vmem>>) target_semaphore(%arg35 : memref<!tpu.dma_semaphore, #tpu.memory_space<semaphore_mem>>)
      %add3A_258 = arith.constant 3200000 : i32
      %add3A_259 = arith.addi %add3A_258, %mul3A_247 : i32
      %dma_start3A_260 = tpu.memref_slice %arg6[%add3A_259] : memref<6400000xi32, #tpu.memory_space<hbm>> -> memref<5120xi32, #tpu.memory_space<hbm>>
      %dma_start3A_261 = tpu.memref_slice %arg6[%add3A_259] : memref<6400000xi32, #tpu.memory_space<hbm>> -> memref<5120xi32, #tpu.memory_space<hbm>>
      tpu.enqueue_dma source(%dma_start3A_261 : memref<5120xi32, #tpu.memory_space<hbm>>) target(%arg16 : memref<5120xi32, #tpu.memory_space<vmem>>) target_semaphore(%arg35 : memref<!tpu.dma_semaphore, #tpu.memory_space<semaphore_mem>>)
      %scan3A_262 = arith.constant 0 : i32
      %scan3A_263 = arith.constant 40 : i32
      %scan3A_264 = arith.addi %scan3A_262, %scan3A_263 : i32
      %scan3A_265 = arith.constant 1 : i32
      %scan3A_266:2 = scf.for %scan3A_406 = %scan3A_262 to %scan3A_264 step %scan3A_265 iter_args(%scan3A_407 = %scan3A_207, %scan3A_408 = %scan3A_208) -> (vector<16xf32>, vector<16xf32>)  : i32 {
        %mul3A_409 = arith.constant 128 : i32
        %mul3A_410 = arith.muli %scan3A_406, %mul3A_409 : i32
        %add3A_411 = arith.constant 0 : i32
        %add3A_412 = arith.addi %mul3A_410, %add3A_411 : i32
        %get3A = arith.index_cast %add3A_412 : i32 to index
        %get3A_413 = tpu.vector_load %arg25[%get3A] {strides = array<i32>} : memref<5120xf32, #tpu.memory_space<vmem>>, vector<16xf32>,
        %get3A_414 = vector.shape_cast %get3A_413 : vector<16xf32> to vector<16xf32>
        %get3A_415 = arith.index_cast %add3A_412 : i32 to index
        %get3A_416 = tpu.vector_load %arg26[%get3A_415] {strides = array<i32>} : memref<5120xf32, #tpu.memory_space<vmem>>, vector<16xf32>,
        %get3A_417 = vector.shape_cast %get3A_416 : vector<16xf32> to vector<16xf32>
        %get3A_418 = arith.index_cast %add3A_412 : i32 to index
        %get3A_419 = tpu.vector_load %arg27[%get3A_418] {strides = array<i32>} : memref<5120xf32, #tpu.memory_space<vmem>>, vector<16xf32>,
        %get3A_420 = vector.shape_cast %get3A_419 : vector<16xf32> to vector<16xf32>
        %get3A_421 = arith.index_cast %add3A_412 : i32 to index
        %get3A_422 = tpu.vector_load %arg28[%get3A_421] {strides = array<i32>} : memref<5120xf32, #tpu.memory_space<vmem>>, vector<16xf32>,
        %get3A_423 = vector.shape_cast %get3A_422 : vector<16xf32> to vector<16xf32>
        %mul3A_424 = arith.constant 8.000000e-01 : f32
        %mul3A_425 = vector.broadcast %mul3A_424 : f32 to vector<16xf32>
        %mul3A_426 = arith.mulf %get3A_414, %mul3A_425 : vector<16xf32>
        %add3A_427 = arith.constant 5.000000e-01 : f32
        %add3A_428 = vector.broadcast %add3A_427 : f32 to vector<16xf32>
        %add3A_429 = arith.addf %mul3A_426, %add3A_428 : vector<16xf32>
        %mul3A_430 = arith.constant 1.500000e+03 : f32
        %mul3A_431 = vector.broadcast %mul3A_430 : f32 to vector<16xf32>
        %mul3A_432 = arith.mulf %get3A_420, %mul3A_431 : vector<16xf32>
        %add3A_433 = arith.constant 2.000000e+03 : f32
        %add3A_434 = vector.broadcast %add3A_433 : f32 to vector<16xf32>
        %add3A_435 = arith.addf %mul3A_432, %add3A_434 : vector<16xf32>
        %mul3A_436 = arith.mulf %add3A_429, %add3A_435 : vector<16xf32>
        %sub3A = arith.subf %get3A_414, %get3A_417 : vector<16xf32>
        %mul3A_437 = arith.constant 1.200000e+03 : f32
        %mul3A_438 = vector.broadcast %mul3A_437 : f32 to vector<16xf32>
        %mul3A_439 = arith.mulf %get3A_423, %mul3A_438 : vector<16xf32>
        %add3A_440 = arith.constant 0.000000e+00 : f32
        %add3A_441 = vector.broadcast %add3A_440 : f32 to vector<16xf32>
        %add3A_442 = arith.addf %mul3A_439, %add3A_441 : vector<16xf32>
        %sub3A_443 = arith.subf %mul3A_436, %add3A_442 : vector<16xf32>
        %swap3A_444 = arith.index_cast %add3A_412 : i32 to index
        %swap3A_445 = tpu.vector_load %arg29[%swap3A_444] {strides = array<i32>} : memref<5120xf32, #tpu.memory_space<vmem>>, vector<16xf32>,
        %swap3A_446 = vector.shape_cast %swap3A_445 : vector<16xf32> to vector<16xf32>
        %swap3A_447 = vector.shape_cast %mul3A_436 : vector<16xf32> to vector<16xf32>
        tpu.vector_store %arg29[%swap3A_444], %swap3A_447 {strides = array<i32>} : memref<5120xf32, #tpu.memory_space<vmem>>, vector<16xf32>,
        %neg3A = arith.constant 0.000000e+00 : f32
        %neg3A_448 = vector.broadcast %neg3A : f32 to vector<16xf32>
        %neg3A_449 = arith.subf %neg3A_448, %mul3A_436 : vector<16xf32>
        %swap3A_450 = arith.index_cast %add3A_412 : i32 to index
        %swap3A_451 = tpu.vector_load %arg30[%swap3A_450] {strides = array<i32>} : memref<5120xf32, #tpu.memory_space<vmem>>, vector<16xf32>,
        %swap3A_452 = vector.shape_cast %swap3A_451 : vector<16xf32> to vector<16xf32>
        %swap3A_453 = vector.shape_cast %neg3A_449 : vector<16xf32> to vector<16xf32>
        tpu.vector_store %arg30[%swap3A_450], %swap3A_453 {strides = array<i32>} : memref<5120xf32, #tpu.memory_space<vmem>>, vector<16xf32>,
        %mul3A_454 = arith.mulf %sub3A, %sub3A : vector<16xf32>
        %add3A_455 = arith.addf %scan3A_407, %mul3A_454 : vector<16xf32>
        %mul3A_456 = arith.mulf %sub3A_443, %sub3A_443 : vector<16xf32>
        %add3A_457 = arith.addf %scan3A_408, %mul3A_456 : vector<16xf32>
        %mul3A_458 = arith.constant 128 : i32
        %mul3A_459 = arith.muli %scan3A_406, %mul3A_458 : i32
        %add3A_460 = arith.constant 16 : i32
        %add3A_461 = arith.addi %mul3A_459, %add3A_460 : i32
        %get3A_462 = arith.index_cast %add3A_461 : i32 to index
        %get3A_463 = tpu.vector_load %arg25[%get3A_462] {strides = array<i32>} : memref<5120xf32, #tpu.memory_space<vmem>>, vector<16xf32>,
        %get3A_464 = vector.shape_cast %get3A_463 : vector<16xf32> to vector<16xf32>
        %get3A_465 = arith.index_cast %add3A_461 : i32 to index
        %get3A_466 = tpu.vector_load %arg26[%get3A_465] {strides = array<i32>} : memref<5120xf32, #tpu.memory_space<vmem>>, vector<16xf32>,
        %get3A_467 = vector.shape_cast %get3A_466 : vector<16xf32> to vector<16xf32>
        %get3A_468 = arith.index_cast %add3A_461 : i32 to index
        %get3A_469 = tpu.vector_load %arg27[%get3A_468] {strides = array<i32>} : memref<5120xf32, #tpu.memory_space<vmem>>, vector<16xf32>,
        %get3A_470 = vector.shape_cast %get3A_469 : vector<16xf32> to vector<16xf32>
        %get3A_471 = arith.index_cast %add3A_461 : i32 to index
        %get3A_472 = tpu.vector_load %arg28[%get3A_471] {strides = array<i32>} : memref<5120xf32, #tpu.memory_space<vmem>>, vector<16xf32>,
        %get3A_473 = vector.shape_cast %get3A_472 : vector<16xf32> to vector<16xf32>
        %mul3A_474 = arith.constant 8.000000e-01 : f32
        %mul3A_475 = vector.broadcast %mul3A_474 : f32 to vector<16xf32>
        %mul3A_476 = arith.mulf %get3A_464, %mul3A_475 : vector<16xf32>
        %add3A_477 = arith.constant 5.000000e-01 : f32
        %add3A_478 = vector.broadcast %add3A_477 : f32 to vector<16xf32>
        %add3A_479 = arith.addf %mul3A_476, %add3A_478 : vector<16xf32>
        %mul3A_480 = arith.constant 1.500000e+03 : f32
        %mul3A_481 = vector.broadcast %mul3A_480 : f32 to vector<16xf32>
        %mul3A_482 = arith.mulf %get3A_470, %mul3A_481 : vector<16xf32>
        %add3A_483 = arith.constant 2.000000e+03 : f32
        %add3A_484 = vector.broadcast %add3A_483 : f32 to vector<16xf32>
        %add3A_485 = arith.addf %mul3A_482, %add3A_484 : vector<16xf32>
        %mul3A_486 = arith.mulf %add3A_479, %add3A_485 : vector<16xf32>
        %sub3A_487 = arith.subf %get3A_464, %get3A_467 : vector<16xf32>
        %mul3A_488 = arith.constant 1.200000e+03 : f32
        %mul3A_489 = vector.broadcast %mul3A_488 : f32 to vector<16xf32>
        %mul3A_490 = arith.mulf %get3A_473, %mul3A_489 : vector<16xf32>
        %add3A_491 = arith.constant 0.000000e+00 : f32
        %add3A_492 = vector.broadcast %add3A_491 : f32 to vector<16xf32>
        %add3A_493 = arith.addf %mul3A_490, %add3A_492 : vector<16xf32>
        %sub3A_494 = arith.subf %mul3A_486, %add3A_493 : vector<16xf32>
        %swap3A_495 = arith.index_cast %add3A_461 : i32 to index
        %swap3A_496 = tpu.vector_load %arg29[%swap3A_495] {strides = array<i32>} : memref<5120xf32, #tpu.memory_space<vmem>>, vector<16xf32>,
        %swap3A_497 = vector.shape_cast %swap3A_496 : vector<16xf32> to vector<16xf32>
        %swap3A_498 = vector.shape_cast %mul3A_486 : vector<16xf32> to vector<16xf32>
        tpu.vector_store %arg29[%swap3A_495], %swap3A_498 {strides = array<i32>} : memref<5120xf32, #tpu.memory_space<vmem>>, vector<16xf32>,
        %neg3A_499 = arith.constant 0.000000e+00 : f32
        %neg3A_500 = vector.broadcast %neg3A_499 : f32 to vector<16xf32>
        %neg3A_501 = arith.subf %neg3A_500, %mul3A_486 : vector<16xf32>
        %swap3A_502 = arith.index_cast %add3A_461 : i32 to index
        %swap3A_503 = tpu.vector_load %arg30[%swap3A_502] {strides = array<i32>} : memref<5120xf32, #tpu.memory_space<vmem>>, vector<16xf32>,
        %swap3A_504 = vector.shape_cast %swap3A_503 : vector<16xf32> to vector<16xf32>
        %swap3A_505 = vector.shape_cast %neg3A_501 : vector<16xf32> to vector<16xf32>
        tpu.vector_store %arg30[%swap3A_502], %swap3A_505 {strides = array<i32>} : memref<5120xf32, #tpu.memory_space<vmem>>, vector<16xf32>,
        %mul3A_506 = arith.mulf %sub3A_487, %sub3A_487 : vector<16xf32>
        %add3A_507 = arith.addf %add3A_455, %mul3A_506 : vector<16xf32>
        %mul3A_508 = arith.mulf %sub3A_494, %sub3A_494 : vector<16xf32>
        %add3A_509 = arith.addf %add3A_457, %mul3A_508 : vector<16xf32>
        %mul3A_510 = arith.constant 128 : i32
        %mul3A_511 = arith.muli %scan3A_406, %mul3A_510 : i32
        %add3A_512 = arith.constant 32 : i32
        %add3A_513 = arith.addi %mul3A_511, %add3A_512 : i32
        %get3A_514 = arith.index_cast %add3A_513 : i32 to index
        %get3A_515 = tpu.vector_load %arg25[%get3A_514] {strides = array<i32>} : memref<5120xf32, #tpu.memory_space<vmem>>, vector<16xf32>,
        %get3A_516 = vector.shape_cast %get3A_515 : vector<16xf32> to vector<16xf32>
        %get3A_517 = arith.index_cast %add3A_513 : i32 to index
        %get3A_518 = tpu.vector_load %arg26[%get3A_517] {strides = array<i32>} : memref<5120xf32, #tpu.memory_space<vmem>>, vector<16xf32>,
        %get3A_519 = vector.shape_cast %get3A_518 : vector<16xf32> to vector<16xf32>
        %get3A_520 = arith.index_cast %add3A_513 : i32 to index
        %get3A_521 = tpu.vector_load %arg27[%get3A_520] {strides = array<i32>} : memref<5120xf32, #tpu.memory_space<vmem>>, vector<16xf32>,
        %get3A_522 = vector.shape_cast %get3A_521 : vector<16xf32> to vector<16xf32>
        %get3A_523 = arith.index_cast %add3A_513 : i32 to index
        %get3A_524 = tpu.vector_load %arg28[%get3A_523] {strides = array<i32>} : memref<5120xf32, #tpu.memory_space<vmem>>, vector<16xf32>,
        %get3A_525 = vector.shape_cast %get3A_524 : vector<16xf32> to vector<16xf32>
        %mul3A_526 = arith.constant 8.000000e-01 : f32
        %mul3A_527 = vector.broadcast %mul3A_526 : f32 to vector<16xf32>
        %mul3A_528 = arith.mulf %get3A_516, %mul3A_527 : vector<16xf32>
        %add3A_529 = arith.constant 5.000000e-01 : f32
        %add3A_530 = vector.broadcast %add3A_529 : f32 to vector<16xf32>
        %add3A_531 = arith.addf %mul3A_528, %add3A_530 : vector<16xf32>
        %mul3A_532 = arith.constant 1.500000e+03 : f32
        %mul3A_533 = vector.broadcast %mul3A_532 : f32 to vector<16xf32>
        %mul3A_534 = arith.mulf %get3A_522, %mul3A_533 : vector<16xf32>
        %add3A_535 = arith.constant 2.000000e+03 : f32
        %add3A_536 = vector.broadcast %add3A_535 : f32 to vector<16xf32>
        %add3A_537 = arith.addf %mul3A_534, %add3A_536 : vector<16xf32>
        %mul3A_538 = arith.mulf %add3A_531, %add3A_537 : vector<16xf32>
        %sub3A_539 = arith.subf %get3A_516, %get3A_519 : vector<16xf32>
        %mul3A_540 = arith.constant 1.200000e+03 : f32
        %mul3A_541 = vector.broadcast %mul3A_540 : f32 to vector<16xf32>
        %mul3A_542 = arith.mulf %get3A_525, %mul3A_541 : vector<16xf32>
        %add3A_543 = arith.constant 0.000000e+00 : f32
        %add3A_544 = vector.broadcast %add3A_543 : f32 to vector<16xf32>
        %add3A_545 = arith.addf %mul3A_542, %add3A_544 : vector<16xf32>
        %sub3A_546 = arith.subf %mul3A_538, %add3A_545 : vector<16xf32>
        %swap3A_547 = arith.index_cast %add3A_513 : i32 to index
        %swap3A_548 = tpu.vector_load %arg29[%swap3A_547] {strides = array<i32>} : memref<5120xf32, #tpu.memory_space<vmem>>, vector<16xf32>,
        %swap3A_549 = vector.shape_cast %swap3A_548 : vector<16xf32> to vector<16xf32>
        %swap3A_550 = vector.shape_cast %mul3A_538 : vector<16xf32> to vector<16xf32>
        tpu.vector_store %arg29[%swap3A_547], %swap3A_550 {strides = array<i32>} : memref<5120xf32, #tpu.memory_space<vmem>>, vector<16xf32>,
        %neg3A_551 = arith.constant 0.000000e+00 : f32
        %neg3A_552 = vector.broadcast %neg3A_551 : f32 to vector<16xf32>
        %neg3A_553 = arith.subf %neg3A_552, %mul3A_538 : vector<16xf32>
        %swap3A_554 = arith.index_cast %add3A_513 : i32 to index
        %swap3A_555 = tpu.vector_load %arg30[%swap3A_554] {strides = array<i32>} : memref<5120xf32, #tpu.memory_space<vmem>>, vector<16xf32>,
        %swap3A_556 = vector.shape_cast %swap3A_555 : vector<16xf32> to vector<16xf32>
        %swap3A_557 = vector.shape_cast %neg3A_553 : vector<16xf32> to vector<16xf32>
        tpu.vector_store %arg30[%swap3A_554], %swap3A_557 {strides = array<i32>} : memref<5120xf32, #tpu.memory_space<vmem>>, vector<16xf32>,
        %mul3A_558 = arith.mulf %sub3A_539, %sub3A_539 : vector<16xf32>
        %add3A_559 = arith.addf %add3A_507, %mul3A_558 : vector<16xf32>
        %mul3A_560 = arith.mulf %sub3A_546, %sub3A_546 : vector<16xf32>
        %add3A_561 = arith.addf %add3A_509, %mul3A_560 : vector<16xf32>
        %mul3A_562 = arith.constant 128 : i32
        %mul3A_563 = arith.muli %scan3A_406, %mul3A_562 : i32
        %add3A_564 = arith.constant 48 : i32
        %add3A_565 = arith.addi %mul3A_563, %add3A_564 : i32
        %get3A_566 = arith.index_cast %add3A_565 : i32 to index
        %get3A_567 = tpu.vector_load %arg25[%get3A_566] {strides = array<i32>} : memref<5120xf32, #tpu.memory_space<vmem>>, vector<16xf32>,
        %get3A_568 = vector.shape_cast %get3A_567 : vector<16xf32> to vector<16xf32>
        %get3A_569 = arith.index_cast %add3A_565 : i32 to index
        %get3A_570 = tpu.vector_load %arg26[%get3A_569] {strides = array<i32>} : memref<5120xf32, #tpu.memory_space<vmem>>, vector<16xf32>,
        %get3A_571 = vector.shape_cast %get3A_570 : vector<16xf32> to vector<16xf32>
        %get3A_572 = arith.index_cast %add3A_565 : i32 to index
        %get3A_573 = tpu.vector_load %arg27[%get3A_572] {strides = array<i32>} : memref<5120xf32, #tpu.memory_space<vmem>>, vector<16xf32>,
        %get3A_574 = vector.shape_cast %get3A_573 : vector<16xf32> to vector<16xf32>
        %get3A_575 = arith.index_cast %add3A_565 : i32 to index
        %get3A_576 = tpu.vector_load %arg28[%get3A_575] {strides = array<i32>} : memref<5120xf32, #tpu.memory_space<vmem>>, vector<16xf32>,
        %get3A_577 = vector.shape_cast %get3A_576 : vector<16xf32> to vector<16xf32>
        %mul3A_578 = arith.constant 8.000000e-01 : f32
        %mul3A_579 = vector.broadcast %mul3A_578 : f32 to vector<16xf32>
        %mul3A_580 = arith.mulf %get3A_568, %mul3A_579 : vector<16xf32>
        %add3A_581 = arith.constant 5.000000e-01 : f32
        %add3A_582 = vector.broadcast %add3A_581 : f32 to vector<16xf32>
        %add3A_583 = arith.addf %mul3A_580, %add3A_582 : vector<16xf32>
        %mul3A_584 = arith.constant 1.500000e+03 : f32
        %mul3A_585 = vector.broadcast %mul3A_584 : f32 to vector<16xf32>
        %mul3A_586 = arith.mulf %get3A_574, %mul3A_585 : vector<16xf32>
        %add3A_587 = arith.constant 2.000000e+03 : f32
        %add3A_588 = vector.broadcast %add3A_587 : f32 to vector<16xf32>
        %add3A_589 = arith.addf %mul3A_586, %add3A_588 : vector<16xf32>
        %mul3A_590 = arith.mulf %add3A_583, %add3A_589 : vector<16xf32>
        %sub3A_591 = arith.subf %get3A_568, %get3A_571 : vector<16xf32>
        %mul3A_592 = arith.constant 1.200000e+03 : f32
        %mul3A_593 = vector.broadcast %mul3A_592 : f32 to vector<16xf32>
        %mul3A_594 = arith.mulf %get3A_577, %mul3A_593 : vector<16xf32>
        %add3A_595 = arith.constant 0.000000e+00 : f32
        %add3A_596 = vector.broadcast %add3A_595 : f32 to vector<16xf32>
        %add3A_597 = arith.addf %mul3A_594, %add3A_596 : vector<16xf32>
        %sub3A_598 = arith.subf %mul3A_590, %add3A_597 : vector<16xf32>
        %swap3A_599 = arith.index_cast %add3A_565 : i32 to index
        %swap3A_600 = tpu.vector_load %arg29[%swap3A_599] {strides = array<i32>} : memref<5120xf32, #tpu.memory_space<vmem>>, vector<16xf32>,
        %swap3A_601 = vector.shape_cast %swap3A_600 : vector<16xf32> to vector<16xf32>
        %swap3A_602 = vector.shape_cast %mul3A_590 : vector<16xf32> to vector<16xf32>
        tpu.vector_store %arg29[%swap3A_599], %swap3A_602 {strides = array<i32>} : memref<5120xf32, #tpu.memory_space<vmem>>, vector<16xf32>,
        %neg3A_603 = arith.constant 0.000000e+00 : f32
        %neg3A_604 = vector.broadcast %neg3A_603 : f32 to vector<16xf32>
        %neg3A_605 = arith.subf %neg3A_604, %mul3A_590 : vector<16xf32>
        %swap3A_606 = arith.index_cast %add3A_565 : i32 to index
        %swap3A_607 = tpu.vector_load %arg30[%swap3A_606] {strides = array<i32>} : memref<5120xf32, #tpu.memory_space<vmem>>, vector<16xf32>,
        %swap3A_608 = vector.shape_cast %swap3A_607 : vector<16xf32> to vector<16xf32>
        %swap3A_609 = vector.shape_cast %neg3A_605 : vector<16xf32> to vector<16xf32>
        tpu.vector_store %arg30[%swap3A_606], %swap3A_609 {strides = array<i32>} : memref<5120xf32, #tpu.memory_space<vmem>>, vector<16xf32>,
        %mul3A_610 = arith.mulf %sub3A_591, %sub3A_591 : vector<16xf32>
        %add3A_611 = arith.addf %add3A_559, %mul3A_610 : vector<16xf32>
        %mul3A_612 = arith.mulf %sub3A_598, %sub3A_598 : vector<16xf32>
        %add3A_613 = arith.addf %add3A_561, %mul3A_612 : vector<16xf32>
        %mul3A_614 = arith.constant 128 : i32
        %mul3A_615 = arith.muli %scan3A_406, %mul3A_614 : i32
        %add3A_616 = arith.constant 64 : i32
        %add3A_617 = arith.addi %mul3A_615, %add3A_616 : i32
        %get3A_618 = arith.index_cast %add3A_617 : i32 to index
        %get3A_619 = tpu.vector_load %arg25[%get3A_618] {strides = array<i32>} : memref<5120xf32, #tpu.memory_space<vmem>>, vector<16xf32>,
        %get3A_620 = vector.shape_cast %get3A_619 : vector<16xf32> to vector<16xf32>
        %get3A_621 = arith.index_cast %add3A_617 : i32 to index
        %get3A_622 = tpu.vector_load %arg26[%get3A_621] {strides = array<i32>} : memref<5120xf32, #tpu.memory_space<vmem>>, vector<16xf32>,
        %get3A_623 = vector.shape_cast %get3A_622 : vector<16xf32> to vector<16xf32>
        %get3A_624 = arith.index_cast %add3A_617 : i32 to index
        %get3A_625 = tpu.vector_load %arg27[%get3A_624] {strides = array<i32>} : memref<5120xf32, #tpu.memory_space<vmem>>, vector<16xf32>,
        %get3A_626 = vector.shape_cast %get3A_625 : vector<16xf32> to vector<16xf32>
        %get3A_627 = arith.index_cast %add3A_617 : i32 to index
        %get3A_628 = tpu.vector_load %arg28[%get3A_627] {strides = array<i32>} : memref<5120xf32, #tpu.memory_space<vmem>>, vector<16xf32>,
        %get3A_629 = vector.shape_cast %get3A_628 : vector<16xf32> to vector<16xf32>
        %mul3A_630 = arith.constant 8.000000e-01 : f32
        %mul3A_631 = vector.broadcast %mul3A_630 : f32 to vector<16xf32>
        %mul3A_632 = arith.mulf %get3A_620, %mul3A_631 : vector<16xf32>
        %add3A_633 = arith.constant 5.000000e-01 : f32
        %add3A_634 = vector.broadcast %add3A_633 : f32 to vector<16xf32>
        %add3A_635 = arith.addf %mul3A_632, %add3A_634 : vector<16xf32>
        %mul3A_636 = arith.constant 1.500000e+03 : f32
        %mul3A_637 = vector.broadcast %mul3A_636 : f32 to vector<16xf32>
        %mul3A_638 = arith.mulf %get3A_626, %mul3A_637 : vector<16xf32>
        %add3A_639 = arith.constant 2.000000e+03 : f32
        %add3A_640 = vector.broadcast %add3A_639 : f32 to vector<16xf32>
        %add3A_641 = arith.addf %mul3A_638, %add3A_640 : vector<16xf32>
        %mul3A_642 = arith.mulf %add3A_635, %add3A_641 : vector<16xf32>
        %sub3A_643 = arith.subf %get3A_620, %get3A_623 : vector<16xf32>
        %mul3A_644 = arith.constant 1.200000e+03 : f32
        %mul3A_645 = vector.broadcast %mul3A_644 : f32 to vector<16xf32>
        %mul3A_646 = arith.mulf %get3A_629, %mul3A_645 : vector<16xf32>
        %add3A_647 = arith.constant 0.000000e+00 : f32
        %add3A_648 = vector.broadcast %add3A_647 : f32 to vector<16xf32>
        %add3A_649 = arith.addf %mul3A_646, %add3A_648 : vector<16xf32>
        %sub3A_650 = arith.subf %mul3A_642, %add3A_649 : vector<16xf32>
        %swap3A_651 = arith.index_cast %add3A_617 : i32 to index
        %swap3A_652 = tpu.vector_load %arg29[%swap3A_651] {strides = array<i32>} : memref<5120xf32, #tpu.memory_space<vmem>>, vector<16xf32>,
        %swap3A_653 = vector.shape_cast %swap3A_652 : vector<16xf32> to vector<16xf32>
        %swap3A_654 = vector.shape_cast %mul3A_642 : vector<16xf32> to vector<16xf32>
        tpu.vector_store %arg29[%swap3A_651], %swap3A_654 {strides = array<i32>} : memref<5120xf32, #tpu.memory_space<vmem>>, vector<16xf32>,
        %neg3A_655 = arith.constant 0.000000e+00 : f32
        %neg3A_656 = vector.broadcast %neg3A_655 : f32 to vector<16xf32>
        %neg3A_657 = arith.subf %neg3A_656, %mul3A_642 : vector<16xf32>
        %swap3A_658 = arith.index_cast %add3A_617 : i32 to index
        %swap3A_659 = tpu.vector_load %arg30[%swap3A_658] {strides = array<i32>} : memref<5120xf32, #tpu.memory_space<vmem>>, vector<16xf32>,
        %swap3A_660 = vector.shape_cast %swap3A_659 : vector<16xf32> to vector<16xf32>
        %swap3A_661 = vector.shape_cast %neg3A_657 : vector<16xf32> to vector<16xf32>
        tpu.vector_store %arg30[%swap3A_658], %swap3A_661 {strides = array<i32>} : memref<5120xf32, #tpu.memory_space<vmem>>, vector<16xf32>,
        %mul3A_662 = arith.mulf %sub3A_643, %sub3A_643 : vector<16xf32>
        %add3A_663 = arith.addf %add3A_611, %mul3A_662 : vector<16xf32>
        %mul3A_664 = arith.mulf %sub3A_650, %sub3A_650 : vector<16xf32>
        %add3A_665 = arith.addf %add3A_613, %mul3A_664 : vector<16xf32>
        %mul3A_666 = arith.constant 128 : i32
        %mul3A_667 = arith.muli %scan3A_406, %mul3A_666 : i32
        %add3A_668 = arith.constant 80 : i32
        %add3A_669 = arith.addi %mul3A_667, %add3A_668 : i32
        %get3A_670 = arith.index_cast %add3A_669 : i32 to index
        %get3A_671 = tpu.vector_load %arg25[%get3A_670] {strides = array<i32>} : memref<5120xf32, #tpu.memory_space<vmem>>, vector<16xf32>,
        %get3A_672 = vector.shape_cast %get3A_671 : vector<16xf32> to vector<16xf32>
        %get3A_673 = arith.index_cast %add3A_669 : i32 to index
        %get3A_674 = tpu.vector_load %arg26[%get3A_673] {strides = array<i32>} : memref<5120xf32, #tpu.memory_space<vmem>>, vector<16xf32>,
        %get3A_675 = vector.shape_cast %get3A_674 : vector<16xf32> to vector<16xf32>
        %get3A_676 = arith.index_cast %add3A_669 : i32 to index
        %get3A_677 = tpu.vector_load %arg27[%get3A_676] {strides = array<i32>} : memref<5120xf32, #tpu.memory_space<vmem>>, vector<16xf32>,
        %get3A_678 = vector.shape_cast %get3A_677 : vector<16xf32> to vector<16xf32>
        %get3A_679 = arith.index_cast %add3A_669 : i32 to index
        %get3A_680 = tpu.vector_load %arg28[%get3A_679] {strides = array<i32>} : memref<5120xf32, #tpu.memory_space<vmem>>, vector<16xf32>,
        %get3A_681 = vector.shape_cast %get3A_680 : vector<16xf32> to vector<16xf32>
        %mul3A_682 = arith.constant 8.000000e-01 : f32
        %mul3A_683 = vector.broadcast %mul3A_682 : f32 to vector<16xf32>
        %mul3A_684 = arith.mulf %get3A_672, %mul3A_683 : vector<16xf32>
        %add3A_685 = arith.constant 5.000000e-01 : f32
        %add3A_686 = vector.broadcast %add3A_685 : f32 to vector<16xf32>
        %add3A_687 = arith.addf %mul3A_684, %add3A_686 : vector<16xf32>
        %mul3A_688 = arith.constant 1.500000e+03 : f32
        %mul3A_689 = vector.broadcast %mul3A_688 : f32 to vector<16xf32>
        %mul3A_690 = arith.mulf %get3A_678, %mul3A_689 : vector<16xf32>
        %add3A_691 = arith.constant 2.000000e+03 : f32
        %add3A_692 = vector.broadcast %add3A_691 : f32 to vector<16xf32>
        %add3A_693 = arith.addf %mul3A_690, %add3A_692 : vector<16xf32>
        %mul3A_694 = arith.mulf %add3A_687, %add3A_693 : vector<16xf32>
        %sub3A_695 = arith.subf %get3A_672, %get3A_675 : vector<16xf32>
        %mul3A_696 = arith.constant 1.200000e+03 : f32
        %mul3A_697 = vector.broadcast %mul3A_696 : f32 to vector<16xf32>
        %mul3A_698 = arith.mulf %get3A_681, %mul3A_697 : vector<16xf32>
        %add3A_699 = arith.constant 0.000000e+00 : f32
        %add3A_700 = vector.broadcast %add3A_699 : f32 to vector<16xf32>
        %add3A_701 = arith.addf %mul3A_698, %add3A_700 : vector<16xf32>
        %sub3A_702 = arith.subf %mul3A_694, %add3A_701 : vector<16xf32>
        %swap3A_703 = arith.index_cast %add3A_669 : i32 to index
        %swap3A_704 = tpu.vector_load %arg29[%swap3A_703] {strides = array<i32>} : memref<5120xf32, #tpu.memory_space<vmem>>, vector<16xf32>,
        %swap3A_705 = vector.shape_cast %swap3A_704 : vector<16xf32> to vector<16xf32>
        %swap3A_706 = vector.shape_cast %mul3A_694 : vector<16xf32> to vector<16xf32>
        tpu.vector_store %arg29[%swap3A_703], %swap3A_706 {strides = array<i32>} : memref<5120xf32, #tpu.memory_space<vmem>>, vector<16xf32>,
        %neg3A_707 = arith.constant 0.000000e+00 : f32
        %neg3A_708 = vector.broadcast %neg3A_707 : f32 to vector<16xf32>
        %neg3A_709 = arith.subf %neg3A_708, %mul3A_694 : vector<16xf32>
        %swap3A_710 = arith.index_cast %add3A_669 : i32 to index
        %swap3A_711 = tpu.vector_load %arg30[%swap3A_710] {strides = array<i32>} : memref<5120xf32, #tpu.memory_space<vmem>>, vector<16xf32>,
        %swap3A_712 = vector.shape_cast %swap3A_711 : vector<16xf32> to vector<16xf32>
        %swap3A_713 = vector.shape_cast %neg3A_709 : vector<16xf32> to vector<16xf32>
        tpu.vector_store %arg30[%swap3A_710], %swap3A_713 {strides = array<i32>} : memref<5120xf32, #tpu.memory_space<vmem>>, vector<16xf32>,
        %mul3A_714 = arith.mulf %sub3A_695, %sub3A_695 : vector<16xf32>
        %add3A_715 = arith.addf %add3A_663, %mul3A_714 : vector<16xf32>
        %mul3A_716 = arith.mulf %sub3A_702, %sub3A_702 : vector<16xf32>
        %add3A_717 = arith.addf %add3A_665, %mul3A_716 : vector<16xf32>
        %mul3A_718 = arith.constant 128 : i32
        %mul3A_719 = arith.muli %scan3A_406, %mul3A_718 : i32
        %add3A_720 = arith.constant 96 : i32
        %add3A_721 = arith.addi %mul3A_719, %add3A_720 : i32
        %get3A_722 = arith.index_cast %add3A_721 : i32 to index
        %get3A_723 = tpu.vector_load %arg25[%get3A_722] {strides = array<i32>} : memref<5120xf32, #tpu.memory_space<vmem>>, vector<16xf32>,
        %get3A_724 = vector.shape_cast %get3A_723 : vector<16xf32> to vector<16xf32>
        %get3A_725 = arith.index_cast %add3A_721 : i32 to index
        %get3A_726 = tpu.vector_load %arg26[%get3A_725] {strides = array<i32>} : memref<5120xf32, #tpu.memory_space<vmem>>, vector<16xf32>,
        %get3A_727 = vector.shape_cast %get3A_726 : vector<16xf32> to vector<16xf32>
        %get3A_728 = arith.index_cast %add3A_721 : i32 to index
        %get3A_729 = tpu.vector_load %arg27[%get3A_728] {strides = array<i32>} : memref<5120xf32, #tpu.memory_space<vmem>>, vector<16xf32>,
        %get3A_730 = vector.shape_cast %get3A_729 : vector<16xf32> to vector<16xf32>
        %get3A_731 = arith.index_cast %add3A_721 : i32 to index
        %get3A_732 = tpu.vector_load %arg28[%get3A_731] {strides = array<i32>} : memref<5120xf32, #tpu.memory_space<vmem>>, vector<16xf32>,
        %get3A_733 = vector.shape_cast %get3A_732 : vector<16xf32> to vector<16xf32>
        %mul3A_734 = arith.constant 8.000000e-01 : f32
        %mul3A_735 = vector.broadcast %mul3A_734 : f32 to vector<16xf32>
        %mul3A_736 = arith.mulf %get3A_724, %mul3A_735 : vector<16xf32>
        %add3A_737 = arith.constant 5.000000e-01 : f32
        %add3A_738 = vector.broadcast %add3A_737 : f32 to vector<16xf32>
        %add3A_739 = arith.addf %mul3A_736, %add3A_738 : vector<16xf32>
        %mul3A_740 = arith.constant 1.500000e+03 : f32
        %mul3A_741 = vector.broadcast %mul3A_740 : f32 to vector<16xf32>
        %mul3A_742 = arith.mulf %get3A_730, %mul3A_741 : vector<16xf32>
        %add3A_743 = arith.constant 2.000000e+03 : f32
        %add3A_744 = vector.broadcast %add3A_743 : f32 to vector<16xf32>
        %add3A_745 = arith.addf %mul3A_742, %add3A_744 : vector<16xf32>
        %mul3A_746 = arith.mulf %add3A_739, %add3A_745 : vector<16xf32>
        %sub3A_747 = arith.subf %get3A_724, %get3A_727 : vector<16xf32>
        %mul3A_748 = arith.constant 1.200000e+03 : f32
        %mul3A_749 = vector.broadcast %mul3A_748 : f32 to vector<16xf32>
        %mul3A_750 = arith.mulf %get3A_733, %mul3A_749 : vector<16xf32>
        %add3A_751 = arith.constant 0.000000e+00 : f32
        %add3A_752 = vector.broadcast %add3A_751 : f32 to vector<16xf32>
        %add3A_753 = arith.addf %mul3A_750, %add3A_752 : vector<16xf32>
        %sub3A_754 = arith.subf %mul3A_746, %add3A_753 : vector<16xf32>
        %swap3A_755 = arith.index_cast %add3A_721 : i32 to index
        %swap3A_756 = tpu.vector_load %arg29[%swap3A_755] {strides = array<i32>} : memref<5120xf32, #tpu.memory_space<vmem>>, vector<16xf32>,
        %swap3A_757 = vector.shape_cast %swap3A_756 : vector<16xf32> to vector<16xf32>
        %swap3A_758 = vector.shape_cast %mul3A_746 : vector<16xf32> to vector<16xf32>
        tpu.vector_store %arg29[%swap3A_755], %swap3A_758 {strides = array<i32>} : memref<5120xf32, #tpu.memory_space<vmem>>, vector<16xf32>,
        %neg3A_759 = arith.constant 0.000000e+00 : f32
        %neg3A_760 = vector.broadcast %neg3A_759 : f32 to vector<16xf32>
        %neg3A_761 = arith.subf %neg3A_760, %mul3A_746 : vector<16xf32>
        %swap3A_762 = arith.index_cast %add3A_721 : i32 to index
        %swap3A_763 = tpu.vector_load %arg30[%swap3A_762] {strides = array<i32>} : memref<5120xf32, #tpu.memory_space<vmem>>, vector<16xf32>,
        %swap3A_764 = vector.shape_cast %swap3A_763 : vector<16xf32> to vector<16xf32>
        %swap3A_765 = vector.shape_cast %neg3A_761 : vector<16xf32> to vector<16xf32>
        tpu.vector_store %arg30[%swap3A_762], %swap3A_765 {strides = array<i32>} : memref<5120xf32, #tpu.memory_space<vmem>>, vector<16xf32>,
        %mul3A_766 = arith.mulf %sub3A_747, %sub3A_747 : vector<16xf32>
        %add3A_767 = arith.addf %add3A_715, %mul3A_766 : vector<16xf32>
        %mul3A_768 = arith.mulf %sub3A_754, %sub3A_754 : vector<16xf32>
        %add3A_769 = arith.addf %add3A_717, %mul3A_768 : vector<16xf32>
        %mul3A_770 = arith.constant 128 : i32
        %mul3A_771 = arith.muli %scan3A_406, %mul3A_770 : i32
        %add3A_772 = arith.constant 112 : i32
        %add3A_773 = arith.addi %mul3A_771, %add3A_772 : i32
        %get3A_774 = arith.index_cast %add3A_773 : i32 to index
        %get3A_775 = tpu.vector_load %arg25[%get3A_774] {strides = array<i32>} : memref<5120xf32, #tpu.memory_space<vmem>>, vector<16xf32>,
        %get3A_776 = vector.shape_cast %get3A_775 : vector<16xf32> to vector<16xf32>
        %get3A_777 = arith.index_cast %add3A_773 : i32 to index
        %get3A_778 = tpu.vector_load %arg26[%get3A_777] {strides = array<i32>} : memref<5120xf32, #tpu.memory_space<vmem>>, vector<16xf32>,
        %get3A_779 = vector.shape_cast %get3A_778 : vector<16xf32> to vector<16xf32>
        %get3A_780 = arith.index_cast %add3A_773 : i32 to index
        %get3A_781 = tpu.vector_load %arg27[%get3A_780] {strides = array<i32>} : memref<5120xf32, #tpu.memory_space<vmem>>, vector<16xf32>,
        %get3A_782 = vector.shape_cast %get3A_781 : vector<16xf32> to vector<16xf32>
        %get3A_783 = arith.index_cast %add3A_773 : i32 to index
        %get3A_784 = tpu.vector_load %arg28[%get3A_783] {strides = array<i32>} : memref<5120xf32, #tpu.memory_space<vmem>>, vector<16xf32>,
        %get3A_785 = vector.shape_cast %get3A_784 : vector<16xf32> to vector<16xf32>
        %mul3A_786 = arith.constant 8.000000e-01 : f32
        %mul3A_787 = vector.broadcast %mul3A_786 : f32 to vector<16xf32>
        %mul3A_788 = arith.mulf %get3A_776, %mul3A_787 : vector<16xf32>
        %add3A_789 = arith.constant 5.000000e-01 : f32
        %add3A_790 = vector.broadcast %add3A_789 : f32 to vector<16xf32>
        %add3A_791 = arith.addf %mul3A_788, %add3A_790 : vector<16xf32>
        %mul3A_792 = arith.constant 1.500000e+03 : f32
        %mul3A_793 = vector.broadcast %mul3A_792 : f32 to vector<16xf32>
        %mul3A_794 = arith.mulf %get3A_782, %mul3A_793 : vector<16xf32>
        %add3A_795 = arith.constant 2.000000e+03 : f32
        %add3A_796 = vector.broadcast %add3A_795 : f32 to vector<16xf32>
        %add3A_797 = arith.addf %mul3A_794, %add3A_796 : vector<16xf32>
        %mul3A_798 = arith.mulf %add3A_791, %add3A_797 : vector<16xf32>
        %sub3A_799 = arith.subf %get3A_776, %get3A_779 : vector<16xf32>
        %mul3A_800 = arith.constant 1.200000e+03 : f32
        %mul3A_801 = vector.broadcast %mul3A_800 : f32 to vector<16xf32>
        %mul3A_802 = arith.mulf %get3A_785, %mul3A_801 : vector<16xf32>
        %add3A_803 = arith.constant 0.000000e+00 : f32
        %add3A_804 = vector.broadcast %add3A_803 : f32 to vector<16xf32>
        %add3A_805 = arith.addf %mul3A_802, %add3A_804 : vector<16xf32>
        %sub3A_806 = arith.subf %mul3A_798, %add3A_805 : vector<16xf32>
        %swap3A_807 = arith.index_cast %add3A_773 : i32 to index
        %swap3A_808 = tpu.vector_load %arg29[%swap3A_807] {strides = array<i32>} : memref<5120xf32, #tpu.memory_space<vmem>>, vector<16xf32>,
        %swap3A_809 = vector.shape_cast %swap3A_808 : vector<16xf32> to vector<16xf32>
        %swap3A_810 = vector.shape_cast %mul3A_798 : vector<16xf32> to vector<16xf32>
        tpu.vector_store %arg29[%swap3A_807], %swap3A_810 {strides = array<i32>} : memref<5120xf32, #tpu.memory_space<vmem>>, vector<16xf32>,
        %neg3A_811 = arith.constant 0.000000e+00 : f32
        %neg3A_812 = vector.broadcast %neg3A_811 : f32 to vector<16xf32>
        %neg3A_813 = arith.subf %neg3A_812, %mul3A_798 : vector<16xf32>
        %swap3A_814 = arith.index_cast %add3A_773 : i32 to index
        %swap3A_815 = tpu.vector_load %arg30[%swap3A_814] {strides = array<i32>} : memref<5120xf32, #tpu.memory_space<vmem>>, vector<16xf32>,
        %swap3A_816 = vector.shape_cast %swap3A_815 : vector<16xf32> to vector<16xf32>
        %swap3A_817 = vector.shape_cast %neg3A_813 : vector<16xf32> to vector<16xf32>
        tpu.vector_store %arg30[%swap3A_814], %swap3A_817 {strides = array<i32>} : memref<5120xf32, #tpu.memory_space<vmem>>, vector<16xf32>,
        %mul3A_818 = arith.mulf %sub3A_799, %sub3A_799 : vector<16xf32>
        %add3A_819 = arith.addf %add3A_767, %mul3A_818 : vector<16xf32>
        %mul3A_820 = arith.mulf %sub3A_806, %sub3A_806 : vector<16xf32>
        %add3A_821 = arith.addf %add3A_769, %mul3A_820 : vector<16xf32>
        scf.yield %add3A_819, %add3A_821 : vector<16xf32>, vector<16xf32>
      }
      %scan3A_267 = arith.constant 40 : i32
      %dma_start3A_268 = arith.constant 0 : i32
      %dma_start3A_269 = tpu.memref_slice %arg34[%dma_start3A_268] : memref<100096xf32, #tpu.memory_space<vmem_shared>> -> memref<100096xf32, #tpu.memory_space<vmem_shared>>
      tpu.enqueue_indirect_dma source(%arg29 : memref<5120xf32, #tpu.memory_space<vmem>>) target(%dma_start3A_269 : memref<100096xf32, #tpu.memory_space<vmem_shared>>) offsets(%arg32 : memref<5120xi32, #tpu.memory_space<vmem>>) semaphore(%arg40 : memref<!tpu.dma_semaphore, #tpu.memory_space<semaphore_mem>>) {add = true}
      %dma_start3A_270 = arith.constant 0 : i32
      %dma_start3A_271 = tpu.memref_slice %arg34[%dma_start3A_270] : memref<100096xf32, #tpu.memory_space<vmem_shared>> -> memref<100096xf32, #tpu.memory_space<vmem_shared>>
      tpu.enqueue_indirect_dma source(%arg30 : memref<5120xf32, #tpu.memory_space<vmem>>) target(%dma_start3A_271 : memref<100096xf32, #tpu.memory_space<vmem_shared>>) offsets(%arg31 : memref<5120xi32, #tpu.memory_space<vmem>>) semaphore(%arg40 : memref<!tpu.dma_semaphore, #tpu.memory_space<semaphore_mem>>) {add = true}
      %mul3A_272 = arith.constant 3 : i32
      %mul3A_273 = arith.muli %mul3A_272, %scan3A_206 : i32
      %add3A_274 = arith.constant 3 : i32
      %add3A_275 = arith.addi %mul3A_273, %add3A_274 : i32
      %dma_wait3A_276 = arith.constant 0 : i32
      %dma_wait3A_277 = tpu.memref_slice %arg2[%dma_wait3A_276] : memref<3200000xf32, #tpu.memory_space<hbm>> -> memref<5120xf32, #tpu.memory_space<hbm>>
      %dma_wait3A_278 = arith.constant 0 : i32
      %dma_wait3A_279 = tpu.memref_slice %arg2[%dma_wait3A_278] : memref<3200000xf32, #tpu.memory_space<hbm>> -> memref<5120xf32, #tpu.memory_space<hbm>>
      tpu.wait_dma2 semaphore(%arg35 : memref<!tpu.dma_semaphore, #tpu.memory_space<semaphore_mem>>) src(%dma_wait3A_279 : memref<5120xf32, #tpu.memory_space<hbm>>) dst(%arg9 : memref<5120xf32, #tpu.memory_space<vmem>>)
      %dma_wait3A_280 = arith.constant 0 : i32
      %dma_wait3A_281 = tpu.memref_slice %arg2[%dma_wait3A_280] : memref<3200000xf32, #tpu.memory_space<hbm>> -> memref<5120xf32, #tpu.memory_space<hbm>>
      %dma_wait3A_282 = arith.constant 0 : i32
      %dma_wait3A_283 = tpu.memref_slice %arg2[%dma_wait3A_282] : memref<3200000xf32, #tpu.memory_space<hbm>> -> memref<5120xf32, #tpu.memory_space<hbm>>
      tpu.wait_dma2 semaphore(%arg35 : memref<!tpu.dma_semaphore, #tpu.memory_space<semaphore_mem>>) src(%dma_wait3A_283 : memref<5120xf32, #tpu.memory_space<hbm>>) dst(%arg10 : memref<5120xf32, #tpu.memory_space<vmem>>)
      %dma_wait3A_284 = arith.constant 0 : i32
      %dma_wait3A_285 = tpu.memref_slice %arg2[%dma_wait3A_284] : memref<3200000xf32, #tpu.memory_space<hbm>> -> memref<5120xf32, #tpu.memory_space<hbm>>
      %dma_wait3A_286 = arith.constant 0 : i32
      %dma_wait3A_287 = tpu.memref_slice %arg2[%dma_wait3A_286] : memref<3200000xf32, #tpu.memory_space<hbm>> -> memref<5120xf32, #tpu.memory_space<hbm>>
      tpu.wait_dma2 semaphore(%arg35 : memref<!tpu.dma_semaphore, #tpu.memory_space<semaphore_mem>>) src(%dma_wait3A_287 : memref<5120xf32, #tpu.memory_space<hbm>>) dst(%arg11 : memref<5120xf32, #tpu.memory_space<vmem>>)
      %dma_wait3A_288 = arith.constant 0 : i32
      %dma_wait3A_289 = tpu.memref_slice %arg2[%dma_wait3A_288] : memref<3200000xf32, #tpu.memory_space<hbm>> -> memref<5120xf32, #tpu.memory_space<hbm>>
      %dma_wait3A_290 = arith.constant 0 : i32
      %dma_wait3A_291 = tpu.memref_slice %arg2[%dma_wait3A_290] : memref<3200000xf32, #tpu.memory_space<hbm>> -> memref<5120xf32, #tpu.memory_space<hbm>>
      tpu.wait_dma2 semaphore(%arg35 : memref<!tpu.dma_semaphore, #tpu.memory_space<semaphore_mem>>) src(%dma_wait3A_291 : memref<5120xf32, #tpu.memory_space<hbm>>) dst(%arg12 : memref<5120xf32, #tpu.memory_space<vmem>>)
      %dma_wait3A_292 = arith.constant 0 : i32
      %dma_wait3A_293 = tpu.memref_slice %arg2[%dma_wait3A_292] : memref<3200000xf32, #tpu.memory_space<hbm>> -> memref<5120xf32, #tpu.memory_space<hbm>>
      %dma_wait3A_294 = arith.constant 0 : i32
      %dma_wait3A_295 = tpu.memref_slice %arg2[%dma_wait3A_294] : memref<3200000xf32, #tpu.memory_space<hbm>> -> memref<5120xf32, #tpu.memory_space<hbm>>
      tpu.wait_dma2 semaphore(%arg35 : memref<!tpu.dma_semaphore, #tpu.memory_space<semaphore_mem>>) src(%dma_wait3A_295 : memref<5120xf32, #tpu.memory_space<hbm>>) dst(%arg15 : memref<5120xi32, #tpu.memory_space<vmem>>)
      %dma_wait3A_296 = arith.constant 0 : i32
      %dma_wait3A_297 = tpu.memref_slice %arg2[%dma_wait3A_296] : memref<3200000xf32, #tpu.memory_space<hbm>> -> memref<5120xf32, #tpu.memory_space<hbm>>
      %dma_wait3A_298 = arith.constant 0 : i32
      %dma_wait3A_299 = tpu.memref_slice %arg2[%dma_wait3A_298] : memref<3200000xf32, #tpu.memory_space<hbm>> -> memref<5120xf32, #tpu.memory_space<hbm>>
      tpu.wait_dma2 semaphore(%arg35 : memref<!tpu.dma_semaphore, #tpu.memory_space<semaphore_mem>>) src(%dma_wait3A_299 : memref<5120xf32, #tpu.memory_space<hbm>>) dst(%arg16 : memref<5120xi32, #tpu.memory_space<vmem>>)
      %dma_wait3A_300 = arith.constant 0 : i32
      %dma_wait3A_301 = tpu.memref_slice %arg34[%dma_wait3A_300] : memref<100096xf32, #tpu.memory_space<vmem_shared>> -> memref<100096xf32, #tpu.memory_space<vmem_shared>>
      tpu.wait_indirect_dma semaphore(%arg39 : memref<!tpu.dma_semaphore, #tpu.memory_space<semaphore_mem>>) src(%arg21 : memref<5120xf32, #tpu.memory_space<vmem>>) dst(%dma_wait3A_301 : memref<100096xf32, #tpu.memory_space<vmem_shared>>)
      %dma_wait3A_302 = arith.constant 0 : i32
      %dma_wait3A_303 = tpu.memref_slice %arg34[%dma_wait3A_302] : memref<100096xf32, #tpu.memory_space<vmem_shared>> -> memref<100096xf32, #tpu.memory_space<vmem_shared>>
      tpu.wait_indirect_dma semaphore(%arg39 : memref<!tpu.dma_semaphore, #tpu.memory_space<semaphore_mem>>) src(%arg22 : memref<5120xf32, #tpu.memory_space<vmem>>) dst(%dma_wait3A_303 : memref<100096xf32, #tpu.memory_space<vmem_shared>>)
      %add3A_304 = arith.addi %add3A_15, %add3A_275 : i32
      %add3A_305 = arith.constant 1 : i32
      %add3A_306 = arith.addi %add3A_304, %add3A_305 : i32
      %min3A_307 = arith.constant 624 : i32
      %min3A_308 = arith.minsi %add3A_306, %min3A_307 : i32
      %mul3A_309 = arith.constant 5120 : i32
      %mul3A_310 = arith.muli %min3A_308, %mul3A_309 : i32
      %dma_start3A_311 = tpu.memref_slice %arg2[%mul3A_310] : memref<3200000xf32, #tpu.memory_space<hbm>> -> memref<5120xf32, #tpu.memory_space<hbm>>
      %dma_start3A_312 = tpu.memref_slice %arg2[%mul3A_310] : memref<3200000xf32, #tpu.memory_space<hbm>> -> memref<5120xf32, #tpu.memory_space<hbm>>
      tpu.enqueue_dma source(%dma_start3A_312 : memref<5120xf32, #tpu.memory_space<hbm>>) target(%arg17 : memref<5120xf32, #tpu.memory_space<vmem>>) target_semaphore(%arg36 : memref<!tpu.dma_semaphore, #tpu.memory_space<semaphore_mem>>)
      %dma_start3A_313 = tpu.memref_slice %arg3[%mul3A_310] : memref<3200000xf32, #tpu.memory_space<hbm>> -> memref<5120xf32, #tpu.memory_space<hbm>>
      %dma_start3A_314 = tpu.memref_slice %arg3[%mul3A_310] : memref<3200000xf32, #tpu.memory_space<hbm>> -> memref<5120xf32, #tpu.memory_space<hbm>>
      tpu.enqueue_dma source(%dma_start3A_314 : memref<5120xf32, #tpu.memory_space<hbm>>) target(%arg18 : memref<5120xf32, #tpu.memory_space<vmem>>) target_semaphore(%arg36 : memref<!tpu.dma_semaphore, #tpu.memory_space<semaphore_mem>>)
      %dma_start3A_315 = tpu.memref_slice %arg4[%mul3A_310] : memref<3200000xf32, #tpu.memory_space<hbm>> -> memref<5120xf32, #tpu.memory_space<hbm>>
      %dma_start3A_316 = tpu.memref_slice %arg4[%mul3A_310] : memref<3200000xf32, #tpu.memory_space<hbm>> -> memref<5120xf32, #tpu.memory_space<hbm>>
      tpu.enqueue_dma source(%dma_start3A_316 : memref<5120xf32, #tpu.memory_space<hbm>>) target(%arg19 : memref<5120xf32, #tpu.memory_space<vmem>>) target_semaphore(%arg36 : memref<!tpu.dma_semaphore, #tpu.memory_space<semaphore_mem>>)
      %dma_start3A_317 = tpu.memref_slice %arg5[%mul3A_310] : memref<3200000xf32, #tpu.memory_space<hbm>> -> memref<5120xf32, #tpu.memory_space<hbm>>
      %dma_start3A_318 = tpu.memref_slice %arg5[%mul3A_310] : memref<3200000xf32, #tpu.memory_space<hbm>> -> memref<5120xf32, #tpu.memory_space<hbm>>
      tpu.enqueue_dma source(%dma_start3A_318 : memref<5120xf32, #tpu.memory_space<hbm>>) target(%arg20 : memref<5120xf32, #tpu.memory_space<vmem>>) target_semaphore(%arg36 : memref<!tpu.dma_semaphore, #tpu.memory_space<semaphore_mem>>)
      %dma_start3A_319 = tpu.memref_slice %arg6[%mul3A_310] : memref<6400000xi32, #tpu.memory_space<hbm>> -> memref<5120xi32, #tpu.memory_space<hbm>>
      %dma_start3A_320 = tpu.memref_slice %arg6[%mul3A_310] : memref<6400000xi32, #tpu.memory_space<hbm>> -> memref<5120xi32, #tpu.memory_space<hbm>>
      tpu.enqueue_dma source(%dma_start3A_320 : memref<5120xi32, #tpu.memory_space<hbm>>) target(%arg23 : memref<5120xi32, #tpu.memory_space<vmem>>) target_semaphore(%arg36 : memref<!tpu.dma_semaphore, #tpu.memory_space<semaphore_mem>>)
      %add3A_321 = arith.constant 3200000 : i32
      %add3A_322 = arith.addi %add3A_321, %mul3A_310 : i32
      %dma_start3A_323 = tpu.memref_slice %arg6[%add3A_322] : memref<6400000xi32, #tpu.memory_space<hbm>> -> memref<5120xi32, #tpu.memory_space<hbm>>
      %dma_start3A_324 = tpu.memref_slice %arg6[%add3A_322] : memref<6400000xi32, #tpu.memory_space<hbm>> -> memref<5120xi32, #tpu.memory_space<hbm>>
      tpu.enqueue_dma source(%dma_start3A_324 : memref<5120xi32, #tpu.memory_space<hbm>>) target(%arg24 : memref<5120xi32, #tpu.memory_space<vmem>>) target_semaphore(%arg36 : memref<!tpu.dma_semaphore, #tpu.memory_space<semaphore_mem>>)
      %scan3A_325 = arith.constant 0 : i32
      %scan3A_326 = arith.constant 40 : i32
      %scan3A_327 = arith.addi %scan3A_325, %scan3A_326 : i32
      %scan3A_328 = arith.constant 1 : i32
      %scan3A_329:2 = scf.for %scan3A_406 = %scan3A_325 to %scan3A_327 step %scan3A_328 iter_args(%scan3A_407 = %scan3A_266#0, %scan3A_408 = %scan3A_266#1) -> (vector<16xf32>, vector<16xf32>)  : i32 {
        %mul3A_409 = arith.constant 128 : i32
        %mul3A_410 = arith.muli %scan3A_406, %mul3A_409 : i32
        %add3A_411 = arith.constant 0 : i32
        %add3A_412 = arith.addi %mul3A_410, %add3A_411 : i32
        %get3A = arith.index_cast %add3A_412 : i32 to index
        %get3A_413 = tpu.vector_load %arg9[%get3A] {strides = array<i32>} : memref<5120xf32, #tpu.memory_space<vmem>>, vector<16xf32>,
        %get3A_414 = vector.shape_cast %get3A_413 : vector<16xf32> to vector<16xf32>
        %get3A_415 = arith.index_cast %add3A_412 : i32 to index
        %get3A_416 = tpu.vector_load %arg10[%get3A_415] {strides = array<i32>} : memref<5120xf32, #tpu.memory_space<vmem>>, vector<16xf32>,
        %get3A_417 = vector.shape_cast %get3A_416 : vector<16xf32> to vector<16xf32>
        %get3A_418 = arith.index_cast %add3A_412 : i32 to index
        %get3A_419 = tpu.vector_load %arg11[%get3A_418] {strides = array<i32>} : memref<5120xf32, #tpu.memory_space<vmem>>, vector<16xf32>,
        %get3A_420 = vector.shape_cast %get3A_419 : vector<16xf32> to vector<16xf32>
        %get3A_421 = arith.index_cast %add3A_412 : i32 to index
        %get3A_422 = tpu.vector_load %arg12[%get3A_421] {strides = array<i32>} : memref<5120xf32, #tpu.memory_space<vmem>>, vector<16xf32>,
        %get3A_423 = vector.shape_cast %get3A_422 : vector<16xf32> to vector<16xf32>
        %mul3A_424 = arith.constant 8.000000e-01 : f32
        %mul3A_425 = vector.broadcast %mul3A_424 : f32 to vector<16xf32>
        %mul3A_426 = arith.mulf %get3A_414, %mul3A_425 : vector<16xf32>
        %add3A_427 = arith.constant 5.000000e-01 : f32
        %add3A_428 = vector.broadcast %add3A_427 : f32 to vector<16xf32>
        %add3A_429 = arith.addf %mul3A_426, %add3A_428 : vector<16xf32>
        %mul3A_430 = arith.constant 1.500000e+03 : f32
        %mul3A_431 = vector.broadcast %mul3A_430 : f32 to vector<16xf32>
        %mul3A_432 = arith.mulf %get3A_420, %mul3A_431 : vector<16xf32>
        %add3A_433 = arith.constant 2.000000e+03 : f32
        %add3A_434 = vector.broadcast %add3A_433 : f32 to vector<16xf32>
        %add3A_435 = arith.addf %mul3A_432, %add3A_434 : vector<16xf32>
        %mul3A_436 = arith.mulf %add3A_429, %add3A_435 : vector<16xf32>
        %sub3A = arith.subf %get3A_414, %get3A_417 : vector<16xf32>
        %mul3A_437 = arith.constant 1.200000e+03 : f32
        %mul3A_438 = vector.broadcast %mul3A_437 : f32 to vector<16xf32>
        %mul3A_439 = arith.mulf %get3A_423, %mul3A_438 : vector<16xf32>
        %add3A_440 = arith.constant 0.000000e+00 : f32
        %add3A_441 = vector.broadcast %add3A_440 : f32 to vector<16xf32>
        %add3A_442 = arith.addf %mul3A_439, %add3A_441 : vector<16xf32>
        %sub3A_443 = arith.subf %mul3A_436, %add3A_442 : vector<16xf32>
        %swap3A_444 = arith.index_cast %add3A_412 : i32 to index
        %swap3A_445 = tpu.vector_load %arg13[%swap3A_444] {strides = array<i32>} : memref<5120xf32, #tpu.memory_space<vmem>>, vector<16xf32>,
        %swap3A_446 = vector.shape_cast %swap3A_445 : vector<16xf32> to vector<16xf32>
        %swap3A_447 = vector.shape_cast %mul3A_436 : vector<16xf32> to vector<16xf32>
        tpu.vector_store %arg13[%swap3A_444], %swap3A_447 {strides = array<i32>} : memref<5120xf32, #tpu.memory_space<vmem>>, vector<16xf32>,
        %neg3A = arith.constant 0.000000e+00 : f32
        %neg3A_448 = vector.broadcast %neg3A : f32 to vector<16xf32>
        %neg3A_449 = arith.subf %neg3A_448, %mul3A_436 : vector<16xf32>
        %swap3A_450 = arith.index_cast %add3A_412 : i32 to index
        %swap3A_451 = tpu.vector_load %arg14[%swap3A_450] {strides = array<i32>} : memref<5120xf32, #tpu.memory_space<vmem>>, vector<16xf32>,
        %swap3A_452 = vector.shape_cast %swap3A_451 : vector<16xf32> to vector<16xf32>
        %swap3A_453 = vector.shape_cast %neg3A_449 : vector<16xf32> to vector<16xf32>
        tpu.vector_store %arg14[%swap3A_450], %swap3A_453 {strides = array<i32>} : memref<5120xf32, #tpu.memory_space<vmem>>, vector<16xf32>,
        %mul3A_454 = arith.mulf %sub3A, %sub3A : vector<16xf32>
        %add3A_455 = arith.addf %scan3A_407, %mul3A_454 : vector<16xf32>
        %mul3A_456 = arith.mulf %sub3A_443, %sub3A_443 : vector<16xf32>
        %add3A_457 = arith.addf %scan3A_408, %mul3A_456 : vector<16xf32>
        %mul3A_458 = arith.constant 128 : i32
        %mul3A_459 = arith.muli %scan3A_406, %mul3A_458 : i32
        %add3A_460 = arith.constant 16 : i32
        %add3A_461 = arith.addi %mul3A_459, %add3A_460 : i32
        %get3A_462 = arith.index_cast %add3A_461 : i32 to index
        %get3A_463 = tpu.vector_load %arg9[%get3A_462] {strides = array<i32>} : memref<5120xf32, #tpu.memory_space<vmem>>, vector<16xf32>,
        %get3A_464 = vector.shape_cast %get3A_463 : vector<16xf32> to vector<16xf32>
        %get3A_465 = arith.index_cast %add3A_461 : i32 to index
        %get3A_466 = tpu.vector_load %arg10[%get3A_465] {strides = array<i32>} : memref<5120xf32, #tpu.memory_space<vmem>>, vector<16xf32>,
        %get3A_467 = vector.shape_cast %get3A_466 : vector<16xf32> to vector<16xf32>
        %get3A_468 = arith.index_cast %add3A_461 : i32 to index
        %get3A_469 = tpu.vector_load %arg11[%get3A_468] {strides = array<i32>} : memref<5120xf32, #tpu.memory_space<vmem>>, vector<16xf32>,
        %get3A_470 = vector.shape_cast %get3A_469 : vector<16xf32> to vector<16xf32>
        %get3A_471 = arith.index_cast %add3A_461 : i32 to index
        %get3A_472 = tpu.vector_load %arg12[%get3A_471] {strides = array<i32>} : memref<5120xf32, #tpu.memory_space<vmem>>, vector<16xf32>,
        %get3A_473 = vector.shape_cast %get3A_472 : vector<16xf32> to vector<16xf32>
        %mul3A_474 = arith.constant 8.000000e-01 : f32
        %mul3A_475 = vector.broadcast %mul3A_474 : f32 to vector<16xf32>
        %mul3A_476 = arith.mulf %get3A_464, %mul3A_475 : vector<16xf32>
        %add3A_477 = arith.constant 5.000000e-01 : f32
        %add3A_478 = vector.broadcast %add3A_477 : f32 to vector<16xf32>
        %add3A_479 = arith.addf %mul3A_476, %add3A_478 : vector<16xf32>
        %mul3A_480 = arith.constant 1.500000e+03 : f32
        %mul3A_481 = vector.broadcast %mul3A_480 : f32 to vector<16xf32>
        %mul3A_482 = arith.mulf %get3A_470, %mul3A_481 : vector<16xf32>
        %add3A_483 = arith.constant 2.000000e+03 : f32
        %add3A_484 = vector.broadcast %add3A_483 : f32 to vector<16xf32>
        %add3A_485 = arith.addf %mul3A_482, %add3A_484 : vector<16xf32>
        %mul3A_486 = arith.mulf %add3A_479, %add3A_485 : vector<16xf32>
        %sub3A_487 = arith.subf %get3A_464, %get3A_467 : vector<16xf32>
        %mul3A_488 = arith.constant 1.200000e+03 : f32
        %mul3A_489 = vector.broadcast %mul3A_488 : f32 to vector<16xf32>
        %mul3A_490 = arith.mulf %get3A_473, %mul3A_489 : vector<16xf32>
        %add3A_491 = arith.constant 0.000000e+00 : f32
        %add3A_492 = vector.broadcast %add3A_491 : f32 to vector<16xf32>
        %add3A_493 = arith.addf %mul3A_490, %add3A_492 : vector<16xf32>
        %sub3A_494 = arith.subf %mul3A_486, %add3A_493 : vector<16xf32>
        %swap3A_495 = arith.index_cast %add3A_461 : i32 to index
        %swap3A_496 = tpu.vector_load %arg13[%swap3A_495] {strides = array<i32>} : memref<5120xf32, #tpu.memory_space<vmem>>, vector<16xf32>,
        %swap3A_497 = vector.shape_cast %swap3A_496 : vector<16xf32> to vector<16xf32>
        %swap3A_498 = vector.shape_cast %mul3A_486 : vector<16xf32> to vector<16xf32>
        tpu.vector_store %arg13[%swap3A_495], %swap3A_498 {strides = array<i32>} : memref<5120xf32, #tpu.memory_space<vmem>>, vector<16xf32>,
        %neg3A_499 = arith.constant 0.000000e+00 : f32
        %neg3A_500 = vector.broadcast %neg3A_499 : f32 to vector<16xf32>
        %neg3A_501 = arith.subf %neg3A_500, %mul3A_486 : vector<16xf32>
        %swap3A_502 = arith.index_cast %add3A_461 : i32 to index
        %swap3A_503 = tpu.vector_load %arg14[%swap3A_502] {strides = array<i32>} : memref<5120xf32, #tpu.memory_space<vmem>>, vector<16xf32>,
        %swap3A_504 = vector.shape_cast %swap3A_503 : vector<16xf32> to vector<16xf32>
        %swap3A_505 = vector.shape_cast %neg3A_501 : vector<16xf32> to vector<16xf32>
        tpu.vector_store %arg14[%swap3A_502], %swap3A_505 {strides = array<i32>} : memref<5120xf32, #tpu.memory_space<vmem>>, vector<16xf32>,
        %mul3A_506 = arith.mulf %sub3A_487, %sub3A_487 : vector<16xf32>
        %add3A_507 = arith.addf %add3A_455, %mul3A_506 : vector<16xf32>
        %mul3A_508 = arith.mulf %sub3A_494, %sub3A_494 : vector<16xf32>
        %add3A_509 = arith.addf %add3A_457, %mul3A_508 : vector<16xf32>
        %mul3A_510 = arith.constant 128 : i32
        %mul3A_511 = arith.muli %scan3A_406, %mul3A_510 : i32
        %add3A_512 = arith.constant 32 : i32
        %add3A_513 = arith.addi %mul3A_511, %add3A_512 : i32
        %get3A_514 = arith.index_cast %add3A_513 : i32 to index
        %get3A_515 = tpu.vector_load %arg9[%get3A_514] {strides = array<i32>} : memref<5120xf32, #tpu.memory_space<vmem>>, vector<16xf32>,
        %get3A_516 = vector.shape_cast %get3A_515 : vector<16xf32> to vector<16xf32>
        %get3A_517 = arith.index_cast %add3A_513 : i32 to index
        %get3A_518 = tpu.vector_load %arg10[%get3A_517] {strides = array<i32>} : memref<5120xf32, #tpu.memory_space<vmem>>, vector<16xf32>,
        %get3A_519 = vector.shape_cast %get3A_518 : vector<16xf32> to vector<16xf32>
        %get3A_520 = arith.index_cast %add3A_513 : i32 to index
        %get3A_521 = tpu.vector_load %arg11[%get3A_520] {strides = array<i32>} : memref<5120xf32, #tpu.memory_space<vmem>>, vector<16xf32>,
        %get3A_522 = vector.shape_cast %get3A_521 : vector<16xf32> to vector<16xf32>
        %get3A_523 = arith.index_cast %add3A_513 : i32 to index
        %get3A_524 = tpu.vector_load %arg12[%get3A_523] {strides = array<i32>} : memref<5120xf32, #tpu.memory_space<vmem>>, vector<16xf32>,
        %get3A_525 = vector.shape_cast %get3A_524 : vector<16xf32> to vector<16xf32>
        %mul3A_526 = arith.constant 8.000000e-01 : f32
        %mul3A_527 = vector.broadcast %mul3A_526 : f32 to vector<16xf32>
        %mul3A_528 = arith.mulf %get3A_516, %mul3A_527 : vector<16xf32>
        %add3A_529 = arith.constant 5.000000e-01 : f32
        %add3A_530 = vector.broadcast %add3A_529 : f32 to vector<16xf32>
        %add3A_531 = arith.addf %mul3A_528, %add3A_530 : vector<16xf32>
        %mul3A_532 = arith.constant 1.500000e+03 : f32
        %mul3A_533 = vector.broadcast %mul3A_532 : f32 to vector<16xf32>
        %mul3A_534 = arith.mulf %get3A_522, %mul3A_533 : vector<16xf32>
        %add3A_535 = arith.constant 2.000000e+03 : f32
        %add3A_536 = vector.broadcast %add3A_535 : f32 to vector<16xf32>
        %add3A_537 = arith.addf %mul3A_534, %add3A_536 : vector<16xf32>
        %mul3A_538 = arith.mulf %add3A_531, %add3A_537 : vector<16xf32>
        %sub3A_539 = arith.subf %get3A_516, %get3A_519 : vector<16xf32>
        %mul3A_540 = arith.constant 1.200000e+03 : f32
        %mul3A_541 = vector.broadcast %mul3A_540 : f32 to vector<16xf32>
        %mul3A_542 = arith.mulf %get3A_525, %mul3A_541 : vector<16xf32>
        %add3A_543 = arith.constant 0.000000e+00 : f32
        %add3A_544 = vector.broadcast %add3A_543 : f32 to vector<16xf32>
        %add3A_545 = arith.addf %mul3A_542, %add3A_544 : vector<16xf32>
        %sub3A_546 = arith.subf %mul3A_538, %add3A_545 : vector<16xf32>
        %swap3A_547 = arith.index_cast %add3A_513 : i32 to index
        %swap3A_548 = tpu.vector_load %arg13[%swap3A_547] {strides = array<i32>} : memref<5120xf32, #tpu.memory_space<vmem>>, vector<16xf32>,
        %swap3A_549 = vector.shape_cast %swap3A_548 : vector<16xf32> to vector<16xf32>
        %swap3A_550 = vector.shape_cast %mul3A_538 : vector<16xf32> to vector<16xf32>
        tpu.vector_store %arg13[%swap3A_547], %swap3A_550 {strides = array<i32>} : memref<5120xf32, #tpu.memory_space<vmem>>, vector<16xf32>,
        %neg3A_551 = arith.constant 0.000000e+00 : f32
        %neg3A_552 = vector.broadcast %neg3A_551 : f32 to vector<16xf32>
        %neg3A_553 = arith.subf %neg3A_552, %mul3A_538 : vector<16xf32>
        %swap3A_554 = arith.index_cast %add3A_513 : i32 to index
        %swap3A_555 = tpu.vector_load %arg14[%swap3A_554] {strides = array<i32>} : memref<5120xf32, #tpu.memory_space<vmem>>, vector<16xf32>,
        %swap3A_556 = vector.shape_cast %swap3A_555 : vector<16xf32> to vector<16xf32>
        %swap3A_557 = vector.shape_cast %neg3A_553 : vector<16xf32> to vector<16xf32>
        tpu.vector_store %arg14[%swap3A_554], %swap3A_557 {strides = array<i32>} : memref<5120xf32, #tpu.memory_space<vmem>>, vector<16xf32>,
        %mul3A_558 = arith.mulf %sub3A_539, %sub3A_539 : vector<16xf32>
        %add3A_559 = arith.addf %add3A_507, %mul3A_558 : vector<16xf32>
        %mul3A_560 = arith.mulf %sub3A_546, %sub3A_546 : vector<16xf32>
        %add3A_561 = arith.addf %add3A_509, %mul3A_560 : vector<16xf32>
        %mul3A_562 = arith.constant 128 : i32
        %mul3A_563 = arith.muli %scan3A_406, %mul3A_562 : i32
        %add3A_564 = arith.constant 48 : i32
        %add3A_565 = arith.addi %mul3A_563, %add3A_564 : i32
        %get3A_566 = arith.index_cast %add3A_565 : i32 to index
        %get3A_567 = tpu.vector_load %arg9[%get3A_566] {strides = array<i32>} : memref<5120xf32, #tpu.memory_space<vmem>>, vector<16xf32>,
        %get3A_568 = vector.shape_cast %get3A_567 : vector<16xf32> to vector<16xf32>
        %get3A_569 = arith.index_cast %add3A_565 : i32 to index
        %get3A_570 = tpu.vector_load %arg10[%get3A_569] {strides = array<i32>} : memref<5120xf32, #tpu.memory_space<vmem>>, vector<16xf32>,
        %get3A_571 = vector.shape_cast %get3A_570 : vector<16xf32> to vector<16xf32>
        %get3A_572 = arith.index_cast %add3A_565 : i32 to index
        %get3A_573 = tpu.vector_load %arg11[%get3A_572] {strides = array<i32>} : memref<5120xf32, #tpu.memory_space<vmem>>, vector<16xf32>,
        %get3A_574 = vector.shape_cast %get3A_573 : vector<16xf32> to vector<16xf32>
        %get3A_575 = arith.index_cast %add3A_565 : i32 to index
        %get3A_576 = tpu.vector_load %arg12[%get3A_575] {strides = array<i32>} : memref<5120xf32, #tpu.memory_space<vmem>>, vector<16xf32>,
        %get3A_577 = vector.shape_cast %get3A_576 : vector<16xf32> to vector<16xf32>
        %mul3A_578 = arith.constant 8.000000e-01 : f32
        %mul3A_579 = vector.broadcast %mul3A_578 : f32 to vector<16xf32>
        %mul3A_580 = arith.mulf %get3A_568, %mul3A_579 : vector<16xf32>
        %add3A_581 = arith.constant 5.000000e-01 : f32
        %add3A_582 = vector.broadcast %add3A_581 : f32 to vector<16xf32>
        %add3A_583 = arith.addf %mul3A_580, %add3A_582 : vector<16xf32>
        %mul3A_584 = arith.constant 1.500000e+03 : f32
        %mul3A_585 = vector.broadcast %mul3A_584 : f32 to vector<16xf32>
        %mul3A_586 = arith.mulf %get3A_574, %mul3A_585 : vector<16xf32>
        %add3A_587 = arith.constant 2.000000e+03 : f32
        %add3A_588 = vector.broadcast %add3A_587 : f32 to vector<16xf32>
        %add3A_589 = arith.addf %mul3A_586, %add3A_588 : vector<16xf32>
        %mul3A_590 = arith.mulf %add3A_583, %add3A_589 : vector<16xf32>
        %sub3A_591 = arith.subf %get3A_568, %get3A_571 : vector<16xf32>
        %mul3A_592 = arith.constant 1.200000e+03 : f32
        %mul3A_593 = vector.broadcast %mul3A_592 : f32 to vector<16xf32>
        %mul3A_594 = arith.mulf %get3A_577, %mul3A_593 : vector<16xf32>
        %add3A_595 = arith.constant 0.000000e+00 : f32
        %add3A_596 = vector.broadcast %add3A_595 : f32 to vector<16xf32>
        %add3A_597 = arith.addf %mul3A_594, %add3A_596 : vector<16xf32>
        %sub3A_598 = arith.subf %mul3A_590, %add3A_597 : vector<16xf32>
        %swap3A_599 = arith.index_cast %add3A_565 : i32 to index
        %swap3A_600 = tpu.vector_load %arg13[%swap3A_599] {strides = array<i32>} : memref<5120xf32, #tpu.memory_space<vmem>>, vector<16xf32>,
        %swap3A_601 = vector.shape_cast %swap3A_600 : vector<16xf32> to vector<16xf32>
        %swap3A_602 = vector.shape_cast %mul3A_590 : vector<16xf32> to vector<16xf32>
        tpu.vector_store %arg13[%swap3A_599], %swap3A_602 {strides = array<i32>} : memref<5120xf32, #tpu.memory_space<vmem>>, vector<16xf32>,
        %neg3A_603 = arith.constant 0.000000e+00 : f32
        %neg3A_604 = vector.broadcast %neg3A_603 : f32 to vector<16xf32>
        %neg3A_605 = arith.subf %neg3A_604, %mul3A_590 : vector<16xf32>
        %swap3A_606 = arith.index_cast %add3A_565 : i32 to index
        %swap3A_607 = tpu.vector_load %arg14[%swap3A_606] {strides = array<i32>} : memref<5120xf32, #tpu.memory_space<vmem>>, vector<16xf32>,
        %swap3A_608 = vector.shape_cast %swap3A_607 : vector<16xf32> to vector<16xf32>
        %swap3A_609 = vector.shape_cast %neg3A_605 : vector<16xf32> to vector<16xf32>
        tpu.vector_store %arg14[%swap3A_606], %swap3A_609 {strides = array<i32>} : memref<5120xf32, #tpu.memory_space<vmem>>, vector<16xf32>,
        %mul3A_610 = arith.mulf %sub3A_591, %sub3A_591 : vector<16xf32>
        %add3A_611 = arith.addf %add3A_559, %mul3A_610 : vector<16xf32>
        %mul3A_612 = arith.mulf %sub3A_598, %sub3A_598 : vector<16xf32>
        %add3A_613 = arith.addf %add3A_561, %mul3A_612 : vector<16xf32>
        %mul3A_614 = arith.constant 128 : i32
        %mul3A_615 = arith.muli %scan3A_406, %mul3A_614 : i32
        %add3A_616 = arith.constant 64 : i32
        %add3A_617 = arith.addi %mul3A_615, %add3A_616 : i32
        %get3A_618 = arith.index_cast %add3A_617 : i32 to index
        %get3A_619 = tpu.vector_load %arg9[%get3A_618] {strides = array<i32>} : memref<5120xf32, #tpu.memory_space<vmem>>, vector<16xf32>,
        %get3A_620 = vector.shape_cast %get3A_619 : vector<16xf32> to vector<16xf32>
        %get3A_621 = arith.index_cast %add3A_617 : i32 to index
        %get3A_622 = tpu.vector_load %arg10[%get3A_621] {strides = array<i32>} : memref<5120xf32, #tpu.memory_space<vmem>>, vector<16xf32>,
        %get3A_623 = vector.shape_cast %get3A_622 : vector<16xf32> to vector<16xf32>
        %get3A_624 = arith.index_cast %add3A_617 : i32 to index
        %get3A_625 = tpu.vector_load %arg11[%get3A_624] {strides = array<i32>} : memref<5120xf32, #tpu.memory_space<vmem>>, vector<16xf32>,
        %get3A_626 = vector.shape_cast %get3A_625 : vector<16xf32> to vector<16xf32>
        %get3A_627 = arith.index_cast %add3A_617 : i32 to index
        %get3A_628 = tpu.vector_load %arg12[%get3A_627] {strides = array<i32>} : memref<5120xf32, #tpu.memory_space<vmem>>, vector<16xf32>,
        %get3A_629 = vector.shape_cast %get3A_628 : vector<16xf32> to vector<16xf32>
        %mul3A_630 = arith.constant 8.000000e-01 : f32
        %mul3A_631 = vector.broadcast %mul3A_630 : f32 to vector<16xf32>
        %mul3A_632 = arith.mulf %get3A_620, %mul3A_631 : vector<16xf32>
        %add3A_633 = arith.constant 5.000000e-01 : f32
        %add3A_634 = vector.broadcast %add3A_633 : f32 to vector<16xf32>
        %add3A_635 = arith.addf %mul3A_632, %add3A_634 : vector<16xf32>
        %mul3A_636 = arith.constant 1.500000e+03 : f32
        %mul3A_637 = vector.broadcast %mul3A_636 : f32 to vector<16xf32>
        %mul3A_638 = arith.mulf %get3A_626, %mul3A_637 : vector<16xf32>
        %add3A_639 = arith.constant 2.000000e+03 : f32
        %add3A_640 = vector.broadcast %add3A_639 : f32 to vector<16xf32>
        %add3A_641 = arith.addf %mul3A_638, %add3A_640 : vector<16xf32>
        %mul3A_642 = arith.mulf %add3A_635, %add3A_641 : vector<16xf32>
        %sub3A_643 = arith.subf %get3A_620, %get3A_623 : vector<16xf32>
        %mul3A_644 = arith.constant 1.200000e+03 : f32
        %mul3A_645 = vector.broadcast %mul3A_644 : f32 to vector<16xf32>
        %mul3A_646 = arith.mulf %get3A_629, %mul3A_645 : vector<16xf32>
        %add3A_647 = arith.constant 0.000000e+00 : f32
        %add3A_648 = vector.broadcast %add3A_647 : f32 to vector<16xf32>
        %add3A_649 = arith.addf %mul3A_646, %add3A_648 : vector<16xf32>
        %sub3A_650 = arith.subf %mul3A_642, %add3A_649 : vector<16xf32>
        %swap3A_651 = arith.index_cast %add3A_617 : i32 to index
        %swap3A_652 = tpu.vector_load %arg13[%swap3A_651] {strides = array<i32>} : memref<5120xf32, #tpu.memory_space<vmem>>, vector<16xf32>,
        %swap3A_653 = vector.shape_cast %swap3A_652 : vector<16xf32> to vector<16xf32>
        %swap3A_654 = vector.shape_cast %mul3A_642 : vector<16xf32> to vector<16xf32>
        tpu.vector_store %arg13[%swap3A_651], %swap3A_654 {strides = array<i32>} : memref<5120xf32, #tpu.memory_space<vmem>>, vector<16xf32>,
        %neg3A_655 = arith.constant 0.000000e+00 : f32
        %neg3A_656 = vector.broadcast %neg3A_655 : f32 to vector<16xf32>
        %neg3A_657 = arith.subf %neg3A_656, %mul3A_642 : vector<16xf32>
        %swap3A_658 = arith.index_cast %add3A_617 : i32 to index
        %swap3A_659 = tpu.vector_load %arg14[%swap3A_658] {strides = array<i32>} : memref<5120xf32, #tpu.memory_space<vmem>>, vector<16xf32>,
        %swap3A_660 = vector.shape_cast %swap3A_659 : vector<16xf32> to vector<16xf32>
        %swap3A_661 = vector.shape_cast %neg3A_657 : vector<16xf32> to vector<16xf32>
        tpu.vector_store %arg14[%swap3A_658], %swap3A_661 {strides = array<i32>} : memref<5120xf32, #tpu.memory_space<vmem>>, vector<16xf32>,
        %mul3A_662 = arith.mulf %sub3A_643, %sub3A_643 : vector<16xf32>
        %add3A_663 = arith.addf %add3A_611, %mul3A_662 : vector<16xf32>
        %mul3A_664 = arith.mulf %sub3A_650, %sub3A_650 : vector<16xf32>
        %add3A_665 = arith.addf %add3A_613, %mul3A_664 : vector<16xf32>
        %mul3A_666 = arith.constant 128 : i32
        %mul3A_667 = arith.muli %scan3A_406, %mul3A_666 : i32
        %add3A_668 = arith.constant 80 : i32
        %add3A_669 = arith.addi %mul3A_667, %add3A_668 : i32
        %get3A_670 = arith.index_cast %add3A_669 : i32 to index
        %get3A_671 = tpu.vector_load %arg9[%get3A_670] {strides = array<i32>} : memref<5120xf32, #tpu.memory_space<vmem>>, vector<16xf32>,
        %get3A_672 = vector.shape_cast %get3A_671 : vector<16xf32> to vector<16xf32>
        %get3A_673 = arith.index_cast %add3A_669 : i32 to index
        %get3A_674 = tpu.vector_load %arg10[%get3A_673] {strides = array<i32>} : memref<5120xf32, #tpu.memory_space<vmem>>, vector<16xf32>,
        %get3A_675 = vector.shape_cast %get3A_674 : vector<16xf32> to vector<16xf32>
        %get3A_676 = arith.index_cast %add3A_669 : i32 to index
        %get3A_677 = tpu.vector_load %arg11[%get3A_676] {strides = array<i32>} : memref<5120xf32, #tpu.memory_space<vmem>>, vector<16xf32>,
        %get3A_678 = vector.shape_cast %get3A_677 : vector<16xf32> to vector<16xf32>
        %get3A_679 = arith.index_cast %add3A_669 : i32 to index
        %get3A_680 = tpu.vector_load %arg12[%get3A_679] {strides = array<i32>} : memref<5120xf32, #tpu.memory_space<vmem>>, vector<16xf32>,
        %get3A_681 = vector.shape_cast %get3A_680 : vector<16xf32> to vector<16xf32>
        %mul3A_682 = arith.constant 8.000000e-01 : f32
        %mul3A_683 = vector.broadcast %mul3A_682 : f32 to vector<16xf32>
        %mul3A_684 = arith.mulf %get3A_672, %mul3A_683 : vector<16xf32>
        %add3A_685 = arith.constant 5.000000e-01 : f32
        %add3A_686 = vector.broadcast %add3A_685 : f32 to vector<16xf32>
        %add3A_687 = arith.addf %mul3A_684, %add3A_686 : vector<16xf32>
        %mul3A_688 = arith.constant 1.500000e+03 : f32
        %mul3A_689 = vector.broadcast %mul3A_688 : f32 to vector<16xf32>
        %mul3A_690 = arith.mulf %get3A_678, %mul3A_689 : vector<16xf32>
        %add3A_691 = arith.constant 2.000000e+03 : f32
        %add3A_692 = vector.broadcast %add3A_691 : f32 to vector<16xf32>
        %add3A_693 = arith.addf %mul3A_690, %add3A_692 : vector<16xf32>
        %mul3A_694 = arith.mulf %add3A_687, %add3A_693 : vector<16xf32>
        %sub3A_695 = arith.subf %get3A_672, %get3A_675 : vector<16xf32>
        %mul3A_696 = arith.constant 1.200000e+03 : f32
        %mul3A_697 = vector.broadcast %mul3A_696 : f32 to vector<16xf32>
        %mul3A_698 = arith.mulf %get3A_681, %mul3A_697 : vector<16xf32>
        %add3A_699 = arith.constant 0.000000e+00 : f32
        %add3A_700 = vector.broadcast %add3A_699 : f32 to vector<16xf32>
        %add3A_701 = arith.addf %mul3A_698, %add3A_700 : vector<16xf32>
        %sub3A_702 = arith.subf %mul3A_694, %add3A_701 : vector<16xf32>
        %swap3A_703 = arith.index_cast %add3A_669 : i32 to index
        %swap3A_704 = tpu.vector_load %arg13[%swap3A_703] {strides = array<i32>} : memref<5120xf32, #tpu.memory_space<vmem>>, vector<16xf32>,
        %swap3A_705 = vector.shape_cast %swap3A_704 : vector<16xf32> to vector<16xf32>
        %swap3A_706 = vector.shape_cast %mul3A_694 : vector<16xf32> to vector<16xf32>
        tpu.vector_store %arg13[%swap3A_703], %swap3A_706 {strides = array<i32>} : memref<5120xf32, #tpu.memory_space<vmem>>, vector<16xf32>,
        %neg3A_707 = arith.constant 0.000000e+00 : f32
        %neg3A_708 = vector.broadcast %neg3A_707 : f32 to vector<16xf32>
        %neg3A_709 = arith.subf %neg3A_708, %mul3A_694 : vector<16xf32>
        %swap3A_710 = arith.index_cast %add3A_669 : i32 to index
        %swap3A_711 = tpu.vector_load %arg14[%swap3A_710] {strides = array<i32>} : memref<5120xf32, #tpu.memory_space<vmem>>, vector<16xf32>,
        %swap3A_712 = vector.shape_cast %swap3A_711 : vector<16xf32> to vector<16xf32>
        %swap3A_713 = vector.shape_cast %neg3A_709 : vector<16xf32> to vector<16xf32>
        tpu.vector_store %arg14[%swap3A_710], %swap3A_713 {strides = array<i32>} : memref<5120xf32, #tpu.memory_space<vmem>>, vector<16xf32>,
        %mul3A_714 = arith.mulf %sub3A_695, %sub3A_695 : vector<16xf32>
        %add3A_715 = arith.addf %add3A_663, %mul3A_714 : vector<16xf32>
        %mul3A_716 = arith.mulf %sub3A_702, %sub3A_702 : vector<16xf32>
        %add3A_717 = arith.addf %add3A_665, %mul3A_716 : vector<16xf32>
        %mul3A_718 = arith.constant 128 : i32
        %mul3A_719 = arith.muli %scan3A_406, %mul3A_718 : i32
        %add3A_720 = arith.constant 96 : i32
        %add3A_721 = arith.addi %mul3A_719, %add3A_720 : i32
        %get3A_722 = arith.index_cast %add3A_721 : i32 to index
        %get3A_723 = tpu.vector_load %arg9[%get3A_722] {strides = array<i32>} : memref<5120xf32, #tpu.memory_space<vmem>>, vector<16xf32>,
        %get3A_724 = vector.shape_cast %get3A_723 : vector<16xf32> to vector<16xf32>
        %get3A_725 = arith.index_cast %add3A_721 : i32 to index
        %get3A_726 = tpu.vector_load %arg10[%get3A_725] {strides = array<i32>} : memref<5120xf32, #tpu.memory_space<vmem>>, vector<16xf32>,
        %get3A_727 = vector.shape_cast %get3A_726 : vector<16xf32> to vector<16xf32>
        %get3A_728 = arith.index_cast %add3A_721 : i32 to index
        %get3A_729 = tpu.vector_load %arg11[%get3A_728] {strides = array<i32>} : memref<5120xf32, #tpu.memory_space<vmem>>, vector<16xf32>,
        %get3A_730 = vector.shape_cast %get3A_729 : vector<16xf32> to vector<16xf32>
        %get3A_731 = arith.index_cast %add3A_721 : i32 to index
        %get3A_732 = tpu.vector_load %arg12[%get3A_731] {strides = array<i32>} : memref<5120xf32, #tpu.memory_space<vmem>>, vector<16xf32>,
        %get3A_733 = vector.shape_cast %get3A_732 : vector<16xf32> to vector<16xf32>
        %mul3A_734 = arith.constant 8.000000e-01 : f32
        %mul3A_735 = vector.broadcast %mul3A_734 : f32 to vector<16xf32>
        %mul3A_736 = arith.mulf %get3A_724, %mul3A_735 : vector<16xf32>
        %add3A_737 = arith.constant 5.000000e-01 : f32
        %add3A_738 = vector.broadcast %add3A_737 : f32 to vector<16xf32>
        %add3A_739 = arith.addf %mul3A_736, %add3A_738 : vector<16xf32>
        %mul3A_740 = arith.constant 1.500000e+03 : f32
        %mul3A_741 = vector.broadcast %mul3A_740 : f32 to vector<16xf32>
        %mul3A_742 = arith.mulf %get3A_730, %mul3A_741 : vector<16xf32>
        %add3A_743 = arith.constant 2.000000e+03 : f32
        %add3A_744 = vector.broadcast %add3A_743 : f32 to vector<16xf32>
        %add3A_745 = arith.addf %mul3A_742, %add3A_744 : vector<16xf32>
        %mul3A_746 = arith.mulf %add3A_739, %add3A_745 : vector<16xf32>
        %sub3A_747 = arith.subf %get3A_724, %get3A_727 : vector<16xf32>
        %mul3A_748 = arith.constant 1.200000e+03 : f32
        %mul3A_749 = vector.broadcast %mul3A_748 : f32 to vector<16xf32>
        %mul3A_750 = arith.mulf %get3A_733, %mul3A_749 : vector<16xf32>
        %add3A_751 = arith.constant 0.000000e+00 : f32
        %add3A_752 = vector.broadcast %add3A_751 : f32 to vector<16xf32>
        %add3A_753 = arith.addf %mul3A_750, %add3A_752 : vector<16xf32>
        %sub3A_754 = arith.subf %mul3A_746, %add3A_753 : vector<16xf32>
        %swap3A_755 = arith.index_cast %add3A_721 : i32 to index
        %swap3A_756 = tpu.vector_load %arg13[%swap3A_755] {strides = array<i32>} : memref<5120xf32, #tpu.memory_space<vmem>>, vector<16xf32>,
        %swap3A_757 = vector.shape_cast %swap3A_756 : vector<16xf32> to vector<16xf32>
        %swap3A_758 = vector.shape_cast %mul3A_746 : vector<16xf32> to vector<16xf32>
        tpu.vector_store %arg13[%swap3A_755], %swap3A_758 {strides = array<i32>} : memref<5120xf32, #tpu.memory_space<vmem>>, vector<16xf32>,
        %neg3A_759 = arith.constant 0.000000e+00 : f32
        %neg3A_760 = vector.broadcast %neg3A_759 : f32 to vector<16xf32>
        %neg3A_761 = arith.subf %neg3A_760, %mul3A_746 : vector<16xf32>
        %swap3A_762 = arith.index_cast %add3A_721 : i32 to index
        %swap3A_763 = tpu.vector_load %arg14[%swap3A_762] {strides = array<i32>} : memref<5120xf32, #tpu.memory_space<vmem>>, vector<16xf32>,
        %swap3A_764 = vector.shape_cast %swap3A_763 : vector<16xf32> to vector<16xf32>
        %swap3A_765 = vector.shape_cast %neg3A_761 : vector<16xf32> to vector<16xf32>
        tpu.vector_store %arg14[%swap3A_762], %swap3A_765 {strides = array<i32>} : memref<5120xf32, #tpu.memory_space<vmem>>, vector<16xf32>,
        %mul3A_766 = arith.mulf %sub3A_747, %sub3A_747 : vector<16xf32>
        %add3A_767 = arith.addf %add3A_715, %mul3A_766 : vector<16xf32>
        %mul3A_768 = arith.mulf %sub3A_754, %sub3A_754 : vector<16xf32>
        %add3A_769 = arith.addf %add3A_717, %mul3A_768 : vector<16xf32>
        %mul3A_770 = arith.constant 128 : i32
        %mul3A_771 = arith.muli %scan3A_406, %mul3A_770 : i32
        %add3A_772 = arith.constant 112 : i32
        %add3A_773 = arith.addi %mul3A_771, %add3A_772 : i32
        %get3A_774 = arith.index_cast %add3A_773 : i32 to index
        %get3A_775 = tpu.vector_load %arg9[%get3A_774] {strides = array<i32>} : memref<5120xf32, #tpu.memory_space<vmem>>, vector<16xf32>,
        %get3A_776 = vector.shape_cast %get3A_775 : vector<16xf32> to vector<16xf32>
        %get3A_777 = arith.index_cast %add3A_773 : i32 to index
        %get3A_778 = tpu.vector_load %arg10[%get3A_777] {strides = array<i32>} : memref<5120xf32, #tpu.memory_space<vmem>>, vector<16xf32>,
        %get3A_779 = vector.shape_cast %get3A_778 : vector<16xf32> to vector<16xf32>
        %get3A_780 = arith.index_cast %add3A_773 : i32 to index
        %get3A_781 = tpu.vector_load %arg11[%get3A_780] {strides = array<i32>} : memref<5120xf32, #tpu.memory_space<vmem>>, vector<16xf32>,
        %get3A_782 = vector.shape_cast %get3A_781 : vector<16xf32> to vector<16xf32>
        %get3A_783 = arith.index_cast %add3A_773 : i32 to index
        %get3A_784 = tpu.vector_load %arg12[%get3A_783] {strides = array<i32>} : memref<5120xf32, #tpu.memory_space<vmem>>, vector<16xf32>,
        %get3A_785 = vector.shape_cast %get3A_784 : vector<16xf32> to vector<16xf32>
        %mul3A_786 = arith.constant 8.000000e-01 : f32
        %mul3A_787 = vector.broadcast %mul3A_786 : f32 to vector<16xf32>
        %mul3A_788 = arith.mulf %get3A_776, %mul3A_787 : vector<16xf32>
        %add3A_789 = arith.constant 5.000000e-01 : f32
        %add3A_790 = vector.broadcast %add3A_789 : f32 to vector<16xf32>
        %add3A_791 = arith.addf %mul3A_788, %add3A_790 : vector<16xf32>
        %mul3A_792 = arith.constant 1.500000e+03 : f32
        %mul3A_793 = vector.broadcast %mul3A_792 : f32 to vector<16xf32>
        %mul3A_794 = arith.mulf %get3A_782, %mul3A_793 : vector<16xf32>
        %add3A_795 = arith.constant 2.000000e+03 : f32
        %add3A_796 = vector.broadcast %add3A_795 : f32 to vector<16xf32>
        %add3A_797 = arith.addf %mul3A_794, %add3A_796 : vector<16xf32>
        %mul3A_798 = arith.mulf %add3A_791, %add3A_797 : vector<16xf32>
        %sub3A_799 = arith.subf %get3A_776, %get3A_779 : vector<16xf32>
        %mul3A_800 = arith.constant 1.200000e+03 : f32
        %mul3A_801 = vector.broadcast %mul3A_800 : f32 to vector<16xf32>
        %mul3A_802 = arith.mulf %get3A_785, %mul3A_801 : vector<16xf32>
        %add3A_803 = arith.constant 0.000000e+00 : f32
        %add3A_804 = vector.broadcast %add3A_803 : f32 to vector<16xf32>
        %add3A_805 = arith.addf %mul3A_802, %add3A_804 : vector<16xf32>
        %sub3A_806 = arith.subf %mul3A_798, %add3A_805 : vector<16xf32>
        %swap3A_807 = arith.index_cast %add3A_773 : i32 to index
        %swap3A_808 = tpu.vector_load %arg13[%swap3A_807] {strides = array<i32>} : memref<5120xf32, #tpu.memory_space<vmem>>, vector<16xf32>,
        %swap3A_809 = vector.shape_cast %swap3A_808 : vector<16xf32> to vector<16xf32>
        %swap3A_810 = vector.shape_cast %mul3A_798 : vector<16xf32> to vector<16xf32>
        tpu.vector_store %arg13[%swap3A_807], %swap3A_810 {strides = array<i32>} : memref<5120xf32, #tpu.memory_space<vmem>>, vector<16xf32>,
        %neg3A_811 = arith.constant 0.000000e+00 : f32
        %neg3A_812 = vector.broadcast %neg3A_811 : f32 to vector<16xf32>
        %neg3A_813 = arith.subf %neg3A_812, %mul3A_798 : vector<16xf32>
        %swap3A_814 = arith.index_cast %add3A_773 : i32 to index
        %swap3A_815 = tpu.vector_load %arg14[%swap3A_814] {strides = array<i32>} : memref<5120xf32, #tpu.memory_space<vmem>>, vector<16xf32>,
        %swap3A_816 = vector.shape_cast %swap3A_815 : vector<16xf32> to vector<16xf32>
        %swap3A_817 = vector.shape_cast %neg3A_813 : vector<16xf32> to vector<16xf32>
        tpu.vector_store %arg14[%swap3A_814], %swap3A_817 {strides = array<i32>} : memref<5120xf32, #tpu.memory_space<vmem>>, vector<16xf32>,
        %mul3A_818 = arith.mulf %sub3A_799, %sub3A_799 : vector<16xf32>
        %add3A_819 = arith.addf %add3A_767, %mul3A_818 : vector<16xf32>
        %mul3A_820 = arith.mulf %sub3A_806, %sub3A_806 : vector<16xf32>
        %add3A_821 = arith.addf %add3A_769, %mul3A_820 : vector<16xf32>
        scf.yield %add3A_819, %add3A_821 : vector<16xf32>, vector<16xf32>
      }
      %scan3A_330 = arith.constant 40 : i32
      %dma_start3A_331 = arith.constant 0 : i32
      %dma_start3A_332 = tpu.memref_slice %arg34[%dma_start3A_331] : memref<100096xf32, #tpu.memory_space<vmem_shared>> -> memref<100096xf32, #tpu.memory_space<vmem_shared>>
      tpu.enqueue_indirect_dma source(%arg13 : memref<5120xf32, #tpu.memory_space<vmem>>) target(%dma_start3A_332 : memref<100096xf32, #tpu.memory_space<vmem_shared>>) offsets(%arg16 : memref<5120xi32, #tpu.memory_space<vmem>>) semaphore(%arg38 : memref<!tpu.dma_semaphore, #tpu.memory_space<semaphore_mem>>) {add = true}
      %dma_start3A_333 = arith.constant 0 : i32
      %dma_start3A_334 = tpu.memref_slice %arg34[%dma_start3A_333] : memref<100096xf32, #tpu.memory_space<vmem_shared>> -> memref<100096xf32, #tpu.memory_space<vmem_shared>>
      tpu.enqueue_indirect_dma source(%arg14 : memref<5120xf32, #tpu.memory_space<vmem>>) target(%dma_start3A_334 : memref<100096xf32, #tpu.memory_space<vmem_shared>>) offsets(%arg15 : memref<5120xi32, #tpu.memory_space<vmem>>) semaphore(%arg38 : memref<!tpu.dma_semaphore, #tpu.memory_space<semaphore_mem>>) {add = true}
      %mul3A_335 = arith.constant 3 : i32
      %mul3A_336 = arith.muli %mul3A_335, %scan3A_206 : i32
      %add3A_337 = arith.constant 4 : i32
      %add3A_338 = arith.addi %mul3A_336, %add3A_337 : i32
      %dma_wait3A_339 = arith.constant 0 : i32
      %dma_wait3A_340 = tpu.memref_slice %arg2[%dma_wait3A_339] : memref<3200000xf32, #tpu.memory_space<hbm>> -> memref<5120xf32, #tpu.memory_space<hbm>>
      %dma_wait3A_341 = arith.constant 0 : i32
      %dma_wait3A_342 = tpu.memref_slice %arg2[%dma_wait3A_341] : memref<3200000xf32, #tpu.memory_space<hbm>> -> memref<5120xf32, #tpu.memory_space<hbm>>
      tpu.wait_dma2 semaphore(%arg36 : memref<!tpu.dma_semaphore, #tpu.memory_space<semaphore_mem>>) src(%dma_wait3A_342 : memref<5120xf32, #tpu.memory_space<hbm>>) dst(%arg17 : memref<5120xf32, #tpu.memory_space<vmem>>)
      %dma_wait3A_343 = arith.constant 0 : i32
      %dma_wait3A_344 = tpu.memref_slice %arg2[%dma_wait3A_343] : memref<3200000xf32, #tpu.memory_space<hbm>> -> memref<5120xf32, #tpu.memory_space<hbm>>
      %dma_wait3A_345 = arith.constant 0 : i32
      %dma_wait3A_346 = tpu.memref_slice %arg2[%dma_wait3A_345] : memref<3200000xf32, #tpu.memory_space<hbm>> -> memref<5120xf32, #tpu.memory_space<hbm>>
      tpu.wait_dma2 semaphore(%arg36 : memref<!tpu.dma_semaphore, #tpu.memory_space<semaphore_mem>>) src(%dma_wait3A_346 : memref<5120xf32, #tpu.memory_space<hbm>>) dst(%arg18 : memref<5120xf32, #tpu.memory_space<vmem>>)
      %dma_wait3A_347 = arith.constant 0 : i32
      %dma_wait3A_348 = tpu.memref_slice %arg2[%dma_wait3A_347] : memref<3200000xf32, #tpu.memory_space<hbm>> -> memref<5120xf32, #tpu.memory_space<hbm>>
      %dma_wait3A_349 = arith.constant 0 : i32
      %dma_wait3A_350 = tpu.memref_slice %arg2[%dma_wait3A_349] : memref<3200000xf32, #tpu.memory_space<hbm>> -> memref<5120xf32, #tpu.memory_space<hbm>>
      tpu.wait_dma2 semaphore(%arg36 : memref<!tpu.dma_semaphore, #tpu.memory_space<semaphore_mem>>) src(%dma_wait3A_350 : memref<5120xf32, #tpu.memory_space<hbm>>) dst(%arg19 : memref<5120xf32, #tpu.memory_space<vmem>>)
      %dma_wait3A_351 = arith.constant 0 : i32
      %dma_wait3A_352 = tpu.memref_slice %arg2[%dma_wait3A_351] : memref<3200000xf32, #tpu.memory_space<hbm>> -> memref<5120xf32, #tpu.memory_space<hbm>>
      %dma_wait3A_353 = arith.constant 0 : i32
      %dma_wait3A_354 = tpu.memref_slice %arg2[%dma_wait3A_353] : memref<3200000xf32, #tpu.memory_space<hbm>> -> memref<5120xf32, #tpu.memory_space<hbm>>
      tpu.wait_dma2 semaphore(%arg36 : memref<!tpu.dma_semaphore, #tpu.memory_space<semaphore_mem>>) src(%dma_wait3A_354 : memref<5120xf32, #tpu.memory_space<hbm>>) dst(%arg20 : memref<5120xf32, #tpu.memory_space<vmem>>)
      %dma_wait3A_355 = arith.constant 0 : i32
      %dma_wait3A_356 = tpu.memref_slice %arg2[%dma_wait3A_355] : memref<3200000xf32, #tpu.memory_space<hbm>> -> memref<5120xf32, #tpu.memory_space<hbm>>
      %dma_wait3A_357 = arith.constant 0 : i32
      %dma_wait3A_358 = tpu.memref_slice %arg2[%dma_wait3A_357] : memref<3200000xf32, #tpu.memory_space<hbm>> -> memref<5120xf32, #tpu.memory_space<hbm>>
      tpu.wait_dma2 semaphore(%arg36 : memref<!tpu.dma_semaphore, #tpu.memory_space<semaphore_mem>>) src(%dma_wait3A_358 : memref<5120xf32, #tpu.memory_space<hbm>>) dst(%arg23 : memref<5120xi32, #tpu.memory_space<vmem>>)
      %dma_wait3A_359 = arith.constant 0 : i32
      %dma_wait3A_360 = tpu.memref_slice %arg2[%dma_wait3A_359] : memref<3200000xf32, #tpu.memory_space<hbm>> -> memref<5120xf32, #tpu.memory_space<hbm>>
      %dma_wait3A_361 = arith.constant 0 : i32
      %dma_wait3A_362 = tpu.memref_slice %arg2[%dma_wait3A_361] : memref<3200000xf32, #tpu.memory_space<hbm>> -> memref<5120xf32, #tpu.memory_space<hbm>>
      tpu.wait_dma2 semaphore(%arg36 : memref<!tpu.dma_semaphore, #tpu.memory_space<semaphore_mem>>) src(%dma_wait3A_362 : memref<5120xf32, #tpu.memory_space<hbm>>) dst(%arg24 : memref<5120xi32, #tpu.memory_space<vmem>>)
      %dma_wait3A_363 = arith.constant 0 : i32
      %dma_wait3A_364 = tpu.memref_slice %arg34[%dma_wait3A_363] : memref<100096xf32, #tpu.memory_space<vmem_shared>> -> memref<100096xf32, #tpu.memory_space<vmem_shared>>
      tpu.wait_indirect_dma semaphore(%arg40 : memref<!tpu.dma_semaphore, #tpu.memory_space<semaphore_mem>>) src(%arg29 : memref<5120xf32, #tpu.memory_space<vmem>>) dst(%dma_wait3A_364 : memref<100096xf32, #tpu.memory_space<vmem_shared>>)
      %dma_wait3A_365 = arith.constant 0 : i32
      %dma_wait3A_366 = tpu.memref_slice %arg34[%dma_wait3A_365] : memref<100096xf32, #tpu.memory_space<vmem_shared>> -> memref<100096xf32, #tpu.memory_space<vmem_shared>>
      tpu.wait_indirect_dma semaphore(%arg40 : memref<!tpu.dma_semaphore, #tpu.memory_space<semaphore_mem>>) src(%arg30 : memref<5120xf32, #tpu.memory_space<vmem>>) dst(%dma_wait3A_366 : memref<100096xf32, #tpu.memory_space<vmem_shared>>)
      %add3A_367 = arith.addi %add3A_15, %add3A_338 : i32
      %add3A_368 = arith.constant 1 : i32
      %add3A_369 = arith.addi %add3A_367, %add3A_368 : i32
      %min3A_370 = arith.constant 624 : i32
      %min3A_371 = arith.minsi %add3A_369, %min3A_370 : i32
      %mul3A_372 = arith.constant 5120 : i32
      %mul3A_373 = arith.muli %min3A_371, %mul3A_372 : i32
      %dma_start3A_374 = tpu.memref_slice %arg2[%mul3A_373] : memref<3200000xf32, #tpu.memory_space<hbm>> -> memref<5120xf32, #tpu.memory_space<hbm>>
      %dma_start3A_375 = tpu.memref_slice %arg2[%mul3A_373] : memref<3200000xf32, #tpu.memory_space<hbm>> -> memref<5120xf32, #tpu.memory_space<hbm>>
      tpu.enqueue_dma source(%dma_start3A_375 : memref<5120xf32, #tpu.memory_space<hbm>>) target(%arg25 : memref<5120xf32, #tpu.memory_space<vmem>>) target_semaphore(%arg37 : memref<!tpu.dma_semaphore, #tpu.memory_space<semaphore_mem>>)
      %dma_start3A_376 = tpu.memref_slice %arg3[%mul3A_373] : memref<3200000xf32, #tpu.memory_space<hbm>> -> memref<5120xf32, #tpu.memory_space<hbm>>
      %dma_start3A_377 = tpu.memref_slice %arg3[%mul3A_373] : memref<3200000xf32, #tpu.memory_space<hbm>> -> memref<5120xf32, #tpu.memory_space<hbm>>
      tpu.enqueue_dma source(%dma_start3A_377 : memref<5120xf32, #tpu.memory_space<hbm>>) target(%arg26 : memref<5120xf32, #tpu.memory_space<vmem>>) target_semaphore(%arg37 : memref<!tpu.dma_semaphore, #tpu.memory_space<semaphore_mem>>)
      %dma_start3A_378 = tpu.memref_slice %arg4[%mul3A_373] : memref<3200000xf32, #tpu.memory_space<hbm>> -> memref<5120xf32, #tpu.memory_space<hbm>>
      %dma_start3A_379 = tpu.memref_slice %arg4[%mul3A_373] : memref<3200000xf32, #tpu.memory_space<hbm>> -> memref<5120xf32, #tpu.memory_space<hbm>>
      tpu.enqueue_dma source(%dma_start3A_379 : memref<5120xf32, #tpu.memory_space<hbm>>) target(%arg27 : memref<5120xf32, #tpu.memory_space<vmem>>) target_semaphore(%arg37 : memref<!tpu.dma_semaphore, #tpu.memory_space<semaphore_mem>>)
      %dma_start3A_380 = tpu.memref_slice %arg5[%mul3A_373] : memref<3200000xf32, #tpu.memory_space<hbm>> -> memref<5120xf32, #tpu.memory_space<hbm>>
      %dma_start3A_381 = tpu.memref_slice %arg5[%mul3A_373] : memref<3200000xf32, #tpu.memory_space<hbm>> -> memref<5120xf32, #tpu.memory_space<hbm>>
      tpu.enqueue_dma source(%dma_start3A_381 : memref<5120xf32, #tpu.memory_space<hbm>>) target(%arg28 : memref<5120xf32, #tpu.memory_space<vmem>>) target_semaphore(%arg37 : memref<!tpu.dma_semaphore, #tpu.memory_space<semaphore_mem>>)
      %dma_start3A_382 = tpu.memref_slice %arg6[%mul3A_373] : memref<6400000xi32, #tpu.memory_space<hbm>> -> memref<5120xi32, #tpu.memory_space<hbm>>
      %dma_start3A_383 = tpu.memref_slice %arg6[%mul3A_373] : memref<6400000xi32, #tpu.memory_space<hbm>> -> memref<5120xi32, #tpu.memory_space<hbm>>
      tpu.enqueue_dma source(%dma_start3A_383 : memref<5120xi32, #tpu.memory_space<hbm>>) target(%arg31 : memref<5120xi32, #tpu.memory_space<vmem>>) target_semaphore(%arg37 : memref<!tpu.dma_semaphore, #tpu.memory_space<semaphore_mem>>)
      %add3A_384 = arith.constant 3200000 : i32
      %add3A_385 = arith.addi %add3A_384, %mul3A_373 : i32
      %dma_start3A_386 = tpu.memref_slice %arg6[%add3A_385] : memref<6400000xi32, #tpu.memory_space<hbm>> -> memref<5120xi32, #tpu.memory_space<hbm>>
      %dma_start3A_387 = tpu.memref_slice %arg6[%add3A_385] : memref<6400000xi32, #tpu.memory_space<hbm>> -> memref<5120xi32, #tpu.memory_space<hbm>>
      tpu.enqueue_dma source(%dma_start3A_387 : memref<5120xi32, #tpu.memory_space<hbm>>) target(%arg32 : memref<5120xi32, #tpu.memory_space<vmem>>) target_semaphore(%arg37 : memref<!tpu.dma_semaphore, #tpu.memory_space<semaphore_mem>>)
      %broadcast_in_dim3A_388 = arith.constant 0.000000e+00 : f32
      %broadcast_in_dim3A_389 = vector.broadcast %broadcast_in_dim3A_388 : f32 to vector<16xf32>
      %lt3A_390 = arith.cmpi slt, %add3A_338, %add3A_19 : i32
      %jit3A_391 = arith.constant 1.000000e+00 : f32
      %jit3A_392 = arith.constant 0.000000e+00 : f32
      %select_n3A_393 = arith.select %lt3A_390, %jit3A_391, %jit3A_392 : f32
      %add3A_394 = vector.broadcast %select_n3A_393 : f32 to vector<16xf32>
      %add3A_395 = arith.addf %broadcast_in_dim3A_389, %add3A_394 : vector<16xf32>
      %scan3A_396 = arith.constant 0 : i32
      %scan3A_397 = arith.constant 40 : i32
      %scan3A_398 = arith.addi %scan3A_396, %scan3A_397 : i32
      %scan3A_399 = arith.constant 1 : i32
      %scan3A_400:2 = scf.for %scan3A_406 = %scan3A_396 to %scan3A_398 step %scan3A_399 iter_args(%scan3A_407 = %scan3A_329#0, %scan3A_408 = %scan3A_329#1) -> (vector<16xf32>, vector<16xf32>)  : i32 {
        %mul3A_409 = arith.constant 128 : i32
        %mul3A_410 = arith.muli %scan3A_406, %mul3A_409 : i32
        %add3A_411 = arith.constant 0 : i32
        %add3A_412 = arith.addi %mul3A_410, %add3A_411 : i32
        %get3A = arith.index_cast %add3A_412 : i32 to index
        %get3A_413 = tpu.vector_load %arg17[%get3A] {strides = array<i32>} : memref<5120xf32, #tpu.memory_space<vmem>>, vector<16xf32>,
        %get3A_414 = vector.shape_cast %get3A_413 : vector<16xf32> to vector<16xf32>
        %get3A_415 = arith.index_cast %add3A_412 : i32 to index
        %get3A_416 = tpu.vector_load %arg18[%get3A_415] {strides = array<i32>} : memref<5120xf32, #tpu.memory_space<vmem>>, vector<16xf32>,
        %get3A_417 = vector.shape_cast %get3A_416 : vector<16xf32> to vector<16xf32>
        %get3A_418 = arith.index_cast %add3A_412 : i32 to index
        %get3A_419 = tpu.vector_load %arg19[%get3A_418] {strides = array<i32>} : memref<5120xf32, #tpu.memory_space<vmem>>, vector<16xf32>,
        %get3A_420 = vector.shape_cast %get3A_419 : vector<16xf32> to vector<16xf32>
        %get3A_421 = arith.index_cast %add3A_412 : i32 to index
        %get3A_422 = tpu.vector_load %arg20[%get3A_421] {strides = array<i32>} : memref<5120xf32, #tpu.memory_space<vmem>>, vector<16xf32>,
        %get3A_423 = vector.shape_cast %get3A_422 : vector<16xf32> to vector<16xf32>
        %mul3A_424 = arith.constant 8.000000e-01 : f32
        %mul3A_425 = vector.broadcast %mul3A_424 : f32 to vector<16xf32>
        %mul3A_426 = arith.mulf %get3A_414, %mul3A_425 : vector<16xf32>
        %add3A_427 = arith.constant 5.000000e-01 : f32
        %add3A_428 = vector.broadcast %add3A_427 : f32 to vector<16xf32>
        %add3A_429 = arith.addf %mul3A_426, %add3A_428 : vector<16xf32>
        %mul3A_430 = arith.constant 1.500000e+03 : f32
        %mul3A_431 = vector.broadcast %mul3A_430 : f32 to vector<16xf32>
        %mul3A_432 = arith.mulf %get3A_420, %mul3A_431 : vector<16xf32>
        %add3A_433 = arith.constant 2.000000e+03 : f32
        %add3A_434 = vector.broadcast %add3A_433 : f32 to vector<16xf32>
        %add3A_435 = arith.addf %mul3A_432, %add3A_434 : vector<16xf32>
        %mul3A_436 = arith.mulf %add3A_429, %add3A_435 : vector<16xf32>
        %sub3A = arith.subf %get3A_414, %get3A_417 : vector<16xf32>
        %mul3A_437 = arith.constant 1.200000e+03 : f32
        %mul3A_438 = vector.broadcast %mul3A_437 : f32 to vector<16xf32>
        %mul3A_439 = arith.mulf %get3A_423, %mul3A_438 : vector<16xf32>
        %add3A_440 = arith.constant 0.000000e+00 : f32
        %add3A_441 = vector.broadcast %add3A_440 : f32 to vector<16xf32>
        %add3A_442 = arith.addf %mul3A_439, %add3A_441 : vector<16xf32>
        %sub3A_443 = arith.subf %mul3A_436, %add3A_442 : vector<16xf32>
        %mul3A_444 = arith.mulf %mul3A_436, %add3A_395 : vector<16xf32>
        %mul3A_445 = arith.mulf %sub3A, %add3A_395 : vector<16xf32>
        %mul3A_446 = arith.mulf %sub3A_443, %add3A_395 : vector<16xf32>
        %swap3A_447 = arith.index_cast %add3A_412 : i32 to index
        %swap3A_448 = tpu.vector_load %arg21[%swap3A_447] {strides = array<i32>} : memref<5120xf32, #tpu.memory_space<vmem>>, vector<16xf32>,
        %swap3A_449 = vector.shape_cast %swap3A_448 : vector<16xf32> to vector<16xf32>
        %swap3A_450 = vector.shape_cast %mul3A_444 : vector<16xf32> to vector<16xf32>
        tpu.vector_store %arg21[%swap3A_447], %swap3A_450 {strides = array<i32>} : memref<5120xf32, #tpu.memory_space<vmem>>, vector<16xf32>,
        %neg3A = arith.constant 0.000000e+00 : f32
        %neg3A_451 = vector.broadcast %neg3A : f32 to vector<16xf32>
        %neg3A_452 = arith.subf %neg3A_451, %mul3A_444 : vector<16xf32>
        %swap3A_453 = arith.index_cast %add3A_412 : i32 to index
        %swap3A_454 = tpu.vector_load %arg22[%swap3A_453] {strides = array<i32>} : memref<5120xf32, #tpu.memory_space<vmem>>, vector<16xf32>,
        %swap3A_455 = vector.shape_cast %swap3A_454 : vector<16xf32> to vector<16xf32>
        %swap3A_456 = vector.shape_cast %neg3A_452 : vector<16xf32> to vector<16xf32>
        tpu.vector_store %arg22[%swap3A_453], %swap3A_456 {strides = array<i32>} : memref<5120xf32, #tpu.memory_space<vmem>>, vector<16xf32>,
        %mul3A_457 = arith.mulf %mul3A_445, %mul3A_445 : vector<16xf32>
        %add3A_458 = arith.addf %scan3A_407, %mul3A_457 : vector<16xf32>
        %mul3A_459 = arith.mulf %mul3A_446, %mul3A_446 : vector<16xf32>
        %add3A_460 = arith.addf %scan3A_408, %mul3A_459 : vector<16xf32>
        %mul3A_461 = arith.constant 128 : i32
        %mul3A_462 = arith.muli %scan3A_406, %mul3A_461 : i32
        %add3A_463 = arith.constant 16 : i32
        %add3A_464 = arith.addi %mul3A_462, %add3A_463 : i32
        %get3A_465 = arith.index_cast %add3A_464 : i32 to index
        %get3A_466 = tpu.vector_load %arg17[%get3A_465] {strides = array<i32>} : memref<5120xf32, #tpu.memory_space<vmem>>, vector<16xf32>,
        %get3A_467 = vector.shape_cast %get3A_466 : vector<16xf32> to vector<16xf32>
        %get3A_468 = arith.index_cast %add3A_464 : i32 to index
        %get3A_469 = tpu.vector_load %arg18[%get3A_468] {strides = array<i32>} : memref<5120xf32, #tpu.memory_space<vmem>>, vector<16xf32>,
        %get3A_470 = vector.shape_cast %get3A_469 : vector<16xf32> to vector<16xf32>
        %get3A_471 = arith.index_cast %add3A_464 : i32 to index
        %get3A_472 = tpu.vector_load %arg19[%get3A_471] {strides = array<i32>} : memref<5120xf32, #tpu.memory_space<vmem>>, vector<16xf32>,
        %get3A_473 = vector.shape_cast %get3A_472 : vector<16xf32> to vector<16xf32>
        %get3A_474 = arith.index_cast %add3A_464 : i32 to index
        %get3A_475 = tpu.vector_load %arg20[%get3A_474] {strides = array<i32>} : memref<5120xf32, #tpu.memory_space<vmem>>, vector<16xf32>,
        %get3A_476 = vector.shape_cast %get3A_475 : vector<16xf32> to vector<16xf32>
        %mul3A_477 = arith.constant 8.000000e-01 : f32
        %mul3A_478 = vector.broadcast %mul3A_477 : f32 to vector<16xf32>
        %mul3A_479 = arith.mulf %get3A_467, %mul3A_478 : vector<16xf32>
        %add3A_480 = arith.constant 5.000000e-01 : f32
        %add3A_481 = vector.broadcast %add3A_480 : f32 to vector<16xf32>
        %add3A_482 = arith.addf %mul3A_479, %add3A_481 : vector<16xf32>
        %mul3A_483 = arith.constant 1.500000e+03 : f32
        %mul3A_484 = vector.broadcast %mul3A_483 : f32 to vector<16xf32>
        %mul3A_485 = arith.mulf %get3A_473, %mul3A_484 : vector<16xf32>
        %add3A_486 = arith.constant 2.000000e+03 : f32
        %add3A_487 = vector.broadcast %add3A_486 : f32 to vector<16xf32>
        %add3A_488 = arith.addf %mul3A_485, %add3A_487 : vector<16xf32>
        %mul3A_489 = arith.mulf %add3A_482, %add3A_488 : vector<16xf32>
        %sub3A_490 = arith.subf %get3A_467, %get3A_470 : vector<16xf32>
        %mul3A_491 = arith.constant 1.200000e+03 : f32
        %mul3A_492 = vector.broadcast %mul3A_491 : f32 to vector<16xf32>
        %mul3A_493 = arith.mulf %get3A_476, %mul3A_492 : vector<16xf32>
        %add3A_494 = arith.constant 0.000000e+00 : f32
        %add3A_495 = vector.broadcast %add3A_494 : f32 to vector<16xf32>
        %add3A_496 = arith.addf %mul3A_493, %add3A_495 : vector<16xf32>
        %sub3A_497 = arith.subf %mul3A_489, %add3A_496 : vector<16xf32>
        %mul3A_498 = arith.mulf %mul3A_489, %add3A_395 : vector<16xf32>
        %mul3A_499 = arith.mulf %sub3A_490, %add3A_395 : vector<16xf32>
        %mul3A_500 = arith.mulf %sub3A_497, %add3A_395 : vector<16xf32>
        %swap3A_501 = arith.index_cast %add3A_464 : i32 to index
        %swap3A_502 = tpu.vector_load %arg21[%swap3A_501] {strides = array<i32>} : memref<5120xf32, #tpu.memory_space<vmem>>, vector<16xf32>,
        %swap3A_503 = vector.shape_cast %swap3A_502 : vector<16xf32> to vector<16xf32>
        %swap3A_504 = vector.shape_cast %mul3A_498 : vector<16xf32> to vector<16xf32>
        tpu.vector_store %arg21[%swap3A_501], %swap3A_504 {strides = array<i32>} : memref<5120xf32, #tpu.memory_space<vmem>>, vector<16xf32>,
        %neg3A_505 = arith.constant 0.000000e+00 : f32
        %neg3A_506 = vector.broadcast %neg3A_505 : f32 to vector<16xf32>
        %neg3A_507 = arith.subf %neg3A_506, %mul3A_498 : vector<16xf32>
        %swap3A_508 = arith.index_cast %add3A_464 : i32 to index
        %swap3A_509 = tpu.vector_load %arg22[%swap3A_508] {strides = array<i32>} : memref<5120xf32, #tpu.memory_space<vmem>>, vector<16xf32>,
        %swap3A_510 = vector.shape_cast %swap3A_509 : vector<16xf32> to vector<16xf32>
        %swap3A_511 = vector.shape_cast %neg3A_507 : vector<16xf32> to vector<16xf32>
        tpu.vector_store %arg22[%swap3A_508], %swap3A_511 {strides = array<i32>} : memref<5120xf32, #tpu.memory_space<vmem>>, vector<16xf32>,
        %mul3A_512 = arith.mulf %mul3A_499, %mul3A_499 : vector<16xf32>
        %add3A_513 = arith.addf %add3A_458, %mul3A_512 : vector<16xf32>
        %mul3A_514 = arith.mulf %mul3A_500, %mul3A_500 : vector<16xf32>
        %add3A_515 = arith.addf %add3A_460, %mul3A_514 : vector<16xf32>
        %mul3A_516 = arith.constant 128 : i32
        %mul3A_517 = arith.muli %scan3A_406, %mul3A_516 : i32
        %add3A_518 = arith.constant 32 : i32
        %add3A_519 = arith.addi %mul3A_517, %add3A_518 : i32
        %get3A_520 = arith.index_cast %add3A_519 : i32 to index
        %get3A_521 = tpu.vector_load %arg17[%get3A_520] {strides = array<i32>} : memref<5120xf32, #tpu.memory_space<vmem>>, vector<16xf32>,
        %get3A_522 = vector.shape_cast %get3A_521 : vector<16xf32> to vector<16xf32>
        %get3A_523 = arith.index_cast %add3A_519 : i32 to index
        %get3A_524 = tpu.vector_load %arg18[%get3A_523] {strides = array<i32>} : memref<5120xf32, #tpu.memory_space<vmem>>, vector<16xf32>,
        %get3A_525 = vector.shape_cast %get3A_524 : vector<16xf32> to vector<16xf32>
        %get3A_526 = arith.index_cast %add3A_519 : i32 to index
        %get3A_527 = tpu.vector_load %arg19[%get3A_526] {strides = array<i32>} : memref<5120xf32, #tpu.memory_space<vmem>>, vector<16xf32>,
        %get3A_528 = vector.shape_cast %get3A_527 : vector<16xf32> to vector<16xf32>
        %get3A_529 = arith.index_cast %add3A_519 : i32 to index
        %get3A_530 = tpu.vector_load %arg20[%get3A_529] {strides = array<i32>} : memref<5120xf32, #tpu.memory_space<vmem>>, vector<16xf32>,
        %get3A_531 = vector.shape_cast %get3A_530 : vector<16xf32> to vector<16xf32>
        %mul3A_532 = arith.constant 8.000000e-01 : f32
        %mul3A_533 = vector.broadcast %mul3A_532 : f32 to vector<16xf32>
        %mul3A_534 = arith.mulf %get3A_522, %mul3A_533 : vector<16xf32>
        %add3A_535 = arith.constant 5.000000e-01 : f32
        %add3A_536 = vector.broadcast %add3A_535 : f32 to vector<16xf32>
        %add3A_537 = arith.addf %mul3A_534, %add3A_536 : vector<16xf32>
        %mul3A_538 = arith.constant 1.500000e+03 : f32
        %mul3A_539 = vector.broadcast %mul3A_538 : f32 to vector<16xf32>
        %mul3A_540 = arith.mulf %get3A_528, %mul3A_539 : vector<16xf32>
        %add3A_541 = arith.constant 2.000000e+03 : f32
        %add3A_542 = vector.broadcast %add3A_541 : f32 to vector<16xf32>
        %add3A_543 = arith.addf %mul3A_540, %add3A_542 : vector<16xf32>
        %mul3A_544 = arith.mulf %add3A_537, %add3A_543 : vector<16xf32>
        %sub3A_545 = arith.subf %get3A_522, %get3A_525 : vector<16xf32>
        %mul3A_546 = arith.constant 1.200000e+03 : f32
        %mul3A_547 = vector.broadcast %mul3A_546 : f32 to vector<16xf32>
        %mul3A_548 = arith.mulf %get3A_531, %mul3A_547 : vector<16xf32>
        %add3A_549 = arith.constant 0.000000e+00 : f32
        %add3A_550 = vector.broadcast %add3A_549 : f32 to vector<16xf32>
        %add3A_551 = arith.addf %mul3A_548, %add3A_550 : vector<16xf32>
        %sub3A_552 = arith.subf %mul3A_544, %add3A_551 : vector<16xf32>
        %mul3A_553 = arith.mulf %mul3A_544, %add3A_395 : vector<16xf32>
        %mul3A_554 = arith.mulf %sub3A_545, %add3A_395 : vector<16xf32>
        %mul3A_555 = arith.mulf %sub3A_552, %add3A_395 : vector<16xf32>
        %swap3A_556 = arith.index_cast %add3A_519 : i32 to index
        %swap3A_557 = tpu.vector_load %arg21[%swap3A_556] {strides = array<i32>} : memref<5120xf32, #tpu.memory_space<vmem>>, vector<16xf32>,
        %swap3A_558 = vector.shape_cast %swap3A_557 : vector<16xf32> to vector<16xf32>
        %swap3A_559 = vector.shape_cast %mul3A_553 : vector<16xf32> to vector<16xf32>
        tpu.vector_store %arg21[%swap3A_556], %swap3A_559 {strides = array<i32>} : memref<5120xf32, #tpu.memory_space<vmem>>, vector<16xf32>,
        %neg3A_560 = arith.constant 0.000000e+00 : f32
        %neg3A_561 = vector.broadcast %neg3A_560 : f32 to vector<16xf32>
        %neg3A_562 = arith.subf %neg3A_561, %mul3A_553 : vector<16xf32>
        %swap3A_563 = arith.index_cast %add3A_519 : i32 to index
        %swap3A_564 = tpu.vector_load %arg22[%swap3A_563] {strides = array<i32>} : memref<5120xf32, #tpu.memory_space<vmem>>, vector<16xf32>,
        %swap3A_565 = vector.shape_cast %swap3A_564 : vector<16xf32> to vector<16xf32>
        %swap3A_566 = vector.shape_cast %neg3A_562 : vector<16xf32> to vector<16xf32>
        tpu.vector_store %arg22[%swap3A_563], %swap3A_566 {strides = array<i32>} : memref<5120xf32, #tpu.memory_space<vmem>>, vector<16xf32>,
        %mul3A_567 = arith.mulf %mul3A_554, %mul3A_554 : vector<16xf32>
        %add3A_568 = arith.addf %add3A_513, %mul3A_567 : vector<16xf32>
        %mul3A_569 = arith.mulf %mul3A_555, %mul3A_555 : vector<16xf32>
        %add3A_570 = arith.addf %add3A_515, %mul3A_569 : vector<16xf32>
        %mul3A_571 = arith.constant 128 : i32
        %mul3A_572 = arith.muli %scan3A_406, %mul3A_571 : i32
        %add3A_573 = arith.constant 48 : i32
        %add3A_574 = arith.addi %mul3A_572, %add3A_573 : i32
        %get3A_575 = arith.index_cast %add3A_574 : i32 to index
        %get3A_576 = tpu.vector_load %arg17[%get3A_575] {strides = array<i32>} : memref<5120xf32, #tpu.memory_space<vmem>>, vector<16xf32>,
        %get3A_577 = vector.shape_cast %get3A_576 : vector<16xf32> to vector<16xf32>
        %get3A_578 = arith.index_cast %add3A_574 : i32 to index
        %get3A_579 = tpu.vector_load %arg18[%get3A_578] {strides = array<i32>} : memref<5120xf32, #tpu.memory_space<vmem>>, vector<16xf32>,
        %get3A_580 = vector.shape_cast %get3A_579 : vector<16xf32> to vector<16xf32>
        %get3A_581 = arith.index_cast %add3A_574 : i32 to index
        %get3A_582 = tpu.vector_load %arg19[%get3A_581] {strides = array<i32>} : memref<5120xf32, #tpu.memory_space<vmem>>, vector<16xf32>,
        %get3A_583 = vector.shape_cast %get3A_582 : vector<16xf32> to vector<16xf32>
        %get3A_584 = arith.index_cast %add3A_574 : i32 to index
        %get3A_585 = tpu.vector_load %arg20[%get3A_584] {strides = array<i32>} : memref<5120xf32, #tpu.memory_space<vmem>>, vector<16xf32>,
        %get3A_586 = vector.shape_cast %get3A_585 : vector<16xf32> to vector<16xf32>
        %mul3A_587 = arith.constant 8.000000e-01 : f32
        %mul3A_588 = vector.broadcast %mul3A_587 : f32 to vector<16xf32>
        %mul3A_589 = arith.mulf %get3A_577, %mul3A_588 : vector<16xf32>
        %add3A_590 = arith.constant 5.000000e-01 : f32
        %add3A_591 = vector.broadcast %add3A_590 : f32 to vector<16xf32>
        %add3A_592 = arith.addf %mul3A_589, %add3A_591 : vector<16xf32>
        %mul3A_593 = arith.constant 1.500000e+03 : f32
        %mul3A_594 = vector.broadcast %mul3A_593 : f32 to vector<16xf32>
        %mul3A_595 = arith.mulf %get3A_583, %mul3A_594 : vector<16xf32>
        %add3A_596 = arith.constant 2.000000e+03 : f32
        %add3A_597 = vector.broadcast %add3A_596 : f32 to vector<16xf32>
        %add3A_598 = arith.addf %mul3A_595, %add3A_597 : vector<16xf32>
        %mul3A_599 = arith.mulf %add3A_592, %add3A_598 : vector<16xf32>
        %sub3A_600 = arith.subf %get3A_577, %get3A_580 : vector<16xf32>
        %mul3A_601 = arith.constant 1.200000e+03 : f32
        %mul3A_602 = vector.broadcast %mul3A_601 : f32 to vector<16xf32>
        %mul3A_603 = arith.mulf %get3A_586, %mul3A_602 : vector<16xf32>
        %add3A_604 = arith.constant 0.000000e+00 : f32
        %add3A_605 = vector.broadcast %add3A_604 : f32 to vector<16xf32>
        %add3A_606 = arith.addf %mul3A_603, %add3A_605 : vector<16xf32>
        %sub3A_607 = arith.subf %mul3A_599, %add3A_606 : vector<16xf32>
        %mul3A_608 = arith.mulf %mul3A_599, %add3A_395 : vector<16xf32>
        %mul3A_609 = arith.mulf %sub3A_600, %add3A_395 : vector<16xf32>
        %mul3A_610 = arith.mulf %sub3A_607, %add3A_395 : vector<16xf32>
        %swap3A_611 = arith.index_cast %add3A_574 : i32 to index
        %swap3A_612 = tpu.vector_load %arg21[%swap3A_611] {strides = array<i32>} : memref<5120xf32, #tpu.memory_space<vmem>>, vector<16xf32>,
        %swap3A_613 = vector.shape_cast %swap3A_612 : vector<16xf32> to vector<16xf32>
        %swap3A_614 = vector.shape_cast %mul3A_608 : vector<16xf32> to vector<16xf32>
        tpu.vector_store %arg21[%swap3A_611], %swap3A_614 {strides = array<i32>} : memref<5120xf32, #tpu.memory_space<vmem>>, vector<16xf32>,
        %neg3A_615 = arith.constant 0.000000e+00 : f32
        %neg3A_616 = vector.broadcast %neg3A_615 : f32 to vector<16xf32>
        %neg3A_617 = arith.subf %neg3A_616, %mul3A_608 : vector<16xf32>
        %swap3A_618 = arith.index_cast %add3A_574 : i32 to index
        %swap3A_619 = tpu.vector_load %arg22[%swap3A_618] {strides = array<i32>} : memref<5120xf32, #tpu.memory_space<vmem>>, vector<16xf32>,
        %swap3A_620 = vector.shape_cast %swap3A_619 : vector<16xf32> to vector<16xf32>
        %swap3A_621 = vector.shape_cast %neg3A_617 : vector<16xf32> to vector<16xf32>
        tpu.vector_store %arg22[%swap3A_618], %swap3A_621 {strides = array<i32>} : memref<5120xf32, #tpu.memory_space<vmem>>, vector<16xf32>,
        %mul3A_622 = arith.mulf %mul3A_609, %mul3A_609 : vector<16xf32>
        %add3A_623 = arith.addf %add3A_568, %mul3A_622 : vector<16xf32>
        %mul3A_624 = arith.mulf %mul3A_610, %mul3A_610 : vector<16xf32>
        %add3A_625 = arith.addf %add3A_570, %mul3A_624 : vector<16xf32>
        %mul3A_626 = arith.constant 128 : i32
        %mul3A_627 = arith.muli %scan3A_406, %mul3A_626 : i32
        %add3A_628 = arith.constant 64 : i32
        %add3A_629 = arith.addi %mul3A_627, %add3A_628 : i32
        %get3A_630 = arith.index_cast %add3A_629 : i32 to index
        %get3A_631 = tpu.vector_load %arg17[%get3A_630] {strides = array<i32>} : memref<5120xf32, #tpu.memory_space<vmem>>, vector<16xf32>,
        %get3A_632 = vector.shape_cast %get3A_631 : vector<16xf32> to vector<16xf32>
        %get3A_633 = arith.index_cast %add3A_629 : i32 to index
        %get3A_634 = tpu.vector_load %arg18[%get3A_633] {strides = array<i32>} : memref<5120xf32, #tpu.memory_space<vmem>>, vector<16xf32>,
        %get3A_635 = vector.shape_cast %get3A_634 : vector<16xf32> to vector<16xf32>
        %get3A_636 = arith.index_cast %add3A_629 : i32 to index
        %get3A_637 = tpu.vector_load %arg19[%get3A_636] {strides = array<i32>} : memref<5120xf32, #tpu.memory_space<vmem>>, vector<16xf32>,
        %get3A_638 = vector.shape_cast %get3A_637 : vector<16xf32> to vector<16xf32>
        %get3A_639 = arith.index_cast %add3A_629 : i32 to index
        %get3A_640 = tpu.vector_load %arg20[%get3A_639] {strides = array<i32>} : memref<5120xf32, #tpu.memory_space<vmem>>, vector<16xf32>,
        %get3A_641 = vector.shape_cast %get3A_640 : vector<16xf32> to vector<16xf32>
        %mul3A_642 = arith.constant 8.000000e-01 : f32
        %mul3A_643 = vector.broadcast %mul3A_642 : f32 to vector<16xf32>
        %mul3A_644 = arith.mulf %get3A_632, %mul3A_643 : vector<16xf32>
        %add3A_645 = arith.constant 5.000000e-01 : f32
        %add3A_646 = vector.broadcast %add3A_645 : f32 to vector<16xf32>
        %add3A_647 = arith.addf %mul3A_644, %add3A_646 : vector<16xf32>
        %mul3A_648 = arith.constant 1.500000e+03 : f32
        %mul3A_649 = vector.broadcast %mul3A_648 : f32 to vector<16xf32>
        %mul3A_650 = arith.mulf %get3A_638, %mul3A_649 : vector<16xf32>
        %add3A_651 = arith.constant 2.000000e+03 : f32
        %add3A_652 = vector.broadcast %add3A_651 : f32 to vector<16xf32>
        %add3A_653 = arith.addf %mul3A_650, %add3A_652 : vector<16xf32>
        %mul3A_654 = arith.mulf %add3A_647, %add3A_653 : vector<16xf32>
        %sub3A_655 = arith.subf %get3A_632, %get3A_635 : vector<16xf32>
        %mul3A_656 = arith.constant 1.200000e+03 : f32
        %mul3A_657 = vector.broadcast %mul3A_656 : f32 to vector<16xf32>
        %mul3A_658 = arith.mulf %get3A_641, %mul3A_657 : vector<16xf32>
        %add3A_659 = arith.constant 0.000000e+00 : f32
        %add3A_660 = vector.broadcast %add3A_659 : f32 to vector<16xf32>
        %add3A_661 = arith.addf %mul3A_658, %add3A_660 : vector<16xf32>
        %sub3A_662 = arith.subf %mul3A_654, %add3A_661 : vector<16xf32>
        %mul3A_663 = arith.mulf %mul3A_654, %add3A_395 : vector<16xf32>
        %mul3A_664 = arith.mulf %sub3A_655, %add3A_395 : vector<16xf32>
        %mul3A_665 = arith.mulf %sub3A_662, %add3A_395 : vector<16xf32>
        %swap3A_666 = arith.index_cast %add3A_629 : i32 to index
        %swap3A_667 = tpu.vector_load %arg21[%swap3A_666] {strides = array<i32>} : memref<5120xf32, #tpu.memory_space<vmem>>, vector<16xf32>,
        %swap3A_668 = vector.shape_cast %swap3A_667 : vector<16xf32> to vector<16xf32>
        %swap3A_669 = vector.shape_cast %mul3A_663 : vector<16xf32> to vector<16xf32>
        tpu.vector_store %arg21[%swap3A_666], %swap3A_669 {strides = array<i32>} : memref<5120xf32, #tpu.memory_space<vmem>>, vector<16xf32>,
        %neg3A_670 = arith.constant 0.000000e+00 : f32
        %neg3A_671 = vector.broadcast %neg3A_670 : f32 to vector<16xf32>
        %neg3A_672 = arith.subf %neg3A_671, %mul3A_663 : vector<16xf32>
        %swap3A_673 = arith.index_cast %add3A_629 : i32 to index
        %swap3A_674 = tpu.vector_load %arg22[%swap3A_673] {strides = array<i32>} : memref<5120xf32, #tpu.memory_space<vmem>>, vector<16xf32>,
        %swap3A_675 = vector.shape_cast %swap3A_674 : vector<16xf32> to vector<16xf32>
        %swap3A_676 = vector.shape_cast %neg3A_672 : vector<16xf32> to vector<16xf32>
        tpu.vector_store %arg22[%swap3A_673], %swap3A_676 {strides = array<i32>} : memref<5120xf32, #tpu.memory_space<vmem>>, vector<16xf32>,
        %mul3A_677 = arith.mulf %mul3A_664, %mul3A_664 : vector<16xf32>
        %add3A_678 = arith.addf %add3A_623, %mul3A_677 : vector<16xf32>
        %mul3A_679 = arith.mulf %mul3A_665, %mul3A_665 : vector<16xf32>
        %add3A_680 = arith.addf %add3A_625, %mul3A_679 : vector<16xf32>
        %mul3A_681 = arith.constant 128 : i32
        %mul3A_682 = arith.muli %scan3A_406, %mul3A_681 : i32
        %add3A_683 = arith.constant 80 : i32
        %add3A_684 = arith.addi %mul3A_682, %add3A_683 : i32
        %get3A_685 = arith.index_cast %add3A_684 : i32 to index
        %get3A_686 = tpu.vector_load %arg17[%get3A_685] {strides = array<i32>} : memref<5120xf32, #tpu.memory_space<vmem>>, vector<16xf32>,
        %get3A_687 = vector.shape_cast %get3A_686 : vector<16xf32> to vector<16xf32>
        %get3A_688 = arith.index_cast %add3A_684 : i32 to index
        %get3A_689 = tpu.vector_load %arg18[%get3A_688] {strides = array<i32>} : memref<5120xf32, #tpu.memory_space<vmem>>, vector<16xf32>,
        %get3A_690 = vector.shape_cast %get3A_689 : vector<16xf32> to vector<16xf32>
        %get3A_691 = arith.index_cast %add3A_684 : i32 to index
        %get3A_692 = tpu.vector_load %arg19[%get3A_691] {strides = array<i32>} : memref<5120xf32, #tpu.memory_space<vmem>>, vector<16xf32>,
        %get3A_693 = vector.shape_cast %get3A_692 : vector<16xf32> to vector<16xf32>
        %get3A_694 = arith.index_cast %add3A_684 : i32 to index
        %get3A_695 = tpu.vector_load %arg20[%get3A_694] {strides = array<i32>} : memref<5120xf32, #tpu.memory_space<vmem>>, vector<16xf32>,
        %get3A_696 = vector.shape_cast %get3A_695 : vector<16xf32> to vector<16xf32>
        %mul3A_697 = arith.constant 8.000000e-01 : f32
        %mul3A_698 = vector.broadcast %mul3A_697 : f32 to vector<16xf32>
        %mul3A_699 = arith.mulf %get3A_687, %mul3A_698 : vector<16xf32>
        %add3A_700 = arith.constant 5.000000e-01 : f32
        %add3A_701 = vector.broadcast %add3A_700 : f32 to vector<16xf32>
        %add3A_702 = arith.addf %mul3A_699, %add3A_701 : vector<16xf32>
        %mul3A_703 = arith.constant 1.500000e+03 : f32
        %mul3A_704 = vector.broadcast %mul3A_703 : f32 to vector<16xf32>
        %mul3A_705 = arith.mulf %get3A_693, %mul3A_704 : vector<16xf32>
        %add3A_706 = arith.constant 2.000000e+03 : f32
        %add3A_707 = vector.broadcast %add3A_706 : f32 to vector<16xf32>
        %add3A_708 = arith.addf %mul3A_705, %add3A_707 : vector<16xf32>
        %mul3A_709 = arith.mulf %add3A_702, %add3A_708 : vector<16xf32>
        %sub3A_710 = arith.subf %get3A_687, %get3A_690 : vector<16xf32>
        %mul3A_711 = arith.constant 1.200000e+03 : f32
        %mul3A_712 = vector.broadcast %mul3A_711 : f32 to vector<16xf32>
        %mul3A_713 = arith.mulf %get3A_696, %mul3A_712 : vector<16xf32>
        %add3A_714 = arith.constant 0.000000e+00 : f32
        %add3A_715 = vector.broadcast %add3A_714 : f32 to vector<16xf32>
        %add3A_716 = arith.addf %mul3A_713, %add3A_715 : vector<16xf32>
        %sub3A_717 = arith.subf %mul3A_709, %add3A_716 : vector<16xf32>
        %mul3A_718 = arith.mulf %mul3A_709, %add3A_395 : vector<16xf32>
        %mul3A_719 = arith.mulf %sub3A_710, %add3A_395 : vector<16xf32>
        %mul3A_720 = arith.mulf %sub3A_717, %add3A_395 : vector<16xf32>
        %swap3A_721 = arith.index_cast %add3A_684 : i32 to index
        %swap3A_722 = tpu.vector_load %arg21[%swap3A_721] {strides = array<i32>} : memref<5120xf32, #tpu.memory_space<vmem>>, vector<16xf32>,
        %swap3A_723 = vector.shape_cast %swap3A_722 : vector<16xf32> to vector<16xf32>
        %swap3A_724 = vector.shape_cast %mul3A_718 : vector<16xf32> to vector<16xf32>
        tpu.vector_store %arg21[%swap3A_721], %swap3A_724 {strides = array<i32>} : memref<5120xf32, #tpu.memory_space<vmem>>, vector<16xf32>,
        %neg3A_725 = arith.constant 0.000000e+00 : f32
        %neg3A_726 = vector.broadcast %neg3A_725 : f32 to vector<16xf32>
        %neg3A_727 = arith.subf %neg3A_726, %mul3A_718 : vector<16xf32>
        %swap3A_728 = arith.index_cast %add3A_684 : i32 to index
        %swap3A_729 = tpu.vector_load %arg22[%swap3A_728] {strides = array<i32>} : memref<5120xf32, #tpu.memory_space<vmem>>, vector<16xf32>,
        %swap3A_730 = vector.shape_cast %swap3A_729 : vector<16xf32> to vector<16xf32>
        %swap3A_731 = vector.shape_cast %neg3A_727 : vector<16xf32> to vector<16xf32>
        tpu.vector_store %arg22[%swap3A_728], %swap3A_731 {strides = array<i32>} : memref<5120xf32, #tpu.memory_space<vmem>>, vector<16xf32>,
        %mul3A_732 = arith.mulf %mul3A_719, %mul3A_719 : vector<16xf32>
        %add3A_733 = arith.addf %add3A_678, %mul3A_732 : vector<16xf32>
        %mul3A_734 = arith.mulf %mul3A_720, %mul3A_720 : vector<16xf32>
        %add3A_735 = arith.addf %add3A_680, %mul3A_734 : vector<16xf32>
        %mul3A_736 = arith.constant 128 : i32
        %mul3A_737 = arith.muli %scan3A_406, %mul3A_736 : i32
        %add3A_738 = arith.constant 96 : i32
        %add3A_739 = arith.addi %mul3A_737, %add3A_738 : i32
        %get3A_740 = arith.index_cast %add3A_739 : i32 to index
        %get3A_741 = tpu.vector_load %arg17[%get3A_740] {strides = array<i32>} : memref<5120xf32, #tpu.memory_space<vmem>>, vector<16xf32>,
        %get3A_742 = vector.shape_cast %get3A_741 : vector<16xf32> to vector<16xf32>
        %get3A_743 = arith.index_cast %add3A_739 : i32 to index
        %get3A_744 = tpu.vector_load %arg18[%get3A_743] {strides = array<i32>} : memref<5120xf32, #tpu.memory_space<vmem>>, vector<16xf32>,
        %get3A_745 = vector.shape_cast %get3A_744 : vector<16xf32> to vector<16xf32>
        %get3A_746 = arith.index_cast %add3A_739 : i32 to index
        %get3A_747 = tpu.vector_load %arg19[%get3A_746] {strides = array<i32>} : memref<5120xf32, #tpu.memory_space<vmem>>, vector<16xf32>,
        %get3A_748 = vector.shape_cast %get3A_747 : vector<16xf32> to vector<16xf32>
        %get3A_749 = arith.index_cast %add3A_739 : i32 to index
        %get3A_750 = tpu.vector_load %arg20[%get3A_749] {strides = array<i32>} : memref<5120xf32, #tpu.memory_space<vmem>>, vector<16xf32>,
        %get3A_751 = vector.shape_cast %get3A_750 : vector<16xf32> to vector<16xf32>
        %mul3A_752 = arith.constant 8.000000e-01 : f32
        %mul3A_753 = vector.broadcast %mul3A_752 : f32 to vector<16xf32>
        %mul3A_754 = arith.mulf %get3A_742, %mul3A_753 : vector<16xf32>
        %add3A_755 = arith.constant 5.000000e-01 : f32
        %add3A_756 = vector.broadcast %add3A_755 : f32 to vector<16xf32>
        %add3A_757 = arith.addf %mul3A_754, %add3A_756 : vector<16xf32>
        %mul3A_758 = arith.constant 1.500000e+03 : f32
        %mul3A_759 = vector.broadcast %mul3A_758 : f32 to vector<16xf32>
        %mul3A_760 = arith.mulf %get3A_748, %mul3A_759 : vector<16xf32>
        %add3A_761 = arith.constant 2.000000e+03 : f32
        %add3A_762 = vector.broadcast %add3A_761 : f32 to vector<16xf32>
        %add3A_763 = arith.addf %mul3A_760, %add3A_762 : vector<16xf32>
        %mul3A_764 = arith.mulf %add3A_757, %add3A_763 : vector<16xf32>
        %sub3A_765 = arith.subf %get3A_742, %get3A_745 : vector<16xf32>
        %mul3A_766 = arith.constant 1.200000e+03 : f32
        %mul3A_767 = vector.broadcast %mul3A_766 : f32 to vector<16xf32>
        %mul3A_768 = arith.mulf %get3A_751, %mul3A_767 : vector<16xf32>
        %add3A_769 = arith.constant 0.000000e+00 : f32
        %add3A_770 = vector.broadcast %add3A_769 : f32 to vector<16xf32>
        %add3A_771 = arith.addf %mul3A_768, %add3A_770 : vector<16xf32>
        %sub3A_772 = arith.subf %mul3A_764, %add3A_771 : vector<16xf32>
        %mul3A_773 = arith.mulf %mul3A_764, %add3A_395 : vector<16xf32>
        %mul3A_774 = arith.mulf %sub3A_765, %add3A_395 : vector<16xf32>
        %mul3A_775 = arith.mulf %sub3A_772, %add3A_395 : vector<16xf32>
        %swap3A_776 = arith.index_cast %add3A_739 : i32 to index
        %swap3A_777 = tpu.vector_load %arg21[%swap3A_776] {strides = array<i32>} : memref<5120xf32, #tpu.memory_space<vmem>>, vector<16xf32>,
        %swap3A_778 = vector.shape_cast %swap3A_777 : vector<16xf32> to vector<16xf32>
        %swap3A_779 = vector.shape_cast %mul3A_773 : vector<16xf32> to vector<16xf32>
        tpu.vector_store %arg21[%swap3A_776], %swap3A_779 {strides = array<i32>} : memref<5120xf32, #tpu.memory_space<vmem>>, vector<16xf32>,
        %neg3A_780 = arith.constant 0.000000e+00 : f32
        %neg3A_781 = vector.broadcast %neg3A_780 : f32 to vector<16xf32>
        %neg3A_782 = arith.subf %neg3A_781, %mul3A_773 : vector<16xf32>
        %swap3A_783 = arith.index_cast %add3A_739 : i32 to index
        %swap3A_784 = tpu.vector_load %arg22[%swap3A_783] {strides = array<i32>} : memref<5120xf32, #tpu.memory_space<vmem>>, vector<16xf32>,
        %swap3A_785 = vector.shape_cast %swap3A_784 : vector<16xf32> to vector<16xf32>
        %swap3A_786 = vector.shape_cast %neg3A_782 : vector<16xf32> to vector<16xf32>
        tpu.vector_store %arg22[%swap3A_783], %swap3A_786 {strides = array<i32>} : memref<5120xf32, #tpu.memory_space<vmem>>, vector<16xf32>,
        %mul3A_787 = arith.mulf %mul3A_774, %mul3A_774 : vector<16xf32>
        %add3A_788 = arith.addf %add3A_733, %mul3A_787 : vector<16xf32>
        %mul3A_789 = arith.mulf %mul3A_775, %mul3A_775 : vector<16xf32>
        %add3A_790 = arith.addf %add3A_735, %mul3A_789 : vector<16xf32>
        %mul3A_791 = arith.constant 128 : i32
        %mul3A_792 = arith.muli %scan3A_406, %mul3A_791 : i32
        %add3A_793 = arith.constant 112 : i32
        %add3A_794 = arith.addi %mul3A_792, %add3A_793 : i32
        %get3A_795 = arith.index_cast %add3A_794 : i32 to index
        %get3A_796 = tpu.vector_load %arg17[%get3A_795] {strides = array<i32>} : memref<5120xf32, #tpu.memory_space<vmem>>, vector<16xf32>,
        %get3A_797 = vector.shape_cast %get3A_796 : vector<16xf32> to vector<16xf32>
        %get3A_798 = arith.index_cast %add3A_794 : i32 to index
        %get3A_799 = tpu.vector_load %arg18[%get3A_798] {strides = array<i32>} : memref<5120xf32, #tpu.memory_space<vmem>>, vector<16xf32>,
        %get3A_800 = vector.shape_cast %get3A_799 : vector<16xf32> to vector<16xf32>
        %get3A_801 = arith.index_cast %add3A_794 : i32 to index
        %get3A_802 = tpu.vector_load %arg19[%get3A_801] {strides = array<i32>} : memref<5120xf32, #tpu.memory_space<vmem>>, vector<16xf32>,
        %get3A_803 = vector.shape_cast %get3A_802 : vector<16xf32> to vector<16xf32>
        %get3A_804 = arith.index_cast %add3A_794 : i32 to index
        %get3A_805 = tpu.vector_load %arg20[%get3A_804] {strides = array<i32>} : memref<5120xf32, #tpu.memory_space<vmem>>, vector<16xf32>,
        %get3A_806 = vector.shape_cast %get3A_805 : vector<16xf32> to vector<16xf32>
        %mul3A_807 = arith.constant 8.000000e-01 : f32
        %mul3A_808 = vector.broadcast %mul3A_807 : f32 to vector<16xf32>
        %mul3A_809 = arith.mulf %get3A_797, %mul3A_808 : vector<16xf32>
        %add3A_810 = arith.constant 5.000000e-01 : f32
        %add3A_811 = vector.broadcast %add3A_810 : f32 to vector<16xf32>
        %add3A_812 = arith.addf %mul3A_809, %add3A_811 : vector<16xf32>
        %mul3A_813 = arith.constant 1.500000e+03 : f32
        %mul3A_814 = vector.broadcast %mul3A_813 : f32 to vector<16xf32>
        %mul3A_815 = arith.mulf %get3A_803, %mul3A_814 : vector<16xf32>
        %add3A_816 = arith.constant 2.000000e+03 : f32
        %add3A_817 = vector.broadcast %add3A_816 : f32 to vector<16xf32>
        %add3A_818 = arith.addf %mul3A_815, %add3A_817 : vector<16xf32>
        %mul3A_819 = arith.mulf %add3A_812, %add3A_818 : vector<16xf32>
        %sub3A_820 = arith.subf %get3A_797, %get3A_800 : vector<16xf32>
        %mul3A_821 = arith.constant 1.200000e+03 : f32
        %mul3A_822 = vector.broadcast %mul3A_821 : f32 to vector<16xf32>
        %mul3A_823 = arith.mulf %get3A_806, %mul3A_822 : vector<16xf32>
        %add3A_824 = arith.constant 0.000000e+00 : f32
        %add3A_825 = vector.broadcast %add3A_824 : f32 to vector<16xf32>
        %add3A_826 = arith.addf %mul3A_823, %add3A_825 : vector<16xf32>
        %sub3A_827 = arith.subf %mul3A_819, %add3A_826 : vector<16xf32>
        %mul3A_828 = arith.mulf %mul3A_819, %add3A_395 : vector<16xf32>
        %mul3A_829 = arith.mulf %sub3A_820, %add3A_395 : vector<16xf32>
        %mul3A_830 = arith.mulf %sub3A_827, %add3A_395 : vector<16xf32>
        %swap3A_831 = arith.index_cast %add3A_794 : i32 to index
        %swap3A_832 = tpu.vector_load %arg21[%swap3A_831] {strides = array<i32>} : memref<5120xf32, #tpu.memory_space<vmem>>, vector<16xf32>,
        %swap3A_833 = vector.shape_cast %swap3A_832 : vector<16xf32> to vector<16xf32>
        %swap3A_834 = vector.shape_cast %mul3A_828 : vector<16xf32> to vector<16xf32>
        tpu.vector_store %arg21[%swap3A_831], %swap3A_834 {strides = array<i32>} : memref<5120xf32, #tpu.memory_space<vmem>>, vector<16xf32>,
        %neg3A_835 = arith.constant 0.000000e+00 : f32
        %neg3A_836 = vector.broadcast %neg3A_835 : f32 to vector<16xf32>
        %neg3A_837 = arith.subf %neg3A_836, %mul3A_828 : vector<16xf32>
        %swap3A_838 = arith.index_cast %add3A_794 : i32 to index
        %swap3A_839 = tpu.vector_load %arg22[%swap3A_838] {strides = array<i32>} : memref<5120xf32, #tpu.memory_space<vmem>>, vector<16xf32>,
        %swap3A_840 = vector.shape_cast %swap3A_839 : vector<16xf32> to vector<16xf32>
        %swap3A_841 = vector.shape_cast %neg3A_837 : vector<16xf32> to vector<16xf32>
        tpu.vector_store %arg22[%swap3A_838], %swap3A_841 {strides = array<i32>} : memref<5120xf32, #tpu.memory_space<vmem>>, vector<16xf32>,
        %mul3A_842 = arith.mulf %mul3A_829, %mul3A_829 : vector<16xf32>
        %add3A_843 = arith.addf %add3A_788, %mul3A_842 : vector<16xf32>
        %mul3A_844 = arith.mulf %mul3A_830, %mul3A_830 : vector<16xf32>
        %add3A_845 = arith.addf %add3A_790, %mul3A_844 : vector<16xf32>
        scf.yield %add3A_843, %add3A_845 : vector<16xf32>, vector<16xf32>
      }
      %scan3A_401 = arith.constant 40 : i32
      %dma_start3A_402 = arith.constant 0 : i32
      %dma_start3A_403 = tpu.memref_slice %arg34[%dma_start3A_402] : memref<100096xf32, #tpu.memory_space<vmem_shared>> -> memref<100096xf32, #tpu.memory_space<vmem_shared>>
      tpu.enqueue_indirect_dma source(%arg21 : memref<5120xf32, #tpu.memory_space<vmem>>) target(%dma_start3A_403 : memref<100096xf32, #tpu.memory_space<vmem_shared>>) offsets(%arg24 : memref<5120xi32, #tpu.memory_space<vmem>>) semaphore(%arg39 : memref<!tpu.dma_semaphore, #tpu.memory_space<semaphore_mem>>) {add = true}
      %dma_start3A_404 = arith.constant 0 : i32
      %dma_start3A_405 = tpu.memref_slice %arg34[%dma_start3A_404] : memref<100096xf32, #tpu.memory_space<vmem_shared>> -> memref<100096xf32, #tpu.memory_space<vmem_shared>>
      tpu.enqueue_indirect_dma source(%arg22 : memref<5120xf32, #tpu.memory_space<vmem>>) target(%dma_start3A_405 : memref<100096xf32, #tpu.memory_space<vmem_shared>>) offsets(%arg23 : memref<5120xi32, #tpu.memory_space<vmem>>) semaphore(%arg39 : memref<!tpu.dma_semaphore, #tpu.memory_space<semaphore_mem>>) {add = true}
      scf.yield %scan3A_400#0, %scan3A_400#1 : vector<16xf32>, vector<16xf32>
    }
    %scan3A_146 = arith.constant 6 : i32
    %dma_wait3A_147 = arith.constant 0 : i32
    %dma_wait3A_148 = tpu.memref_slice %arg34[%dma_wait3A_147] : memref<100096xf32, #tpu.memory_space<vmem_shared>> -> memref<100096xf32, #tpu.memory_space<vmem_shared>>
    tpu.wait_indirect_dma semaphore(%arg38 : memref<!tpu.dma_semaphore, #tpu.memory_space<semaphore_mem>>) src(%arg13 : memref<5120xf32, #tpu.memory_space<vmem>>) dst(%dma_wait3A_148 : memref<100096xf32, #tpu.memory_space<vmem_shared>>)
    %dma_wait3A_149 = arith.constant 0 : i32
    %dma_wait3A_150 = tpu.memref_slice %arg34[%dma_wait3A_149] : memref<100096xf32, #tpu.memory_space<vmem_shared>> -> memref<100096xf32, #tpu.memory_space<vmem_shared>>
    tpu.wait_indirect_dma semaphore(%arg38 : memref<!tpu.dma_semaphore, #tpu.memory_space<semaphore_mem>>) src(%arg14 : memref<5120xf32, #tpu.memory_space<vmem>>) dst(%dma_wait3A_150 : memref<100096xf32, #tpu.memory_space<vmem_shared>>)
    %dma_wait3A_151 = arith.constant 0 : i32
    %dma_wait3A_152 = tpu.memref_slice %arg34[%dma_wait3A_151] : memref<100096xf32, #tpu.memory_space<vmem_shared>> -> memref<100096xf32, #tpu.memory_space<vmem_shared>>
    tpu.wait_indirect_dma semaphore(%arg39 : memref<!tpu.dma_semaphore, #tpu.memory_space<semaphore_mem>>) src(%arg21 : memref<5120xf32, #tpu.memory_space<vmem>>) dst(%dma_wait3A_152 : memref<100096xf32, #tpu.memory_space<vmem_shared>>)
    %dma_wait3A_153 = arith.constant 0 : i32
    %dma_wait3A_154 = tpu.memref_slice %arg34[%dma_wait3A_153] : memref<100096xf32, #tpu.memory_space<vmem_shared>> -> memref<100096xf32, #tpu.memory_space<vmem_shared>>
    tpu.wait_indirect_dma semaphore(%arg39 : memref<!tpu.dma_semaphore, #tpu.memory_space<semaphore_mem>>) src(%arg22 : memref<5120xf32, #tpu.memory_space<vmem>>) dst(%dma_wait3A_154 : memref<100096xf32, #tpu.memory_space<vmem_shared>>)
    %dma_wait3A_155 = arith.constant 0 : i32
    %dma_wait3A_156 = tpu.memref_slice %arg2[%dma_wait3A_155] : memref<3200000xf32, #tpu.memory_space<hbm>> -> memref<5120xf32, #tpu.memory_space<hbm>>
    %dma_wait3A_157 = arith.constant 0 : i32
    %dma_wait3A_158 = tpu.memref_slice %arg2[%dma_wait3A_157] : memref<3200000xf32, #tpu.memory_space<hbm>> -> memref<5120xf32, #tpu.memory_space<hbm>>
    tpu.wait_dma2 semaphore(%arg37 : memref<!tpu.dma_semaphore, #tpu.memory_space<semaphore_mem>>) src(%dma_wait3A_158 : memref<5120xf32, #tpu.memory_space<hbm>>) dst(%arg25 : memref<5120xf32, #tpu.memory_space<vmem>>)
    %dma_wait3A_159 = arith.constant 0 : i32
    %dma_wait3A_160 = tpu.memref_slice %arg2[%dma_wait3A_159] : memref<3200000xf32, #tpu.memory_space<hbm>> -> memref<5120xf32, #tpu.memory_space<hbm>>
    %dma_wait3A_161 = arith.constant 0 : i32
    %dma_wait3A_162 = tpu.memref_slice %arg2[%dma_wait3A_161] : memref<3200000xf32, #tpu.memory_space<hbm>> -> memref<5120xf32, #tpu.memory_space<hbm>>
    tpu.wait_dma2 semaphore(%arg37 : memref<!tpu.dma_semaphore, #tpu.memory_space<semaphore_mem>>) src(%dma_wait3A_162 : memref<5120xf32, #tpu.memory_space<hbm>>) dst(%arg26 : memref<5120xf32, #tpu.memory_space<vmem>>)
    %dma_wait3A_163 = arith.constant 0 : i32
    %dma_wait3A_164 = tpu.memref_slice %arg2[%dma_wait3A_163] : memref<3200000xf32, #tpu.memory_space<hbm>> -> memref<5120xf32, #tpu.memory_space<hbm>>
    %dma_wait3A_165 = arith.constant 0 : i32
    %dma_wait3A_166 = tpu.memref_slice %arg2[%dma_wait3A_165] : memref<3200000xf32, #tpu.memory_space<hbm>> -> memref<5120xf32, #tpu.memory_space<hbm>>
    tpu.wait_dma2 semaphore(%arg37 : memref<!tpu.dma_semaphore, #tpu.memory_space<semaphore_mem>>) src(%dma_wait3A_166 : memref<5120xf32, #tpu.memory_space<hbm>>) dst(%arg27 : memref<5120xf32, #tpu.memory_space<vmem>>)
    %dma_wait3A_167 = arith.constant 0 : i32
    %dma_wait3A_168 = tpu.memref_slice %arg2[%dma_wait3A_167] : memref<3200000xf32, #tpu.memory_space<hbm>> -> memref<5120xf32, #tpu.memory_space<hbm>>
    %dma_wait3A_169 = arith.constant 0 : i32
    %dma_wait3A_170 = tpu.memref_slice %arg2[%dma_wait3A_169] : memref<3200000xf32, #tpu.memory_space<hbm>> -> memref<5120xf32, #tpu.memory_space<hbm>>
    tpu.wait_dma2 semaphore(%arg37 : memref<!tpu.dma_semaphore, #tpu.memory_space<semaphore_mem>>) src(%dma_wait3A_170 : memref<5120xf32, #tpu.memory_space<hbm>>) dst(%arg28 : memref<5120xf32, #tpu.memory_space<vmem>>)
    %dma_wait3A_171 = arith.constant 0 : i32
    %dma_wait3A_172 = tpu.memref_slice %arg2[%dma_wait3A_171] : memref<3200000xf32, #tpu.memory_space<hbm>> -> memref<5120xf32, #tpu.memory_space<hbm>>
    %dma_wait3A_173 = arith.constant 0 : i32
    %dma_wait3A_174 = tpu.memref_slice %arg2[%dma_wait3A_173] : memref<3200000xf32, #tpu.memory_space<hbm>> -> memref<5120xf32, #tpu.memory_space<hbm>>
    tpu.wait_dma2 semaphore(%arg37 : memref<!tpu.dma_semaphore, #tpu.memory_space<semaphore_mem>>) src(%dma_wait3A_174 : memref<5120xf32, #tpu.memory_space<hbm>>) dst(%arg31 : memref<5120xi32, #tpu.memory_space<vmem>>)
    %dma_wait3A_175 = arith.constant 0 : i32
    %dma_wait3A_176 = tpu.memref_slice %arg2[%dma_wait3A_175] : memref<3200000xf32, #tpu.memory_space<hbm>> -> memref<5120xf32, #tpu.memory_space<hbm>>
    %dma_wait3A_177 = arith.constant 0 : i32
    %dma_wait3A_178 = tpu.memref_slice %arg2[%dma_wait3A_177] : memref<3200000xf32, #tpu.memory_space<hbm>> -> memref<5120xf32, #tpu.memory_space<hbm>>
    tpu.wait_dma2 semaphore(%arg37 : memref<!tpu.dma_semaphore, #tpu.memory_space<semaphore_mem>>) src(%dma_wait3A_178 : memref<5120xf32, #tpu.memory_space<hbm>>) dst(%arg32 : memref<5120xi32, #tpu.memory_space<vmem>>)
    %swap3A = arith.constant 0 : index
    %swap3A_179 = tpu.vector_load %arg33[%swap3A] {strides = array<i32>} : memref<16xf32, #tpu.memory_space<vmem>>, vector<16xf32>,
    %swap3A_180 = vector.shape_cast %swap3A_179 : vector<16xf32> to vector<16xf32>
    %swap3A_181 = vector.shape_cast %scan3A_145#0 : vector<16xf32> to vector<16xf32>
    tpu.vector_store %arg33[%swap3A], %swap3A_181 {strides = array<i32>} : memref<16xf32, #tpu.memory_space<vmem>>, vector<16xf32>,
    %mul3A_182 = arith.constant 16 : i32
    %mul3A_183 = arith.muli %add3A, %mul3A_182 : i32
    "tpu.region"() ({
      %run_scoped3A = tpu.sem_alloc : memref<!tpu.dma_semaphore, #tpu.memory_space<semaphore_mem>>
      %dma_start3A_206 = tpu.memref_slice %arg8[%mul3A_183] : memref<1024xf32, #tpu.memory_space<hbm>> -> memref<16xf32, #tpu.memory_space<hbm>>
      %dma_start3A_207 = tpu.memref_slice %arg8[%mul3A_183] : memref<1024xf32, #tpu.memory_space<hbm>> -> memref<16xf32, #tpu.memory_space<hbm>>
      tpu.enqueue_dma source(%arg33 : memref<16xf32, #tpu.memory_space<vmem>>) target(%dma_start3A_207 : memref<16xf32, #tpu.memory_space<hbm>>) target_semaphore(%run_scoped3A : memref<!tpu.dma_semaphore, #tpu.memory_space<semaphore_mem>>)
      %dma_wait3A_208 = tpu.memref_slice %arg8[%mul3A_183] : memref<1024xf32, #tpu.memory_space<hbm>> -> memref<16xf32, #tpu.memory_space<hbm>>
      %dma_wait3A_209 = tpu.memref_slice %arg8[%mul3A_183] : memref<1024xf32, #tpu.memory_space<hbm>> -> memref<16xf32, #tpu.memory_space<hbm>>
      tpu.wait_dma2 semaphore(%run_scoped3A : memref<!tpu.dma_semaphore, #tpu.memory_space<semaphore_mem>>) src(%arg33 : memref<16xf32, #tpu.memory_space<vmem>>) dst(%dma_wait3A_209 : memref<16xf32, #tpu.memory_space<hbm>>)
      tpu.yield
    }) : () -> ()
    %swap3A_184 = arith.constant 0 : index
    %swap3A_185 = tpu.vector_load %arg33[%swap3A_184] {strides = array<i32>} : memref<16xf32, #tpu.memory_space<vmem>>, vector<16xf32>,
    %swap3A_186 = vector.shape_cast %swap3A_185 : vector<16xf32> to vector<16xf32>
    %swap3A_187 = vector.shape_cast %scan3A_145#1 : vector<16xf32> to vector<16xf32>
    tpu.vector_store %arg33[%swap3A_184], %swap3A_187 {strides = array<i32>} : memref<16xf32, #tpu.memory_space<vmem>>, vector<16xf32>,
    %add3A_188 = arith.constant 32 : i32
    %add3A_189 = arith.addi %add3A_188, %add3A : i32
    %mul3A_190 = arith.constant 16 : i32
    %mul3A_191 = arith.muli %add3A_189, %mul3A_190 : i32
    "tpu.region"() ({
      %run_scoped3A = tpu.sem_alloc : memref<!tpu.dma_semaphore, #tpu.memory_space<semaphore_mem>>
      %dma_start3A_206 = tpu.memref_slice %arg8[%mul3A_191] : memref<1024xf32, #tpu.memory_space<hbm>> -> memref<16xf32, #tpu.memory_space<hbm>>
      %dma_start3A_207 = tpu.memref_slice %arg8[%mul3A_191] : memref<1024xf32, #tpu.memory_space<hbm>> -> memref<16xf32, #tpu.memory_space<hbm>>
      tpu.enqueue_dma source(%arg33 : memref<16xf32, #tpu.memory_space<vmem>>) target(%dma_start3A_207 : memref<16xf32, #tpu.memory_space<hbm>>) target_semaphore(%run_scoped3A : memref<!tpu.dma_semaphore, #tpu.memory_space<semaphore_mem>>)
      %dma_wait3A_208 = tpu.memref_slice %arg8[%mul3A_191] : memref<1024xf32, #tpu.memory_space<hbm>> -> memref<16xf32, #tpu.memory_space<hbm>>
      %dma_wait3A_209 = tpu.memref_slice %arg8[%mul3A_191] : memref<1024xf32, #tpu.memory_space<hbm>> -> memref<16xf32, #tpu.memory_space<hbm>>
      tpu.wait_dma2 semaphore(%run_scoped3A : memref<!tpu.dma_semaphore, #tpu.memory_space<semaphore_mem>>) src(%arg33 : memref<16xf32, #tpu.memory_space<vmem>>) dst(%dma_wait3A_209 : memref<16xf32, #tpu.memory_space<hbm>>)
      tpu.yield
    }) : () -> ()
    %barrier3A_192 = arith.constant 0 : index
    tpu.barrier barrier_id(%barrier3A_192)
    %mul3A_193 = arith.constant 100096 : i32
    %mul3A_194 = arith.muli %arg0, %mul3A_193 : i32
    %mul3A_195 = arith.constant 6256 : i32
    %mul3A_196 = arith.muli %arg1, %mul3A_195 : i32
    %add3A_197 = arith.addi %mul3A_194, %mul3A_196 : i32
    %mul3A_198 = arith.constant 6256 : i32
    %mul3A_199 = arith.muli %arg1, %mul3A_198 : i32
    "tpu.region"() ({
      %run_scoped3A = tpu.sem_alloc : memref<!tpu.dma_semaphore, #tpu.memory_space<semaphore_mem>>
      %dma_start3A_206 = tpu.memref_slice %arg34[%mul3A_199] : memref<100096xf32, #tpu.memory_space<vmem_shared>> -> memref<5120xf32, #tpu.memory_space<vmem_shared>>
      %dma_start3A_207 = tpu.memref_slice %arg34[%mul3A_199] : memref<100096xf32, #tpu.memory_space<vmem_shared>> -> memref<5120xf32, #tpu.memory_space<vmem_shared>>
      tpu.enqueue_dma source(%dma_start3A_207 : memref<5120xf32, #tpu.memory_space<vmem_shared>>) target(%arg13 : memref<5120xf32, #tpu.memory_space<vmem>>) target_semaphore(%run_scoped3A : memref<!tpu.dma_semaphore, #tpu.memory_space<semaphore_mem>>)
      %dma_wait3A_208 = tpu.memref_slice %arg34[%mul3A_199] : memref<100096xf32, #tpu.memory_space<vmem_shared>> -> memref<5120xf32, #tpu.memory_space<vmem_shared>>
      %dma_wait3A_209 = tpu.memref_slice %arg34[%mul3A_199] : memref<100096xf32, #tpu.memory_space<vmem_shared>> -> memref<5120xf32, #tpu.memory_space<vmem_shared>>
      tpu.wait_dma2 semaphore(%run_scoped3A : memref<!tpu.dma_semaphore, #tpu.memory_space<semaphore_mem>>) src(%dma_wait3A_209 : memref<5120xf32, #tpu.memory_space<vmem_shared>>) dst(%arg13 : memref<5120xf32, #tpu.memory_space<vmem>>)
      tpu.yield
    }) : () -> ()
    "tpu.region"() ({
      %run_scoped3A = tpu.sem_alloc : memref<!tpu.dma_semaphore, #tpu.memory_space<semaphore_mem>>
      %dma_start3A_206 = tpu.memref_slice %arg7[%add3A_197] : memref<200192xf32, #tpu.memory_space<hbm>> -> memref<5120xf32, #tpu.memory_space<hbm>>
      %dma_start3A_207 = tpu.memref_slice %arg7[%add3A_197] : memref<200192xf32, #tpu.memory_space<hbm>> -> memref<5120xf32, #tpu.memory_space<hbm>>
      tpu.enqueue_dma source(%arg13 : memref<5120xf32, #tpu.memory_space<vmem>>) target(%dma_start3A_207 : memref<5120xf32, #tpu.memory_space<hbm>>) target_semaphore(%run_scoped3A : memref<!tpu.dma_semaphore, #tpu.memory_space<semaphore_mem>>)
      %dma_wait3A_208 = tpu.memref_slice %arg7[%add3A_197] : memref<200192xf32, #tpu.memory_space<hbm>> -> memref<5120xf32, #tpu.memory_space<hbm>>
      %dma_wait3A_209 = tpu.memref_slice %arg7[%add3A_197] : memref<200192xf32, #tpu.memory_space<hbm>> -> memref<5120xf32, #tpu.memory_space<hbm>>
      tpu.wait_dma2 semaphore(%run_scoped3A : memref<!tpu.dma_semaphore, #tpu.memory_space<semaphore_mem>>) src(%arg13 : memref<5120xf32, #tpu.memory_space<vmem>>) dst(%dma_wait3A_209 : memref<5120xf32, #tpu.memory_space<hbm>>)
      tpu.yield
    }) : () -> ()
    %mul3A_200 = arith.constant 6256 : i32
    %mul3A_201 = arith.muli %arg1, %mul3A_200 : i32
    %add3A_202 = arith.constant 5120 : i32
    %add3A_203 = arith.addi %mul3A_201, %add3A_202 : i32
    "tpu.region"() ({
      %run_scoped3A = tpu.sem_alloc : memref<!tpu.dma_semaphore, #tpu.memory_space<semaphore_mem>>
      %dma_start3A_206 = arith.constant 0 : i32
      %dma_start3A_207 = tpu.memref_slice %arg13[%dma_start3A_206] : memref<5120xf32, #tpu.memory_space<vmem>> -> memref<1136xf32, #tpu.memory_space<vmem>>
      %dma_start3A_208 = tpu.memref_slice %arg34[%add3A_203] : memref<100096xf32, #tpu.memory_space<vmem_shared>> -> memref<1136xf32, #tpu.memory_space<vmem_shared>>
      %dma_start3A_209 = arith.constant 0 : i32
      %dma_start3A_210 = tpu.memref_slice %arg13[%dma_start3A_209] : memref<5120xf32, #tpu.memory_space<vmem>> -> memref<1136xf32, #tpu.memory_space<vmem>>
      %dma_start3A_211 = tpu.memref_slice %arg34[%add3A_203] : memref<100096xf32, #tpu.memory_space<vmem_shared>> -> memref<1136xf32, #tpu.memory_space<vmem_shared>>
      tpu.enqueue_dma source(%dma_start3A_211 : memref<1136xf32, #tpu.memory_space<vmem_shared>>) target(%dma_start3A_210 : memref<1136xf32, #tpu.memory_space<vmem>>) target_semaphore(%run_scoped3A : memref<!tpu.dma_semaphore, #tpu.memory_space<semaphore_mem>>)
      %dma_wait3A_212 = arith.constant 0 : i32
      %dma_wait3A_213 = tpu.memref_slice %arg13[%dma_wait3A_212] : memref<5120xf32, #tpu.memory_space<vmem>> -> memref<1136xf32, #tpu.memory_space<vmem>>
      %dma_wait3A_214 = tpu.memref_slice %arg34[%add3A_203] : memref<100096xf32, #tpu.memory_space<vmem_shared>> -> memref<1136xf32, #tpu.memory_space<vmem_shared>>
      %dma_wait3A_215 = arith.constant 0 : i32
      %dma_wait3A_216 = tpu.memref_slice %arg13[%dma_wait3A_215] : memref<5120xf32, #tpu.memory_space<vmem>> -> memref<1136xf32, #tpu.memory_space<vmem>>
      %dma_wait3A_217 = tpu.memref_slice %arg34[%add3A_203] : memref<100096xf32, #tpu.memory_space<vmem_shared>> -> memref<1136xf32, #tpu.memory_space<vmem_shared>>
      tpu.wait_dma2 semaphore(%run_scoped3A : memref<!tpu.dma_semaphore, #tpu.memory_space<semaphore_mem>>) src(%dma_wait3A_217 : memref<1136xf32, #tpu.memory_space<vmem_shared>>) dst(%dma_wait3A_216 : memref<1136xf32, #tpu.memory_space<vmem>>)
      tpu.yield
    }) : () -> ()
    %add3A_204 = arith.constant 5120 : i32
    %add3A_205 = arith.addi %add3A_197, %add3A_204 : i32
    "tpu.region"() ({
      %run_scoped3A = tpu.sem_alloc : memref<!tpu.dma_semaphore, #tpu.memory_space<semaphore_mem>>
      %dma_start3A_206 = arith.constant 0 : i32
      %dma_start3A_207 = tpu.memref_slice %arg13[%dma_start3A_206] : memref<5120xf32, #tpu.memory_space<vmem>> -> memref<1136xf32, #tpu.memory_space<vmem>>
      %dma_start3A_208 = tpu.memref_slice %arg7[%add3A_205] : memref<200192xf32, #tpu.memory_space<hbm>> -> memref<1136xf32, #tpu.memory_space<hbm>>
      %dma_start3A_209 = tpu.memref_slice %arg7[%add3A_205] : memref<200192xf32, #tpu.memory_space<hbm>> -> memref<1136xf32, #tpu.memory_space<hbm>>
      %dma_start3A_210 = arith.constant 0 : i32
      %dma_start3A_211 = tpu.memref_slice %arg13[%dma_start3A_210] : memref<5120xf32, #tpu.memory_space<vmem>> -> memref<1136xf32, #tpu.memory_space<vmem>>
      tpu.enqueue_dma source(%dma_start3A_211 : memref<1136xf32, #tpu.memory_space<vmem>>) target(%dma_start3A_209 : memref<1136xf32, #tpu.memory_space<hbm>>) target_semaphore(%run_scoped3A : memref<!tpu.dma_semaphore, #tpu.memory_space<semaphore_mem>>)
      %dma_wait3A_212 = arith.constant 0 : i32
      %dma_wait3A_213 = tpu.memref_slice %arg13[%dma_wait3A_212] : memref<5120xf32, #tpu.memory_space<vmem>> -> memref<1136xf32, #tpu.memory_space<vmem>>
      %dma_wait3A_214 = tpu.memref_slice %arg7[%add3A_205] : memref<200192xf32, #tpu.memory_space<hbm>> -> memref<1136xf32, #tpu.memory_space<hbm>>
      %dma_wait3A_215 = tpu.memref_slice %arg7[%add3A_205] : memref<200192xf32, #tpu.memory_space<hbm>> -> memref<1136xf32, #tpu.memory_space<hbm>>
      %dma_wait3A_216 = arith.constant 0 : i32
      %dma_wait3A_217 = tpu.memref_slice %arg13[%dma_wait3A_216] : memref<5120xf32, #tpu.memory_space<vmem>> -> memref<1136xf32, #tpu.memory_space<vmem>>
      tpu.wait_dma2 semaphore(%run_scoped3A : memref<!tpu.dma_semaphore, #tpu.memory_space<semaphore_mem>>) src(%dma_wait3A_217 : memref<1136xf32, #tpu.memory_space<vmem>>) dst(%dma_wait3A_215 : memref<1136xf32, #tpu.memory_space<hbm>>)
      tpu.yield
    }) : () -> ()
    return
  }
}

module attributes {stable_mosaic.version = 14 : i64} {
  func.func @_k2_body(%arg0: memref<2x782x128xf32, #tpu.memory_space<vmem>>, %arg1: memref<782x128xf32, #tpu.memory_space<vmem>>, %arg2: memref<64x16xf32, #tpu.memory_space<vmem>>, %arg3: memref<1x1xf32, #tpu.memory_space<vmem>>) attributes {dimension_semantics = [], scalar_prefetch = 0 : i64, scratch_operands = 0 : i64, tpu.core_type = #tpu.core_type<tc>} {
    %get3A = arith.constant 0 : index
    %get3A_0 = arith.constant 0 : index
    %get3A_1 = arith.constant 0 : index
    %get3A_2 = vector.load %arg0[%get3A, %get3A_0, %get3A_1] : memref<2x782x128xf32, #tpu.memory_space<vmem>>, vector<1x782x128xf32>
    %get3A_3 = vector.shape_cast %get3A_2 : vector<1x782x128xf32> to vector<782x128xf32>
    %get3A_4 = arith.constant 1 : index
    %get3A_5 = arith.constant 0 : index
    %get3A_6 = arith.constant 0 : index
    %get3A_7 = vector.load %arg0[%get3A_4, %get3A_5, %get3A_6] : memref<2x782x128xf32, #tpu.memory_space<vmem>>, vector<1x782x128xf32>
    %get3A_8 = vector.shape_cast %get3A_7 : vector<1x782x128xf32> to vector<782x128xf32>
    %add3A = arith.addf %get3A_3, %get3A_8 : vector<782x128xf32>
    %get3A_9 = arith.constant 0 : index
    %get3A_10 = arith.constant 0 : index
    %get3A_11 = vector.load %arg1[%get3A_9, %get3A_10] : memref<782x128xf32, #tpu.memory_space<vmem>>, vector<782x128xf32>
    %mul3A = arith.constant 5.000000e+02 : f32
    %mul3A_12 = vector.broadcast %mul3A : f32 to vector<782x128xf32>
    %mul3A_13 = arith.mulf %get3A_11, %mul3A_12 : vector<782x128xf32>
    %add3A_14 = arith.constant 0.000000e+00 : f32
    %add3A_15 = vector.broadcast %add3A_14 : f32 to vector<782x128xf32>
    %add3A_16 = arith.addf %mul3A_13, %add3A_15 : vector<782x128xf32>
    %sub3A = arith.subf %add3A, %add3A_16 : vector<782x128xf32>
    %abs3A = math.absf %sub3A : vector<782x128xf32>
    %reduce_sum3A = vector.shape_cast %abs3A : vector<782x128xf32> to vector<1x782x128xf32>
    %reduce_sum3A_17 = arith.constant dense<0.000000e+00> : vector<1xf32>
    %reduce_sum3A_18 = vector.multi_reduction <add>, %reduce_sum3A, %reduce_sum3A_17 [1, 2] : vector<1x782x128xf32> to vector<1xf32>
    %reduce_sum3A_19 = vector.shape_cast %reduce_sum3A_18 : vector<1xf32> to vector<1x1x1xf32>
    %reduce_sum3A_20 = vector.extract %reduce_sum3A_19[0, 0, 0] : f32 from vector<1x1x1xf32>
    %get3A_21 = arith.constant 0 : index
    %get3A_22 = arith.constant 0 : index
    %get3A_23 = vector.load %arg2[%get3A_21, %get3A_22] : memref<64x16xf32, #tpu.memory_space<vmem>>, vector<32x16xf32>
    %reduce_sum3A_24 = vector.shape_cast %get3A_23 : vector<32x16xf32> to vector<1x32x16xf32>
    %reduce_sum3A_25 = arith.constant dense<0.000000e+00> : vector<1xf32>
    %reduce_sum3A_26 = vector.multi_reduction <add>, %reduce_sum3A_24, %reduce_sum3A_25 [1, 2] : vector<1x32x16xf32> to vector<1xf32>
    %reduce_sum3A_27 = vector.shape_cast %reduce_sum3A_26 : vector<1xf32> to vector<1x1x1xf32>
    %reduce_sum3A_28 = vector.extract %reduce_sum3A_27[0, 0, 0] : f32 from vector<1x1x1xf32>
    %get3A_29 = arith.constant 32 : index
    %get3A_30 = arith.constant 0 : index
    %get3A_31 = vector.load %arg2[%get3A_29, %get3A_30] : memref<64x16xf32, #tpu.memory_space<vmem>>, vector<32x16xf32>
    %reduce_sum3A_32 = vector.shape_cast %get3A_31 : vector<32x16xf32> to vector<1x32x16xf32>
    %reduce_sum3A_33 = arith.constant dense<0.000000e+00> : vector<1xf32>
    %reduce_sum3A_34 = vector.multi_reduction <add>, %reduce_sum3A_32, %reduce_sum3A_33 [1, 2] : vector<1x32x16xf32> to vector<1xf32>
    %reduce_sum3A_35 = vector.shape_cast %reduce_sum3A_34 : vector<1xf32> to vector<1x1x1xf32>
    %reduce_sum3A_36 = vector.extract %reduce_sum3A_35[0, 0, 0] : f32 from vector<1x1x1xf32>
    %mul3A_37 = arith.constant 1.000000e+00 : f32
    %mul3A_38 = arith.mulf %mul3A_37, %reduce_sum3A_28 : f32
    %div3A = arith.constant 3.200000e+06 : f32
    %div3A_39 = arith.divf %mul3A_38, %div3A : f32
    %mul3A_40 = arith.constant 5.000000e-03 : f32
    %mul3A_41 = arith.mulf %mul3A_40, %reduce_sum3A_36 : f32
    %div3A_42 = arith.constant 3.200000e+06 : f32
    %div3A_43 = arith.divf %mul3A_41, %div3A_42 : f32
    %add3A_44 = arith.addf %div3A_39, %div3A_43 : f32
    %mul3A_45 = arith.constant 5.000000e-02 : f32
    %mul3A_46 = arith.mulf %mul3A_45, %reduce_sum3A_20 : f32
    %div3A_47 = arith.constant 1.000000e+05 : f32
    %div3A_48 = arith.divf %mul3A_46, %div3A_47 : f32
    %add3A_49 = arith.addf %add3A_44, %div3A_48 : f32
    %reshape3A = vector.broadcast %add3A_49 : f32 to vector<1x1xf32>
    %swap3A = arith.constant 0 : index
    %swap3A_50 = arith.constant 0 : index
    %swap3A_51 = vector.load %arg3[%swap3A, %swap3A_50] : memref<1x1xf32, #tpu.memory_space<vmem>>, vector<1x1xf32>
    tpu.vector_store %arg3[%swap3A, %swap3A_50], %reshape3A {strides = array<i32>} : memref<1x1xf32, #tpu.memory_space<vmem>>, vector<1x1xf32>,
    return
  }
}

</mosaic_0001>

<sc_bundles>
// kernel: kernel.4.cloned.1.call-start
scs
__scs_entry_jumppad:
0x0: {  	(pc) =	sbr.rel $0x88, $3  }
0x1: {  	(tag) =	ssettag $0x0;
	lr =	simm.s32 $0x1  }
0x2: {  	[smem:$0x3F9B] =	sst lr;
	_ =	strace $0xD0000000  }
0x3: {  	_ = 	snop  }
0x4: {  	_ = 	snop  }
0x5: {  	_ = 	snop  }
0x6: {  	_ = 	snop  }
0x7: {  	_ = 	snop  }
__scs_overlays_trampoline_lowered:
0x8: {  	[smem:$0x3FAA] =	sst s0  }
0x9: {  	[smem:$0x3FAB] =	sst s1  }
0xa: {  	[smem:$0x3FAC] =	sst s2  }
0xb: {  	[smem:$0x3FAD] =	sst s3  }
0xc: {  	[smem:$0x3FAE] =	sst s4  }
0xd: {  	[smem:$0x3FAF] =	sst s5  }
0xe: {  	[smem:$0x3FB0] =	sst s6  }
0xf: {  	[smem:$0x3FB1] =	sst s7  }
0x10: {  	[smem:$0x3FB2] =	sst s8  }
0x11: {  	[smem:$0x3FB3] =	sst s9;
	s0 =	simm.s32 @!p0 $0x0  }
0x12: {  	s1 =	sld [smem:$0x3F99];
	s0 =	simm.s32 @p0 $0x1  }
0x13: {  	[smem:$0x3FB4] =	sst s0;
	s0 =	simm.s32 @!p1 $0x0  }
0x14: {  	s2 =	sld [smem:$0x3F98];
	s0 =	simm.s32 @p1 $0x1  }
0x15: {  	[smem:$0x3FB5] =	sst s0;
	s0 =	simm.s32 @!p2 $0x0  }
0x16: {  	s3 =	sld [smem:$0x3FDB];
	s0 =	simm.s32 @p2 $0x1  }
0x17: {  	s4 =	simm.s32 $0x1BF5;
	[smem:$0x3FB7] =	sst s0  }
0x18: {  	s0 =	sld [smem:$0x3F9A];
	_ =	swait.ge [sflag:s4], $0x0  }
0x19: {  	s7 =	sld [smem:$0x3F9B]  }
0x1a: {  	s8 =	sadd.s32 $0xFFFFE003, lr  }
0x1b: {  	s9 =	sadd.s32 $0xFFFFFEF7, lr;
	s5 =	simm.s32 $0xFFFFFFFF;
	p2 =	slt.u32 s8, $0xFFFFF086  }
0x1c: {  	p1 =	slt.u32 s9, $0xF7A;
	s5 =	simm.s32 @!p2 $0x0  }
0x1d: {  	s5 =	simm.s32 @p1 $0x1;
	p0 =	seq.s32 s7, s2  }
0x1e: {  	s7 =	smul.u32 @!p0 $0xF7A, s2;
	p2 =	seq.s32 @!p0 s5, $0x0  }
0x1f: {  	s9 =	smul.u32 $0xF7A, s1;
	s8 =	simm.s32 @!p0 $0x1BF5;
	p2 =	por !p2, p0  }
0x20: {  	[sflag:s8] =	ssyncset.s32 @!p0 $0xFFFFF086;
	s6 =	sadd.s32 @!p0 s3, s7;
	s7 =	simm.s32 @!p0 $0x108  }
0x21: {  	s3 =	sadd.s32 s3, s9;
	s6 =	sadd.s32 @!p0 $0x88, s6;
	s7 =	simm.s32 @p2 $0x1082  }
0x22: {  	[simem:s7], [sflag:s8] =	dma.local @!p0 [hbm:s6], $0xF7A  }
0x23: {  	s9 =	sor.u32 $0xD0000000, s2;
	s6 =	simm.s32 $0x108;
	_ =	swait.ge @!p0 [sflag:s8], $0x0  }
0x24: {  	s3 =	sadd.s32 $0x88, s3;
	s6 =	simm.s32 @!p1 $0x1082;
	[sflag:s4] =	ssyncset.s32 $0xFFFFF086  }
0x25: {  	[simem:s6], [sflag:s4] =	dma.local [hbm:s3], $0xF7A  }
0x26: {  	[smem:$0x3F9B] =	sst s1;
	(tag) =	ssettag s2;
	_ =	strace s9  }
0x27: {  	s1 =	sld [smem:$0x3FAB]  }
0x28: {  	s2 =	sld [smem:$0x3FAC]  }
0x29: {  	s4 =	sld [smem:$0x3FAE]  }
0x2a: {  	p0 =	seq.s32 s5, $0x0;
	s5 =	sld [smem:$0x3FAF]  }
0x2b: {  	s6 =	sld [smem:$0x3FB0]  }
0x2c: {  	s7 =	sld [smem:$0x3FB1]  }
0x2d: {  	s3 =	simm.s32 $0x108;
	s8 =	sld [smem:$0x3FB2]  }
0x2e: {  	s3 =	simm.s32 @!p0 $0x1082;
	s9 =	sld [smem:$0x3FB3]  }
0x2f: {  	lr =	sadd.s32 s0, s3;
	s0 =	sld [smem:$0x3FAA]  }
0x30: {  	s3 =	sld [smem:$0x3FAD]  }
0x31: {  	[smem:$0x3FB6] =	sst s10  }
0x32: {  	s10 =	sld [smem:$0x3FB4];
	_ =	sdelay $0x3  }
0x33: {  	p0 =	seq.s32 s10, $0x1;
	s10 =	sld [smem:$0x3FB6];
	_ =	sdelay $0x3  }
0x34: {  	[smem:$0x3FB6] =	sst s10  }
0x35: {  	s10 =	sld [smem:$0x3FB5];
	_ =	sdelay $0x3  }
0x36: {  	p1 =	seq.s32 s10, $0x1;
	s10 =	sld [smem:$0x3FB6];
	_ =	sdelay $0x3  }
0x37: {  	[smem:$0x3FB6] =	sst s10  }
0x38: {  	s10 =	sld [smem:$0x3FB7]  }
0x39: {  	_ = 	snop;
	(pc) =	sbr.ind lr, $3  }
0x3a: {  	_ = 	snop  }
0x3b: {  	_ = 	snop  }
0x3c: {  	p2 =	seq.s32 s10, $0x1;
	s10 =	sld [smem:$0x3FB6]  }
0x3d: {  	_ =	shalt  }
0x3e: {  	_ =	shalt  }
0x3f: {  	_ =	shalt  }
0x40: {  	_ =	shalt  }
0x41: {  	_ =	shalt  }
0x42: {  	_ =	shalt  }
0x43: {  	_ =	shalt  }
0x44: {  	_ =	shalt  }
0x45: {  	_ =	shalt  }
0x46: {  	_ =	shalt  }
0x47: {  	_ =	shalt  }
0x48: {  	_ =	shalt  }
0x49: {  	_ =	shalt  }
0x4a: {  	_ =	shalt  }
0x4b: {  	_ =	shalt  }
0x4c: {  	_ =	shalt  }
0x4d: {  	_ =	shalt  }
0x4e: {  	_ =	shalt  }
0x4f: {  	_ =	shalt  }
0x50: {  	_ =	shalt  }
0x51: {  	_ =	shalt  }
0x52: {  	_ =	shalt  }
0x53: {  	_ =	shalt  }
0x54: {  	_ =	shalt  }
0x55: {  	_ =	shalt  }
0x56: {  	_ =	shalt  }
0x57: {  	_ =	shalt  }
0x58: {  	_ =	shalt  }
0x59: {  	_ =	shalt  }
0x5a: {  	_ =	shalt  }
0x5b: {  	_ =	shalt  }
0x5c: {  	_ =	shalt  }
0x5d: {  	_ =	shalt  }
0x5e: {  	_ =	shalt  }
0x5f: {  	_ =	shalt  }
0x60: {  	_ =	shalt  }
0x61: {  	_ =	shalt  }
0x62: {  	_ =	shalt  }
0x63: {  	_ =	shalt  }
0x64: {  	_ =	shalt  }
0x65: {  	_ =	shalt  }
0x66: {  	_ =	shalt  }
0x67: {  	_ =	shalt  }
0x68: {  	_ =	shalt  }
0x69: {  	_ =	shalt  }
0x6a: {  	_ =	shalt  }
0x6b: {  	_ =	shalt  }
0x6c: {  	_ =	shalt  }
0x6d: {  	_ =	shalt  }
0x6e: {  	_ =	shalt  }
0x6f: {  	_ =	shalt  }
0x70: {  	_ =	shalt  }
0x71: {  	_ =	shalt  }
0x72: {  	_ =	shalt  }
0x73: {  	_ =	shalt  }
0x74: {  	_ =	shalt  }
0x75: {  	_ =	shalt  }
0x76: {  	_ =	shalt  }
0x77: {  	_ =	shalt  }
0x78: {  	_ =	shalt  }
0x79: {  	_ =	shalt  }
0x7a: {  	_ =	shalt  }
0x7b: {  	_ =	shalt  }
0x7c: {  	_ =	shalt  }
0x7d: {  	_ =	shalt  }
0x7e: {  	_ =	shalt  }
0x7f: {  	_ =	shalt  }
0x80: {  	_ =	shalt  }
0x81: {  	_ =	shalt  }
0x82: {  	_ =	shalt  }
0x83: {  	_ =	shalt  }
0x84: {  	_ =	shalt  }
0x85: {  	_ =	shalt  }
0x86: {  	_ =	shalt  }
0x87: {  	_ =	shalt  }
.Lfunc_end0:
.L_simem_size_0:
called_computation_lowered:
.L_overlay_start_0:
0x88: {  	s2 =	sld [smem:$0x3FD9]  }
0x89: {  	s3 =	sld [smem:$0x3FFE];
	_ =	sdelay $0x1  }
0x8a: {  	s1 =	srdreg.scid  }
0x8b: {  	s0 =	sand.u32 $0x1, s1  }
0x8c: {  	s17 =	sshll.u32 s0, $0xA;
	s2 =	sadd.s32 s3, s2  }
0x8d: {  	s2 =	sadd.s32 s2, s17  }
0x8e: {  	[smem:$0x3FC2] =	sst s2  }
0x8f: {  	_ = 	snop  }
0x90: {  	s2 =	sld [smem:$0x3FC9]  }
0x91: {  	s18 =	sld [smem:$0x3FC8]  }
0x92: {  	s4 =	sld [smem:$0x3FC7]  }
0x93: {  	s5 =	sld [smem:$0x3FC6];
	(tm) =	ssettm $0x1  }
0x94: {  	s6 =	sld [smem:$0x3FFB];
	_ =	sdelay $0x3  }
0x95: {  	_ =	strace s6  }
0x96: {  	s6 =	sld [smem:$0x3FFC];
	_ =	sdelay $0x3  }
0x97: {  	_ =	strace s6  }
0x98: {  	s6 =	sld [smem:$0x3FFD];
	_ =	sdelay $0x3  }
0x99: {  	_ =	strace s6  }
0x9a: {  	_ =	strace $0x8FFFFFFF  }
0x9b: {  	s19 =	sld [smem:$0x3FDB];
	_ =	sdelay $0x1  }
0x9c: {  	s7 =	simm.s32 $_scs_section_size  }
0x9d: {  	s8 =	simm.s32 $_size__tile_overlayer_lowered;
	s9 =	simm.s32 $_tile_overlayer_lowered  }
0x9e: {  	s22 =	simm.s32 $0x1BFF;
	s21 =	sshll.u32 s9, $0x1;
	s6 =	sadd.s32 s7, s19  }
0x9f: {  	s10 =	simm.s32 $0x0;
	s20 =	sshll.u32 s8, $0x1;
	s8 =	sadd.s32 s21, s6  }
0xa0: {  	[timem:s10], [sflag:s22] =	dma.local [hbm:s8], s20  }
0xa1: {  	_ =	swait.ge [sflag:s22], s20  }
0xa2: {  	s7 =	ssub.s32 $0x0, s20;
	[sflag:s22] =	ssyncset.done $0x0  }
0xa3: {  	[sflag:s22] =	ssyncadd.s32 s7;
	_ =	sdelay $0x1  }
0xa4: {  	s23 =	simm.s32 $0x1B8B  }
0xa5: {  	_ =	swait.ge [sflag:s23], $0x1  }
0xa6: {  	[sflag:s23] =	ssyncset.done $0x0  }
0xa7: {  	s25 =	simm.s32 $0x1B8E;
	s24 =	sld [smem:$0x3FFE];
	[sflag:s23] =	ssyncadd.s32 $0xFFFFFFFF  }
0xa8: {  	s26 =	simm.s32 $execute0_lowered;
	[smem:$0x3FD2] =	sst s25  }
0xa9: {  	s8 =	sshll.u32 s26, $0x1;
	_ =	strace $0x80000046;
	[dreg:$0x1] =	wrdreg $0xFFFFFFFF  }
0xaa: {  	s28 =	simm.s32 $_size_execute0_lowered;
	s6 =	sadd.s32 s6, s8;
	[dreg:$0x0] =	wrdreg $0x0  }
0xab: {  	s8 =	sshll.u32 s28, $0x1;
	[dreg:$0x2] =	wrdreg s6  }
0xac: {  	[dreg:$0x3] =	wrdreg s8  }
0xad: {  	[dreg:$0x4] =	wrdreg $0xC0  }
0xae: {  	_ =	task [dreg:s10], $0x5FFFF  }
0xaf: {  	[dreg:$0x1] =	wrdreg $0xFFFFFFFF  }
0xb0: {  	[dreg:$0x0] =	wrdreg $0x60  }
0xb1: {  	[dreg:$0x2] =	wrdreg s2  }
0xb2: {  	[dreg:$0x3] =	wrdreg s18  }
0xb3: {  	[dreg:$0x4] =	wrdreg s4  }
0xb4: {  	[dreg:$0x5] =	wrdreg s5  }
0xb5: {  	[dreg:$0x6] =	wrdreg s24  }
0xb6: {  	[dreg:$0x7] =	wrdreg $0x1E0800  }
0xb7: {  	[dreg:$0x8] =	wrdreg $0x9  }
0xb8: {  	_ =	task.clear_ibuf [dreg:s10], $0x9FFFF;
	_ =	strace $0x90000046  }
0xb9: {  	s29 =	simm.s32 $0x9;
	_ =	strace $0x80000048  }
0xba: {  	_ =	swait.ge [sflag:s29], $0x1  }
0xbb: {  	[sflag:s29] =	ssyncadd.s32 $0xFFFFFFFF  }
0xbc: {  	_ =	strace $0x90000048  }
0xbd: {  	_ =	sfence  }
0xbe: {  	s30 =	sld [smem:$0x0];
	_ =	sdelay $0x2  }
0xbf: {  	s31 =	sshll.u32 s1, $0xD;
	s1 =	sshrl.u32 s1, $0x2  }
0xc0: {  	s3 =	sand.u32 $0x4000, s31;
	s1 =	sadd.s32 s1, s30  }
0xc1: {  	s0 =	sor.u32 s3, s0;
	s1 =	sshll.u32 s1, $0x11  }
0xc2: {  	s0 =	sor.u32 s1, s0  }
0xc3: {  	s0 =	sadd.s32 $0x8F2B, s0  }
0xc4: {  	[sflag:s0] =	ssyncadd.remote.s32 $0x1  }
0xc5: {  	_ =	sfence.sel $0xFFFF  }
0xc6: {  	[dreg:$0x0] =	wrdreg $0xFFFFFFFF;
	(pc) =	sbr.abs _section_cstart, $3  }
0xc7: {  	[dreg:$0x1] =	wrdreg $0xFFFFFFFF  }
0xc8: {  	_ =	task.clear_ibuf [dreg:s10], $0x2FFFF;
	_ =	strace $0x9FFFFFFF  }
0xc9: {  	(tm) =	ssettm $0x7FFFFFFF  }
tec
execute0_lowered:
.L_overlay_start_1:
0x0: {  	(tag) =	ssettag $0x1  }
0x1: {  	s0 =	rddreg [dreg:$0x0]  }
0x2: {  	s2 =	rddreg [dreg:$0x1];
	s1 =	srdreg.scid  }
0x3: {  	s3 =	rddreg [dreg:$0x2];
	s10 =	stileid.u32;
	s1 =	sand.u32 $0x1, s1  }
0x4: {  	s4 =	rddreg [dreg:$0x3];
	s7 =	smul.u32 $0x1870, s10;
	s9 =	sshll.u32 s1, $0x4  }
0x5: {  	s5 =	rddreg [dreg:$0x4];
	s8 =	smul.u32 $0x18700, s1;
	s10 =	sor.u32 s10, s9  }
0x6: {  	s6 =	rddreg [dreg:$0x5];
	s11 =	simm.s32 $0x0;
	s15 =	smul.u32 $0x13, s10  }
0x7: {  	[smem:$0x7FF] =	sst s11;
	s1 =	ssub.s32 $0x2, s1;
	s16 =	smin.u32 s10, $0x11  }
0x8: {  	s17 =	sshrl.u32 s1, $0x1;
	s8 =	sadd.s32 s7, s8;
	s9 =	sadd.s32 s16, s15  }
0x9: {  	s1 =	ssub.s32 s1, s17;
	s14 =	sshrl.u32 s8, $0x3;
	s18 =	smul.u32 $0x1400, s9  }
0xa: {  	_ =	strace $0x80000047;
	s1 =	smax.u32 s1, $0x1;
	s12 =	sadd.s32 s14, s5  }
0xb: {  	s14 =	sadd.s32 s7, s6;
	[dreg:$0x1b] =	wrdreg s1;
	s19 =	sshrl.u32 s18, $0x3  }
0xc: {  	[dreg:$0x7] =	wrdreg s14;
	s20 =	sadd.s32 s0, s19  }
0xd: {  	s13 =	sshll.u32 s10, $0x1;
	s21 =	sadd.s32 s2, s19;
	[dreg:$0x8] =	wrdreg s20  }
0xe: {  	s8 =	sadd.s32 $0xA00, s5;
	s22 =	sadd.s32 s3, s19;
	[dreg:$0x9] =	wrdreg s21  }
0xf: {  	s5 =	sadd.s32 s13, s5;
	s23 =	sadd.s32 s4, s19;
	[dreg:$0xa] =	wrdreg s22  }
0x10: {  	s13 =	sadd.s32 s8, s19;
	s24 =	sadd.s32 $0x280, s19;
	[dreg:$0xb] =	wrdreg s23  }
0x11: {  	s15 =	sadd.s32 s0, s24;
	[dreg:$0xc] =	wrdreg s13  }
0x12: {  	s25 =	sadd.s32 s2, s24;
	[dreg:$0xd] =	wrdreg s15  }
0x13: {  	s26 =	sadd.s32 s3, s24;
	[dreg:$0xe] =	wrdreg s25  }
0x14: {  	s16 =	sadd.s32 s4, s24;
	[dreg:$0xf] =	wrdreg s26  }
0x15: {  	s7 =	sadd.s32 $0x500, s19;
	s11 =	sadd.s32 s8, s24;
	[dreg:$0x10] =	wrdreg s16  }
0x16: {  	s17 =	sadd.s32 s0, s7;
	[dreg:$0x11] =	wrdreg s11  }
0x17: {  	s30 =	simm.s32 $0x11800;
	s18 =	sadd.s32 s2, s7;
	[dreg:$0x12] =	wrdreg s17  }
0x18: {  	s31 =	simm.s32 $0x12C00;
	s19 =	sadd.s32 s3, s7;
	[dreg:$0x13] =	wrdreg s18  }
0x19: {  	s28 =	simm.s32 $0x5;
	s20 =	sadd.s32 s4, s7;
	[dreg:$0x14] =	wrdreg s19  }
0x1a: {  	s29 =	simm.s32 $0x6;
	s7 =	sadd.s32 s8, s7;
	[dreg:$0x15] =	wrdreg s20  }
0x1b: {  	p0 =	slt.u32 s10, $0x11;
	s21 =	sadd.s32 $0xCA200, s5;
	[dreg:$0x16] =	wrdreg s7  }
0x1c: {  	s10 =	simm.s32 $0x14;
	s5 =	sadd.s32 $0xCA240, s5;
	[dreg:$0x17] =	wrdreg s21  }
0x1d: {  	s10 =	simm.s32 @!p0 $0x13;
	s22 =	sadd.s32 $0xC4000, s12;
	[dreg:$0x18] =	wrdreg s5  }
0x1e: {  	s1 =	simm.s32 $0x1;
	s23 =	sadd.s32 $0xC4280, s12;
	[dreg:$0x19] =	wrdreg s22  }
0x1f: {  	s12 =	sadd.s32 $0x1400, s14;
	s24 =	sadd.s32 $0x61A80, s13;
	[dreg:$0x1a] =	wrdreg s23  }
0x20: {  	[dreg:$0x1d] =	wrdreg s24;
	s25 =	sadd.s32 $0x61D00, s13;
	s26 =	sadd.s32 $0x61F80, s13  }
0x21: {  	s15 =	sadd.s32 $0x2, s9;
	s17 =	sadd.s32 $0x3, s9;
	s13 =	simm.s32 $0x7  }
0x22: {  	s20 =	simm.s32 $0x1400;
	s23 =	simm.s32 $0x7800;
	s24 =	simm.s32 $0x8C00  }
0x23: {  	s16 =	simm.s32 $0x1B800;
	s7 =	simm.s32 $0x1CC00;
	[dreg:$0x1c] =	wrdreg s12  }
0x24: {  	s19 =	simm.s32 $0x2;
	s11 =	simm.s32 $0x0;
	[dreg:$0x1e] =	wrdreg s25  }
0x25: {  	v0 =	vimm.f32 $0.0e+00;
	[dreg:$0x1f] =	wrdreg s26;
	s25 =	simm.s32 $0x3;
	s26 =	simm.s32 $0x4  }
.LBB2_1:
0x26: {  	[smem:$0x7FD] =	sst s11;
	s5 =	simm.s32 $0x0;
	s11 =	simm.s32 $0x200  }
.LBB2_2:
0x27: {  	p0 =	sne.s32 s11, $0x4E00;
	[tilespmem:s5+$0x5070] =	vst v0  }
0x28: {  	[tilespmem:s5+$0x5000] =	vst v0  }
0x29: {  	[tilespmem:s5+$0x5010] =	vst v0  }
.Ltmp0:
0x2a: {  	[tilespmem:s5+$0x5020] =	vst v0;
	(pc) =	sbr.rel @p0 .LBB2_2-.Ltmp0, $4  }
0x2b: {  	[tilespmem:s5+$0x5030] =	vst v0  }
0x2c: {  	[tilespmem:s5+$0x5040] =	vst v0  }
0x2d: {  	[tilespmem:s5+$0x5050] =	vst v0  }
0x2e: {  	[tilespmem:s5+$0x5060] =	vst v0;
	s5 =	sshra.s32 s11, $0x2;
	s11 =	sadd.s32 $0x200, s11  }
0x2f: {  	[tilespmem:s5+$0x5070] =	vst v0  }
0x30: {  	[tilespmem:s5+$0x5000] =	vst v0  }
0x31: {  	[tilespmem:s5+$0x5010] =	vst v0  }
0x32: {  	[tilespmem:s5+$0x5020] =	vst v0  }
0x33: {  	[tilespmem:s5+$0x5030] =	vst v0  }
0x34: {  	[tilespmem:s5+$0x5040] =	vst v0  }
0x35: {  	[tilespmem:s5+$0x5050] =	vst v0  }
0x36: {  	[tilespmem:s5+$0x5060] =	vst v0;
	s11 =	simm.s32 $0x5000  }
0x37: {  	[spmem:s14] =	stream.linear.scatter [tilespmem:s11], [sflag:$0x7], $0x1400, $0x38;
	[tilespmem:$0x1F8F0] =	vst v63  }
0x38: {  	_ =	swait.ge [sflag:s13], $0x1400  }
0x39: {  	[sflag:s13] =	ssyncset.done $0x0  }
0x3a: {  	[sflag:s13] =	ssyncadd.s32 $0xFFFFEC00  }
0x3b: {  	[spmem:s12] =	stream.linear.scatter [tilespmem:s11], [sflag:$0x7], $0x470, $0x38;
	[tilespmem:$0x1F8F0] =	vst v63  }
0x3c: {  	_ =	swait.ge [sflag:s13], $0x470  }
0x3d: {  	[sflag:s13] =	ssyncset.done $0x0  }
0x3e: {  	[sflag:s13] =	ssyncadd.s32 $0xFFFFFB90  }
0x3f: {  	[bflag:$0x0] =	sbarrier.arrive $0xFFFF  }
0x40: {  	s5 =	simm.s32 $0x0;
	s11 =	rddreg [dreg:$0x8]  }
0x41: {  	[tilespmem:s5], [sflag:$0x1] =	stream.linear.gather [hbm4b:s11+s5], $0x1400, $0x38;
	[tilespmem:$0x1F8F0] =	vst v63  }
0x42: {  	s18 =	rddreg [dreg:$0x9]  }
0x43: {  	[tilespmem:s20], [sflag:$0x1] =	stream.linear.gather [hbm4b:s18+s5], $0x1400, $0x38;
	[tilespmem:$0x1F8F0] =	vst v63  }
0x44: {  	s22 =	simm.s32 $0x2800;
	s21 =	rddreg [dreg:$0xa]  }
0x45: {  	[tilespmem:s22], [sflag:$0x1] =	stream.linear.gather [hbm4b:s21+s5], $0x1400, $0x38;
	[tilespmem:$0x1F8F0] =	vst v63  }
0x46: {  	s13 =	simm.s32 $0x3C00;
	s12 =	rddreg [dreg:$0xb]  }
0x47: {  	[tilespmem:s13], [sflag:$0x1] =	stream.linear.gather [hbm4b:s12+s5], $0x1400, $0x38;
	[tilespmem:$0x1F8F0] =	vst v63  }
0x48: {  	s14 =	rddreg [dreg:$0xc]  }
0x49: {  	[tilespmem:s23], [sflag:$0x1] =	stream.linear.gather [hbm4b:s14+s5], $0x1400, $0x38;
	[tilespmem:$0x1F8F0] =	vst v63  }
0x4a: {  	s18 =	rddreg [dreg:$0x1d]  }
0x4b: {  	[tilespmem:s24], [sflag:$0x1] =	stream.linear.gather [hbm4b:s18+s5], $0x1400, $0x38;
	[tilespmem:$0x1F8F0] =	vst v63  }
0x4c: {  	s21 =	rddreg [dreg:$0xd];
	s22 =	simm.s32 $0xA000  }
0x4d: {  	[tilespmem:s22], [sflag:$0x2] =	stream.linear.gather [hbm4b:s21+s5], $0x1400, $0x38;
	[tilespmem:$0x1F8F0] =	vst v63  }
0x4e: {  	s12 =	rddreg [dreg:$0xe];
	s13 =	simm.s32 $0xB400  }
0x4f: {  	[tilespmem:s13], [sflag:$0x2] =	stream.linear.gather [hbm4b:s12+s5], $0x1400, $0x38;
	[tilespmem:$0x1F8F0] =	vst v63  }
0x50: {  	s14 =	rddreg [dreg:$0xf];
	s18 =	simm.s32 $0xC800  }
0x51: {  	[tilespmem:s18], [sflag:$0x2] =	stream.linear.gather [hbm4b:s14+s5], $0x1400, $0x38;
	[tilespmem:$0x1F8F0] =	vst v63  }
0x52: {  	s21 =	rddreg [dreg:$0x10];
	s22 =	simm.s32 $0xDC00  }
0x53: {  	[tilespmem:s22], [sflag:$0x2] =	stream.linear.gather [hbm4b:s21+s5], $0x1400, $0x38;
	[tilespmem:$0x1F8F0] =	vst v63  }
0x54: {  	s12 =	rddreg [dreg:$0x11]  }
0x55: {  	[tilespmem:s30], [sflag:$0x2] =	stream.linear.gather [hbm4b:s12+s5], $0x1400, $0x38;
	[tilespmem:$0x1F8F0] =	vst v63  }
0x56: {  	s13 =	rddreg [dreg:$0x1e]  }
0x57: {  	[tilespmem:s31], [sflag:$0x2] =	stream.linear.gather [hbm4b:s13+s5], $0x1400, $0x38;
	[tilespmem:$0x1F8F0] =	vst v63  }
0x58: {  	s14 =	rddreg [dreg:$0x12];
	s18 =	simm.s32 $0x14000  }
0x59: {  	[tilespmem:s18], [sflag:$0x3] =	stream.linear.gather [hbm4b:s14+s5], $0x1400, $0x38;
	[tilespmem:$0x1F8F0] =	vst v63  }
0x5a: {  	s21 =	rddreg [dreg:$0x13];
	s22 =	simm.s32 $0x15400  }
0x5b: {  	[tilespmem:s22], [sflag:$0x3] =	stream.linear.gather [hbm4b:s21+s5], $0x1400, $0x38;
	[tilespmem:$0x1F8F0] =	vst v63  }
0x5c: {  	s12 =	rddreg [dreg:$0x14];
	s13 =	simm.s32 $0x16800  }
0x5d: {  	[tilespmem:s13], [sflag:$0x3] =	stream.linear.gather [hbm4b:s12+s5], $0x1400, $0x38;
	[tilespmem:$0x1F8F0] =	vst v63  }
0x5e: {  	s14 =	rddreg [dreg:$0x15];
	s18 =	simm.s32 $0x17C00  }
0x5f: {  	[tilespmem:s18], [sflag:$0x3] =	stream.linear.gather [hbm4b:s14+s5], $0x1400, $0x38;
	[tilespmem:$0x1F8F0] =	vst v63  }
0x60: {  	s21 =	rddreg [dreg:$0x16]  }
0x61: {  	[tilespmem:s16], [sflag:$0x3] =	stream.linear.gather [hbm4b:s21+s5], $0x1400, $0x38;
	[tilespmem:$0x1F8F0] =	vst v63  }
0x62: {  	s22 =	rddreg [dreg:$0x1f]  }
0x63: {  	[tilespmem:s7], [sflag:$0x3] =	stream.linear.gather [hbm4b:s22+s5], $0x1400, $0x38;
	[tilespmem:$0x1F8F0] =	vst v63  }
0x64: {  	_ =	swait.ge [sflag:s1], $0x1400  }
0x65: {  	[sflag:s1] =	ssyncset.done $0x0  }
0x66: {  	[sflag:s1] =	ssyncadd.s32 $0xFFFFEC00  }
0x67: {  	_ =	swait.ge [sflag:s1], $0x1400  }
0x68: {  	[sflag:s1] =	ssyncset.done $0x0  }
0x69: {  	[sflag:s1] =	ssyncadd.s32 $0xFFFFEC00  }
0x6a: {  	_ =	swait.ge [sflag:s1], $0x1400  }
0x6b: {  	[sflag:s1] =	ssyncset.done $0x0  }
0x6c: {  	[sflag:s1] =	ssyncadd.s32 $0xFFFFEC00  }
0x6d: {  	_ =	swait.ge [sflag:s1], $0x1400  }
0x6e: {  	[sflag:s1] =	ssyncset.done $0x0  }
0x6f: {  	[sflag:s1] =	ssyncadd.s32 $0xFFFFEC00  }
0x70: {  	_ =	swait.ge [sflag:s1], $0x1400  }
0x71: {  	[sflag:s1] =	ssyncset.done $0x0  }
0x72: {  	[sflag:s1] =	ssyncadd.s32 $0xFFFFEC00  }
0x73: {  	_ =	swait.ge [sflag:s1], $0x1400  }
0x74: {  	[sflag:s1] =	ssyncset.done $0x0  }
0x75: {  	s5 =	simm.s32 $0x0;
	[sflag:s1] =	ssyncadd.s32 $0xFFFFEC00  }
0x76: {  	v4 =	vld [tilespmem:s5+$0x1460]  }
0x77: {  	v8 =	vld [tilespmem:s5+$0x1450]  }
0x78: {  	v1 =	vld [tilespmem:s5+$0x3C70]  }
0x79: {  	v15 =	vld [tilespmem:s5+$0x1440]  }
0x7a: {  	v3 =	vld [tilespmem:s5+$0x3C60]  }
0x7b: {  	v2 =	vld [tilespmem:s5+$0x70]  }
0x7c: {  	v5 =	vld [tilespmem:s5+$0x2870]  }
0x7d: {  	v19 =	vld [tilespmem:s5+$0x1430]  }
0x7e: {  	v11 =	vld [tilespmem:s5+$0x3C50]  }
0x7f: {  	v12 =	vld [tilespmem:s5+$0x60]  }
0x80: {  	v14 =	vld [tilespmem:s5+$0x2860]  }
0x81: {  	v6 =	vld [tilespmem:s5+$0x1420]  }
0x82: {  	v13 =	vld [tilespmem:s5+$0x3C40]  }
0x83: {  	v20 =	vld [tilespmem:s5+$0x50]  }
0x84: {  	v18 =	vld [tilespmem:s5+$0x2850]  }
0x85: {  	v7 =	vld [tilespmem:s5+$0x1410]  }
0x86: {  	v21 =	vld [tilespmem:s5+$0x3C30]  }
0x87: {  	v28 =	vld [tilespmem:s5+$0x40]  }
0x88: {  	v26 =	vld [tilespmem:s5+$0x2840]  }
0x89: {  	v10 =	vld [tilespmem:s5+$0x1400]  }
0x8a: {  	v29 =	vld [tilespmem:s5+$0x3C20]  }
0x8b: {  	v35 =	vld [tilespmem:s5+$0x30]  }
0x8c: {  	v36 =	vld [tilespmem:s5+$0x2830]  }
0x8d: {  	v16 =	vld [tilespmem:s5+$0x3C10];
	v9 =	vmul.f32 $1.200000000e+03, v3  }
0x8e: {  	v17 =	vld [tilespmem:s5+$0x20];
	v3 =	vmul.f32 $1.200000000e+03, v1;
	v25 =	vmul.f32 $8.000000110e-01, v2  }
0x8f: {  	v31 =	vld [tilespmem:s5+$0x2820];
	v1 =	vmul.f32 $1.500000000e+03, v5;
	v11 =	vmul.f32 $1.200000000e+03, v11  }
0x90: {  	v24 =	vld [tilespmem:s5+$0x3C00];
	v27 =	vmul.f32 $8.000000110e-01, v12;
	v13 =	vmul.f32 $1.200000000e+03, v13  }
0x91: {  	v22 =	vld [tilespmem:s5+$0x10];
	v5 =	vimm.f32 $0.0e+00;
	v14 =	vmul.f32 $1.500000000e+03, v14;
	v30 =	vmul.f32 $8.000000110e-01, v20  }
0x92: {  	v33 =	vld [tilespmem:s5+$0x2810];
	v23 =	vmul.f32 $1.500000000e+03, v18;
	v4 =	vsub.f32 v12, v4;
	v18 =	vmul.f32 $1.200000000e+03, v21  }
0x93: {  	v32 =	vmul.f32 $8.000000110e-01, v28;
	v12 =	vsub.f32 v20, v8;
	v21 =	vmul.f32 $1.200000000e+03, v29;
	v20 =	vld [tilespmem:s5+$0x0]  }
0x94: {  	v26 =	vmul.f32 $1.500000000e+03, v26;
	v15 =	vsub.f32 v28, v15;
	v28 =	vmul.f32 $8.000000110e-01, v35  }
0x95: {  	s11 =	simm.s32 $0x200;
	v34 =	vld [tilespmem:s5+$0x2800];
	v29 =	vmul.f32 $1.500000000e+03, v36;
	v19 =	vsub.f32 v35, v19;
	v8 =	vimm.f32 $0.0e+00  }
.LBB2_4:
0x96: {  	p0 =	sne.s32 s11, $0x4E00;
	v16 =	vmul.f32 $1.200000000e+03, v16;
	v35 =	vmul.f32 $8.000000110e-01, v17;
	v6 =	vsub.f32 v17, v6  }
0x97: {  	v17 =	vmul.f32 $1.200000000e+03, v24;
	v7 =	vsub.f32 v22, v7;
	v24 =	vmul.f32 $1.500000000e+03, v31  }
0x98: {  	v22 =	vmul.f32 $8.000000110e-01, v22;
	v31 =	vmul.f32 $1.500000000e+03, v33;
	v10 =	vsub.f32 v20, v10  }
0x99: {  	v9 =	vadd.f32 $0.0e+00, v9;
	v25 =	vadd.f32 $5.000000000e-01, v25;
	v33 =	vmul.f32 $8.000000110e-01, v20  }
0x9a: {  	v11 =	vadd.f32 $0.0e+00, v11;
	v27 =	vadd.f32 $5.000000000e-01, v27;
	v34 =	vmul.f32 $1.500000000e+03, v34  }
0x9b: {  	s12 =	sshra.s32 s11, $0x2;
	v13 =	vadd.f32 $0.0e+00, v13;
	v30 =	vadd.f32 $5.000000000e-01, v30;
	v36 =	vmul.f32 v12, v12;
	v37 =	vld [tilespmem:s5+$0x1470]  }
0x9c: {  	v18 =	vadd.f32 $0.0e+00, v18;
	v32 =	vadd.f32 $5.000000000e-01, v32;
	v38 =	vmul.f32 v15, v15;
	v20 =	vld [tilespmem:s12+$0x1460]  }
0x9d: {  	v39 =	vmul.f32 v19, v19;
	v33 =	vadd.f32 $5.000000000e-01, v33;
	v34 =	vadd.f32 $2.000000000e+03, v34;
	v12 =	vld [tilespmem:s12+$0x1450]  }
0x9e: {  	v21 =	vadd.f32 $0.0e+00, v21;
	v17 =	vadd.f32 $0.0e+00, v17;
	v41 =	vmul.f32 v6, v6;
	v40 =	vld [tilespmem:s12+$0x3C70]  }
0x9f: {  	v6 =	vadd.f32 $5.000000000e-01, v22;
	v19 =	vadd.f32 $2.000000000e+03, v31;
	v33 =	vmul.f32 v34, v33;
	v15 =	vld [tilespmem:s12+$0x1440]  }
0xa0: {  	v7 =	vmul.f32 v7, v7;
	v24 =	vadd.f32 $2.000000000e+03, v24;
	v31 =	vadd.f32 $5.000000000e-01, v35;
	v22 =	vld [tilespmem:s12+$0x3C60]  }
0xa1: {  	v35 =	vmul.f32 v19, v6;
	v6 =	vadd.f32 $0.0e+00, v16;
	v17 =	vsub.f32 v33, v17;
	v34 =	vld [tilespmem:s12+$0x70];
	[tilespmem:s5+$0x5000] =	vst v33  }
0xa2: {  	v16 =	vmul.f32 v24, v31;
	v24 =	vadd.f32 $5.000000000e-01, v28;
	v28 =	vadd.f32 $2.000000000e+03, v29;
	v42 =	vld [tilespmem:s12+$0x2870]  }
0xa3: {  	v10 =	vmul.f32 v10, v10;
	v6 =	vsub.f32 v35, v6;
	v17 =	vmul.f32 v17, v17;
	v19 =	vld [tilespmem:s12+$0x1430];
	[tilespmem:s5+$0x5010] =	vst v35  }
0xa4: {  	v26 =	vadd.f32 $2.000000000e+03, v26;
	v21 =	vsub.f32 v16, v21;
	v24 =	vmul.f32 v28, v24;
	v29 =	vld [tilespmem:s12+$0x3C50];
	[tilespmem:s5+$0x5020] =	vst v16  }
0xa5: {  	v5 =	vadd.f32 v10, v5;
	v10 =	vmul.f32 v6, v6;
	v8 =	vadd.f32 v17, v8;
	v28 =	vld [tilespmem:s12+$0x60]  }
0xa6: {  	v23 =	vadd.f32 $2.000000000e+03, v23;
	v17 =	vsub.f32 v24, v18;
	v18 =	vmul.f32 v26, v32;
	v43 =	vld [tilespmem:s12+$0x2860];
	[tilespmem:s5+$0x5030] =	vst v24  }
0xa7: {  	v5 =	vadd.f32 v7, v5;
	v7 =	vadd.f32 v10, v8;
	v8 =	vmul.f32 v21, v21;
	v6 =	vld [tilespmem:s12+$0x1420]  }
0xa8: {  	v14 =	vadd.f32 $2.000000000e+03, v14;
	v10 =	vsub.f32 v18, v13;
	v13 =	vmul.f32 v23, v30;
	v21 =	vld [tilespmem:s12+$0x3C40];
	[tilespmem:s5+$0x5040] =	vst v18  }
0xa9: {  	v5 =	vadd.f32 v41, v5;
	v17 =	vmul.f32 v17, v17;
	v8 =	vadd.f32 v8, v7;
	v26 =	vld [tilespmem:s12+$0x50]  }
0xaa: {  	v1 =	vadd.f32 $2.000000000e+03, v1;
	v14 =	vmul.f32 v14, v27;
	v11 =	vsub.f32 v13, v11;
	v23 =	vld [tilespmem:s12+$0x2850];
	[tilespmem:s5+$0x5050] =	vst v13  }
0xab: {  	v5 =	vadd.f32 v39, v5;
	v10 =	vmul.f32 v10, v10;
	v8 =	vadd.f32 v17, v8;
	v7 =	vld [tilespmem:s12+$0x1410]  }
0xac: {  	v9 =	vsub.f32 v14, v9;
	v30 =	vmul.f32 v1, v25;
	v1 =	vadd.f32 $0.0e+00, v3;
	v32 =	vld [tilespmem:s12+$0x3C30];
	[tilespmem:s5+$0x5060] =	vst v14  }
0xad: {  	v3 =	vadd.f32 v38, v5;
	v5 =	vadd.f32 v10, v8;
	v8 =	vmul.f32 v11, v11;
	v39 =	vld [tilespmem:s12+$0x40]  }
0xae: {  	v4 =	vmul.f32 v4, v4;
	v1 =	vsub.f32 v30, v1;
	v11 =	vsub.f32 v2, v37;
	v38 =	vld [tilespmem:s12+$0x2840];
	[tilespmem:s5+$0x5070] =	vst v30  }
0xaf: {  	v3 =	vadd.f32 v36, v3;
	v2 =	vmovc v34;
	v5 =	vadd.f32 v8, v5;
	v8 =	vmul.f32 v9, v9;
	v10 =	vld [tilespmem:s12+$0x1400]  }
0xb0: {  	v17 =	vsub.f32 $0.0e+00, v35;
	v9 =	vsub.f32 $0.0e+00, v33;
	v11 =	vmul.f32 v11, v11;
	v34 =	vld [tilespmem:s12+$0x3C20]  }
0xb1: {  	v3 =	vadd.f32 v4, v3;
	v1 =	vmul.f32 v1, v1;
	v4 =	vadd.f32 v8, v5;
	v35 =	vld [tilespmem:s12+$0x30]  }
0xb2: {  	v25 =	vsub.f32 $0.0e+00, v16;
	v24 =	vsub.f32 $0.0e+00, v24;
	v36 =	vld [tilespmem:s12+$0x2830];
	[tilespmem:s5+$0x6400] =	vst v9  }
0xb3: {  	v5 =	vadd.f32 v11, v3;
	v8 =	vadd.f32 v1, v4;
	v16 =	vld [tilespmem:s12+$0x3C10];
	[tilespmem:s5+$0x6410] =	vst v17  }
0xb4: {  	v3 =	vmul.f32 $1.200000000e+03, v40;
	v9 =	vmul.f32 $1.200000000e+03, v22;
	v4 =	vsub.f32 $0.0e+00, v18;
	v17 =	vld [tilespmem:s12+$0x20];
	[tilespmem:s5+$0x6420] =	vst v25  }
0xb5: {  	v1 =	vmul.f32 $1.500000000e+03, v42;
	v18 =	vsub.f32 $0.0e+00, v13;
	v25 =	vmul.f32 $8.000000110e-01, v2;
	v31 =	vld [tilespmem:s12+$0x2820];
	[tilespmem:s5+$0x6430] =	vst v24  }
0xb6: {  	v27 =	vmul.f32 $8.000000110e-01, v28;
	v11 =	vmul.f32 $1.200000000e+03, v29;
	v29 =	vsub.f32 $0.0e+00, v14;
	v24 =	vld [tilespmem:s12+$0x3C00];
	[tilespmem:s5+$0x6440] =	vst v4  }
.Ltmp1:
0xb7: {  	v14 =	vmul.f32 $1.500000000e+03, v43;
	v13 =	vmul.f32 $1.200000000e+03, v21;
	v21 =	vsub.f32 $0.0e+00, v30;
	v22 =	vld [tilespmem:s12+$0x10];
	[tilespmem:s5+$0x6450] =	vst v18;
	(pc) =	sbr.rel @p0 .LBB2_4-.Ltmp1, $4  }
0xb8: {  	v23 =	vmul.f32 $1.500000000e+03, v23;
	v30 =	vmul.f32 $8.000000110e-01, v26;
	v4 =	vsub.f32 v28, v20;
	v33 =	vld [tilespmem:s12+$0x2810];
	[tilespmem:s5+$0x6460] =	vst v29  }
0xb9: {  	v12 =	vsub.f32 v26, v12;
	v18 =	vmul.f32 $1.200000000e+03, v32;
	v32 =	vmul.f32 $8.000000110e-01, v39;
	v20 =	vld [tilespmem:s12+$0x0];
	[tilespmem:s5+$0x6470] =	vst v21;
	s5 =	smov.u32 s12  }
0xba: {  	v15 =	vsub.f32 v39, v15;
	v26 =	vmul.f32 $1.500000000e+03, v38;
	v21 =	vmul.f32 $1.200000000e+03, v34  }
0xbb: {  	s11 =	sadd.s32 $0x200, s11;
	v28 =	vmul.f32 $8.000000110e-01, v35;
	v19 =	vsub.f32 v35, v19;
	v29 =	vmul.f32 $1.500000000e+03, v36;
	v34 =	vld [tilespmem:s5+$0x2800]  }
0xbc: {  	v32 =	vadd.f32 $5.000000000e-01, v32  }
0xbd: {  	v35 =	vmul.f32 $8.000000110e-01, v17;
	v26 =	vadd.f32 $2.000000000e+03, v26;
	v30 =	vadd.f32 $5.000000000e-01, v30  }
0xbe: {  	v37 =	vmul.f32 $8.000000110e-01, v22;
	v23 =	vadd.f32 $2.000000000e+03, v23;
	v27 =	vadd.f32 $5.000000000e-01, v27  }
0xbf: {  	v31 =	vmul.f32 $1.500000000e+03, v31;
	v14 =	vadd.f32 $2.000000000e+03, v14;
	v25 =	vadd.f32 $5.000000000e-01, v25  }
0xc0: {  	v1 =	vadd.f32 $2.000000000e+03, v1;
	v33 =	vmul.f32 $1.500000000e+03, v33;
	v26 =	vmul.f32 v26, v32  }
0xc1: {  	v28 =	vadd.f32 $5.000000000e-01, v28;
	v29 =	vadd.f32 $2.000000000e+03, v29;
	v23 =	vmul.f32 v23, v30  }
0xc2: {  	v36 =	vmul.f32 $8.000000110e-01, v20;
	v35 =	vadd.f32 $5.000000000e-01, v35;
	v14 =	vmul.f32 v14, v27;
	[tilespmem:s5+$0x5040] =	vst v26  }
0xc3: {  	v31 =	vadd.f32 $2.000000000e+03, v31;
	v25 =	vmul.f32 v1, v25;
	v34 =	vmul.f32 $1.500000000e+03, v34;
	[tilespmem:s5+$0x5050] =	vst v23  }
0xc4: {  	v37 =	vadd.f32 $5.000000000e-01, v37;
	v33 =	vadd.f32 $2.000000000e+03, v33;
	v28 =	vmul.f32 v29, v28;
	[tilespmem:s5+$0x5060] =	vst v14  }
0xc5: {  	v36 =	vadd.f32 $5.000000000e-01, v36;
	v31 =	vmul.f32 v31, v35;
	[tilespmem:s5+$0x5070] =	vst v25;
	v34 =	vadd.f32 $2.000000000e+03, v34  }
0xc6: {  	v33 =	vmul.f32 v33, v37;
	[tilespmem:s5+$0x5030] =	vst v28  }
0xc7: {  	v29 =	vsub.f32 $0.0e+00, v28;
	[tilespmem:s5+$0x5020] =	vst v31;
	v34 =	vmul.f32 v34, v36  }
0xc8: {  	[tilespmem:s5+$0x5010] =	vst v33;
	v27 =	vsub.f32 $0.0e+00, v33  }
0xc9: {  	[tilespmem:s5+$0x6430] =	vst v29;
	v1 =	vsub.f32 $0.0e+00, v34  }
0xca: {  	[tilespmem:s5+$0x6410] =	vst v27  }
0xcb: {  	[tilespmem:s5+$0x6400] =	vst v1;
	v1 =	vsub.f32 $0.0e+00, v31  }
0xcc: {  	v27 =	vsub.f32 $0.0e+00, v23;
	[tilespmem:s5+$0x5000] =	vst v34  }
0xcd: {  	[tilespmem:s5+$0x6420] =	vst v1;
	v1 =	vsub.f32 $0.0e+00, v26  }
0xce: {  	[tilespmem:s5+$0x6450] =	vst v27;
	v27 =	vsub.f32 $0.0e+00, v25  }
0xcf: {  	[tilespmem:s5+$0x6440] =	vst v1;
	v1 =	vsub.f32 $0.0e+00, v14  }
0xd0: {  	[tilespmem:s5+$0x6470] =	vst v27  }
0xd1: {  	s21 =	simm.s32 $0x5000;
	[tilespmem:s5+$0x6460] =	vst v1  }
0xd2: {  	v57 =	vld [tilespmem:s5+$0x1470];
	[spmem:s6] =	stream.indirect.scatter.add.f32 [tilespmem:s21], [sflag:$0x4], $0x1, s24, s20, $0xb8  }
0xd3: {  	s22 =	simm.s32 $0x6400  }
0xd4: {  	[spmem:s6] =	stream.indirect.scatter.add.f32 [tilespmem:s22], [sflag:$0x4], $0x1, s23, s20, $0xb8;
	[tilespmem:$0x1F8F0] =	vst v63  }
0xd5: {  	_ =	swait.ge [sflag:s19], $0x1400  }
0xd6: {  	[sflag:s19] =	ssyncset.done $0x0  }
0xd7: {  	[sflag:s19] =	ssyncadd.s32 $0xFFFFEC00  }
0xd8: {  	_ =	swait.ge [sflag:s19], $0x1400  }
0xd9: {  	[sflag:s19] =	ssyncset.done $0x0  }
0xda: {  	[sflag:s19] =	ssyncadd.s32 $0xFFFFEC00  }
0xdb: {  	_ =	swait.ge [sflag:s19], $0x1400  }
0xdc: {  	[sflag:s19] =	ssyncset.done $0x0  }
0xdd: {  	[sflag:s19] =	ssyncadd.s32 $0xFFFFEC00  }
0xde: {  	_ =	swait.ge [sflag:s19], $0x1400  }
0xdf: {  	[sflag:s19] =	ssyncset.done $0x0  }
0xe0: {  	[sflag:s19] =	ssyncadd.s32 $0xFFFFEC00  }
0xe1: {  	_ =	swait.ge [sflag:s19], $0x1400  }
0xe2: {  	[sflag:s19] =	ssyncset.done $0x0  }
0xe3: {  	[sflag:s19] =	ssyncadd.s32 $0xFFFFEC00  }
0xe4: {  	_ =	swait.ge [sflag:s19], $0x1400  }
0xe5: {  	[sflag:s19] =	ssyncset.done $0x0  }
0xe6: {  	s5 =	simm.s32 $0x0;
	[sflag:s19] =	ssyncadd.s32 $0xFFFFEC00  }
0xe7: {  	v27 =	vld [tilespmem:s5+$0xB460]  }
0xe8: {  	v58 =	vld [tilespmem:s5+$0xB450]  }
0xe9: {  	v29 =	vld [tilespmem:s5+$0xDC70]  }
0xea: {  	v1 =	vmul.f32 $1.200000000e+03, v24;
	v59 =	vld [tilespmem:s5+$0xB440]  }
0xeb: {  	v24 =	vld [tilespmem:s5+$0xDC60]  }
0xec: {  	v16 =	vmul.f32 $1.200000000e+03, v16;
	v30 =	vadd.f32 $0.0e+00, v1;
	v1 =	vld [tilespmem:s5+$0xA070]  }
0xed: {  	v6 =	vsub.f32 v17, v6;
	v10 =	vsub.f32 v20, v10;
	v60 =	vld [tilespmem:s5+$0xC870]  }
0xee: {  	v16 =	vadd.f32 $0.0e+00, v16;
	v17 =	vsub.f32 v34, v30;
	v38 =	vld [tilespmem:s5+$0xB430]  }
0xef: {  	v7 =	vsub.f32 v22, v7;
	v20 =	vadd.f32 $0.0e+00, v21;
	v30 =	vld [tilespmem:s5+$0xDC50]  }
0xf0: {  	v10 =	vmul.f32 v10, v10;
	v16 =	vsub.f32 v33, v16;
	v17 =	vmul.f32 v17, v17;
	v61 =	vld [tilespmem:s5+$0xA060]  }
0xf1: {  	v18 =	vadd.f32 $0.0e+00, v18;
	v7 =	vmul.f32 v7, v7;
	v20 =	vsub.f32 v31, v20;
	v31 =	vld [tilespmem:s5+$0xC860]  }
0xf2: {  	v10 =	vadd.f32 v10, v5;
	v16 =	vmul.f32 v16, v16;
	v8 =	vadd.f32 v17, v8;
	v5 =	vld [tilespmem:s5+$0xB420]  }
0xf3: {  	v13 =	vadd.f32 $0.0e+00, v13;
	v6 =	vmul.f32 v6, v6;
	v17 =	vsub.f32 v28, v18;
	v18 =	vld [tilespmem:s5+$0xDC40]  }
0xf4: {  	v7 =	vadd.f32 v7, v10;
	v10 =	vmul.f32 v20, v20;
	v8 =	vadd.f32 v16, v8;
	v16 =	vld [tilespmem:s5+$0xA050]  }
0xf5: {  	v19 =	vmul.f32 v19, v19;
	v13 =	vsub.f32 v26, v13;
	v62 =	vld [tilespmem:s5+$0xC850]  }
0xf6: {  	v6 =	vadd.f32 v6, v7;
	v7 =	vadd.f32 v10, v8;
	v8 =	vmul.f32 v17, v17;
	v10 =	vld [tilespmem:s5+$0xB410]  }
0xf7: {  	v11 =	vadd.f32 $0.0e+00, v11;
	v9 =	vadd.f32 $0.0e+00, v9;
	v15 =	vmul.f32 v15, v15;
	v39 =	vld [tilespmem:s5+$0xDC30]  }
0xf8: {  	v6 =	vadd.f32 v19, v6;
	v7 =	vadd.f32 v8, v7;
	v8 =	vmul.f32 v13, v13;
	v13 =	vld [tilespmem:s5+$0xA040]  }
0xf9: {  	v3 =	vadd.f32 $0.0e+00, v3;
	v9 =	vsub.f32 v14, v9;
	v14 =	vld [tilespmem:s5+$0xC840]  }
0xfa: {  	v11 =	vsub.f32 v23, v11;
	v6 =	vadd.f32 v15, v6;
	v15 =	vld [tilespmem:s5+$0xB400]  }
0xfb: {  	v12 =	vmul.f32 v12, v12;
	v3 =	vsub.f32 v25, v3;
	v19 =	vld [tilespmem:s5+$0xDC20]  }
0xfc: {  	v2 =	vsub.f32 v2, v57;
	v7 =	vadd.f32 v8, v7;
	v8 =	vmul.f32 v11, v11;
	v63 =	vld [tilespmem:s5+$0xA030]  }
0xfd: {  	v4 =	vmul.f32 v4, v4;
	v9 =	vmul.f32 v9, v9;
	v6 =	vadd.f32 v12, v6;
	v40 =	vld [tilespmem:s5+$0xC830]  }
0xfe: {  	v3 =	vmul.f32 v3, v3;
	v7 =	vadd.f32 v8, v7;
	v8 =	vmul.f32 v2, v2;
	v17 =	vld [tilespmem:s5+$0xDC10]  }
0xff: {  	v6 =	vadd.f32 v4, v6;
	v26 =	vld [tilespmem:s5+$0xA020];
	v20 =	vmul.f32 $1.200000000e+03, v24;
	v2 =	vmul.f32 $1.200000000e+03, v29  }
0x100: {  	v7 =	vadd.f32 v9, v7;
	v21 =	vld [tilespmem:s5+$0xC820];
	v22 =	vmul.f32 $8.000000110e-01, v1;
	v4 =	vmul.f32 $1.500000000e+03, v60  }
0x101: {  	v6 =	vadd.f32 v8, v6;
	v32 =	vld [tilespmem:s5+$0xDC00];
	v23 =	vmul.f32 $1.200000000e+03, v30;
	v24 =	vmul.f32 $8.000000110e-01, v61  }
0x102: {  	v7 =	vadd.f32 v3, v7;
	v33 =	vld [tilespmem:s5+$0xC810];
	v25 =	vmul.f32 $1.200000000e+03, v18;
	v8 =	vmul.f32 $1.500000000e+03, v31  }
0x103: {  	v31 =	vld [tilespmem:s5+$0xA010];
	v28 =	vmul.f32 $8.000000110e-01, v16;
	v9 =	vmul.f32 $1.500000000e+03, v62;
	v3 =	vsub.f32 v61, v27  }
0x104: {  	v12 =	vld [tilespmem:s5+$0xA000];
	v29 =	vmul.f32 $1.200000000e+03, v39;
	v30 =	vmul.f32 $8.000000110e-01, v13;
	v11 =	vsub.f32 v16, v58  }
0x105: {  	v27 =	vmul.f32 $1.200000000e+03, v19;
	v16 =	vmul.f32 $1.500000000e+03, v14;
	v13 =	vsub.f32 v13, v59  }
0x106: {  	s11 =	simm.s32 $0x200;
	v34 =	vld [tilespmem:s5+$0xC800];
	v18 =	vmul.f32 $8.000000110e-01, v63;
	v19 =	vmul.f32 $1.500000000e+03, v40;
	v14 =	vsub.f32 v63, v38  }
.LBB2_6:
0x107: {  	p0 =	sne.s32 s11, $0x4E00;
	v17 =	vmul.f32 $1.200000000e+03, v17;
	v35 =	vmul.f32 $8.000000110e-01, v26;
	v5 =	vsub.f32 v26, v5  }
0x108: {  	v26 =	vmul.f32 $1.200000000e+03, v32;
	v10 =	vsub.f32 v31, v10;
	v21 =	vmul.f32 $1.500000000e+03, v21  }
0x109: {  	v31 =	vmul.f32 $8.000000110e-01, v31;
	v32 =	vmul.f32 $1.500000000e+03, v33;
	v15 =	vsub.f32 v12, v15  }
0x10a: {  	v20 =	vadd.f32 $0.0e+00, v20;
	v22 =	vadd.f32 $5.000000000e-01, v22;
	v33 =	vmul.f32 $8.000000110e-01, v12  }
0x10b: {  	v23 =	vadd.f32 $0.0e+00, v23;
	v24 =	vadd.f32 $5.000000000e-01, v24;
	v34 =	vmul.f32 $1.500000000e+03, v34  }
0x10c: {  	s12 =	sshra.s32 s11, $0x2;
	v25 =	vadd.f32 $0.0e+00, v25;
	v28 =	vadd.f32 $5.000000000e-01, v28;
	v36 =	vmul.f32 v11, v11;
	v37 =	vld [tilespmem:s5+$0xB470]  }
0x10d: {  	v29 =	vadd.f32 $0.0e+00, v29;
	v30 =	vadd.f32 $5.000000000e-01, v30;
	v38 =	vmul.f32 v13, v13;
	v12 =	vld [tilespmem:s12+$0xB460]  }
0x10e: {  	v39 =	vmul.f32 v14, v14;
	v33 =	vadd.f32 $5.000000000e-01, v33;
	v34 =	vadd.f32 $2.000000000e+03, v34;
	v11 =	vld [tilespmem:s12+$0xB450]  }
0x10f: {  	v14 =	vadd.f32 $0.0e+00, v26;
	v26 =	vadd.f32 $0.0e+00, v27;
	v27 =	vmul.f32 v5, v5;
	v40 =	vld [tilespmem:s12+$0xDC70]  }
0x110: {  	v5 =	vadd.f32 $5.000000000e-01, v31;
	v31 =	vadd.f32 $2.000000000e+03, v32;
	v33 =	vmul.f32 v34, v33;
	v13 =	vld [tilespmem:s12+$0xB440]  }
0x111: {  	v10 =	vmul.f32 v10, v10;
	v21 =	vadd.f32 $2.000000000e+03, v21;
	v34 =	vadd.f32 $5.000000000e-01, v35;
	v32 =	vld [tilespmem:s12+$0xDC60]  }
0x112: {  	v31 =	vmul.f32 v31, v5;
	v5 =	vadd.f32 $0.0e+00, v17;
	v41 =	vsub.f32 v33, v14;
	v35 =	vld [tilespmem:s12+$0xA070];
	[tilespmem:s5+$0xF000] =	vst v33  }
0x113: {  	v18 =	vadd.f32 $5.000000000e-01, v18;
	v19 =	vadd.f32 $2.000000000e+03, v19;
	v17 =	vmul.f32 v21, v34;
	v42 =	vld [tilespmem:s12+$0xC870]  }
0x114: {  	v15 =	vmul.f32 v15, v15;
	v5 =	vsub.f32 v31, v5;
	v21 =	vmul.f32 v41, v41;
	v14 =	vld [tilespmem:s12+$0xB430];
	[tilespmem:s5+$0xF010] =	vst v31  }
0x115: {  	v16 =	vadd.f32 $2.000000000e+03, v16;
	v18 =	vmul.f32 v19, v18;
	v26 =	vsub.f32 v17, v26;
	v34 =	vld [tilespmem:s12+$0xDC50];
	[tilespmem:s5+$0xF020] =	vst v17  }
0x116: {  	v6 =	vadd.f32 v15, v6;
	v15 =	vmul.f32 v5, v5;
	v7 =	vadd.f32 v21, v7;
	v19 =	vld [tilespmem:s12+$0xA060]  }
0x117: {  	v9 =	vadd.f32 $2.000000000e+03, v9;
	v16 =	vmul.f32 v16, v30;
	v21 =	vsub.f32 v18, v29;
	v41 =	vld [tilespmem:s12+$0xC860];
	[tilespmem:s5+$0xF030] =	vst v18  }
0x118: {  	v6 =	vadd.f32 v10, v6;
	v10 =	vmul.f32 v26, v26;
	v7 =	vadd.f32 v15, v7;
	v5 =	vld [tilespmem:s12+$0xB420]  }
0x119: {  	v8 =	vadd.f32 $2.000000000e+03, v8;
	v9 =	vmul.f32 v9, v28;
	v15 =	vsub.f32 v16, v25;
	v29 =	vld [tilespmem:s12+$0xDC40];
	[tilespmem:s5+$0xF040] =	vst v16  }
0x11a: {  	v6 =	vadd.f32 v27, v6;
	v21 =	vmul.f32 v21, v21;
	v7 =	vadd.f32 v10, v7;
	v43 =	vld [tilespmem:s12+$0xA050]  }
0x11b: {  	v4 =	vadd.f32 $2.000000000e+03, v4;
	v8 =	vmul.f32 v8, v24;
	v23 =	vsub.f32 v9, v23;
	v27 =	vld [tilespmem:s12+$0xC850];
	[tilespmem:s5+$0xF050] =	vst v9  }
0x11c: {  	v6 =	vadd.f32 v39, v6;
	v15 =	vmul.f32 v15, v15;
	v7 =	vadd.f32 v21, v7;
	v10 =	vld [tilespmem:s12+$0xB410]  }
0x11d: {  	v2 =	vadd.f32 $0.0e+00, v2;
	v28 =	vmul.f32 v4, v22;
	v20 =	vsub.f32 v8, v20;
	v30 =	vld [tilespmem:s12+$0xDC30];
	[tilespmem:s5+$0xF060] =	vst v8  }
0x11e: {  	v4 =	vadd.f32 v38, v6;
	v6 =	vadd.f32 v15, v7;
	v7 =	vmul.f32 v23, v23;
	v39 =	vld [tilespmem:s12+$0xA040]  }
0x11f: {  	v3 =	vmul.f32 v3, v3;
	v2 =	vsub.f32 v28, v2;
	v21 =	vsub.f32 v1, v37;
	v38 =	vld [tilespmem:s12+$0xC840];
	[tilespmem:s5+$0xF070] =	vst v28  }
0x120: {  	v4 =	vadd.f32 v36, v4;
	v1 =	vmovc v35;
	v6 =	vadd.f32 v7, v6;
	v7 =	vmul.f32 v20, v20;
	v15 =	vld [tilespmem:s12+$0xB400]  }
0x121: {  	v22 =	vsub.f32 $0.0e+00, v31;
	v21 =	vmul.f32 v21, v21;
	v20 =	vsub.f32 $0.0e+00, v33;
	v35 =	vld [tilespmem:s12+$0xDC20]  }
0x122: {  	v2 =	vmul.f32 v2, v2;
	v3 =	vadd.f32 v3, v4;
	v4 =	vadd.f32 v7, v6;
	v36 =	vld [tilespmem:s12+$0xA030]  }
0x123: {  	v18 =	vsub.f32 $0.0e+00, v18;
	v23 =	vsub.f32 $0.0e+00, v17;
	v37 =	vld [tilespmem:s12+$0xC830];
	[tilespmem:s5+$0x10400] =	vst v20  }
0x124: {  	v6 =	vadd.f32 v21, v3;
	v7 =	vadd.f32 v2, v4;
	v17 =	vld [tilespmem:s12+$0xDC10];
	[tilespmem:s5+$0x10410] =	vst v22  }
0x125: {  	v3 =	vsub.f32 $0.0e+00, v16;
	v20 =	vmul.f32 $1.200000000e+03, v32;
	v2 =	vmul.f32 $1.200000000e+03, v40;
	v26 =	vld [tilespmem:s12+$0xA020];
	[tilespmem:s5+$0x10420] =	vst v23  }
0x126: {  	v9 =	vsub.f32 $0.0e+00, v9;
	v4 =	vmul.f32 $1.500000000e+03, v42;
	v22 =	vmul.f32 $8.000000110e-01, v1;
	v21 =	vld [tilespmem:s12+$0xC820];
	[tilespmem:s5+$0x10430] =	vst v18  }
0x127: {  	v24 =	vmul.f32 $8.000000110e-01, v19;
	v16 =	vsub.f32 $0.0e+00, v8;
	v23 =	vmul.f32 $1.200000000e+03, v34;
	v32 =	vld [tilespmem:s12+$0xDC00];
	[tilespmem:s5+$0x10440] =	vst v3  }
.Ltmp2:
0x128: {  	v25 =	vmul.f32 $1.200000000e+03, v29;
	v8 =	vmul.f32 $1.500000000e+03, v41;
	v18 =	vsub.f32 $0.0e+00, v28;
	v31 =	vld [tilespmem:s12+$0xA010];
	[tilespmem:s5+$0x10450] =	vst v9;
	(pc) =	sbr.rel @p0 .LBB2_6-.Ltmp2, $4  }
0x129: {  	v28 =	vmul.f32 $8.000000110e-01, v43;
	v3 =	vsub.f32 v19, v12;
	v9 =	vmul.f32 $1.500000000e+03, v27;
	v33 =	vld [tilespmem:s12+$0xC810];
	[tilespmem:s5+$0x10460] =	vst v16  }
0x12a: {  	v11 =	vsub.f32 v43, v11;
	v29 =	vmul.f32 $1.200000000e+03, v30;
	v30 =	vmul.f32 $8.000000110e-01, v39;
	v12 =	vld [tilespmem:s12+$0xA000];
	[tilespmem:s5+$0x10470] =	vst v18;
	s5 =	smov.u32 s12  }
0x12b: {  	v13 =	vsub.f32 v39, v13;
	v27 =	vmul.f32 $1.200000000e+03, v35;
	v16 =	vmul.f32 $1.500000000e+03, v38  }
0x12c: {  	s11 =	sadd.s32 $0x200, s11;
	v14 =	vsub.f32 v36, v14;
	v19 =	vmul.f32 $1.500000000e+03, v37;
	v18 =	vmul.f32 $8.000000110e-01, v36;
	v34 =	vld [tilespmem:s5+$0xC800]  }
0x12d: {  	v5 =	vsub.f32 v26, v5  }
0x12e: {  	v10 =	vsub.f32 v31, v10;
	v20 =	vadd.f32 $0.0e+00, v20  }
0x12f: {  	v22 =	vadd.f32 $5.000000000e-01, v22;
	v23 =	vadd.f32 $0.0e+00, v23  }
0x130: {  	v24 =	vadd.f32 $5.000000000e-01, v24;
	v25 =	vadd.f32 $0.0e+00, v25  }
0x131: {  	v28 =	vadd.f32 $5.000000000e-01, v28;
	v29 =	vadd.f32 $0.0e+00, v29  }
0x132: {  	v30 =	vadd.f32 $5.000000000e-01, v30;
	v27 =	vadd.f32 $0.0e+00, v27  }
0x133: {  	v46 =	vmul.f32 $8.000000110e-01, v26;
	v16 =	vadd.f32 $2.000000000e+03, v16;
	v9 =	vadd.f32 $2.000000000e+03, v9  }
0x134: {  	v32 =	vmul.f32 $1.200000000e+03, v32;
	v8 =	vadd.f32 $2.000000000e+03, v8;
	v4 =	vadd.f32 $2.000000000e+03, v4  }
0x135: {  	v48 =	vmul.f32 $8.000000110e-01, v31;
	v2 =	vadd.f32 $0.0e+00, v2;
	v18 =	vadd.f32 $5.000000000e-01, v18  }
0x136: {  	v21 =	vmul.f32 $1.500000000e+03, v21;
	v19 =	vadd.f32 $2.000000000e+03, v19;
	v15 =	vsub.f32 v12, v15  }
0x137: {  	v47 =	vmul.f32 $8.000000110e-01, v12;
	v32 =	vadd.f32 $0.0e+00, v32;
	v34 =	vmul.f32 $1.500000000e+03, v34  }
0x138: {  	v17 =	vmul.f32 $1.200000000e+03, v17;
	v31 =	vadd.f32 $5.000000000e-01, v48;
	v26 =	vadd.f32 $5.000000000e-01, v46  }
0x139: {  	v33 =	vmul.f32 $1.500000000e+03, v33;
	v12 =	vadd.f32 $5.000000000e-01, v47;
	v34 =	vadd.f32 $2.000000000e+03, v34  }
0x13a: {  	v21 =	vadd.f32 $2.000000000e+03, v21;
	v50 =	vmul.f32 v16, v30;
	v9 =	vmul.f32 v9, v28  }
0x13b: {  	v8 =	vmul.f32 v8, v24;
	v33 =	vadd.f32 $2.000000000e+03, v33;
	v12 =	vmul.f32 v34, v12  }
0x13c: {  	v17 =	vadd.f32 $0.0e+00, v17;
	v4 =	vmul.f32 v4, v22;
	v18 =	vmul.f32 v19, v18  }
0x13d: {  	v21 =	vmul.f32 v21, v26;
	[tilespmem:s5+$0xF040] =	vst v50;
	v31 =	vmul.f32 v33, v31;
	v32 =	vsub.f32 v12, v32  }
0x13e: {  	v15 =	vmul.f32 v15, v15;
	[tilespmem:s5+$0xF050] =	vst v9;
	v54 =	vsub.f32 v50, v25;
	v57 =	vsub.f32 v9, v23  }
0x13f: {  	[tilespmem:s5+$0xF060] =	vst v8;
	v9 =	vsub.f32 $0.0e+00, v9;
	v17 =	vsub.f32 v31, v17;
	v32 =	vmul.f32 v32, v32  }
0x140: {  	v10 =	vmul.f32 v10, v10;
	[tilespmem:s5+$0xF070] =	vst v4;
	v60 =	vsub.f32 v8, v20;
	v6 =	vadd.f32 v15, v6  }
0x141: {  	[tilespmem:s5+$0xF030] =	vst v18;
	v52 =	vsub.f32 v21, v27;
	v51 =	vmul.f32 v17, v17;
	v7 =	vadd.f32 v32, v7  }
0x142: {  	v5 =	vmul.f32 v5, v5;
	v62 =	vsub.f32 $0.0e+00, v4;
	[tilespmem:s5+$0xF020] =	vst v21;
	v6 =	vadd.f32 v10, v6  }
0x143: {  	v19 =	vsub.f32 v18, v29;
	[tilespmem:s5+$0x10450] =	vst v9;
	v53 =	vmul.f32 v52, v52;
	v7 =	vadd.f32 v51, v7  }
0x144: {  	v14 =	vmul.f32 v14, v14;
	[tilespmem:s5+$0x10470] =	vst v62;
	v5 =	vadd.f32 v5, v6;
	v6 =	vsub.f32 $0.0e+00, v31  }
0x145: {  	v49 =	vld [tilespmem:s5+$0xB470];
	v18 =	vsub.f32 $0.0e+00, v18;
	[tilespmem:s5+$0xF010] =	vst v31;
	v56 =	vmul.f32 v19, v19;
	v7 =	vadd.f32 v53, v7  }
0x146: {  	v58 =	vmul.f32 v13, v13;
	v55 =	vsub.f32 $0.0e+00, v21;
	[tilespmem:s5+$0x10410] =	vst v6;
	v6 =	vsub.f32 $0.0e+00, v50  }
0x147: {  	v59 =	vmul.f32 v54, v54;
	[tilespmem:s5+$0x10430] =	vst v18;
	v5 =	vadd.f32 v14, v5;
	v7 =	vadd.f32 v56, v7  }
0x148: {  	v61 =	vmul.f32 v11, v11;
	v2 =	vsub.f32 v4, v2;
	[tilespmem:s5+$0x10440] =	vst v6;
	v6 =	vsub.f32 $0.0e+00, v8  }
0x149: {  	v63 =	vmul.f32 v57, v57;
	[tilespmem:s5+$0x10420] =	vst v55;
	v5 =	vadd.f32 v58, v5;
	v7 =	vadd.f32 v59, v7  }
0x14a: {  	v3 =	vmul.f32 v3, v3;
	v1 =	vsub.f32 v1, v49;
	[tilespmem:s5+$0xF000] =	vst v12;
	v12 =	vsub.f32 $0.0e+00, v12  }
0x14b: {  	[tilespmem:s5+$0x10460] =	vst v6;
	v4 =	vadd.f32 v61, v5;
	v6 =	vmul.f32 v60, v60;
	v5 =	vadd.f32 v63, v7  }
0x14c: {  	s21 =	simm.s32 $0xF000;
	v2 =	vmul.f32 v2, v2;
	[tilespmem:s5+$0x10400] =	vst v12  }
0x14d: {  	v1 =	vmul.f32 v1, v1;
	[spmem:s6] =	stream.indirect.scatter.add.f32 [tilespmem:s21], [sflag:$0x5], $0x1, s31, s20, $0xb8;
	v3 =	vadd.f32 v3, v4;
	v5 =	vadd.f32 v6, v5;
	[tilespmem:$0x1F8F0] =	vst v63  }
0x14e: {  	s22 =	simm.s32 $0x10400;
	s12 =	simm.s32 $0x0;
	s5 =	simm.s32 $0x0  }
0x14f: {  	[spmem:s6] =	stream.indirect.scatter.add.f32 [tilespmem:s22], [sflag:$0x5], $0x1, s30, s20, $0xb8;
	v4 =	vadd.f32 v1, v3;
	v3 =	vadd.f32 v2, v5;
	[tilespmem:$0x1F8F0] =	vst v63  }
.LBB2_8:
0x150: {  	_ =	swait.ge [sflag:s25], $0x1400  }
0x151: {  	[sflag:s25] =	ssyncset.done $0x0  }
0x152: {  	[sflag:s25] =	ssyncadd.s32 $0xFFFFEC00  }
0x153: {  	_ =	swait.ge [sflag:s25], $0x1400  }
0x154: {  	[sflag:s25] =	ssyncset.done $0x0  }
0x155: {  	[sflag:s25] =	ssyncadd.s32 $0xFFFFEC00  }
0x156: {  	_ =	swait.ge [sflag:s25], $0x1400  }
0x157: {  	[sflag:s25] =	ssyncset.done $0x0  }
0x158: {  	[sflag:s25] =	ssyncadd.s32 $0xFFFFEC00  }
0x159: {  	_ =	swait.ge [sflag:s25], $0x1400  }
0x15a: {  	[sflag:s25] =	ssyncset.done $0x0  }
0x15b: {  	[sflag:s25] =	ssyncadd.s32 $0xFFFFEC00  }
0x15c: {  	_ =	swait.ge [sflag:s25], $0x1400  }
0x15d: {  	[sflag:s25] =	ssyncset.done $0x0  }
0x15e: {  	[sflag:s25] =	ssyncadd.s32 $0xFFFFEC00  }
0x15f: {  	_ =	swait.ge [sflag:s25], $0x1400  }
0x160: {  	s13 =	smul.u32 $0x3, s12;
	[sflag:s25] =	ssyncset.done $0x0  }
0x161: {  	[sflag:s25] =	ssyncadd.s32 $0xFFFFEC00  }
0x162: {  	s11 =	sadd.s32 s13, s15;
	_ =	swait.ge [sflag:s26], $0x1400  }
0x163: {  	s11 =	smul.u32 $0x1400, s11;
	[sflag:s26] =	ssyncset.done $0x0  }
0x164: {  	[sflag:s26] =	ssyncadd.s32 $0xFFFFEC00  }
0x165: {  	s11 =	sshrl.u32 s11, $0x3;
	_ =	swait.ge [sflag:s26], $0x1400  }
0x166: {  	s14 =	sadd.s32 $0x280, s11;
	[sflag:s26] =	ssyncset.done $0x0  }
0x167: {  	s21 =	sadd.s32 s0, s14;
	[sflag:s26] =	ssyncadd.s32 $0xFFFFEC00  }
0x168: {  	[tilespmem:s5], [sflag:$0x1] =	stream.linear.gather [hbm4b:s21+s5], $0x1400, $0x38;
	[tilespmem:$0x1F8F0] =	vst v63  }
0x169: {  	s22 =	sadd.s32 s2, s14  }
0x16a: {  	[tilespmem:s20], [sflag:$0x1] =	stream.linear.gather [hbm4b:s22+s5], $0x1400, $0x38;
	[tilespmem:$0x1F8F0] =	vst v63  }
0x16b: {  	s18 =	sadd.s32 s3, s14;
	s22 =	simm.s32 $0x2800  }
0x16c: {  	[tilespmem:s22], [sflag:$0x1] =	stream.linear.gather [hbm4b:s18+s5], $0x1400, $0x38;
	[tilespmem:$0x1F8F0] =	vst v63  }
0x16d: {  	s22 =	sadd.s32 s4, s14;
	s18 =	simm.s32 $0x3C00  }
0x16e: {  	[tilespmem:s18], [sflag:$0x1] =	stream.linear.gather [hbm4b:s22+s5], $0x1400, $0x38;
	[tilespmem:$0x1F8F0] =	vst v63  }
0x16f: {  	s11 =	sadd.s32 s8, s11;
	s14 =	sadd.s32 s8, s14  }
0x170: {  	[tilespmem:s23], [sflag:$0x1] =	stream.linear.gather [hbm4b:s14+s5], $0x1400, $0x38;
	[tilespmem:$0x1F8F0] =	vst v63  }
0x171: {  	s11 =	sadd.s32 $0x61D00, s11;
	s14 =	simm.s32 $0x0  }
0x172: {  	[tilespmem:s24], [sflag:$0x1] =	stream.linear.gather [hbm4b:s11+s5], $0x1400, $0x38;
	[tilespmem:$0x1F8F0] =	vst v63  }
0x173: {  	v6 =	vld [tilespmem:s14+$0x15460]  }
0x174: {  	v12 =	vld [tilespmem:s14+$0x15450]  }
0x175: {  	v1 =	vld [tilespmem:s14+$0x17C70]  }
0x176: {  	v14 =	vld [tilespmem:s14+$0x15440]  }
0x177: {  	v5 =	vld [tilespmem:s14+$0x17C60]  }
0x178: {  	v2 =	vld [tilespmem:s14+$0x14070]  }
0x179: {  	v11 =	vld [tilespmem:s14+$0x16870]  }
0x17a: {  	v17 =	vld [tilespmem:s14+$0x15430]  }
0x17b: {  	v13 =	vld [tilespmem:s14+$0x17C50]  }
0x17c: {  	v18 =	vld [tilespmem:s14+$0x14060]  }
0x17d: {  	v19 =	vld [tilespmem:s14+$0x16860]  }
0x17e: {  	v7 =	vld [tilespmem:s14+$0x15420]  }
0x17f: {  	v20 =	vld [tilespmem:s14+$0x17C40]  }
0x180: {  	v23 =	vld [tilespmem:s14+$0x14050]  }
0x181: {  	v25 =	vld [tilespmem:s14+$0x16850]  }
0x182: {  	v8 =	vld [tilespmem:s14+$0x15410]  }
0x183: {  	v27 =	vld [tilespmem:s14+$0x17C30]  }
0x184: {  	v29 =	vld [tilespmem:s14+$0x14040]  }
0x185: {  	v30 =	vld [tilespmem:s14+$0x16840]  }
0x186: {  	v10 =	vld [tilespmem:s14+$0x15400]  }
0x187: {  	v34 =	vld [tilespmem:s14+$0x17C20]  }
0x188: {  	v35 =	vld [tilespmem:s14+$0x14030]  }
0x189: {  	v36 =	vld [tilespmem:s14+$0x16830]  }
0x18a: {  	v15 =	vld [tilespmem:s14+$0x17C10]  }
0x18b: {  	v16 =	vld [tilespmem:s14+$0x14020];
	v9 =	vmul.f32 $1.200000000e+03, v5;
	v5 =	vmul.f32 $1.200000000e+03, v1  }
0x18c: {  	v24 =	vld [tilespmem:s14+$0x16820];
	v26 =	vmul.f32 $8.000000110e-01, v2;
	v1 =	vmul.f32 $1.500000000e+03, v11  }
0x18d: {  	v22 =	vld [tilespmem:s14+$0x17C00];
	v11 =	vmul.f32 $1.200000000e+03, v13;
	v28 =	vmul.f32 $8.000000110e-01, v18  }
0x18e: {  	v33 =	vld [tilespmem:s14+$0x16810];
	v13 =	vmul.f32 $1.200000000e+03, v20;
	v21 =	vmul.f32 $1.500000000e+03, v19  }
0x18f: {  	v20 =	vld [tilespmem:s14+$0x14010];
	v31 =	vmul.f32 $8.000000110e-01, v23;
	v25 =	vmul.f32 $1.500000000e+03, v25;
	v6 =	vsub.f32 v18, v6  }
0x190: {  	v18 =	vmul.f32 $1.200000000e+03, v27;
	v32 =	vmul.f32 $8.000000110e-01, v29;
	v12 =	vsub.f32 v23, v12;
	v23 =	vld [tilespmem:s14+$0x14000]  }
0x191: {  	v19 =	vmul.f32 $1.200000000e+03, v34;
	v27 =	vmul.f32 $1.500000000e+03, v30;
	v14 =	vsub.f32 v29, v14  }
0x192: {  	s11 =	simm.s32 $0x200;
	v34 =	vld [tilespmem:s14+$0x16800];
	v29 =	vmul.f32 $8.000000110e-01, v35;
	v30 =	vmul.f32 $1.500000000e+03, v36;
	v17 =	vsub.f32 v35, v17  }
.LBB2_9:
0x193: {  	p0 =	sne.s32 s11, $0x4E00;
	v15 =	vmul.f32 $1.200000000e+03, v15;
	v35 =	vmul.f32 $8.000000110e-01, v16;
	v7 =	vsub.f32 v16, v7  }
0x194: {  	v16 =	vmul.f32 $1.200000000e+03, v22;
	v8 =	vsub.f32 v20, v8;
	v22 =	vmul.f32 $1.500000000e+03, v24  }
0x195: {  	v20 =	vmul.f32 $8.000000110e-01, v20;
	v24 =	vmul.f32 $1.500000000e+03, v33;
	v10 =	vsub.f32 v23, v10  }
0x196: {  	v9 =	vadd.f32 $0.0e+00, v9;
	v26 =	vadd.f32 $5.000000000e-01, v26;
	v33 =	vmul.f32 $8.000000110e-01, v23  }
0x197: {  	v11 =	vadd.f32 $0.0e+00, v11;
	v28 =	vadd.f32 $5.000000000e-01, v28;
	v34 =	vmul.f32 $1.500000000e+03, v34  }
0x198: {  	s21 =	sshra.s32 s11, $0x2;
	v13 =	vadd.f32 $0.0e+00, v13;
	v31 =	vadd.f32 $5.000000000e-01, v31;
	v36 =	vmul.f32 v12, v12;
	v37 =	vld [tilespmem:s14+$0x15470]  }
0x199: {  	v18 =	vadd.f32 $0.0e+00, v18;
	v32 =	vadd.f32 $5.000000000e-01, v32;
	v38 =	vmul.f32 v14, v14;
	v23 =	vld [tilespmem:s21+$0x15460]  }
0x19a: {  	v39 =	vmul.f32 v17, v17;
	v33 =	vadd.f32 $5.000000000e-01, v33;
	v34 =	vadd.f32 $2.000000000e+03, v34;
	v12 =	vld [tilespmem:s21+$0x15450]  }
0x19b: {  	v19 =	vadd.f32 $0.0e+00, v19;
	v16 =	vadd.f32 $0.0e+00, v16;
	v41 =	vmul.f32 v7, v7;
	v40 =	vld [tilespmem:s21+$0x17C70]  }
0x19c: {  	v7 =	vadd.f32 $5.000000000e-01, v20;
	v17 =	vadd.f32 $2.000000000e+03, v24;
	v33 =	vmul.f32 v34, v33;
	v14 =	vld [tilespmem:s21+$0x15440]  }
0x19d: {  	v8 =	vmul.f32 v8, v8;
	v22 =	vadd.f32 $2.000000000e+03, v22;
	v24 =	vadd.f32 $5.000000000e-01, v35;
	v20 =	vld [tilespmem:s21+$0x17C60]  }
0x19e: {  	v35 =	vmul.f32 v17, v7;
	v7 =	vadd.f32 $0.0e+00, v15;
	v16 =	vsub.f32 v33, v16;
	v34 =	vld [tilespmem:s21+$0x14070];
	[tilespmem:s14+$0x19000] =	vst v33  }
0x19f: {  	v15 =	vmul.f32 v22, v24;
	v22 =	vadd.f32 $5.000000000e-01, v29;
	v24 =	vadd.f32 $2.000000000e+03, v30;
	v42 =	vld [tilespmem:s21+$0x16870]  }
0x1a0: {  	v10 =	vmul.f32 v10, v10;
	v7 =	vsub.f32 v35, v7;
	v16 =	vmul.f32 v16, v16;
	v17 =	vld [tilespmem:s21+$0x15430];
	[tilespmem:s14+$0x19010] =	vst v35  }
0x1a1: {  	v19 =	vsub.f32 v15, v19;
	v22 =	vmul.f32 v24, v22;
	v24 =	vadd.f32 $2.000000000e+03, v27;
	v29 =	vld [tilespmem:s21+$0x17C50];
	[tilespmem:s14+$0x19020] =	vst v15  }
0x1a2: {  	v4 =	vadd.f32 v10, v4;
	v10 =	vmul.f32 v7, v7;
	v3 =	vadd.f32 v16, v3;
	v27 =	vld [tilespmem:s21+$0x14060]  }
0x1a3: {  	v16 =	vsub.f32 v22, v18;
	v18 =	vmul.f32 v24, v32;
	v24 =	vadd.f32 $2.000000000e+03, v25;
	v30 =	vld [tilespmem:s21+$0x16860];
	[tilespmem:s14+$0x19030] =	vst v22  }
0x1a4: {  	v4 =	vadd.f32 v8, v4;
	v8 =	vmul.f32 v19, v19;
	v3 =	vadd.f32 v10, v3;
	v7 =	vld [tilespmem:s21+$0x15420]  }
0x1a5: {  	v21 =	vadd.f32 $2.000000000e+03, v21;
	v10 =	vsub.f32 v18, v13;
	v13 =	vmul.f32 v24, v31;
	v19 =	vld [tilespmem:s21+$0x17C40];
	[tilespmem:s14+$0x19040] =	vst v18  }
0x1a6: {  	v4 =	vadd.f32 v41, v4;
	v16 =	vmul.f32 v16, v16;
	v3 =	vadd.f32 v8, v3;
	v43 =	vld [tilespmem:s21+$0x14050]  }
0x1a7: {  	v1 =	vadd.f32 $2.000000000e+03, v1;
	v21 =	vmul.f32 v21, v28;
	v11 =	vsub.f32 v13, v11;
	v25 =	vld [tilespmem:s21+$0x16850];
	[tilespmem:s14+$0x19050] =	vst v13  }
0x1a8: {  	v4 =	vadd.f32 v39, v4;
	v10 =	vmul.f32 v10, v10;
	v3 =	vadd.f32 v16, v3;
	v8 =	vld [tilespmem:s21+$0x15410]  }
0x1a9: {  	v9 =	vsub.f32 v21, v9;
	v31 =	vmul.f32 v1, v26;
	v1 =	vadd.f32 $0.0e+00, v5;
	v32 =	vld [tilespmem:s21+$0x17C30];
	[tilespmem:s14+$0x19060] =	vst v21  }
0x1aa: {  	v4 =	vadd.f32 v38, v4;
	v5 =	vmul.f32 v11, v11;
	v3 =	vadd.f32 v10, v3;
	v39 =	vld [tilespmem:s21+$0x14040]  }
0x1ab: {  	v6 =	vmul.f32 v6, v6;
	v1 =	vsub.f32 v31, v1;
	v11 =	vsub.f32 v2, v37;
	v38 =	vld [tilespmem:s21+$0x16840];
	[tilespmem:s14+$0x19070] =	vst v31  }
0x1ac: {  	v4 =	vadd.f32 v36, v4;
	v2 =	vmovc v34;
	v3 =	vadd.f32 v5, v3;
	v5 =	vmul.f32 v9, v9;
	v10 =	vld [tilespmem:s21+$0x15400]  }
0x1ad: {  	v16 =	vsub.f32 $0.0e+00, v35;
	v11 =	vmul.f32 v11, v11;
	v9 =	vsub.f32 $0.0e+00, v33;
	v34 =	vld [tilespmem:s21+$0x17C20]  }
0x1ae: {  	v4 =	vadd.f32 v6, v4;
	v1 =	vmul.f32 v1, v1;
	v3 =	vadd.f32 v5, v3;
	v35 =	vld [tilespmem:s21+$0x14030]  }
0x1af: {  	v22 =	vsub.f32 $0.0e+00, v22;
	v6 =	vsub.f32 $0.0e+00, v15;
	v36 =	vld [tilespmem:s21+$0x16830];
	[tilespmem:s14+$0x1A400] =	vst v9  }
0x1b0: {  	v4 =	vadd.f32 v11, v4;
	v3 =	vadd.f32 v1, v3;
	v15 =	vld [tilespmem:s21+$0x17C10];
	[tilespmem:s14+$0x1A410] =	vst v16  }
0x1b1: {  	v5 =	vmul.f32 $1.200000000e+03, v40;
	v9 =	vmul.f32 $1.200000000e+03, v20;
	v16 =	vld [tilespmem:s21+$0x14020];
	[tilespmem:s14+$0x1A420] =	vst v6;
	v6 =	vsub.f32 $0.0e+00, v18  }
0x1b2: {  	v26 =	vmul.f32 $8.000000110e-01, v2;
	v1 =	vmul.f32 $1.500000000e+03, v42;
	v18 =	vsub.f32 $0.0e+00, v13;
	v24 =	vld [tilespmem:s21+$0x16820];
	[tilespmem:s14+$0x1A430] =	vst v22  }
0x1b3: {  	v28 =	vmul.f32 $8.000000110e-01, v27;
	v11 =	vmul.f32 $1.200000000e+03, v29;
	v29 =	vsub.f32 $0.0e+00, v21;
	v22 =	vld [tilespmem:s21+$0x17C00];
	[tilespmem:s14+$0x1A440] =	vst v6  }
.Ltmp3:
0x1b4: {  	v21 =	vmul.f32 $1.500000000e+03, v30;
	v13 =	vmul.f32 $1.200000000e+03, v19;
	v19 =	vsub.f32 $0.0e+00, v31;
	v20 =	vld [tilespmem:s21+$0x14010];
	[tilespmem:s14+$0x1A450] =	vst v18;
	(pc) =	sbr.rel @p0 .LBB2_9-.Ltmp3, $4  }
0x1b5: {  	v25 =	vmul.f32 $1.500000000e+03, v25;
	v31 =	vmul.f32 $8.000000110e-01, v43;
	v6 =	vsub.f32 v27, v23;
	v33 =	vld [tilespmem:s21+$0x16810];
	[tilespmem:s14+$0x1A460] =	vst v29  }
0x1b6: {  	v12 =	vsub.f32 v43, v12;
	v18 =	vmul.f32 $1.200000000e+03, v32;
	v32 =	vmul.f32 $8.000000110e-01, v39;
	v23 =	vld [tilespmem:s21+$0x14000];
	[tilespmem:s14+$0x1A470] =	vst v19;
	s14 =	smov.u32 s21  }
0x1b7: {  	v14 =	vsub.f32 v39, v14;
	v27 =	vmul.f32 $1.500000000e+03, v38;
	v19 =	vmul.f32 $1.200000000e+03, v34  }
0x1b8: {  	s11 =	sadd.s32 $0x200, s11;
	v17 =	vsub.f32 v35, v17;
	v30 =	vmul.f32 $1.500000000e+03, v36;
	v29 =	vmul.f32 $8.000000110e-01, v35;
	v34 =	vld [tilespmem:s14+$0x16800]  }
0x1b9: {  	v32 =	vadd.f32 $5.000000000e-01, v32  }
0x1ba: {  	v35 =	vmul.f32 $8.000000110e-01, v16;
	v27 =	vadd.f32 $2.000000000e+03, v27;
	v31 =	vadd.f32 $5.000000000e-01, v31  }
0x1bb: {  	v37 =	vmul.f32 $8.000000110e-01, v20;
	v25 =	vadd.f32 $2.000000000e+03, v25;
	v28 =	vadd.f32 $5.000000000e-01, v28  }
0x1bc: {  	v24 =	vmul.f32 $1.500000000e+03, v24;
	v21 =	vadd.f32 $2.000000000e+03, v21;
	v26 =	vadd.f32 $5.000000000e-01, v26  }
0x1bd: {  	v1 =	vadd.f32 $2.000000000e+03, v1;
	v33 =	vmul.f32 $1.500000000e+03, v33;
	v27 =	vmul.f32 v27, v32  }
0x1be: {  	v29 =	vadd.f32 $5.000000000e-01, v29;
	v30 =	vadd.f32 $2.000000000e+03, v30;
	v25 =	vmul.f32 v25, v31  }
0x1bf: {  	v36 =	vmul.f32 $8.000000110e-01, v23;
	v35 =	vadd.f32 $5.000000000e-01, v35;
	v28 =	vmul.f32 v21, v28;
	[tilespmem:s14+$0x19040] =	vst v27  }
0x1c0: {  	v58 =	vadd.f32 $2.000000000e+03, v24;
	v21 =	vmul.f32 v1, v26;
	v34 =	vmul.f32 $1.500000000e+03, v34;
	[tilespmem:s14+$0x19050] =	vst v25  }
0x1c1: {  	v37 =	vadd.f32 $5.000000000e-01, v37;
	v33 =	vadd.f32 $2.000000000e+03, v33;
	v29 =	vmul.f32 v30, v29;
	[tilespmem:s14+$0x19060] =	vst v28  }
0x1c2: {  	v36 =	vadd.f32 $5.000000000e-01, v36;
	v35 =	vmul.f32 v58, v35;
	[tilespmem:s14+$0x19070] =	vst v21;
	v34 =	vadd.f32 $2.000000000e+03, v34  }
0x1c3: {  	v33 =	vmul.f32 v33, v37;
	[tilespmem:s14+$0x19030] =	vst v29  }
0x1c4: {  	v30 =	vsub.f32 $0.0e+00, v29;
	[tilespmem:s14+$0x19020] =	vst v35;
	v34 =	vmul.f32 v34, v36  }
0x1c5: {  	[tilespmem:s14+$0x19010] =	vst v33;
	v26 =	vsub.f32 $0.0e+00, v33  }
0x1c6: {  	[tilespmem:s14+$0x1A430] =	vst v30;
	v1 =	vsub.f32 $0.0e+00, v34  }
0x1c7: {  	[tilespmem:s14+$0x1A410] =	vst v26  }
0x1c8: {  	[tilespmem:s14+$0x1A400] =	vst v1;
	v1 =	vsub.f32 $0.0e+00, v35  }
0x1c9: {  	v26 =	vsub.f32 $0.0e+00, v25;
	[tilespmem:s14+$0x19000] =	vst v34  }
0x1ca: {  	[tilespmem:s14+$0x1A420] =	vst v1;
	v1 =	vsub.f32 $0.0e+00, v27  }
0x1cb: {  	[tilespmem:s14+$0x1A450] =	vst v26;
	v26 =	vsub.f32 $0.0e+00, v21  }
0x1cc: {  	[tilespmem:s14+$0x1A440] =	vst v1;
	v1 =	vsub.f32 $0.0e+00, v28  }
0x1cd: {  	[tilespmem:s14+$0x1A470] =	vst v26  }
0x1ce: {  	s11 =	simm.s32 $0x19000;
	[tilespmem:s14+$0x1A460] =	vst v1  }
0x1cf: {  	v24 =	vld [tilespmem:s14+$0x15470];
	[spmem:s6] =	stream.indirect.scatter.add.f32 [tilespmem:s11], [sflag:$0x6], $0x1, s7, s20, $0xb8  }
0x1d0: {  	s22 =	simm.s32 $0x1A400  }
0x1d1: {  	[spmem:s6] =	stream.indirect.scatter.add.f32 [tilespmem:s22], [sflag:$0x6], $0x1, s16, s20, $0xb8;
	[tilespmem:$0x1F8F0] =	vst v63  }
0x1d2: {  	_ =	swait.ge [sflag:s1], $0x1400  }
0x1d3: {  	[sflag:s1] =	ssyncset.done $0x0  }
0x1d4: {  	[sflag:s1] =	ssyncadd.s32 $0xFFFFEC00  }
0x1d5: {  	_ =	swait.ge [sflag:s1], $0x1400  }
0x1d6: {  	[sflag:s1] =	ssyncset.done $0x0  }
0x1d7: {  	[sflag:s1] =	ssyncadd.s32 $0xFFFFEC00  }
0x1d8: {  	_ =	swait.ge [sflag:s1], $0x1400  }
0x1d9: {  	[sflag:s1] =	ssyncset.done $0x0  }
0x1da: {  	[sflag:s1] =	ssyncadd.s32 $0xFFFFEC00  }
0x1db: {  	_ =	swait.ge [sflag:s1], $0x1400  }
0x1dc: {  	[sflag:s1] =	ssyncset.done $0x0  }
0x1dd: {  	[sflag:s1] =	ssyncadd.s32 $0xFFFFEC00  }
0x1de: {  	_ =	swait.ge [sflag:s1], $0x1400  }
0x1df: {  	[sflag:s1] =	ssyncset.done $0x0  }
0x1e0: {  	[sflag:s1] =	ssyncadd.s32 $0xFFFFEC00  }
0x1e1: {  	_ =	swait.ge [sflag:s1], $0x1400  }
0x1e2: {  	s11 =	sadd.s32 s13, s17;
	[sflag:s1] =	ssyncset.done $0x0  }
0x1e3: {  	p0 =	slt.s32 s11, $0x26F;
	[sflag:s1] =	ssyncadd.s32 $0xFFFFEC00  }
0x1e4: {  	s11 =	simm.s32 @!p0 $0x26F;
	_ =	swait.ge [sflag:s28], $0x1400  }
0x1e5: {  	s11 =	smul.u32 $0x1400, s11;
	[sflag:s28] =	ssyncset.done $0x0  }
0x1e6: {  	[sflag:s28] =	ssyncadd.s32 $0xFFFFEC00  }
0x1e7: {  	s11 =	sshrl.u32 s11, $0x3;
	_ =	swait.ge [sflag:s28], $0x1400  }
0x1e8: {  	s18 =	simm.s32 $0xA000;
	s14 =	sadd.s32 $0x280, s11;
	[sflag:s28] =	ssyncset.done $0x0  }
0x1e9: {  	s22 =	simm.s32 $0x0;
	s21 =	sadd.s32 s0, s14;
	[sflag:s28] =	ssyncadd.s32 $0xFFFFEC00  }
0x1ea: {  	[tilespmem:s18], [sflag:$0x2] =	stream.linear.gather [hbm4b:s21+s22], $0x1400, $0x38;
	[tilespmem:$0x1F8F0] =	vst v63  }
0x1eb: {  	s21 =	sadd.s32 s2, s14;
	s18 =	simm.s32 $0xB400  }
0x1ec: {  	[tilespmem:s18], [sflag:$0x2] =	stream.linear.gather [hbm4b:s21+s22], $0x1400, $0x38;
	[tilespmem:$0x1F8F0] =	vst v63  }
0x1ed: {  	s21 =	sadd.s32 s3, s14;
	s18 =	simm.s32 $0xC800  }
0x1ee: {  	[tilespmem:s18], [sflag:$0x2] =	stream.linear.gather [hbm4b:s21+s22], $0x1400, $0x38;
	[tilespmem:$0x1F8F0] =	vst v63  }
0x1ef: {  	s21 =	sadd.s32 s4, s14;
	s18 =	simm.s32 $0xDC00  }
0x1f0: {  	[tilespmem:s18], [sflag:$0x2] =	stream.linear.gather [hbm4b:s21+s22], $0x1400, $0x38;
	[tilespmem:$0x1F8F0] =	vst v63  }
0x1f1: {  	s11 =	sadd.s32 s8, s11;
	s14 =	sadd.s32 s8, s14  }
0x1f2: {  	[tilespmem:s30], [sflag:$0x2] =	stream.linear.gather [hbm4b:s14+s22], $0x1400, $0x38;
	[tilespmem:$0x1F8F0] =	vst v63  }
0x1f3: {  	s11 =	sadd.s32 $0x61D00, s11;
	s14 =	simm.s32 $0x0  }
0x1f4: {  	[tilespmem:s31], [sflag:$0x2] =	stream.linear.gather [hbm4b:s11+s22], $0x1400, $0x38;
	[tilespmem:$0x1F8F0] =	vst v63  }
0x1f5: {  	v30 =	vld [tilespmem:s14+$0x1460]  }
0x1f6: {  	v59 =	vld [tilespmem:s14+$0x1450]  }
0x1f7: {  	v26 =	vld [tilespmem:s14+$0x3C70]  }
0x1f8: {  	v1 =	vmul.f32 $1.200000000e+03, v22;
	v60 =	vld [tilespmem:s14+$0x1440]  }
0x1f9: {  	v22 =	vld [tilespmem:s14+$0x3C60]  }
0x1fa: {  	v15 =	vmul.f32 $1.200000000e+03, v15;
	v31 =	vadd.f32 $0.0e+00, v1;
	v1 =	vld [tilespmem:s14+$0x70]  }
0x1fb: {  	v7 =	vsub.f32 v16, v7;
	v10 =	vsub.f32 v23, v10;
	v23 =	vld [tilespmem:s14+$0x2870]  }
0x1fc: {  	v15 =	vadd.f32 $0.0e+00, v15;
	v16 =	vsub.f32 v34, v31;
	v38 =	vld [tilespmem:s14+$0x1430]  }
0x1fd: {  	v8 =	vsub.f32 v20, v8;
	v20 =	vld [tilespmem:s14+$0x3C50]  }
0x1fe: {  	v10 =	vmul.f32 v10, v10;
	v15 =	vsub.f32 v33, v15;
	v16 =	vmul.f32 v16, v16;
	v61 =	vld [tilespmem:s14+$0x60]  }
0x1ff: {  	v19 =	vadd.f32 $0.0e+00, v19;
	v18 =	vadd.f32 $0.0e+00, v18;
	v8 =	vmul.f32 v8, v8;
	v31 =	vld [tilespmem:s14+$0x2860]  }
0x200: {  	v10 =	vadd.f32 v10, v4;
	v15 =	vmul.f32 v15, v15;
	v3 =	vadd.f32 v16, v3;
	v4 =	vld [tilespmem:s14+$0x1420]  }
0x201: {  	v19 =	vsub.f32 v35, v19;
	v16 =	vsub.f32 v29, v18;
	v18 =	vld [tilespmem:s14+$0x3C40]  }
0x202: {  	v7 =	vmul.f32 v7, v7;
	v8 =	vadd.f32 v8, v10;
	v3 =	vadd.f32 v15, v3;
	v15 =	vld [tilespmem:s14+$0x50]  }
0x203: {  	v13 =	vadd.f32 $0.0e+00, v13;
	v10 =	vmul.f32 v19, v19;
	v19 =	vld [tilespmem:s14+$0x2850]  }
0x204: {  	v11 =	vadd.f32 $0.0e+00, v11;
	v17 =	vmul.f32 v17, v17;
	v8 =	vadd.f32 v7, v8;
	v7 =	vld [tilespmem:s14+$0x1410]  }
0x205: {  	v13 =	vsub.f32 v27, v13;
	v3 =	vadd.f32 v10, v3;
	v10 =	vmul.f32 v16, v16;
	v27 =	vld [tilespmem:s14+$0x3C30]  }
0x206: {  	v9 =	vadd.f32 $0.0e+00, v9;
	v14 =	vmul.f32 v14, v14;
	v8 =	vadd.f32 v17, v8;
	v17 =	vld [tilespmem:s14+$0x40]  }
0x207: {  	v11 =	vsub.f32 v25, v11;
	v3 =	vadd.f32 v10, v3;
	v10 =	vmul.f32 v13, v13;
	v29 =	vld [tilespmem:s14+$0x2840]  }
0x208: {  	v5 =	vadd.f32 $0.0e+00, v5;
	v13 =	vadd.f32 v14, v8;
	v8 =	vld [tilespmem:s14+$0x1400]  }
0x209: {  	v9 =	vsub.f32 v28, v9;
	v3 =	vadd.f32 v10, v3;
	v10 =	vmul.f32 v11, v11;
	v62 =	vld [tilespmem:s14+$0x3C20]  }
0x20a: {  	v12 =	vmul.f32 v12, v12;
	v5 =	vsub.f32 v21, v5;
	v2 =	vsub.f32 v2, v24;
	v63 =	vld [tilespmem:s14+$0x30]  }
0x20b: {  	v6 =	vmul.f32 v6, v6;
	v9 =	vmul.f32 v9, v9;
	v3 =	vadd.f32 v10, v3;
	v39 =	vld [tilespmem:s14+$0x2830]  }
0x20c: {  	v21 =	vmul.f32 v5, v5;
	v11 =	vadd.f32 v12, v13;
	v12 =	vmul.f32 v2, v2;
	v14 =	vld [tilespmem:s14+$0x3C10]  }
0x20d: {  	v3 =	vadd.f32 v9, v3;
	v16 =	vld [tilespmem:s14+$0x20];
	v10 =	vmul.f32 $1.200000000e+03, v22;
	v2 =	vmul.f32 $1.200000000e+03, v26  }
0x20e: {  	v5 =	vadd.f32 v6, v11;
	v24 =	vld [tilespmem:s14+$0x2820];
	v26 =	vmul.f32 $8.000000110e-01, v1;
	v13 =	vmul.f32 $1.500000000e+03, v23  }
0x20f: {  	v6 =	vadd.f32 v21, v3;
	v21 =	vld [tilespmem:s14+$0x3C00];
	v9 =	vmul.f32 $1.200000000e+03, v20;
	v28 =	vmul.f32 $8.000000110e-01, v61  }
0x210: {  	v5 =	vadd.f32 v12, v5;
	v33 =	vld [tilespmem:s14+$0x2810];
	v12 =	vmul.f32 $1.200000000e+03, v18;
	v22 =	vmul.f32 $1.500000000e+03, v31  }
0x211: {  	v20 =	vld [tilespmem:s14+$0x10];
	v31 =	vmul.f32 $8.000000110e-01, v15;
	v25 =	vmul.f32 $1.500000000e+03, v19;
	v3 =	vsub.f32 v61, v30  }
0x212: {  	v18 =	vmul.f32 $1.200000000e+03, v27;
	v32 =	vmul.f32 $8.000000110e-01, v17;
	v11 =	vsub.f32 v15, v59;
	v23 =	vld [tilespmem:s14+$0x0]  }
0x213: {  	v19 =	vmul.f32 $1.200000000e+03, v62;
	v27 =	vmul.f32 $1.500000000e+03, v29;
	v15 =	vsub.f32 v17, v60  }
0x214: {  	s11 =	simm.s32 $0x200;
	v34 =	vld [tilespmem:s14+$0x2800];
	v29 =	vmul.f32 $8.000000110e-01, v63;
	v30 =	vmul.f32 $1.500000000e+03, v39;
	v17 =	vsub.f32 v63, v38  }
.LBB2_11:
0x215: {  	p0 =	sne.s32 s11, $0x4E00;
	v14 =	vmul.f32 $1.200000000e+03, v14;
	v35 =	vmul.f32 $8.000000110e-01, v16;
	v4 =	vsub.f32 v16, v4  }
0x216: {  	v16 =	vmul.f32 $1.200000000e+03, v21;
	v7 =	vsub.f32 v20, v7;
	v21 =	vmul.f32 $1.500000000e+03, v24  }
0x217: {  	v20 =	vmul.f32 $8.000000110e-01, v20;
	v24 =	vmul.f32 $1.500000000e+03, v33;
	v8 =	vsub.f32 v23, v8  }
0x218: {  	v10 =	vadd.f32 $0.0e+00, v10;
	v26 =	vadd.f32 $5.000000000e-01, v26;
	v33 =	vmul.f32 $8.000000110e-01, v23  }
0x219: {  	v9 =	vadd.f32 $0.0e+00, v9;
	v28 =	vadd.f32 $5.000000000e-01, v28;
	v34 =	vmul.f32 $1.500000000e+03, v34  }
0x21a: {  	s21 =	sshra.s32 s11, $0x2;
	v12 =	vadd.f32 $0.0e+00, v12;
	v31 =	vadd.f32 $5.000000000e-01, v31;
	v36 =	vmul.f32 v11, v11;
	v37 =	vld [tilespmem:s14+$0x1470]  }
0x21b: {  	v18 =	vadd.f32 $0.0e+00, v18;
	v32 =	vadd.f32 $5.000000000e-01, v32;
	v38 =	vmul.f32 v15, v15;
	v23 =	vld [tilespmem:s21+$0x1460]  }
0x21c: {  	v39 =	vmul.f32 v17, v17;
	v33 =	vadd.f32 $5.000000000e-01, v33;
	v34 =	vadd.f32 $2.000000000e+03, v34;
	v11 =	vld [tilespmem:s21+$0x1450]  }
0x21d: {  	v19 =	vadd.f32 $0.0e+00, v19;
	v16 =	vadd.f32 $0.0e+00, v16;
	v41 =	vmul.f32 v4, v4;
	v40 =	vld [tilespmem:s21+$0x3C70]  }
0x21e: {  	v4 =	vadd.f32 $5.000000000e-01, v20;
	v17 =	vadd.f32 $2.000000000e+03, v24;
	v33 =	vmul.f32 v34, v33;
	v15 =	vld [tilespmem:s21+$0x1440]  }
0x21f: {  	v7 =	vmul.f32 v7, v7;
	v21 =	vadd.f32 $2.000000000e+03, v21;
	v24 =	vadd.f32 $5.000000000e-01, v35;
	v20 =	vld [tilespmem:s21+$0x3C60]  }
0x220: {  	v35 =	vmul.f32 v17, v4;
	v4 =	vadd.f32 $0.0e+00, v14;
	v16 =	vsub.f32 v33, v16;
	v34 =	vld [tilespmem:s21+$0x70];
	[tilespmem:s14+$0x5000] =	vst v33  }
0x221: {  	v14 =	vmul.f32 v21, v24;
	v21 =	vadd.f32 $5.000000000e-01, v29;
	v24 =	vadd.f32 $2.000000000e+03, v30;
	v42 =	vld [tilespmem:s21+$0x2870]  }
0x222: {  	v8 =	vmul.f32 v8, v8;
	v4 =	vsub.f32 v35, v4;
	v16 =	vmul.f32 v16, v16;
	v17 =	vld [tilespmem:s21+$0x1430];
	[tilespmem:s14+$0x5010] =	vst v35  }
0x223: {  	v19 =	vsub.f32 v14, v19;
	v21 =	vmul.f32 v24, v21;
	v24 =	vadd.f32 $2.000000000e+03, v27;
	v29 =	vld [tilespmem:s21+$0x3C50];
	[tilespmem:s14+$0x5020] =	vst v14  }
0x224: {  	v5 =	vadd.f32 v8, v5;
	v8 =	vmul.f32 v4, v4;
	v6 =	vadd.f32 v16, v6;
	v27 =	vld [tilespmem:s21+$0x60]  }
0x225: {  	v16 =	vsub.f32 v21, v18;
	v18 =	vmul.f32 v24, v32;
	v24 =	vadd.f32 $2.000000000e+03, v25;
	v30 =	vld [tilespmem:s21+$0x2860];
	[tilespmem:s14+$0x5030] =	vst v21  }
0x226: {  	v5 =	vadd.f32 v7, v5;
	v7 =	vmul.f32 v19, v19;
	v6 =	vadd.f32 v8, v6;
	v4 =	vld [tilespmem:s21+$0x1420]  }
0x227: {  	v22 =	vadd.f32 $2.000000000e+03, v22;
	v8 =	vsub.f32 v18, v12;
	v12 =	vmul.f32 v24, v31;
	v19 =	vld [tilespmem:s21+$0x3C40];
	[tilespmem:s14+$0x5040] =	vst v18  }
0x228: {  	v5 =	vadd.f32 v41, v5;
	v16 =	vmul.f32 v16, v16;
	v6 =	vadd.f32 v7, v6;
	v43 =	vld [tilespmem:s21+$0x50]  }
0x229: {  	v13 =	vadd.f32 $2.000000000e+03, v13;
	v22 =	vmul.f32 v22, v28;
	v9 =	vsub.f32 v12, v9;
	v25 =	vld [tilespmem:s21+$0x2850];
	[tilespmem:s14+$0x5050] =	vst v12  }
0x22a: {  	v5 =	vadd.f32 v39, v5;
	v8 =	vmul.f32 v8, v8;
	v6 =	vadd.f32 v16, v6;
	v7 =	vld [tilespmem:s21+$0x1410]  }
0x22b: {  	v2 =	vadd.f32 $0.0e+00, v2;
	v10 =	vsub.f32 v22, v10;
	v31 =	vmul.f32 v13, v26;
	v32 =	vld [tilespmem:s21+$0x3C30];
	[tilespmem:s14+$0x5060] =	vst v22  }
0x22c: {  	v5 =	vadd.f32 v38, v5;
	v9 =	vmul.f32 v9, v9;
	v6 =	vadd.f32 v8, v6;
	v39 =	vld [tilespmem:s21+$0x40]  }
0x22d: {  	v3 =	vmul.f32 v3, v3;
	v13 =	vsub.f32 v1, v37;
	v2 =	vsub.f32 v31, v2;
	v38 =	vld [tilespmem:s21+$0x2840];
	[tilespmem:s14+$0x5070] =	vst v31  }
0x22e: {  	v5 =	vadd.f32 v36, v5;
	v1 =	vmovc v34;
	v6 =	vadd.f32 v9, v6;
	v9 =	vmul.f32 v10, v10;
	v8 =	vld [tilespmem:s21+$0x1400]  }
0x22f: {  	v13 =	vmul.f32 v13, v13;
	v16 =	vsub.f32 $0.0e+00, v35;
	v10 =	vsub.f32 $0.0e+00, v33;
	v34 =	vld [tilespmem:s21+$0x3C20]  }
0x230: {  	v3 =	vadd.f32 v3, v5;
	v2 =	vmul.f32 v2, v2;
	v6 =	vadd.f32 v9, v6;
	v35 =	vld [tilespmem:s21+$0x30]  }
0x231: {  	v21 =	vsub.f32 $0.0e+00, v21;
	v9 =	vsub.f32 $0.0e+00, v14;
	v36 =	vld [tilespmem:s21+$0x2830];
	[tilespmem:s14+$0x6400] =	vst v10  }
0x232: {  	v5 =	vadd.f32 v13, v3;
	v6 =	vadd.f32 v2, v6;
	v14 =	vld [tilespmem:s21+$0x3C10];
	[tilespmem:s14+$0x6410] =	vst v16  }
0x233: {  	v3 =	vsub.f32 $0.0e+00, v18;
	v10 =	vmul.f32 $1.200000000e+03, v20;
	v2 =	vmul.f32 $1.200000000e+03, v40;
	v16 =	vld [tilespmem:s21+$0x20];
	[tilespmem:s14+$0x6420] =	vst v9  }
0x234: {  	v26 =	vmul.f32 $8.000000110e-01, v1;
	v13 =	vmul.f32 $1.500000000e+03, v42;
	v18 =	vsub.f32 $0.0e+00, v12;
	v24 =	vld [tilespmem:s21+$0x2820];
	[tilespmem:s14+$0x6430] =	vst v21  }
0x235: {  	v28 =	vmul.f32 $8.000000110e-01, v27;
	v9 =	vmul.f32 $1.200000000e+03, v29;
	v29 =	vsub.f32 $0.0e+00, v22;
	v21 =	vld [tilespmem:s21+$0x3C00];
	[tilespmem:s14+$0x6440] =	vst v3  }
.Ltmp4:
0x236: {  	v12 =	vmul.f32 $1.200000000e+03, v19;
	v19 =	vsub.f32 $0.0e+00, v31;
	v22 =	vmul.f32 $1.500000000e+03, v30;
	v20 =	vld [tilespmem:s21+$0x10];
	[tilespmem:s14+$0x6450] =	vst v18;
	(pc) =	sbr.rel @p0 .LBB2_11-.Ltmp4, $4  }
0x237: {  	v31 =	vmul.f32 $8.000000110e-01, v43;
	v25 =	vmul.f32 $1.500000000e+03, v25;
	v3 =	vsub.f32 v27, v23;
	v33 =	vld [tilespmem:s21+$0x2810];
	[tilespmem:s14+$0x6460] =	vst v29  }
0x238: {  	v11 =	vsub.f32 v43, v11;
	v18 =	vmul.f32 $1.200000000e+03, v32;
	v32 =	vmul.f32 $8.000000110e-01, v39;
	v23 =	vld [tilespmem:s21+$0x0];
	[tilespmem:s14+$0x6470] =	vst v19;
	s14 =	smov.u32 s21  }
0x239: {  	v15 =	vsub.f32 v39, v15;
	v27 =	vmul.f32 $1.500000000e+03, v38;
	v19 =	vmul.f32 $1.200000000e+03, v34  }
0x23a: {  	s11 =	sadd.s32 $0x200, s11;
	v17 =	vsub.f32 v35, v17;
	v30 =	vmul.f32 $1.500000000e+03, v36;
	v29 =	vmul.f32 $8.000000110e-01, v35;
	v34 =	vld [tilespmem:s14+$0x2800]  }
0x23b: {  	v32 =	vadd.f32 $5.000000000e-01, v32  }
0x23c: {  	v35 =	vmul.f32 $8.000000110e-01, v16;
	v27 =	vadd.f32 $2.000000000e+03, v27;
	v31 =	vadd.f32 $5.000000000e-01, v31  }
0x23d: {  	v37 =	vmul.f32 $8.000000110e-01, v20;
	v25 =	vadd.f32 $2.000000000e+03, v25;
	v28 =	vadd.f32 $5.000000000e-01, v28  }
0x23e: {  	v24 =	vmul.f32 $1.500000000e+03, v24;
	v22 =	vadd.f32 $2.000000000e+03, v22;
	v26 =	vadd.f32 $5.000000000e-01, v26  }
0x23f: {  	v13 =	vadd.f32 $2.000000000e+03, v13;
	v33 =	vmul.f32 $1.500000000e+03, v33;
	v27 =	vmul.f32 v27, v32  }
0x240: {  	v29 =	vadd.f32 $5.000000000e-01, v29;
	v30 =	vadd.f32 $2.000000000e+03, v30;
	v25 =	vmul.f32 v25, v31  }
0x241: {  	v36 =	vmul.f32 $8.000000110e-01, v23;
	v35 =	vadd.f32 $5.000000000e-01, v35;
	v22 =	vmul.f32 v22, v28;
	[tilespmem:s14+$0x5040] =	vst v27  }
0x242: {  	v50 =	vadd.f32 $2.000000000e+03, v24;
	v13 =	vmul.f32 v13, v26;
	v34 =	vmul.f32 $1.500000000e+03, v34;
	[tilespmem:s14+$0x5050] =	vst v25  }
0x243: {  	v37 =	vadd.f32 $5.000000000e-01, v37;
	v33 =	vadd.f32 $2.000000000e+03, v33;
	v29 =	vmul.f32 v30, v29;
	[tilespmem:s14+$0x5060] =	vst v22  }
0x244: {  	v36 =	vadd.f32 $5.000000000e-01, v36;
	v35 =	vmul.f32 v50, v35;
	[tilespmem:s14+$0x5070] =	vst v13;
	v34 =	vadd.f32 $2.000000000e+03, v34  }
0x245: {  	v33 =	vmul.f32 v33, v37;
	[tilespmem:s14+$0x5030] =	vst v29  }
0x246: {  	v30 =	vsub.f32 $0.0e+00, v29;
	[tilespmem:s14+$0x5020] =	vst v35;
	v34 =	vmul.f32 v34, v36  }
0x247: {  	[tilespmem:s14+$0x5010] =	vst v33;
	v28 =	vsub.f32 $0.0e+00, v33  }
0x248: {  	[tilespmem:s14+$0x6430] =	vst v30;
	v26 =	vsub.f32 $0.0e+00, v34  }
0x249: {  	[tilespmem:s14+$0x6410] =	vst v28  }
0x24a: {  	[tilespmem:s14+$0x6400] =	vst v26;
	v26 =	vsub.f32 $0.0e+00, v35  }
0x24b: {  	v28 =	vsub.f32 $0.0e+00, v25;
	[tilespmem:s14+$0x5000] =	vst v34  }
0x24c: {  	[tilespmem:s14+$0x6420] =	vst v26;
	v26 =	vsub.f32 $0.0e+00, v27  }
0x24d: {  	[tilespmem:s14+$0x6450] =	vst v28;
	v28 =	vsub.f32 $0.0e+00, v13  }
0x24e: {  	[tilespmem:s14+$0x6440] =	vst v26;
	v26 =	vsub.f32 $0.0e+00, v22  }
0x24f: {  	[tilespmem:s14+$0x6470] =	vst v28  }
0x250: {  	s11 =	simm.s32 $0x5000;
	[tilespmem:s14+$0x6460] =	vst v26  }
0x251: {  	v24 =	vld [tilespmem:s14+$0x1470];
	[spmem:s6] =	stream.indirect.scatter.add.f32 [tilespmem:s11], [sflag:$0x4], $0x1, s24, s20, $0xb8  }
0x252: {  	s22 =	simm.s32 $0x6400  }
0x253: {  	[spmem:s6] =	stream.indirect.scatter.add.f32 [tilespmem:s22], [sflag:$0x4], $0x1, s23, s20, $0xb8;
	[tilespmem:$0x1F8F0] =	vst v63  }
0x254: {  	_ =	swait.ge [sflag:s19], $0x1400  }
0x255: {  	[sflag:s19] =	ssyncset.done $0x0  }
0x256: {  	[sflag:s19] =	ssyncadd.s32 $0xFFFFEC00  }
0x257: {  	_ =	swait.ge [sflag:s19], $0x1400  }
0x258: {  	[sflag:s19] =	ssyncset.done $0x0  }
0x259: {  	[sflag:s19] =	ssyncadd.s32 $0xFFFFEC00  }
0x25a: {  	_ =	swait.ge [sflag:s19], $0x1400  }
0x25b: {  	[sflag:s19] =	ssyncset.done $0x0  }
0x25c: {  	[sflag:s19] =	ssyncadd.s32 $0xFFFFEC00  }
0x25d: {  	_ =	swait.ge [sflag:s19], $0x1400  }
0x25e: {  	[sflag:s19] =	ssyncset.done $0x0  }
0x25f: {  	[sflag:s19] =	ssyncadd.s32 $0xFFFFEC00  }
0x260: {  	_ =	swait.ge [sflag:s19], $0x1400  }
0x261: {  	[sflag:s19] =	ssyncset.done $0x0  }
0x262: {  	[sflag:s19] =	ssyncadd.s32 $0xFFFFEC00  }
0x263: {  	s11 =	sadd.s32 $0x4, s13;
	_ =	swait.ge [sflag:s19], $0x1400  }
0x264: {  	s13 =	sadd.s32 s9, s11;
	[sflag:s19] =	ssyncset.done $0x0  }
0x265: {  	p0 =	slt.s32 s13, $0x26F;
	[sflag:s19] =	ssyncadd.s32 $0xFFFFEC00  }
0x266: {  	s13 =	simm.s32 @!p0 $0x26F;
	_ =	swait.ge [sflag:s29], $0x1400  }
0x267: {  	s13 =	smul.u32 $0x1400, s13;
	[sflag:s29] =	ssyncset.done $0x0  }
0x268: {  	[sflag:s29] =	ssyncadd.s32 $0xFFFFEC00  }
0x269: {  	s13 =	sshrl.u32 s13, $0x3;
	_ =	swait.ge [sflag:s29], $0x1400  }
0x26a: {  	s18 =	simm.s32 $0x14000;
	s14 =	sadd.s32 $0x280, s13;
	[sflag:s29] =	ssyncset.done $0x0  }
0x26b: {  	s22 =	simm.s32 $0x0;
	s21 =	sadd.s32 s0, s14;
	[sflag:s29] =	ssyncadd.s32 $0xFFFFEC00  }
0x26c: {  	[tilespmem:s18], [sflag:$0x3] =	stream.linear.gather [hbm4b:s21+s22], $0x1400, $0x38;
	[tilespmem:$0x1F8F0] =	vst v63  }
0x26d: {  	s21 =	sadd.s32 s2, s14;
	s18 =	simm.s32 $0x15400  }
0x26e: {  	[tilespmem:s18], [sflag:$0x3] =	stream.linear.gather [hbm4b:s21+s22], $0x1400, $0x38;
	[tilespmem:$0x1F8F0] =	vst v63  }
0x26f: {  	s21 =	sadd.s32 s3, s14;
	s18 =	simm.s32 $0x16800  }
0x270: {  	[tilespmem:s18], [sflag:$0x3] =	stream.linear.gather [hbm4b:s21+s22], $0x1400, $0x38;
	[tilespmem:$0x1F8F0] =	vst v63  }
0x271: {  	s21 =	sadd.s32 s4, s14;
	s18 =	simm.s32 $0x17C00  }
0x272: {  	[tilespmem:s18], [sflag:$0x3] =	stream.linear.gather [hbm4b:s21+s22], $0x1400, $0x38;
	[tilespmem:$0x1F8F0] =	vst v63  }
0x273: {  	s13 =	sadd.s32 s8, s13;
	s14 =	sadd.s32 s8, s14  }
0x274: {  	[tilespmem:s16], [sflag:$0x3] =	stream.linear.gather [hbm4b:s14+s22], $0x1400, $0x38;
	[tilespmem:$0x1F8F0] =	vst v63  }
0x275: {  	s13 =	sadd.s32 $0x61D00, s13  }
0x276: {  	[tilespmem:s7], [sflag:$0x3] =	stream.linear.gather [hbm4b:s13+s22], $0x1400, $0x38;
	[tilespmem:$0x1F8F0] =	vst v63  }
0x277: {  	s13 =	simm.s32 $0x0  }
0x278: {  	v26 =	vld [tilespmem:s13+$0xB470]  }
0x279: {  	v28 =	vld [tilespmem:s13+$0xB460]  }
0x27a: {  	v30 =	vld [tilespmem:s13+$0xB450]  }
0x27b: {  	v21 =	vmul.f32 $1.200000000e+03, v21;
	v31 =	vld [tilespmem:s13+$0xDC70]  }
0x27c: {  	v8 =	vsub.f32 v23, v8;
	v51 =	vld [tilespmem:s13+$0xB440]  }
0x27d: {  	v14 =	vmul.f32 $1.200000000e+03, v14;
	v4 =	vsub.f32 v16, v4;
	v21 =	vadd.f32 $0.0e+00, v21;
	v52 =	vld [tilespmem:s13+$0xDC60]  }
0x27e: {  	v7 =	vsub.f32 v20, v7;
	v10 =	vadd.f32 $0.0e+00, v10;
	v8 =	vmul.f32 v8, v8;
	v53 =	vld [tilespmem:s13+$0xA070]  }
0x27f: {  	v14 =	vadd.f32 $0.0e+00, v14;
	v21 =	vsub.f32 v34, v21;
	v38 =	vld [tilespmem:s13+$0xC870]  }
0x280: {  	v19 =	vadd.f32 $0.0e+00, v19;
	v7 =	vmul.f32 v7, v7;
	v5 =	vadd.f32 v8, v5;
	v16 =	vld [tilespmem:s13+$0xB430]  }
0x281: {  	v18 =	vadd.f32 $0.0e+00, v18;
	v14 =	vsub.f32 v33, v14;
	v21 =	vmul.f32 v21, v21;
	v23 =	vld [tilespmem:s13+$0xDC50]  }
0x282: {  	v12 =	vadd.f32 $0.0e+00, v12;
	v4 =	vmul.f32 v4, v4;
	v5 =	vadd.f32 v7, v5;
	v20 =	vld [tilespmem:s13+$0xA060]  }
0x283: {  	v19 =	vsub.f32 v35, v19;
	v14 =	vmul.f32 v14, v14;
	v6 =	vadd.f32 v21, v6;
	v54 =	vld [tilespmem:s13+$0xC860]  }
0x284: {  	v9 =	vadd.f32 $0.0e+00, v9;
	v17 =	vmul.f32 v17, v17;
	v4 =	vadd.f32 v4, v5;
	v8 =	vld [tilespmem:s13+$0xB420]  }
0x285: {  	v18 =	vsub.f32 v29, v18;
	v6 =	vadd.f32 v14, v6;
	v14 =	vmul.f32 v19, v19;
	v21 =	vld [tilespmem:s13+$0xDC40]  }
0x286: {  	v15 =	vmul.f32 v15, v15;
	v2 =	vadd.f32 $0.0e+00, v2;
	v4 =	vadd.f32 v17, v4;
	v7 =	vld [tilespmem:s13+$0xA050]  }
0x287: {  	v12 =	vsub.f32 v27, v12;
	v6 =	vadd.f32 v14, v6;
	v14 =	vmul.f32 v18, v18;
	v19 =	vld [tilespmem:s13+$0xC850]  }
0x288: {  	v11 =	vmul.f32 v11, v11;
	v9 =	vsub.f32 v25, v9;
	v4 =	vadd.f32 v15, v4;
	v5 =	vld [tilespmem:s13+$0xB410]  }
0x289: {  	v10 =	vsub.f32 v22, v10;
	v12 =	vmul.f32 v12, v12;
	v6 =	vadd.f32 v14, v6;
	v18 =	vld [tilespmem:s13+$0xDC30]  }
0x28a: {  	v3 =	vmul.f32 v3, v3;
	v1 =	vsub.f32 v1, v24;
	v4 =	vadd.f32 v11, v4;
	v17 =	vld [tilespmem:s13+$0xA040]  }
0x28b: {  	v2 =	vsub.f32 v13, v2;
	v9 =	vmul.f32 v9, v9;
	v6 =	vadd.f32 v12, v6;
	v14 =	vld [tilespmem:s13+$0xC840]  }
0x28c: {  	v1 =	vmul.f32 v1, v1;
	v3 =	vadd.f32 v3, v4;
	v12 =	vld [tilespmem:s13+$0xDC20]  }
0x28d: {  	v4 =	vmul.f32 v2, v2;
	v6 =	vadd.f32 v9, v6;
	v9 =	vmul.f32 v10, v10;
	v11 =	vld [tilespmem:s13+$0xA030]  }
0x28e: {  	v3 =	vadd.f32 v1, v3;
	p0 =	slt.u32 s11, s10;
	s11 =	simm.f32 $1.000000000e+00;
	v10 =	vld [tilespmem:s13+$0xC830];
	v2 =	vmul.f32 $1.200000000e+03, v31;
	v22 =	vmul.f32 $1.200000000e+03, v52  }
0x28f: {  	s11 =	simm.s32 @!p0 $0x0;
	v6 =	vadd.f32 v9, v6;
	v13 =	vld [tilespmem:s13+$0xDC10];
	v24 =	vmul.f32 $8.000000110e-01, v53;
	v23 =	vmul.f32 $1.200000000e+03, v23  }
0x290: {  	v1 =	vmov s11;
	v9 =	vld [tilespmem:s13+$0xA020];
	v29 =	vmul.f32 $1.500000000e+03, v38;
	v31 =	vmul.f32 $8.000000110e-01, v20  }
0x291: {  	v27 =	vadd.f32 v4, v6;
	v25 =	vld [tilespmem:s13+$0xC820];
	v33 =	vmul.f32 $1.500000000e+03, v54;
	v21 =	vmul.f32 $1.200000000e+03, v21  }
0x292: {  	v4 =	vld [tilespmem:s13+$0xDC00];
	v55 =	vmul.f32 $8.000000110e-01, v7;
	v26 =	vsub.f32 v53, v26;
	v18 =	vmul.f32 $1.200000000e+03, v18  }
0x293: {  	v6 =	vld [tilespmem:s13+$0xA010];
	v19 =	vmul.f32 $1.500000000e+03, v19;
	v20 =	vsub.f32 v20, v28;
	v57 =	vmul.f32 $8.000000110e-01, v17  }
0x294: {  	v14 =	vmul.f32 $1.500000000e+03, v14;
	v30 =	vsub.f32 v7, v30;
	v12 =	vmul.f32 $1.200000000e+03, v12  }
0x295: {  	v58 =	vmul.f32 $8.000000110e-01, v11;
	v17 =	vsub.f32 v17, v51;
	v13 =	vmul.f32 $1.200000000e+03, v13  }
0x296: {  	v59 =	vmul.f32 $1.500000000e+03, v10;
	v10 =	vsub.f32 v11, v16;
	v11 =	vmul.f32 $8.000000110e-01, v9  }
0x297: {  	v16 =	vmul.f32 $1.500000000e+03, v25;
	v9 =	vsub.f32 v9, v8;
	v25 =	vmul.f32 $1.200000000e+03, v4  }
0x298: {  	v60 =	vmul.f32 $8.000000110e-01, v6;
	v5 =	vsub.f32 v6, v5;
	v22 =	vadd.f32 $0.0e+00, v22  }
0x299: {  	v15 =	vld [tilespmem:s13+$0xB400];
	v24 =	vadd.f32 $5.000000000e-01, v24;
	v26 =	vmul.f32 v26, v1;
	v23 =	vadd.f32 $0.0e+00, v23  }
0x29a: {  	v56 =	vld [tilespmem:s13+$0xC810];
	v31 =	vadd.f32 $5.000000000e-01, v31;
	v20 =	vmul.f32 v20, v1;
	v21 =	vadd.f32 $0.0e+00, v21  }
0x29b: {  	v28 =	vld [tilespmem:s13+$0xA000];
	v30 =	vmul.f32 v30, v1;
	v33 =	vadd.f32 $2.000000000e+03, v33;
	v18 =	vadd.f32 $0.0e+00, v18  }
0x29c: {  	v7 =	vld [tilespmem:s13+$0xC800];
	v17 =	vmul.f32 v17, v1;
	v34 =	vadd.f32 $5.000000000e-01, v55;
	v36 =	vadd.f32 $5.000000000e-01, v57  }
0x29d: {  	s14 =	simm.s32 $0x80;
	v42 =	vmul.f32 v10, v1;
	v37 =	vadd.f32 $5.000000000e-01, v58;
	v25 =	vadd.f32 $0.0e+00, v25  }
0x29e: {  	v40 =	vld [tilespmem:s14+$0xDC70];
	v43 =	vmul.f32 v9, v1;
	v38 =	vadd.f32 $5.000000000e-01, v60;
	v11 =	vadd.f32 $5.000000000e-01, v11  }
0x29f: {  	v41 =	vld [tilespmem:s14+$0xDC60];
	v5 =	vmul.f32 v5, v1;
	v16 =	vadd.f32 $2.000000000e+03, v16;
	v13 =	vadd.f32 $0.0e+00, v13  }
0x2a0: {  	v44 =	vld [tilespmem:s14+$0xC870];
	v32 =	vadd.f32 $2.000000000e+03, v59;
	v14 =	vadd.f32 $2.000000000e+03, v14;
	v39 =	vmul.f32 $8.000000110e-01, v28  }
0x2a1: {  	v62 =	vld [tilespmem:s14+$0xDC50];
	v15 =	vsub.f32 v28, v15;
	v28 =	vmul.f32 $1.500000000e+03, v56;
	v61 =	vmul.f32 $1.500000000e+03, v7  }
0x2a2: {  	v45 =	vld [tilespmem:s14+$0xA060];
	v12 =	vadd.f32 $0.0e+00, v12;
	v11 =	vmul.f32 v16, v11;
	v39 =	vadd.f32 $5.000000000e-01, v39  }
0x2a3: {  	v46 =	vld [tilespmem:s14+$0xB420];
	v14 =	vmul.f32 v14, v36;
	v35 =	vadd.f32 $2.000000000e+03, v61;
	v28 =	vadd.f32 $2.000000000e+03, v28  }
0x2a4: {  	v63 =	vld [tilespmem:s14+$0xDC40];
	v19 =	vadd.f32 $2.000000000e+03, v19;
	v5 =	vmul.f32 v5, v5;
	v15 =	vmul.f32 v15, v1  }
0x2a5: {  	v47 =	vld [tilespmem:s14+$0xB410];
	v2 =	vadd.f32 $0.0e+00, v2;
	v35 =	vmul.f32 v35, v39;
	v28 =	vmul.f32 v28, v38  }
0x2a6: {  	v4 =	vld [tilespmem:s14+$0xB470];
	v12 =	vsub.f32 v11, v12;
	v11 =	vmul.f32 v11, v1;
	v15 =	vmul.f32 v15, v15  }
0x2a7: {  	v6 =	vld [tilespmem:s14+$0xB460];
	v50 =	vmul.f32 v14, v1;
	v25 =	vsub.f32 v35, v25;
	v13 =	vsub.f32 v28, v13  }
0x2a8: {  	v8 =	vld [tilespmem:s14+$0xB440];
	v3 =	vadd.f32 v15, v3;
	v15 =	vmul.f32 v17, v17;
	v17 =	vmul.f32 v19, v34  }
0x2a9: {  	v10 =	vld [tilespmem:s14+$0xA070];
	v21 =	vsub.f32 v14, v21;
	v19 =	vmul.f32 v43, v43;
	v16 =	vmul.f32 v25, v1  }
0x2aa: {  	v9 =	vld [tilespmem:s14+$0xB430];
	v25 =	vmul.f32 v32, v37;
	v13 =	vmul.f32 v13, v1;
	v3 =	vadd.f32 v5, v3  }
0x2ab: {  	v37 =	vld [tilespmem:s14+$0xC850];
	v5 =	vmul.f32 v12, v1;
	v23 =	vsub.f32 v17, v23;
	v52 =	vmul.f32 v17, v1  }
0x2ac: {  	v57 =	vld [tilespmem:s14+$0xC840];
	v16 =	vmul.f32 v16, v16;
	v13 =	vmul.f32 v13, v13;
	v18 =	vsub.f32 v25, v18  }
0x2ad: {  	v58 =	vld [tilespmem:s14+$0xB400];
	v3 =	vadd.f32 v19, v3;
	v19 =	vmul.f32 v21, v1;
	v48 =	vmul.f32 v25, v1  }
0x2ae: {  	v36 =	vld [tilespmem:s14+$0xA050];
	v5 =	vmul.f32 v5, v5;
	v25 =	vsub.f32 v10, v4;
	v16 =	vadd.f32 v16, v27  }
0x2af: {  	v34 =	vld [tilespmem:s14+$0xA040];
	v18 =	vmul.f32 v18, v1;
	v19 =	vmul.f32 v19, v19;
	v14 =	vsub.f32 $0.0e+00, v48  }
0x2b0: {  	v7 =	vld [tilespmem:s14+$0xB450];
	v4 =	vmul.f32 $1.500000000e+03, v37;
	v12 =	vadd.f32 v13, v16;
	v13 =	vmul.f32 v35, v1  }
0x2b1: {  	v38 =	vld [tilespmem:s14+$0xC860];
	v16 =	vadd.f32 $2.000000000e+03, v29;
	v29 =	vmul.f32 v33, v31;
	v31 =	vmul.f32 v42, v42  }
0x2b2: {  	v27 =	vld [tilespmem:s14+$0xDC30];
	[tilespmem:s13+$0xF000] =	vst v13;
	v13 =	vsub.f32 $0.0e+00, v13;
	v5 =	vadd.f32 v5, v12;
	v12 =	vmul.f32 v18, v18  }
0x2b3: {  	v18 =	vmul.f32 v28, v1;
	v21 =	vsub.f32 v29, v22;
	v16 =	vmul.f32 v16, v24  }
0x2b4: {  	v3 =	vadd.f32 v31, v3;
	v54 =	vmul.f32 v29, v1;
	v28 =	vsub.f32 v34, v8;
	v59 =	vld [tilespmem:s14+$0xDC20]  }
0x2b5: {  	v60 =	vld [tilespmem:s14+$0xA030];
	[tilespmem:s13+$0x10400] =	vst v13;
	v13 =	vmul.f32 v23, v1;
	v22 =	vsub.f32 $0.0e+00, v18;
	v5 =	vadd.f32 v12, v5  }
0x2b6: {  	v12 =	vmul.f32 v30, v30;
	v3 =	vadd.f32 v15, v3;
	v15 =	vmul.f32 v20, v20  }
0x2b7: {  	v2 =	vsub.f32 v16, v2;
	v23 =	vmul.f32 $1.500000000e+03, v57;
	v31 =	vld [tilespmem:s14+$0xC830];
	[tilespmem:s13+$0xF010] =	vst v18;
	v18 =	vmul.f32 v21, v1  }
0x2b8: {  	v21 =	vsub.f32 $0.0e+00, v11;
	v5 =	vadd.f32 v19, v5;
	v13 =	vmul.f32 v13, v13  }
0x2b9: {  	v30 =	vld [tilespmem:s14+$0xDC10];
	[tilespmem:s13+$0x10410] =	vst v22;
	v3 =	vadd.f32 v12, v3;
	v2 =	vmul.f32 v2, v1;
	v19 =	vmul.f32 $8.000000110e-01, v45  }
0x2ba: {  	v49 =	vld [tilespmem:s14+$0xA020];
	[tilespmem:s13+$0x10420] =	vst v21;
	v12 =	vmul.f32 v18, v18;
	v18 =	vsub.f32 $0.0e+00, v52;
	v21 =	vmul.f32 $1.200000000e+03, v27  }
0x2bb: {  	v5 =	vadd.f32 v13, v5;
	v51 =	vld [tilespmem:s14+$0xC820];
	v13 =	vsub.f32 $0.0e+00, v50;
	[tilespmem:s13+$0x10430] =	vst v14;
	v14 =	vmul.f32 v26, v26  }
0x2bc: {  	v3 =	vadd.f32 v15, v3;
	v17 =	vmul.f32 v2, v2;
	v26 =	vsub.f32 v45, v6  }
0x2bd: {  	v6 =	vmul.f32 $1.200000000e+03, v59;
	v15 =	vadd.f32 v12, v5;
	v5 =	vmul.f32 v16, v1  }
0x2be: {  	v20 =	vsub.f32 $0.0e+00, v54;
	v24 =	vmul.f32 $8.000000110e-01, v60;
	v53 =	vld [tilespmem:s14+$0xDC00];
	[tilespmem:s13+$0x10440] =	vst v13;
	v12 =	vmul.f32 $1.200000000e+03, v40  }
0x2bf: {  	v16 =	vmul.f32 $1.200000000e+03, v41;
	v13 =	vmul.f32 $8.000000110e-01, v10;
	v61 =	vld [tilespmem:s14+$0xA010];
	[tilespmem:s13+$0x10450] =	vst v18;
	v22 =	vsub.f32 $0.0e+00, v5  }
0x2c0: {  	v2 =	vadd.f32 v14, v3;
	v14 =	vmul.f32 $1.200000000e+03, v62;
	v18 =	vmul.f32 $1.500000000e+03, v44;
	v62 =	vld [tilespmem:s14+$0xC810];
	[tilespmem:s13+$0x10460] =	vst v20  }
0x2c1: {  	v27 =	vsub.f32 v36, v7;
	v7 =	vmul.f32 $1.200000000e+03, v30;
	v20 =	vmul.f32 $1.200000000e+03, v63;
	v63 =	vld [tilespmem:s14+$0xA000];
	[tilespmem:s13+$0x10470] =	vst v22  }
0x2c2: {  	v3 =	vadd.f32 v17, v15;
	v15 =	vmul.f32 $1.500000000e+03, v38;
	v17 =	vmul.f32 $8.000000110e-01, v36;
	v36 =	vld [tilespmem:s14+$0xC800];
	[tilespmem:s13+$0xF020] =	vst v11  }
0x2c3: {  	v29 =	vsub.f32 v49, v46;
	v10 =	vmul.f32 $1.500000000e+03, v51;
	v22 =	vmul.f32 $8.000000110e-01, v34;
	[tilespmem:s13+$0xF030] =	vst v48  }
0x2c4: {  	v32 =	vmul.f32 $1.200000000e+03, v53;
	v11 =	vmul.f32 $1.500000000e+03, v31;
	v31 =	vsub.f32 v60, v9;
	[tilespmem:s13+$0xF040] =	vst v50  }
0x2c5: {  	v9 =	vmul.f32 $8.000000110e-01, v49;
	[tilespmem:s13+$0xF050] =	vst v52;
	v8 =	vmul.f32 $8.000000110e-01, v61;
	v30 =	vsub.f32 v61, v47  }
0x2c6: {  	s11 =	simm.s32 $0x400;
	[tilespmem:s13+$0xF060] =	vst v54;
	v34 =	vmul.f32 $1.500000000e+03, v62;
	v35 =	vmul.f32 $8.000000110e-01, v63;
	v33 =	vsub.f32 v63, v58  }
.LBB2_13:
0x2c7: {  	p0 =	sne.s32 s11, $0x4E00;
	v36 =	vmul.f32 $1.500000000e+03, v36;
	v16 =	vadd.f32 $0.0e+00, v16;
	v12 =	vadd.f32 $0.0e+00, v12;
	[tilespmem:s13+$0xF070] =	vst v5;
	s13 =	smov.u32 s14  }
0x2c8: {  	v5 =	vadd.f32 $5.000000000e-01, v13;
	v13 =	vadd.f32 $2.000000000e+03, v18;
	v18 =	vmul.f32 v25, v1  }
0x2c9: {  	v14 =	vadd.f32 $0.0e+00, v14;
	v19 =	vadd.f32 $5.000000000e-01, v19;
	v25 =	vmul.f32 v26, v1  }
0x2ca: {  	v20 =	vadd.f32 $0.0e+00, v20;
	v26 =	vmul.f32 v27, v1;
	v15 =	vadd.f32 $2.000000000e+03, v15  }
0x2cb: {  	v21 =	vadd.f32 $0.0e+00, v21;
	v27 =	vmul.f32 v28, v1;
	v17 =	vadd.f32 $5.000000000e-01, v17  }
0x2cc: {  	v28 =	vmul.f32 v31, v1;
	v22 =	vadd.f32 $5.000000000e-01, v22;
	v23 =	vadd.f32 $2.000000000e+03, v23  }
0x2cd: {  	v31 =	vadd.f32 $0.0e+00, v6;
	v29 =	vmul.f32 v29, v1;
	v24 =	vadd.f32 $5.000000000e-01, v24  }
0x2ce: {  	v30 =	vmul.f32 v30, v1;
	v6 =	vadd.f32 $5.000000000e-01, v35;
	v35 =	vadd.f32 $2.000000000e+03, v36  }
0x2cf: {  	v32 =	vadd.f32 $0.0e+00, v32;
	v33 =	vmul.f32 v33, v1;
	v36 =	vadd.f32 $0.0e+00, v7  }
0x2d0: {  	s14 =	sshra.s32 s11, $0x2;
	v34 =	vadd.f32 $2.000000000e+03, v34;
	v35 =	vmul.f32 v35, v6;
	v6 =	vadd.f32 $5.000000000e-01, v8  }
0x2d1: {  	v9 =	vadd.f32 $5.000000000e-01, v9;
	v10 =	vadd.f32 $2.000000000e+03, v10;
	v27 =	vmul.f32 v27, v27;
	v8 =	vld [tilespmem:s14+$0xB470]  }
0x2d2: {  	v28 =	vmul.f32 v28, v28;
	v32 =	vsub.f32 v35, v32;
	v34 =	vmul.f32 v34, v6;
	v7 =	vld [tilespmem:s14+$0xB460]  }
0x2d3: {  	v37 =	vmul.f32 v10, v9;
	v29 =	vmul.f32 v29, v29;
	v10 =	vadd.f32 $2.000000000e+03, v11;
	v6 =	vld [tilespmem:s14+$0xB450]  }
0x2d4: {  	v30 =	vmul.f32 v30, v30;
	v32 =	vmul.f32 v32, v1;
	v36 =	vsub.f32 v34, v36;
	v11 =	vld [tilespmem:s14+$0xDC70]  }
0x2d5: {  	v33 =	vmul.f32 v33, v33;
	v31 =	vsub.f32 v37, v31;
	v24 =	vmul.f32 v10, v24;
	v9 =	vld [tilespmem:s14+$0xB440]  }
0x2d6: {  	v4 =	vadd.f32 $2.000000000e+03, v4;
	v10 =	vmul.f32 v32, v32;
	v32 =	vmul.f32 v36, v1;
	v38 =	vld [tilespmem:s14+$0xDC60]  }
0x2d7: {  	v22 =	vmul.f32 v23, v22;
	v31 =	vmul.f32 v31, v1;
	v21 =	vsub.f32 v24, v21;
	v36 =	vld [tilespmem:s14+$0xA070]  }
0x2d8: {  	v2 =	vadd.f32 v33, v2;
	v3 =	vadd.f32 v10, v3;
	v32 =	vmul.f32 v32, v32;
	v23 =	vld [tilespmem:s14+$0xC870]  }
0x2d9: {  	v4 =	vmul.f32 v4, v17;
	v20 =	vsub.f32 v22, v20;
	v21 =	vmul.f32 v21, v1;
	v10 =	vld [tilespmem:s14+$0xB430]  }
0x2da: {  	v2 =	vadd.f32 v30, v2;
	v30 =	vmul.f32 v31, v31;
	v3 =	vadd.f32 v32, v3;
	v17 =	vld [tilespmem:s14+$0xDC50]  }
0x2db: {  	v15 =	vmul.f32 v15, v19;
	v14 =	vsub.f32 v4, v14;
	v20 =	vmul.f32 v20, v1;
	v31 =	vld [tilespmem:s14+$0xA060]  }
0x2dc: {  	v2 =	vadd.f32 v29, v2;
	v19 =	vmul.f32 v21, v21;
	v3 =	vadd.f32 v30, v3;
	v32 =	vld [tilespmem:s14+$0xC860]  }
0x2dd: {  	v5 =	vmul.f32 v13, v5;
	v16 =	vsub.f32 v15, v16;
	v14 =	vmul.f32 v14, v1;
	v29 =	vld [tilespmem:s14+$0xB420]  }
0x2de: {  	v13 =	vmul.f32 v20, v20;
	v2 =	vadd.f32 v28, v2;
	v3 =	vadd.f32 v19, v3;
	v21 =	vld [tilespmem:s14+$0xDC40]  }
0x2df: {  	v12 =	vsub.f32 v5, v12;
	v16 =	vmul.f32 v16, v1;
	v19 =	vmul.f32 v26, v26;
	v28 =	vld [tilespmem:s14+$0xA050]  }
0x2e0: {  	v2 =	vadd.f32 v27, v2;
	v3 =	vadd.f32 v13, v3;
	v13 =	vmul.f32 v14, v14;
	v26 =	vld [tilespmem:s14+$0xC850]  }
0x2e1: {  	v12 =	vmul.f32 v12, v1;
	v14 =	vmul.f32 v25, v25;
	v30 =	vld [tilespmem:s14+$0xB410]  }
0x2e2: {  	v2 =	vadd.f32 v19, v2;
	v3 =	vadd.f32 v13, v3;
	v13 =	vmul.f32 v16, v16;
	v27 =	vld [tilespmem:s14+$0xDC30]  }
0x2e3: {  	v18 =	vmul.f32 v18, v18;
	v16 =	vmul.f32 v35, v1;
	v33 =	vld [tilespmem:s14+$0xA040]  }
0x2e4: {  	v12 =	vmul.f32 v12, v12;
	v2 =	vadd.f32 v14, v2;
	v3 =	vadd.f32 v13, v3;
	v35 =	vld [tilespmem:s14+$0xC840]  }
0x2e5: {  	v14 =	vmul.f32 v34, v1;
	v34 =	vmul.f32 v37, v1;
	v13 =	vsub.f32 $0.0e+00, v16;
	v39 =	vld [tilespmem:s14+$0xB400];
	[tilespmem:s13+$0xF000] =	vst v16  }
0x2e6: {  	v40 =	vmul.f32 v24, v1;
	v2 =	vadd.f32 v18, v2;
	v3 =	vadd.f32 v12, v3;
	v37 =	vld [tilespmem:s14+$0xDC20]  }
0x2e7: {  	v42 =	vmul.f32 v22, v1;
	v43 =	vmul.f32 v4, v1;
	v41 =	vld [tilespmem:s14+$0xA030];
	[tilespmem:s13+$0x10400] =	vst v13;
	v13 =	vsub.f32 $0.0e+00, v14  }
0x2e8: {  	v45 =	vmul.f32 v15, v1;
	v5 =	vmul.f32 v5, v1;
	v4 =	vsub.f32 $0.0e+00, v34;
	v44 =	vld [tilespmem:s14+$0xC830];
	[tilespmem:s13+$0xF010] =	vst v14  }
0x2e9: {  	v20 =	vsub.f32 $0.0e+00, v42;
	v12 =	vmul.f32 $1.200000000e+03, v11;
	v11 =	vsub.f32 $0.0e+00, v40;
	v46 =	vld [tilespmem:s14+$0xDC10];
	[tilespmem:s13+$0x10410] =	vst v13  }
0x2ea: {  	v16 =	vmul.f32 $1.200000000e+03, v38;
	v13 =	vmul.f32 $8.000000110e-01, v36;
	v47 =	vld [tilespmem:s14+$0xA020];
	[tilespmem:s13+$0x10420] =	vst v4;
	v4 =	vsub.f32 $0.0e+00, v43  }
0x2eb: {  	v18 =	vmul.f32 $1.500000000e+03, v23;
	v14 =	vmul.f32 $1.200000000e+03, v17;
	v38 =	vld [tilespmem:s14+$0xC820];
	[tilespmem:s13+$0x10430] =	vst v11;
	v11 =	vsub.f32 $0.0e+00, v45  }
0x2ec: {  	v24 =	vsub.f32 $0.0e+00, v5;
	v19 =	vmul.f32 $8.000000110e-01, v31;
	v15 =	vmul.f32 $1.500000000e+03, v32;
	v48 =	vld [tilespmem:s14+$0xDC00];
	[tilespmem:s13+$0x10440] =	vst v20  }
0x2ed: {  	v25 =	vsub.f32 v36, v8;
	v17 =	vmul.f32 $8.000000110e-01, v28;
	v20 =	vmul.f32 $1.200000000e+03, v21;
	v49 =	vld [tilespmem:s14+$0xA010];
	[tilespmem:s13+$0x10450] =	vst v4  }
0x2ee: {  	v21 =	vmul.f32 $1.200000000e+03, v27;
	v4 =	vmul.f32 $1.500000000e+03, v26;
	v26 =	vsub.f32 v31, v7;
	v50 =	vld [tilespmem:s14+$0xC810];
	[tilespmem:s13+$0x10460] =	vst v11  }
0x2ef: {  	v22 =	vmul.f32 $8.000000110e-01, v33;
	v23 =	vmul.f32 $1.500000000e+03, v35;
	v27 =	vsub.f32 v28, v6;
	v51 =	vld [tilespmem:s14+$0xA000];
	[tilespmem:s13+$0x10470] =	vst v24  }
.Ltmp5:
0x2f0: {  	v6 =	vmul.f32 $1.200000000e+03, v37;
	v28 =	vsub.f32 v33, v9;
	v24 =	vmul.f32 $8.000000110e-01, v41;
	v36 =	vld [tilespmem:s14+$0xC800];
	[tilespmem:s13+$0xF020] =	vst v34;
	(pc) =	sbr.rel @p0 .LBB2_13-.Ltmp5, $4  }
0x2f1: {  	v31 =	vsub.f32 v41, v10;
	v7 =	vmul.f32 $1.200000000e+03, v46;
	v11 =	vmul.f32 $1.500000000e+03, v44;
	[tilespmem:s13+$0xF030] =	vst v40  }
0x2f2: {  	v9 =	vmul.f32 $8.000000110e-01, v47;
	v29 =	vsub.f32 v47, v29;
	v10 =	vmul.f32 $1.500000000e+03, v38;
	[tilespmem:s13+$0xF040] =	vst v42  }
0x2f3: {  	v32 =	vmul.f32 $1.200000000e+03, v48;
	v8 =	vmul.f32 $8.000000110e-01, v49;
	v30 =	vsub.f32 v49, v30;
	[tilespmem:s13+$0xF050] =	vst v43  }
0x2f4: {  	s11 =	sadd.s32 $0x200, s11;
	v34 =	vmul.f32 $1.500000000e+03, v50;
	v35 =	vmul.f32 $8.000000110e-01, v51;
	v33 =	vsub.f32 v51, v39;
	[tilespmem:s13+$0xF060] =	vst v45  }
0x2f5: {  	v16 =	vadd.f32 $0.0e+00, v16  }
0x2f6: {  	v12 =	vadd.f32 $0.0e+00, v12;
	v13 =	vadd.f32 $5.000000000e-01, v13  }
0x2f7: {  	v18 =	vadd.f32 $2.000000000e+03, v18;
	v36 =	vmul.f32 $1.500000000e+03, v36;
	v14 =	vadd.f32 $0.0e+00, v14  }
0x2f8: {  	v19 =	vadd.f32 $5.000000000e-01, v19;
	v25 =	vmul.f32 v25, v1;
	v20 =	vadd.f32 $0.0e+00, v20  }
0x2f9: {  	v15 =	vadd.f32 $2.000000000e+03, v15;
	v26 =	vmul.f32 v26, v1;
	v17 =	vadd.f32 $5.000000000e-01, v17  }
0x2fa: {  	v27 =	vmul.f32 v27, v1;
	v22 =	vadd.f32 $5.000000000e-01, v22;
	v23 =	vadd.f32 $2.000000000e+03, v23  }
0x2fb: {  	v28 =	vmul.f32 v28, v1;
	v24 =	vadd.f32 $5.000000000e-01, v24;
	v8 =	vadd.f32 $5.000000000e-01, v8  }
0x2fc: {  	v31 =	vmul.f32 v31, v1;
	v9 =	vadd.f32 $5.000000000e-01, v9;
	v10 =	vadd.f32 $2.000000000e+03, v10  }
0x2fd: {  	v29 =	vmul.f32 v29, v1;
	v30 =	vmul.f32 v30, v1;
	v46 =	vadd.f32 $2.000000000e+03, v11  }
0x2fe: {  	v4 =	vadd.f32 $2.000000000e+03, v4;
	v33 =	vmul.f32 v33, v1;
	v9 =	vmul.f32 v10, v9  }
0x2ff: {  	v35 =	vadd.f32 $5.000000000e-01, v35;
	v30 =	vmul.f32 v30, v30;
	v10 =	vmul.f32 v46, v24  }
0x300: {  	v36 =	vadd.f32 $2.000000000e+03, v36;
	v22 =	vmul.f32 v23, v22;
	v4 =	vmul.f32 v4, v17  }
0x301: {  	v34 =	vadd.f32 $2.000000000e+03, v34;
	v15 =	vmul.f32 v15, v19;
	v13 =	vmul.f32 v18, v13  }
0x302: {  	v7 =	vadd.f32 $0.0e+00, v7;
	v60 =	vmul.f32 v29, v29;
	v35 =	vmul.f32 v36, v35  }
0x303: {  	v6 =	vadd.f32 $0.0e+00, v6;
	v61 =	vmul.f32 v28, v28;
	v8 =	vmul.f32 v34, v8  }
0x304: {  	v32 =	vadd.f32 $0.0e+00, v32;
	v48 =	vmul.f32 v33, v33;
	v49 =	vmul.f32 v35, v1  }
0x305: {  	v6 =	vsub.f32 v9, v6;
	v9 =	vmul.f32 v9, v1;
	v7 =	vsub.f32 v8, v7  }
0x306: {  	[tilespmem:s13+$0xF070] =	vst v5;
	v8 =	vmul.f32 v8, v1;
	v32 =	vsub.f32 v35, v32;
	v5 =	vsub.f32 $0.0e+00, v49  }
0x307: {  	v21 =	vadd.f32 $0.0e+00, v21;
	v50 =	vmul.f32 v10, v1;
	v51 =	vmul.f32 v22, v1  }
0x308: {  	v53 =	vmul.f32 v4, v1;
	v47 =	vmul.f32 v32, v1;
	[tilespmem:s14+$0x10400] =	vst v5;
	v5 =	vsub.f32 $0.0e+00, v8  }
0x309: {  	v54 =	vmul.f32 v15, v1;
	v56 =	vsub.f32 v10, v21;
	v20 =	vsub.f32 v22, v20;
	[tilespmem:s14+$0xF020] =	vst v9  }
0x30a: {  	v7 =	vmul.f32 v7, v1;
	v11 =	vmul.f32 v47, v47;
	[tilespmem:s14+$0x10410] =	vst v5;
	v5 =	vsub.f32 $0.0e+00, v50  }
0x30b: {  	v57 =	vmul.f32 v13, v1;
	v4 =	vsub.f32 v4, v14;
	v2 =	vadd.f32 v48, v2;
	[tilespmem:s14+$0xF030] =	vst v50  }
0x30c: {  	v7 =	vmul.f32 v7, v7;
	v3 =	vadd.f32 v11, v3;
	[tilespmem:s14+$0x10430] =	vst v5;
	v5 =	vmul.f32 v6, v1  }
0x30d: {  	v62 =	vsub.f32 v15, v16;
	[tilespmem:s14+$0xF010] =	vst v8;
	v2 =	vadd.f32 v30, v2;
	v8 =	vmul.f32 v56, v1  }
0x30e: {  	[tilespmem:s14+$0xF040] =	vst v51;
	v6 =	vsub.f32 $0.0e+00, v54;
	v3 =	vadd.f32 v7, v3;
	v5 =	vmul.f32 v5, v5  }
0x30f: {  	v63 =	vsub.f32 v13, v12;
	[tilespmem:s14+$0xF050] =	vst v53;
	v2 =	vadd.f32 v60, v2;
	v7 =	vmul.f32 v20, v1  }
0x310: {  	[tilespmem:s14+$0x10460] =	vst v6;
	v6 =	vmul.f32 v31, v31;
	v3 =	vadd.f32 v5, v3;
	v5 =	vmul.f32 v8, v8  }
0x311: {  	v52 =	vsub.f32 $0.0e+00, v9;
	v55 =	vsub.f32 $0.0e+00, v51;
	v4 =	vmul.f32 v4, v1;
	[tilespmem:s14+$0xF060] =	vst v54  }
0x312: {  	[tilespmem:s14+$0xF070] =	vst v57;
	v2 =	vadd.f32 v6, v2;
	v3 =	vadd.f32 v5, v3;
	v5 =	vmul.f32 v7, v7  }
0x313: {  	v58 =	vsub.f32 $0.0e+00, v53;
	[tilespmem:s14+$0xF000] =	vst v49;
	v4 =	vmul.f32 v4, v4;
	v6 =	vmul.f32 v27, v27  }
0x314: {  	s12 =	sadd.s32 $0x1, s12;
	[tilespmem:s14+$0x10420] =	vst v52;
	v7 =	vmul.f32 v62, v1;
	v2 =	vadd.f32 v61, v2;
	v3 =	vadd.f32 v5, v3  }
0x315: {  	p0 =	sne.s32 s12, $0x6;
	v59 =	vsub.f32 $0.0e+00, v57;
	[tilespmem:s14+$0x10440] =	vst v55;
	v1 =	vmul.f32 v63, v1;
	v5 =	vmul.f32 v26, v26  }
.Ltmp6:
0x316: {  	[tilespmem:s14+$0x10450] =	vst v58;
	v2 =	vadd.f32 v6, v2;
	v3 =	vadd.f32 v4, v3;
	v4 =	vmul.f32 v7, v7;
	(pc) =	sbr.rel @p0 .LBB2_8-.Ltmp6, $4  }
0x317: {  	s11 =	simm.s32 $0xF000;
	[tilespmem:s14+$0x10470] =	vst v59;
	v6 =	vmul.f32 v25, v25  }
0x318: {  	[spmem:s6] =	stream.indirect.scatter.add.f32 [tilespmem:s11], [sflag:$0x5], $0x1, s31, s20, $0xb8;
	v1 =	vmul.f32 v1, v1;
	v2 =	vadd.f32 v5, v2;
	v3 =	vadd.f32 v4, v3;
	[tilespmem:$0x1F8F0] =	vst v63  }
0x319: {  	s22 =	simm.s32 $0x10400  }
0x31a: {  	[spmem:s6] =	stream.indirect.scatter.add.f32 [tilespmem:s22], [sflag:$0x5], $0x1, s30, s20, $0xb8;
	v4 =	vadd.f32 v6, v2;
	v3 =	vadd.f32 v1, v3;
	[tilespmem:$0x1F8F0] =	vst v63  }
0x31b: {  	_ =	swait.ge [sflag:s26], $0x1400  }
0x31c: {  	[sflag:s26] =	ssyncset.done $0x0  }
0x31d: {  	[sflag:s26] =	ssyncadd.s32 $0xFFFFEC00  }
0x31e: {  	_ =	swait.ge [sflag:s26], $0x1400  }
0x31f: {  	[sflag:s26] =	ssyncset.done $0x0  }
0x320: {  	[sflag:s26] =	ssyncadd.s32 $0xFFFFEC00  }
0x321: {  	_ =	swait.ge [sflag:s28], $0x1400  }
0x322: {  	[sflag:s28] =	ssyncset.done $0x0  }
0x323: {  	[sflag:s28] =	ssyncadd.s32 $0xFFFFEC00  }
0x324: {  	_ =	swait.ge [sflag:s28], $0x1400  }
0x325: {  	[sflag:s28] =	ssyncset.done $0x0  }
0x326: {  	[sflag:s28] =	ssyncadd.s32 $0xFFFFEC00  }
0x327: {  	_ =	swait.ge [sflag:s25], $0x1400  }
0x328: {  	[sflag:s25] =	ssyncset.done $0x0  }
0x329: {  	[sflag:s25] =	ssyncadd.s32 $0xFFFFEC00  }
0x32a: {  	_ =	swait.ge [sflag:s25], $0x1400  }
0x32b: {  	[sflag:s25] =	ssyncset.done $0x0  }
0x32c: {  	[sflag:s25] =	ssyncadd.s32 $0xFFFFEC00  }
0x32d: {  	_ =	swait.ge [sflag:s25], $0x1400  }
0x32e: {  	[sflag:s25] =	ssyncset.done $0x0  }
0x32f: {  	[sflag:s25] =	ssyncadd.s32 $0xFFFFEC00  }
0x330: {  	_ =	swait.ge [sflag:s25], $0x1400  }
0x331: {  	[sflag:s25] =	ssyncset.done $0x0  }
0x332: {  	[sflag:s25] =	ssyncadd.s32 $0xFFFFEC00  }
0x333: {  	_ =	swait.ge [sflag:s25], $0x1400  }
0x334: {  	[sflag:s25] =	ssyncset.done $0x0  }
0x335: {  	[sflag:s25] =	ssyncadd.s32 $0xFFFFEC00  }
0x336: {  	_ =	swait.ge [sflag:s25], $0x1400  }
0x337: {  	[sflag:s25] =	ssyncset.done $0x0  }
0x338: {  	s5 =	simm.s32 $0x0;
	[sflag:s25] =	ssyncadd.s32 $0xFFFFEC00  }
0x339: {  	s12 =	simm.s32 $0x1E000;
	s13 =	simm.s32 $0x7;
	s11 =	rddreg [dreg:$0x17];
	[tilespmem:$0x1E000] =	vst v4  }
0x33a: {  	[hbm4b:s11+s5] =	stream.linear.scatter [tilespmem:s12], [sflag:$0x7], $0x10, $0x38;
	[tilespmem:$0x1F8F0] =	vst v63  }
0x33b: {  	_ =	swait.ge [sflag:s13], $0x10  }
0x33c: {  	[sflag:s13] =	ssyncset.done $0x0  }
0x33d: {  	[sflag:s13] =	ssyncadd.s32 $0xFFFFFFF0  }
0x33e: {  	s18 =	rddreg [dreg:$0x18];
	[tilespmem:$0x1E000] =	vst v3  }
0x33f: {  	[hbm4b:s18+s5] =	stream.linear.scatter [tilespmem:s12], [sflag:$0x7], $0x10, $0x38;
	[tilespmem:$0x1F8F0] =	vst v63  }
0x340: {  	_ =	swait.ge [sflag:s13], $0x10  }
0x341: {  	[sflag:s13] =	ssyncset.done $0x0  }
0x342: {  	[sflag:s13] =	ssyncadd.s32 $0xFFFFFFF0  }
0x343: {  	[bflag:$0x0] =	sbarrier.arrive $0xFFFF  }
0x344: {  	s18 =	simm.s32 $0x5000;
	s14 =	rddreg [dreg:$0x7]  }
0x345: {  	[tilespmem:s18], [sflag:$0x7] =	stream.linear.gather [spmem:s14], $0x1400, $0x38;
	[tilespmem:$0x1F8F0] =	vst v63  }
0x346: {  	_ =	swait.ge [sflag:s13], $0x1400  }
0x347: {  	[sflag:s13] =	ssyncset.done $0x0  }
0x348: {  	s21 =	rddreg [dreg:$0x19];
	[sflag:s13] =	ssyncadd.s32 $0xFFFFEC00  }
0x349: {  	[hbm4b:s21+s5] =	stream.linear.scatter [tilespmem:s18], [sflag:$0x7], $0x1400, $0x38;
	[tilespmem:$0x1F8F0] =	vst v63  }
0x34a: {  	_ =	swait.ge [sflag:s13], $0x1400  }
0x34b: {  	[sflag:s13] =	ssyncset.done $0x0  }
0x34c: {  	s12 =	rddreg [dreg:$0x1c];
	[sflag:s13] =	ssyncadd.s32 $0xFFFFEC00  }
0x34d: {  	[tilespmem:s18], [sflag:$0x7] =	stream.linear.gather [spmem:s12], $0x470, $0x38;
	[tilespmem:$0x1F8F0] =	vst v63  }
0x34e: {  	_ =	swait.ge [sflag:s13], $0x470  }
0x34f: {  	[sflag:s13] =	ssyncset.done $0x0  }
0x350: {  	s22 =	rddreg [dreg:$0x1a];
	[sflag:s13] =	ssyncadd.s32 $0xFFFFFB90  }
0x351: {  	[hbm4b:s22+s5] =	stream.linear.scatter [tilespmem:s18], [sflag:$0x7], $0x470, $0x38;
	[tilespmem:$0x1F8F0] =	vst v63  }
0x352: {  	_ =	swait.ge [sflag:s13], $0x470  }
0x353: {  	s21 =	sld [smem:$0x7FD];
	_ =	sdelay $0x2  }
0x354: {  	s22 =	rddreg [dreg:$0x1b];
	s11 =	sadd.s32 $0x1, s21  }
0x355: {  	p0 =	sne.s32 s11, s22  }
.Ltmp7:
0x356: {  	_ = 	snop;
	(pc) =	sbr.rel @p0 .LBB2_1-.Ltmp7, $3  }
0x357: {  	_ =	sdelay $0x1  }
0x358: {  	[sflag:s13] =	ssyncset.done $0x0  }
0x359: {  	[sflag:s13] =	ssyncadd.s32 $0xFFFFFB90  }
0x35a: {  	_ =	sfence.sel $0x180000  }
0x35b: {  	[bflag:$0x0] =	sbarrier.arrive $0xFFFF  }
0x35c: {  	_ =	strace $0x90000047  }
0x35d: {  	s0 =	stileid.u32;
	[bflag:$0x2] =	sbarrier.arrive $0xFFFF  }
0x35e: {  	p0 =	sne.s32 s0, $0x0;
	s0 =	rddreg [dreg:$0x6]  }
0x35f: {  	s0 =	sadd.s32 @!p0 $0x100000, s0  }
0x360: {  	[sflag:s0] =	ssyncadd.tile.s32 @!p0 $0x1;
	_ =	shalt  }
.Lfunc_end2:
_tile_overlayer_lowered:
.L_overlay_start_2:
0x361: {  	(tag) =	ssettag $0x2  }
0x362: {  	s0 =	rddreg [dreg:$0x0];
	s2 =	stileid.u32  }
0x363: {  	s1 =	rddreg [dreg:$0x1];
	p0 =	sne.s32 s2, $0x0  }
0x364: {  	s3 =	rddreg [dreg:$0x2];
	[bflag:$0x3] =	sbarrier.arrive $0xFFFF;
	s2 =	simm.s32 @!p0 $0x1C07  }
0x365: {  	[timem:s3], [sflag:s2] =	dma.local @!p0 [hbm:s0], s1  }
0x366: {  	s0 =	simm.s32 @!p0 $0x7  }
0x367: {  	_ =	swait.ge @!p0 [sflag:s0], s1  }
0x368: {  	s1 =	ssub.s32 @!p0 $0x0, s1;
	[sflag:s0] =	ssyncset.done @!p0 $0x0  }
0x369: {  	[sflag:s0] =	ssyncadd.s32 @!p0 s1  }
0x36a: {  	[bflag:$0x3] =	sbarrier.arrive $0xFFFF  }
0x36b: {  	_ =	shalt  }

</sc_bundles>
